<compile_context>
chip_gen: v7x
topology: tpu7x:2x2x1
jax: 0.10.2.dev20260603
libtpu: 0.0.44.dev20260713+nightly
codegen_flags: <defaults>
</compile_context>

<pallas_src>
import functools

import jax
import jax.numpy as jnp
from jax import lax
from jax.experimental import pallas as pl
from jax.experimental.pallas import tpu as pltpu
from jax.experimental.pallas import tpu_sc as plsc

NC = 2
NS = 16
NW = NC * NS
LANES = 16
RING = 4
ORING = 4


def _make_kernel(B, L, D, CB):
    CI = CB * L
    nchunks = B // CB
    chunks_per_w = nchunks // NW
    idx_per_w = chunks_per_w * CI
    ND = D // LANES
    mesh = plsc.VectorSubcoreMesh(
        core_axis_name="c", subcore_axis_name="s", num_cores=NC, num_subcores=NS
    )

    @functools.partial(
        pl.kernel,
        out_type=jax.ShapeDtypeStruct((B, D), jnp.float32),
        mesh=mesh,
        scratch_types=[
            pltpu.VMEM((chunks_per_w, CI), jnp.int32),
            pltpu.VMEM((idx_per_w + LANES,), jnp.float32),
            pltpu.VMEM((RING, CI, D), jnp.float32),
            pltpu.VMEM((ORING, CB, D), jnp.float32),
        ] + [pltpu.SemaphoreType.DMA] * (RING + ORING),
        compiler_params=pltpu.CompilerParams(use_tc_tiling_on_sc=False),
    )
    def run(ind_hbm, wts_hbm, tbl_hbm, out_hbm,
            idx_v, w_v, rows_v, ob_v, *sems):
        gsems = sems[:RING]
        osems = sems[RING:]
        wid = lax.axis_index("s") * NC + lax.axis_index("c")
        chunk0 = wid * chunks_per_w

        pltpu.sync_copy(ind_hbm.at[pl.ds(chunk0, chunks_per_w)], idx_v)
        pltpu.sync_copy(
            wts_hbm.at[pl.ds(wid * idx_per_w, idx_per_w)],
            w_v.at[pl.ds(0, idx_per_w)],
        )

        def fire(q, slot):
            pltpu.async_copy(
                tbl_hbm.at[idx_v.at[q]], rows_v.at[slot], gsems[slot]
            )

        def wait_gather(q, slot):
            pltpu.make_async_copy(
                tbl_hbm.at[idx_v.at[q]], rows_v.at[slot], gsems[slot]
            ).wait()

        def compute(q, slot, oslot):
            wbase = q * CI
            for s in range(CB):
                def ibody(i, acc):
                    wv16 = w_v[pl.ds(wbase + s * L + i, LANES)]
                    wv = jnp.full((LANES,), wv16[0], jnp.float32)
                    return tuple(
                        acc[d] + rows_v[slot, s * L + i, pl.ds(d * LANES, LANES)] * wv
                        for d in range(ND)
                    )

                acc0 = tuple(jnp.zeros((LANES,), jnp.float32) for _ in range(ND))
                acc = lax.fori_loop(0, L, ibody, acc0, unroll=10)
                for d in range(ND):
                    ob_v[oslot, s, pl.ds(d * LANES, LANES)] = acc[d]

        def fire_out(q, oslot):
            pltpu.async_copy(
                ob_v.at[oslot], out_hbm.at[pl.ds((chunk0 + q) * CB, CB)],
                osems[oslot],
            )

        def wait_out(oslot):
            pltpu.make_async_copy(
                ob_v.at[oslot], out_hbm.at[pl.ds(0, CB)], osems[oslot]
            ).wait()

        for t in range(RING - 1):
            fire(t, t)

        def body(j, carry):
            q0 = j * RING
            for t in range(RING):
                q = q0 + t
                wait_gather(q, t)
                oslot = t

                @pl.when(j > 0)
                def _():
                    wait_out(oslot)

                compute(q, t, oslot)
                fire_out(q, oslot)

                @pl.when(q + RING - 1 < chunks_per_w)
                def _():
                    fire(q + RING - 1, (t + RING - 1) % RING)
            return carry

        lax.fori_loop(0, chunks_per_w // RING, body, 0)
        for oslot in range(ORING):
            wait_out(oslot)

    return run


def kernel(X_ind, X_ptr, X_wts, weight):
    B = X_ptr.shape[0]
    nnz = X_ind.shape[0]
    L = nnz // B
    D = weight.shape[1]
    CB = 2
    run = _make_kernel(B, L, D, CB)
    ind2 = X_ind.reshape(B // CB, CB * L)
    return run(ind2, X_wts, weight)

# --- scband reference (transcript-rebuilt; emitter-appended) ---
"""Pipeline reference for scband-custom-embedding-46402826666084 (READ-ONLY COPY).

The authoritative reference and input builder live on the scoring server;
editing this copy changes nothing except your own understanding.
"""

import jax, jax.numpy as jnp
import numpy as np

B = 16384
L = 50
V = 1000000
D = 64


def setup_inputs(seed: int = 0) -> dict:
    key = jax.random.key(seed)
    k1, k2, k3 = jax.random.split(key, 3)
    nnz = B * L
    X_ind = jax.random.randint(k1, (nnz,), 0, V, dtype=jnp.int32)
    X_ptr = (jnp.arange(B, dtype=jnp.int32) * L).astype(jnp.int32)
    X_wts = jax.random.uniform(k2, (nnz,), dtype=jnp.float32)
    # kaiming_uniform_ default: a=0, fan_in = embedding_dim -> bound = sqrt(6/D)
    bound = float(np.sqrt(6.0 / D))
    weight = jax.random.uniform(k3, (V, D), minval=-bound, maxval=bound, dtype=jnp.float32)
    return {"X_ind": X_ind, "X_ptr": X_ptr, "X_wts": X_wts, "weight": weight}


def reference(X_ind, X_ptr, X_wts, weight):
    # Weighted EmbeddingBag with mode='sum' (max_norm=None, include_last_offset=False):
    # out[b] = sum_{i in bag b} X_wts[i] * weight[X_ind[i]]
    nnz = X_ind.shape[0]
    nB = X_ptr.shape[0]
    gathered = jnp.take(weight, X_ind, axis=0) * X_wts[:, None]
    seg = jnp.searchsorted(X_ptr, jnp.arange(nnz), side='right') - 1
    out = jax.ops.segment_sum(gathered, seg, num_segments=nB)
    return out

if __name__ == "__main__":
    import jax
    _d = setup_inputs()
    print(jax.jit(kernel)(*tuple(_d.values())))

</pallas_src>

<mosaic_0001>
#map = affine_map<(d0, d1) -> (0, 0)>
#map1 = affine_map<(d0, d1) -> (0)>
module attributes {stable_mosaic.version = 14 : i64} {
  func.func @run(%arg0: i32, %arg1: i32, %arg2: memref<8192x100xi32, #tpu.memory_space<hbm>>, %arg3: memref<819200xf32, #tpu.memory_space<hbm>>, %arg4: memref<1000000x64xf32, #tpu.memory_space<hbm>>, %arg5: memref<16384x64xf32, #tpu.memory_space<hbm>>, %arg6: memref<256x100xi32, #tpu.memory_space<vmem>>, %arg7: memref<25616xf32, #tpu.memory_space<vmem>>, %arg8: memref<4x100x64xf32, #tpu.memory_space<vmem>>, %arg9: memref<4x2x64xf32, #tpu.memory_space<vmem>>, %arg10: memref<!tpu.dma_semaphore, #tpu.memory_space<semaphore_mem>>, %arg11: memref<!tpu.dma_semaphore, #tpu.memory_space<semaphore_mem>>, %arg12: memref<!tpu.dma_semaphore, #tpu.memory_space<semaphore_mem>>, %arg13: memref<!tpu.dma_semaphore, #tpu.memory_space<semaphore_mem>>, %arg14: memref<!tpu.dma_semaphore, #tpu.memory_space<semaphore_mem>>, %arg15: memref<!tpu.dma_semaphore, #tpu.memory_space<semaphore_mem>>, %arg16: memref<!tpu.dma_semaphore, #tpu.memory_space<semaphore_mem>>, %arg17: memref<!tpu.dma_semaphore, #tpu.memory_space<semaphore_mem>>) attributes {dimension_semantics = [#tpu.dimension_semantics<core_parallel>, #tpu.dimension_semantics<subcore_parallel>], iteration_bounds = array<i64: 2, 16>, scalar_prefetch = 0 : i64, scratch_operands = 12 : i64, tpu.core_type = #tpu.core_type<sc_vector_subcore>, window_params = [{transform_indices = #map}, {transform_indices = #map1}, {transform_indices = #map}, {transform_indices = #map}]} {
    %mul3A = arith.constant 2 : i32
    %mul3A_0 = arith.muli %arg1, %mul3A : i32
    %add3A = arith.addi %mul3A_0, %arg0 : i32
    %mul3A_1 = arith.constant 256 : i32
    %mul3A_2 = arith.muli %add3A, %mul3A_1 : i32
    "tpu.region"() ({
      %run_scoped3A = tpu.sem_alloc : memref<!tpu.dma_semaphore, #tpu.memory_space<semaphore_mem>>
      %dma_start3A_104 = arith.constant 0 : i32
      %dma_start3A_105 = tpu.memref_slice %arg2[%mul3A_2, %dma_start3A_104] : memref<8192x100xi32, #tpu.memory_space<hbm>> -> memref<256x100xi32, #tpu.memory_space<hbm>>
      %dma_start3A_106 = arith.constant 0 : i32
      %dma_start3A_107 = tpu.memref_slice %arg2[%mul3A_2, %dma_start3A_106] : memref<8192x100xi32, #tpu.memory_space<hbm>> -> memref<256x100xi32, #tpu.memory_space<hbm>>
      tpu.enqueue_dma source(%dma_start3A_107 : memref<256x100xi32, #tpu.memory_space<hbm>>) target(%arg6 : memref<256x100xi32, #tpu.memory_space<vmem>>) target_semaphore(%run_scoped3A : memref<!tpu.dma_semaphore, #tpu.memory_space<semaphore_mem>>)
      %dma_wait3A_108 = arith.constant 0 : i32
      %dma_wait3A_109 = tpu.memref_slice %arg2[%mul3A_2, %dma_wait3A_108] : memref<8192x100xi32, #tpu.memory_space<hbm>> -> memref<256x100xi32, #tpu.memory_space<hbm>>
      %dma_wait3A_110 = arith.constant 0 : i32
      %dma_wait3A_111 = tpu.memref_slice %arg2[%mul3A_2, %dma_wait3A_110] : memref<8192x100xi32, #tpu.memory_space<hbm>> -> memref<256x100xi32, #tpu.memory_space<hbm>>
      tpu.wait_dma2 semaphore(%run_scoped3A : memref<!tpu.dma_semaphore, #tpu.memory_space<semaphore_mem>>) src(%dma_wait3A_111 : memref<256x100xi32, #tpu.memory_space<hbm>>) dst(%arg6 : memref<256x100xi32, #tpu.memory_space<vmem>>)
      tpu.yield
    }) : () -> ()
    %mul3A_3 = arith.constant 25600 : i32
    %mul3A_4 = arith.muli %add3A, %mul3A_3 : i32
    "tpu.region"() ({
      %run_scoped3A = tpu.sem_alloc : memref<!tpu.dma_semaphore, #tpu.memory_space<semaphore_mem>>
      %dma_start3A_104 = arith.constant 0 : i32
      %dma_start3A_105 = tpu.memref_slice %arg7[%dma_start3A_104] : memref<25616xf32, #tpu.memory_space<vmem>> -> memref<25600xf32, #tpu.memory_space<vmem>>
      %dma_start3A_106 = tpu.memref_slice %arg3[%mul3A_4] : memref<819200xf32, #tpu.memory_space<hbm>> -> memref<25600xf32, #tpu.memory_space<hbm>>
      %dma_start3A_107 = arith.constant 0 : i32
      %dma_start3A_108 = tpu.memref_slice %arg7[%dma_start3A_107] : memref<25616xf32, #tpu.memory_space<vmem>> -> memref<25600xf32, #tpu.memory_space<vmem>>
      %dma_start3A_109 = tpu.memref_slice %arg3[%mul3A_4] : memref<819200xf32, #tpu.memory_space<hbm>> -> memref<25600xf32, #tpu.memory_space<hbm>>
      tpu.enqueue_dma source(%dma_start3A_109 : memref<25600xf32, #tpu.memory_space<hbm>>) target(%dma_start3A_108 : memref<25600xf32, #tpu.memory_space<vmem>>) target_semaphore(%run_scoped3A : memref<!tpu.dma_semaphore, #tpu.memory_space<semaphore_mem>>)
      %dma_wait3A_110 = arith.constant 0 : i32
      %dma_wait3A_111 = tpu.memref_slice %arg7[%dma_wait3A_110] : memref<25616xf32, #tpu.memory_space<vmem>> -> memref<25600xf32, #tpu.memory_space<vmem>>
      %dma_wait3A_112 = tpu.memref_slice %arg3[%mul3A_4] : memref<819200xf32, #tpu.memory_space<hbm>> -> memref<25600xf32, #tpu.memory_space<hbm>>
      %dma_wait3A_113 = arith.constant 0 : i32
      %dma_wait3A_114 = tpu.memref_slice %arg7[%dma_wait3A_113] : memref<25616xf32, #tpu.memory_space<vmem>> -> memref<25600xf32, #tpu.memory_space<vmem>>
      %dma_wait3A_115 = tpu.memref_slice %arg3[%mul3A_4] : memref<819200xf32, #tpu.memory_space<hbm>> -> memref<25600xf32, #tpu.memory_space<hbm>>
      tpu.wait_dma2 semaphore(%run_scoped3A : memref<!tpu.dma_semaphore, #tpu.memory_space<semaphore_mem>>) src(%dma_wait3A_115 : memref<25600xf32, #tpu.memory_space<hbm>>) dst(%dma_wait3A_114 : memref<25600xf32, #tpu.memory_space<vmem>>)
      tpu.yield
    }) : () -> ()
    %dma_start3A = arith.constant 0 : i32
    %dma_start3A_5 = arith.constant 0 : i32
    %dma_start3A_6 = arith.constant 0 : i32
    %dma_start3A_7 = arith.constant 0 : i32
    %dma_start3A_8 = tpu.memref_slice %arg8[%dma_start3A_5, %dma_start3A_6, %dma_start3A_7] : memref<4x100x64xf32, #tpu.memory_space<vmem>> -> memref<1x100x64xf32, #tpu.memory_space<vmem>>
    %dma_start3A_9 = tpu.memref_squeeze %dma_start3A_8 : memref<1x100x64xf32, #tpu.memory_space<vmem>> -> memref<100x64xf32, #tpu.memory_space<vmem>>
    %dma_start3A_10 = arith.constant 0 : i32
    %dma_start3A_11 = tpu.memref_slice %arg6[%dma_start3A, %dma_start3A_10] : memref<256x100xi32, #tpu.memory_space<vmem>> -> memref<1x100xi32, #tpu.memory_space<vmem>>
    %dma_start3A_12 = tpu.memref_squeeze %dma_start3A_11 : memref<1x100xi32, #tpu.memory_space<vmem>> -> memref<100xi32, #tpu.memory_space<vmem>>
    %dma_start3A_13 = arith.constant 0 : i32
    %dma_start3A_14 = arith.constant 0 : i32
    %dma_start3A_15 = tpu.memref_slice %arg4[%dma_start3A_13, %dma_start3A_14] : memref<1000000x64xf32, #tpu.memory_space<hbm>> -> memref<1000000x64xf32, #tpu.memory_space<hbm>>
    tpu.enqueue_indirect_dma source(%dma_start3A_15 : memref<1000000x64xf32, #tpu.memory_space<hbm>>) target(%dma_start3A_9 : memref<100x64xf32, #tpu.memory_space<vmem>>) offsets(%dma_start3A_12 : memref<100xi32, #tpu.memory_space<vmem>>) semaphore(%arg10 : memref<!tpu.dma_semaphore, #tpu.memory_space<semaphore_mem>>)
    %dma_start3A_16 = arith.constant 1 : i32
    %dma_start3A_17 = arith.constant 1 : i32
    %dma_start3A_18 = arith.constant 0 : i32
    %dma_start3A_19 = arith.constant 0 : i32
    %dma_start3A_20 = tpu.memref_slice %arg8[%dma_start3A_17, %dma_start3A_18, %dma_start3A_19] : memref<4x100x64xf32, #tpu.memory_space<vmem>> -> memref<1x100x64xf32, #tpu.memory_space<vmem>>
    %dma_start3A_21 = tpu.memref_squeeze %dma_start3A_20 : memref<1x100x64xf32, #tpu.memory_space<vmem>> -> memref<100x64xf32, #tpu.memory_space<vmem>>
    %dma_start3A_22 = arith.constant 0 : i32
    %dma_start3A_23 = tpu.memref_slice %arg6[%dma_start3A_16, %dma_start3A_22] : memref<256x100xi32, #tpu.memory_space<vmem>> -> memref<1x100xi32, #tpu.memory_space<vmem>>
    %dma_start3A_24 = tpu.memref_squeeze %dma_start3A_23 : memref<1x100xi32, #tpu.memory_space<vmem>> -> memref<100xi32, #tpu.memory_space<vmem>>
    %dma_start3A_25 = arith.constant 0 : i32
    %dma_start3A_26 = arith.constant 0 : i32
    %dma_start3A_27 = tpu.memref_slice %arg4[%dma_start3A_25, %dma_start3A_26] : memref<1000000x64xf32, #tpu.memory_space<hbm>> -> memref<1000000x64xf32, #tpu.memory_space<hbm>>
    tpu.enqueue_indirect_dma source(%dma_start3A_27 : memref<1000000x64xf32, #tpu.memory_space<hbm>>) target(%dma_start3A_21 : memref<100x64xf32, #tpu.memory_space<vmem>>) offsets(%dma_start3A_24 : memref<100xi32, #tpu.memory_space<vmem>>) semaphore(%arg11 : memref<!tpu.dma_semaphore, #tpu.memory_space<semaphore_mem>>)
    %dma_start3A_28 = arith.constant 2 : i32
    %dma_start3A_29 = arith.constant 2 : i32
    %dma_start3A_30 = arith.constant 0 : i32
    %dma_start3A_31 = arith.constant 0 : i32
    %dma_start3A_32 = tpu.memref_slice %arg8[%dma_start3A_29, %dma_start3A_30, %dma_start3A_31] : memref<4x100x64xf32, #tpu.memory_space<vmem>> -> memref<1x100x64xf32, #tpu.memory_space<vmem>>
    %dma_start3A_33 = tpu.memref_squeeze %dma_start3A_32 : memref<1x100x64xf32, #tpu.memory_space<vmem>> -> memref<100x64xf32, #tpu.memory_space<vmem>>
    %dma_start3A_34 = arith.constant 0 : i32
    %dma_start3A_35 = tpu.memref_slice %arg6[%dma_start3A_28, %dma_start3A_34] : memref<256x100xi32, #tpu.memory_space<vmem>> -> memref<1x100xi32, #tpu.memory_space<vmem>>
    %dma_start3A_36 = tpu.memref_squeeze %dma_start3A_35 : memref<1x100xi32, #tpu.memory_space<vmem>> -> memref<100xi32, #tpu.memory_space<vmem>>
    %dma_start3A_37 = arith.constant 0 : i32
    %dma_start3A_38 = arith.constant 0 : i32
    %dma_start3A_39 = tpu.memref_slice %arg4[%dma_start3A_37, %dma_start3A_38] : memref<1000000x64xf32, #tpu.memory_space<hbm>> -> memref<1000000x64xf32, #tpu.memory_space<hbm>>
    tpu.enqueue_indirect_dma source(%dma_start3A_39 : memref<1000000x64xf32, #tpu.memory_space<hbm>>) target(%dma_start3A_33 : memref<100x64xf32, #tpu.memory_space<vmem>>) offsets(%dma_start3A_36 : memref<100xi32, #tpu.memory_space<vmem>>) semaphore(%arg12 : memref<!tpu.dma_semaphore, #tpu.memory_space<semaphore_mem>>)
    %scan3A = arith.constant 0 : i32
    %scan3A_40 = arith.constant 0 : i32
    %scan3A_41 = arith.constant 64 : i32
    %scan3A_42 = arith.addi %scan3A_40, %scan3A_41 : i32
    %scan3A_43 = arith.constant 1 : i32
    scf.for %scan3A_104 = %scan3A_40 to %scan3A_42 step %scan3A_43  : i32 {
      %mul3A_105 = arith.constant 4 : i32
      %mul3A_106 = arith.muli %scan3A_104, %mul3A_105 : i32
      %add3A_107 = arith.constant 0 : i32
      %add3A_108 = arith.addi %mul3A_106, %add3A_107 : i32
      %dma_wait3A_109 = arith.constant 0 : i32
      %dma_wait3A_110 = arith.constant 0 : i32
      %dma_wait3A_111 = arith.constant 0 : i32
      %dma_wait3A_112 = tpu.memref_slice %arg8[%dma_wait3A_109, %dma_wait3A_110, %dma_wait3A_111] : memref<4x100x64xf32, #tpu.memory_space<vmem>> -> memref<1x100x64xf32, #tpu.memory_space<vmem>>
      %dma_wait3A_113 = tpu.memref_squeeze %dma_wait3A_112 : memref<1x100x64xf32, #tpu.memory_space<vmem>> -> memref<100x64xf32, #tpu.memory_space<vmem>>
      %dma_wait3A_114 = arith.constant 0 : i32
      %dma_wait3A_115 = tpu.memref_slice %arg6[%add3A_108, %dma_wait3A_114] : memref<256x100xi32, #tpu.memory_space<vmem>> -> memref<1x100xi32, #tpu.memory_space<vmem>>
      %dma_wait3A_116 = tpu.memref_squeeze %dma_wait3A_115 : memref<1x100xi32, #tpu.memory_space<vmem>> -> memref<100xi32, #tpu.memory_space<vmem>>
      %dma_wait3A_117 = arith.constant 0 : i32
      %dma_wait3A_118 = arith.constant 0 : i32
      %dma_wait3A_119 = tpu.memref_slice %arg4[%dma_wait3A_117, %dma_wait3A_118] : memref<1000000x64xf32, #tpu.memory_space<hbm>> -> memref<1000000x64xf32, #tpu.memory_space<hbm>>
      tpu.wait_indirect_dma semaphore(%arg10 : memref<!tpu.dma_semaphore, #tpu.memory_space<semaphore_mem>>) src(%dma_wait3A_119 : memref<1000000x64xf32, #tpu.memory_space<hbm>>) dst(%dma_wait3A_113 : memref<100x64xf32, #tpu.memory_space<vmem>>)
      %gt3A = arith.constant 0 : i32
      %gt3A_120 = arith.cmpi sgt, %scan3A_104, %gt3A : i32
      %convert_element_type3A = arith.extui %gt3A_120 : i1 to i32
      %cond3A = arith.constant 0 : i32
      %cond3A_121 = arith.cmpi ne, %convert_element_type3A, %cond3A : i32
      scf.if %cond3A_121 {
        %dma_wait3A_648 = arith.constant 0 : i32
        %dma_wait3A_649 = arith.constant 0 : i32
        %dma_wait3A_650 = arith.constant 0 : i32
        %dma_wait3A_651 = tpu.memref_slice %arg9[%dma_wait3A_648, %dma_wait3A_649, %dma_wait3A_650] : memref<4x2x64xf32, #tpu.memory_space<vmem>> -> memref<1x2x64xf32, #tpu.memory_space<vmem>>
        %dma_wait3A_652 = tpu.memref_squeeze %dma_wait3A_651 : memref<1x2x64xf32, #tpu.memory_space<vmem>> -> memref<2x64xf32, #tpu.memory_space<vmem>>
        %dma_wait3A_653 = arith.constant 0 : i32
        %dma_wait3A_654 = arith.constant 0 : i32
        %dma_wait3A_655 = tpu.memref_slice %arg5[%dma_wait3A_653, %dma_wait3A_654] : memref<16384x64xf32, #tpu.memory_space<hbm>> -> memref<2x64xf32, #tpu.memory_space<hbm>>
        %dma_wait3A_656 = arith.constant 0 : i32
        %dma_wait3A_657 = arith.constant 0 : i32
        %dma_wait3A_658 = tpu.memref_slice %arg5[%dma_wait3A_656, %dma_wait3A_657] : memref<16384x64xf32, #tpu.memory_space<hbm>> -> memref<2x64xf32, #tpu.memory_space<hbm>>
        %dma_wait3A_659 = arith.constant 0 : i32
        %dma_wait3A_660 = arith.constant 0 : i32
        %dma_wait3A_661 = tpu.memref_slice %arg9[%dma_wait3A_648, %dma_wait3A_659, %dma_wait3A_660] : memref<4x2x64xf32, #tpu.memory_space<vmem>> -> memref<1x2x64xf32, #tpu.memory_space<vmem>>
        %dma_wait3A_662 = tpu.memref_squeeze %dma_wait3A_661 : memref<1x2x64xf32, #tpu.memory_space<vmem>> -> memref<2x64xf32, #tpu.memory_space<vmem>>
        tpu.wait_dma2 semaphore(%arg14 : memref<!tpu.dma_semaphore, #tpu.memory_space<semaphore_mem>>) src(%dma_wait3A_662 : memref<2x64xf32, #tpu.memory_space<vmem>>) dst(%dma_wait3A_658 : memref<2x64xf32, #tpu.memory_space<hbm>>)
      } else {
      }
      %mul3A_122 = arith.constant 100 : i32
      %mul3A_123 = arith.muli %add3A_108, %mul3A_122 : i32
      %broadcast_in_dim3A = arith.constant 0.000000e+00 : f32
      %broadcast_in_dim3A_124 = vector.broadcast %broadcast_in_dim3A : f32 to vector<16xf32>
      %broadcast_in_dim3A_125 = arith.constant 0.000000e+00 : f32
      %broadcast_in_dim3A_126 = vector.broadcast %broadcast_in_dim3A_125 : f32 to vector<16xf32>
      %broadcast_in_dim3A_127 = arith.constant 0.000000e+00 : f32
      %broadcast_in_dim3A_128 = vector.broadcast %broadcast_in_dim3A_127 : f32 to vector<16xf32>
      %broadcast_in_dim3A_129 = arith.constant 0.000000e+00 : f32
      %broadcast_in_dim3A_130 = vector.broadcast %broadcast_in_dim3A_129 : f32 to vector<16xf32>
      %scan3A_131 = arith.constant 0 : i32
      %scan3A_132 = arith.constant 50 : i32
      %scan3A_133 = arith.addi %scan3A_131, %scan3A_132 : i32
      %scan3A_134 = arith.constant 10 : i32
      %scan3A_135:4 = scf.for %scan3A_648 = %scan3A_131 to %scan3A_133 step %scan3A_134 iter_args(%scan3A_649 = %broadcast_in_dim3A_124, %scan3A_650 = %broadcast_in_dim3A_126, %scan3A_651 = %broadcast_in_dim3A_128, %scan3A_652 = %broadcast_in_dim3A_130) -> (vector<16xf32>, vector<16xf32>, vector<16xf32>, vector<16xf32>)  : i32 {
        %add3A_653 = arith.constant 0 : i32
        %add3A_654 = arith.addi %mul3A_123, %add3A_653 : i32
        %add3A_655 = arith.addi %add3A_654, %scan3A_648 : i32
        %get3A = arith.index_cast %add3A_655 : i32 to index
        %get3A_656 = tpu.vector_load %arg7[%get3A] {strides = array<i32>} : memref<25616xf32, #tpu.memory_space<vmem>>, vector<16xf32>,
        %get3A_657 = vector.shape_cast %get3A_656 : vector<16xf32> to vector<16xf32>
        %slice3A = vector.extract_strided_slice %get3A_657 {offsets = [0], sizes = [1], strides = [1]} : vector<16xf32> to vector<1xf32>
        %squeeze3A = vector.extract %slice3A[0] : f32 from vector<1xf32>
        %broadcast_in_dim3A_658 = vector.broadcast %squeeze3A : f32 to vector<16xf32>
        %add3A_659 = arith.constant 0 : i32
        %add3A_660 = arith.addi %add3A_659, %scan3A_648 : i32
        %get3A_661 = arith.constant 0 : i32
        %get3A_662 = arith.index_cast %get3A_661 : i32 to index
        %get3A_663 = arith.index_cast %add3A_660 : i32 to index
        %get3A_664 = arith.constant 0 : index
        %get3A_665 = tpu.vector_load %arg8[%get3A_662, %get3A_663, %get3A_664] {strides = array<i32>} : memref<4x100x64xf32, #tpu.memory_space<vmem>>, vector<1x1x16xf32>,
        %get3A_666 = vector.shape_cast %get3A_665 : vector<1x1x16xf32> to vector<16xf32>
        %mul3A_667 = arith.mulf %get3A_666, %broadcast_in_dim3A_658 : vector<16xf32>
        %add3A_668 = arith.addf %scan3A_649, %mul3A_667 : vector<16xf32>
        %add3A_669 = arith.constant 0 : i32
        %add3A_670 = arith.addi %add3A_669, %scan3A_648 : i32
        %get3A_671 = arith.constant 0 : i32
        %get3A_672 = arith.index_cast %get3A_671 : i32 to index
        %get3A_673 = arith.index_cast %add3A_670 : i32 to index
        %get3A_674 = arith.constant 16 : index
        %get3A_675 = tpu.vector_load %arg8[%get3A_672, %get3A_673, %get3A_674] {strides = array<i32>} : memref<4x100x64xf32, #tpu.memory_space<vmem>>, vector<1x1x16xf32>,
        %get3A_676 = vector.shape_cast %get3A_675 : vector<1x1x16xf32> to vector<16xf32>
        %mul3A_677 = arith.mulf %get3A_676, %broadcast_in_dim3A_658 : vector<16xf32>
        %add3A_678 = arith.addf %scan3A_650, %mul3A_677 : vector<16xf32>
        %add3A_679 = arith.constant 0 : i32
        %add3A_680 = arith.addi %add3A_679, %scan3A_648 : i32
        %get3A_681 = arith.constant 0 : i32
        %get3A_682 = arith.index_cast %get3A_681 : i32 to index
        %get3A_683 = arith.index_cast %add3A_680 : i32 to index
        %get3A_684 = arith.constant 32 : index
        %get3A_685 = tpu.vector_load %arg8[%get3A_682, %get3A_683, %get3A_684] {strides = array<i32>} : memref<4x100x64xf32, #tpu.memory_space<vmem>>, vector<1x1x16xf32>,
        %get3A_686 = vector.shape_cast %get3A_685 : vector<1x1x16xf32> to vector<16xf32>
        %mul3A_687 = arith.mulf %get3A_686, %broadcast_in_dim3A_658 : vector<16xf32>
        %add3A_688 = arith.addf %scan3A_651, %mul3A_687 : vector<16xf32>
        %add3A_689 = arith.constant 0 : i32
        %add3A_690 = arith.addi %add3A_689, %scan3A_648 : i32
        %get3A_691 = arith.constant 0 : i32
        %get3A_692 = arith.index_cast %get3A_691 : i32 to index
        %get3A_693 = arith.index_cast %add3A_690 : i32 to index
        %get3A_694 = arith.constant 48 : index
        %get3A_695 = tpu.vector_load %arg8[%get3A_692, %get3A_693, %get3A_694] {strides = array<i32>} : memref<4x100x64xf32, #tpu.memory_space<vmem>>, vector<1x1x16xf32>,
        %get3A_696 = vector.shape_cast %get3A_695 : vector<1x1x16xf32> to vector<16xf32>
        %mul3A_697 = arith.mulf %get3A_696, %broadcast_in_dim3A_658 : vector<16xf32>
        %add3A_698 = arith.addf %scan3A_652, %mul3A_697 : vector<16xf32>
        %scan3A_699 = arith.constant 1 : i32
        %scan3A_700 = arith.addi %scan3A_648, %scan3A_699 : i32
        %add3A_701 = arith.constant 0 : i32
        %add3A_702 = arith.addi %mul3A_123, %add3A_701 : i32
        %add3A_703 = arith.addi %add3A_702, %scan3A_700 : i32
        %get3A_704 = arith.index_cast %add3A_703 : i32 to index
        %get3A_705 = tpu.vector_load %arg7[%get3A_704] {strides = array<i32>} : memref<25616xf32, #tpu.memory_space<vmem>>, vector<16xf32>,
        %get3A_706 = vector.shape_cast %get3A_705 : vector<16xf32> to vector<16xf32>
        %slice3A_707 = vector.extract_strided_slice %get3A_706 {offsets = [0], sizes = [1], strides = [1]} : vector<16xf32> to vector<1xf32>
        %squeeze3A_708 = vector.extract %slice3A_707[0] : f32 from vector<1xf32>
        %broadcast_in_dim3A_709 = vector.broadcast %squeeze3A_708 : f32 to vector<16xf32>
        %add3A_710 = arith.constant 0 : i32
        %add3A_711 = arith.addi %add3A_710, %scan3A_700 : i32
        %get3A_712 = arith.constant 0 : i32
        %get3A_713 = arith.index_cast %get3A_712 : i32 to index
        %get3A_714 = arith.index_cast %add3A_711 : i32 to index
        %get3A_715 = arith.constant 0 : index
        %get3A_716 = tpu.vector_load %arg8[%get3A_713, %get3A_714, %get3A_715] {strides = array<i32>} : memref<4x100x64xf32, #tpu.memory_space<vmem>>, vector<1x1x16xf32>,
        %get3A_717 = vector.shape_cast %get3A_716 : vector<1x1x16xf32> to vector<16xf32>
        %mul3A_718 = arith.mulf %get3A_717, %broadcast_in_dim3A_709 : vector<16xf32>
        %add3A_719 = arith.addf %add3A_668, %mul3A_718 : vector<16xf32>
        %add3A_720 = arith.constant 0 : i32
        %add3A_721 = arith.addi %add3A_720, %scan3A_700 : i32
        %get3A_722 = arith.constant 0 : i32
        %get3A_723 = arith.index_cast %get3A_722 : i32 to index
        %get3A_724 = arith.index_cast %add3A_721 : i32 to index
        %get3A_725 = arith.constant 16 : index
        %get3A_726 = tpu.vector_load %arg8[%get3A_723, %get3A_724, %get3A_725] {strides = array<i32>} : memref<4x100x64xf32, #tpu.memory_space<vmem>>, vector<1x1x16xf32>,
        %get3A_727 = vector.shape_cast %get3A_726 : vector<1x1x16xf32> to vector<16xf32>
        %mul3A_728 = arith.mulf %get3A_727, %broadcast_in_dim3A_709 : vector<16xf32>
        %add3A_729 = arith.addf %add3A_678, %mul3A_728 : vector<16xf32>
        %add3A_730 = arith.constant 0 : i32
        %add3A_731 = arith.addi %add3A_730, %scan3A_700 : i32
        %get3A_732 = arith.constant 0 : i32
        %get3A_733 = arith.index_cast %get3A_732 : i32 to index
        %get3A_734 = arith.index_cast %add3A_731 : i32 to index
        %get3A_735 = arith.constant 32 : index
        %get3A_736 = tpu.vector_load %arg8[%get3A_733, %get3A_734, %get3A_735] {strides = array<i32>} : memref<4x100x64xf32, #tpu.memory_space<vmem>>, vector<1x1x16xf32>,
        %get3A_737 = vector.shape_cast %get3A_736 : vector<1x1x16xf32> to vector<16xf32>
        %mul3A_738 = arith.mulf %get3A_737, %broadcast_in_dim3A_709 : vector<16xf32>
        %add3A_739 = arith.addf %add3A_688, %mul3A_738 : vector<16xf32>
        %add3A_740 = arith.constant 0 : i32
        %add3A_741 = arith.addi %add3A_740, %scan3A_700 : i32
        %get3A_742 = arith.constant 0 : i32
        %get3A_743 = arith.index_cast %get3A_742 : i32 to index
        %get3A_744 = arith.index_cast %add3A_741 : i32 to index
        %get3A_745 = arith.constant 48 : index
        %get3A_746 = tpu.vector_load %arg8[%get3A_743, %get3A_744, %get3A_745] {strides = array<i32>} : memref<4x100x64xf32, #tpu.memory_space<vmem>>, vector<1x1x16xf32>,
        %get3A_747 = vector.shape_cast %get3A_746 : vector<1x1x16xf32> to vector<16xf32>
        %mul3A_748 = arith.mulf %get3A_747, %broadcast_in_dim3A_709 : vector<16xf32>
        %add3A_749 = arith.addf %add3A_698, %mul3A_748 : vector<16xf32>
        %scan3A_750 = arith.constant 2 : i32
        %scan3A_751 = arith.addi %scan3A_648, %scan3A_750 : i32
        %add3A_752 = arith.constant 0 : i32
        %add3A_753 = arith.addi %mul3A_123, %add3A_752 : i32
        %add3A_754 = arith.addi %add3A_753, %scan3A_751 : i32
        %get3A_755 = arith.index_cast %add3A_754 : i32 to index
        %get3A_756 = tpu.vector_load %arg7[%get3A_755] {strides = array<i32>} : memref<25616xf32, #tpu.memory_space<vmem>>, vector<16xf32>,
        %get3A_757 = vector.shape_cast %get3A_756 : vector<16xf32> to vector<16xf32>
        %slice3A_758 = vector.extract_strided_slice %get3A_757 {offsets = [0], sizes = [1], strides = [1]} : vector<16xf32> to vector<1xf32>
        %squeeze3A_759 = vector.extract %slice3A_758[0] : f32 from vector<1xf32>
        %broadcast_in_dim3A_760 = vector.broadcast %squeeze3A_759 : f32 to vector<16xf32>
        %add3A_761 = arith.constant 0 : i32
        %add3A_762 = arith.addi %add3A_761, %scan3A_751 : i32
        %get3A_763 = arith.constant 0 : i32
        %get3A_764 = arith.index_cast %get3A_763 : i32 to index
        %get3A_765 = arith.index_cast %add3A_762 : i32 to index
        %get3A_766 = arith.constant 0 : index
        %get3A_767 = tpu.vector_load %arg8[%get3A_764, %get3A_765, %get3A_766] {strides = array<i32>} : memref<4x100x64xf32, #tpu.memory_space<vmem>>, vector<1x1x16xf32>,
        %get3A_768 = vector.shape_cast %get3A_767 : vector<1x1x16xf32> to vector<16xf32>
        %mul3A_769 = arith.mulf %get3A_768, %broadcast_in_dim3A_760 : vector<16xf32>
        %add3A_770 = arith.addf %add3A_719, %mul3A_769 : vector<16xf32>
        %add3A_771 = arith.constant 0 : i32
        %add3A_772 = arith.addi %add3A_771, %scan3A_751 : i32
        %get3A_773 = arith.constant 0 : i32
        %get3A_774 = arith.index_cast %get3A_773 : i32 to index
        %get3A_775 = arith.index_cast %add3A_772 : i32 to index
        %get3A_776 = arith.constant 16 : index
        %get3A_777 = tpu.vector_load %arg8[%get3A_774, %get3A_775, %get3A_776] {strides = array<i32>} : memref<4x100x64xf32, #tpu.memory_space<vmem>>, vector<1x1x16xf32>,
        %get3A_778 = vector.shape_cast %get3A_777 : vector<1x1x16xf32> to vector<16xf32>
        %mul3A_779 = arith.mulf %get3A_778, %broadcast_in_dim3A_760 : vector<16xf32>
        %add3A_780 = arith.addf %add3A_729, %mul3A_779 : vector<16xf32>
        %add3A_781 = arith.constant 0 : i32
        %add3A_782 = arith.addi %add3A_781, %scan3A_751 : i32
        %get3A_783 = arith.constant 0 : i32
        %get3A_784 = arith.index_cast %get3A_783 : i32 to index
        %get3A_785 = arith.index_cast %add3A_782 : i32 to index
        %get3A_786 = arith.constant 32 : index
        %get3A_787 = tpu.vector_load %arg8[%get3A_784, %get3A_785, %get3A_786] {strides = array<i32>} : memref<4x100x64xf32, #tpu.memory_space<vmem>>, vector<1x1x16xf32>,
        %get3A_788 = vector.shape_cast %get3A_787 : vector<1x1x16xf32> to vector<16xf32>
        %mul3A_789 = arith.mulf %get3A_788, %broadcast_in_dim3A_760 : vector<16xf32>
        %add3A_790 = arith.addf %add3A_739, %mul3A_789 : vector<16xf32>
        %add3A_791 = arith.constant 0 : i32
        %add3A_792 = arith.addi %add3A_791, %scan3A_751 : i32
        %get3A_793 = arith.constant 0 : i32
        %get3A_794 = arith.index_cast %get3A_793 : i32 to index
        %get3A_795 = arith.index_cast %add3A_792 : i32 to index
        %get3A_796 = arith.constant 48 : index
        %get3A_797 = tpu.vector_load %arg8[%get3A_794, %get3A_795, %get3A_796] {strides = array<i32>} : memref<4x100x64xf32, #tpu.memory_space<vmem>>, vector<1x1x16xf32>,
        %get3A_798 = vector.shape_cast %get3A_797 : vector<1x1x16xf32> to vector<16xf32>
        %mul3A_799 = arith.mulf %get3A_798, %broadcast_in_dim3A_760 : vector<16xf32>
        %add3A_800 = arith.addf %add3A_749, %mul3A_799 : vector<16xf32>
        %scan3A_801 = arith.constant 3 : i32
        %scan3A_802 = arith.addi %scan3A_648, %scan3A_801 : i32
        %add3A_803 = arith.constant 0 : i32
        %add3A_804 = arith.addi %mul3A_123, %add3A_803 : i32
        %add3A_805 = arith.addi %add3A_804, %scan3A_802 : i32
        %get3A_806 = arith.index_cast %add3A_805 : i32 to index
        %get3A_807 = tpu.vector_load %arg7[%get3A_806] {strides = array<i32>} : memref<25616xf32, #tpu.memory_space<vmem>>, vector<16xf32>,
        %get3A_808 = vector.shape_cast %get3A_807 : vector<16xf32> to vector<16xf32>
        %slice3A_809 = vector.extract_strided_slice %get3A_808 {offsets = [0], sizes = [1], strides = [1]} : vector<16xf32> to vector<1xf32>
        %squeeze3A_810 = vector.extract %slice3A_809[0] : f32 from vector<1xf32>
        %broadcast_in_dim3A_811 = vector.broadcast %squeeze3A_810 : f32 to vector<16xf32>
        %add3A_812 = arith.constant 0 : i32
        %add3A_813 = arith.addi %add3A_812, %scan3A_802 : i32
        %get3A_814 = arith.constant 0 : i32
        %get3A_815 = arith.index_cast %get3A_814 : i32 to index
        %get3A_816 = arith.index_cast %add3A_813 : i32 to index
        %get3A_817 = arith.constant 0 : index
        %get3A_818 = tpu.vector_load %arg8[%get3A_815, %get3A_816, %get3A_817] {strides = array<i32>} : memref<4x100x64xf32, #tpu.memory_space<vmem>>, vector<1x1x16xf32>,
        %get3A_819 = vector.shape_cast %get3A_818 : vector<1x1x16xf32> to vector<16xf32>
        %mul3A_820 = arith.mulf %get3A_819, %broadcast_in_dim3A_811 : vector<16xf32>
        %add3A_821 = arith.addf %add3A_770, %mul3A_820 : vector<16xf32>
        %add3A_822 = arith.constant 0 : i32
        %add3A_823 = arith.addi %add3A_822, %scan3A_802 : i32
        %get3A_824 = arith.constant 0 : i32
        %get3A_825 = arith.index_cast %get3A_824 : i32 to index
        %get3A_826 = arith.index_cast %add3A_823 : i32 to index
        %get3A_827 = arith.constant 16 : index
        %get3A_828 = tpu.vector_load %arg8[%get3A_825, %get3A_826, %get3A_827] {strides = array<i32>} : memref<4x100x64xf32, #tpu.memory_space<vmem>>, vector<1x1x16xf32>,
        %get3A_829 = vector.shape_cast %get3A_828 : vector<1x1x16xf32> to vector<16xf32>
        %mul3A_830 = arith.mulf %get3A_829, %broadcast_in_dim3A_811 : vector<16xf32>
        %add3A_831 = arith.addf %add3A_780, %mul3A_830 : vector<16xf32>
        %add3A_832 = arith.constant 0 : i32
        %add3A_833 = arith.addi %add3A_832, %scan3A_802 : i32
        %get3A_834 = arith.constant 0 : i32
        %get3A_835 = arith.index_cast %get3A_834 : i32 to index
        %get3A_836 = arith.index_cast %add3A_833 : i32 to index
        %get3A_837 = arith.constant 32 : index
        %get3A_838 = tpu.vector_load %arg8[%get3A_835, %get3A_836, %get3A_837] {strides = array<i32>} : memref<4x100x64xf32, #tpu.memory_space<vmem>>, vector<1x1x16xf32>,
        %get3A_839 = vector.shape_cast %get3A_838 : vector<1x1x16xf32> to vector<16xf32>
        %mul3A_840 = arith.mulf %get3A_839, %broadcast_in_dim3A_811 : vector<16xf32>
        %add3A_841 = arith.addf %add3A_790, %mul3A_840 : vector<16xf32>
        %add3A_842 = arith.constant 0 : i32
        %add3A_843 = arith.addi %add3A_842, %scan3A_802 : i32
        %get3A_844 = arith.constant 0 : i32
        %get3A_845 = arith.index_cast %get3A_844 : i32 to index
        %get3A_846 = arith.index_cast %add3A_843 : i32 to index
        %get3A_847 = arith.constant 48 : index
        %get3A_848 = tpu.vector_load %arg8[%get3A_845, %get3A_846, %get3A_847] {strides = array<i32>} : memref<4x100x64xf32, #tpu.memory_space<vmem>>, vector<1x1x16xf32>,
        %get3A_849 = vector.shape_cast %get3A_848 : vector<1x1x16xf32> to vector<16xf32>
        %mul3A_850 = arith.mulf %get3A_849, %broadcast_in_dim3A_811 : vector<16xf32>
        %add3A_851 = arith.addf %add3A_800, %mul3A_850 : vector<16xf32>
        %scan3A_852 = arith.constant 4 : i32
        %scan3A_853 = arith.addi %scan3A_648, %scan3A_852 : i32
        %add3A_854 = arith.constant 0 : i32
        %add3A_855 = arith.addi %mul3A_123, %add3A_854 : i32
        %add3A_856 = arith.addi %add3A_855, %scan3A_853 : i32
        %get3A_857 = arith.index_cast %add3A_856 : i32 to index
        %get3A_858 = tpu.vector_load %arg7[%get3A_857] {strides = array<i32>} : memref<25616xf32, #tpu.memory_space<vmem>>, vector<16xf32>,
        %get3A_859 = vector.shape_cast %get3A_858 : vector<16xf32> to vector<16xf32>
        %slice3A_860 = vector.extract_strided_slice %get3A_859 {offsets = [0], sizes = [1], strides = [1]} : vector<16xf32> to vector<1xf32>
        %squeeze3A_861 = vector.extract %slice3A_860[0] : f32 from vector<1xf32>
        %broadcast_in_dim3A_862 = vector.broadcast %squeeze3A_861 : f32 to vector<16xf32>
        %add3A_863 = arith.constant 0 : i32
        %add3A_864 = arith.addi %add3A_863, %scan3A_853 : i32
        %get3A_865 = arith.constant 0 : i32
        %get3A_866 = arith.index_cast %get3A_865 : i32 to index
        %get3A_867 = arith.index_cast %add3A_864 : i32 to index
        %get3A_868 = arith.constant 0 : index
        %get3A_869 = tpu.vector_load %arg8[%get3A_866, %get3A_867, %get3A_868] {strides = array<i32>} : memref<4x100x64xf32, #tpu.memory_space<vmem>>, vector<1x1x16xf32>,
        %get3A_870 = vector.shape_cast %get3A_869 : vector<1x1x16xf32> to vector<16xf32>
        %mul3A_871 = arith.mulf %get3A_870, %broadcast_in_dim3A_862 : vector<16xf32>
        %add3A_872 = arith.addf %add3A_821, %mul3A_871 : vector<16xf32>
        %add3A_873 = arith.constant 0 : i32
        %add3A_874 = arith.addi %add3A_873, %scan3A_853 : i32
        %get3A_875 = arith.constant 0 : i32
        %get3A_876 = arith.index_cast %get3A_875 : i32 to index
        %get3A_877 = arith.index_cast %add3A_874 : i32 to index
        %get3A_878 = arith.constant 16 : index
        %get3A_879 = tpu.vector_load %arg8[%get3A_876, %get3A_877, %get3A_878] {strides = array<i32>} : memref<4x100x64xf32, #tpu.memory_space<vmem>>, vector<1x1x16xf32>,
        %get3A_880 = vector.shape_cast %get3A_879 : vector<1x1x16xf32> to vector<16xf32>
        %mul3A_881 = arith.mulf %get3A_880, %broadcast_in_dim3A_862 : vector<16xf32>
        %add3A_882 = arith.addf %add3A_831, %mul3A_881 : vector<16xf32>
        %add3A_883 = arith.constant 0 : i32
        %add3A_884 = arith.addi %add3A_883, %scan3A_853 : i32
        %get3A_885 = arith.constant 0 : i32
        %get3A_886 = arith.index_cast %get3A_885 : i32 to index
        %get3A_887 = arith.index_cast %add3A_884 : i32 to index
        %get3A_888 = arith.constant 32 : index
        %get3A_889 = tpu.vector_load %arg8[%get3A_886, %get3A_887, %get3A_888] {strides = array<i32>} : memref<4x100x64xf32, #tpu.memory_space<vmem>>, vector<1x1x16xf32>,
        %get3A_890 = vector.shape_cast %get3A_889 : vector<1x1x16xf32> to vector<16xf32>
        %mul3A_891 = arith.mulf %get3A_890, %broadcast_in_dim3A_862 : vector<16xf32>
        %add3A_892 = arith.addf %add3A_841, %mul3A_891 : vector<16xf32>
        %add3A_893 = arith.constant 0 : i32
        %add3A_894 = arith.addi %add3A_893, %scan3A_853 : i32
        %get3A_895 = arith.constant 0 : i32
        %get3A_896 = arith.index_cast %get3A_895 : i32 to index
        %get3A_897 = arith.index_cast %add3A_894 : i32 to index
        %get3A_898 = arith.constant 48 : index
        %get3A_899 = tpu.vector_load %arg8[%get3A_896, %get3A_897, %get3A_898] {strides = array<i32>} : memref<4x100x64xf32, #tpu.memory_space<vmem>>, vector<1x1x16xf32>,
        %get3A_900 = vector.shape_cast %get3A_899 : vector<1x1x16xf32> to vector<16xf32>
        %mul3A_901 = arith.mulf %get3A_900, %broadcast_in_dim3A_862 : vector<16xf32>
        %add3A_902 = arith.addf %add3A_851, %mul3A_901 : vector<16xf32>
        %scan3A_903 = arith.constant 5 : i32
        %scan3A_904 = arith.addi %scan3A_648, %scan3A_903 : i32
        %add3A_905 = arith.constant 0 : i32
        %add3A_906 = arith.addi %mul3A_123, %add3A_905 : i32
        %add3A_907 = arith.addi %add3A_906, %scan3A_904 : i32
        %get3A_908 = arith.index_cast %add3A_907 : i32 to index
        %get3A_909 = tpu.vector_load %arg7[%get3A_908] {strides = array<i32>} : memref<25616xf32, #tpu.memory_space<vmem>>, vector<16xf32>,
        %get3A_910 = vector.shape_cast %get3A_909 : vector<16xf32> to vector<16xf32>
        %slice3A_911 = vector.extract_strided_slice %get3A_910 {offsets = [0], sizes = [1], strides = [1]} : vector<16xf32> to vector<1xf32>
        %squeeze3A_912 = vector.extract %slice3A_911[0] : f32 from vector<1xf32>
        %broadcast_in_dim3A_913 = vector.broadcast %squeeze3A_912 : f32 to vector<16xf32>
        %add3A_914 = arith.constant 0 : i32
        %add3A_915 = arith.addi %add3A_914, %scan3A_904 : i32
        %get3A_916 = arith.constant 0 : i32
        %get3A_917 = arith.index_cast %get3A_916 : i32 to index
        %get3A_918 = arith.index_cast %add3A_915 : i32 to index
        %get3A_919 = arith.constant 0 : index
        %get3A_920 = tpu.vector_load %arg8[%get3A_917, %get3A_918, %get3A_919] {strides = array<i32>} : memref<4x100x64xf32, #tpu.memory_space<vmem>>, vector<1x1x16xf32>,
        %get3A_921 = vector.shape_cast %get3A_920 : vector<1x1x16xf32> to vector<16xf32>
        %mul3A_922 = arith.mulf %get3A_921, %broadcast_in_dim3A_913 : vector<16xf32>
        %add3A_923 = arith.addf %add3A_872, %mul3A_922 : vector<16xf32>
        %add3A_924 = arith.constant 0 : i32
        %add3A_925 = arith.addi %add3A_924, %scan3A_904 : i32
        %get3A_926 = arith.constant 0 : i32
        %get3A_927 = arith.index_cast %get3A_926 : i32 to index
        %get3A_928 = arith.index_cast %add3A_925 : i32 to index
        %get3A_929 = arith.constant 16 : index
        %get3A_930 = tpu.vector_load %arg8[%get3A_927, %get3A_928, %get3A_929] {strides = array<i32>} : memref<4x100x64xf32, #tpu.memory_space<vmem>>, vector<1x1x16xf32>,
        %get3A_931 = vector.shape_cast %get3A_930 : vector<1x1x16xf32> to vector<16xf32>
        %mul3A_932 = arith.mulf %get3A_931, %broadcast_in_dim3A_913 : vector<16xf32>
        %add3A_933 = arith.addf %add3A_882, %mul3A_932 : vector<16xf32>
        %add3A_934 = arith.constant 0 : i32
        %add3A_935 = arith.addi %add3A_934, %scan3A_904 : i32
        %get3A_936 = arith.constant 0 : i32
        %get3A_937 = arith.index_cast %get3A_936 : i32 to index
        %get3A_938 = arith.index_cast %add3A_935 : i32 to index
        %get3A_939 = arith.constant 32 : index
        %get3A_940 = tpu.vector_load %arg8[%get3A_937, %get3A_938, %get3A_939] {strides = array<i32>} : memref<4x100x64xf32, #tpu.memory_space<vmem>>, vector<1x1x16xf32>,
        %get3A_941 = vector.shape_cast %get3A_940 : vector<1x1x16xf32> to vector<16xf32>
        %mul3A_942 = arith.mulf %get3A_941, %broadcast_in_dim3A_913 : vector<16xf32>
        %add3A_943 = arith.addf %add3A_892, %mul3A_942 : vector<16xf32>
        %add3A_944 = arith.constant 0 : i32
        %add3A_945 = arith.addi %add3A_944, %scan3A_904 : i32
        %get3A_946 = arith.constant 0 : i32
        %get3A_947 = arith.index_cast %get3A_946 : i32 to index
        %get3A_948 = arith.index_cast %add3A_945 : i32 to index
        %get3A_949 = arith.constant 48 : index
        %get3A_950 = tpu.vector_load %arg8[%get3A_947, %get3A_948, %get3A_949] {strides = array<i32>} : memref<4x100x64xf32, #tpu.memory_space<vmem>>, vector<1x1x16xf32>,
        %get3A_951 = vector.shape_cast %get3A_950 : vector<1x1x16xf32> to vector<16xf32>
        %mul3A_952 = arith.mulf %get3A_951, %broadcast_in_dim3A_913 : vector<16xf32>
        %add3A_953 = arith.addf %add3A_902, %mul3A_952 : vector<16xf32>
        %scan3A_954 = arith.constant 6 : i32
        %scan3A_955 = arith.addi %scan3A_648, %scan3A_954 : i32
        %add3A_956 = arith.constant 0 : i32
        %add3A_957 = arith.addi %mul3A_123, %add3A_956 : i32
        %add3A_958 = arith.addi %add3A_957, %scan3A_955 : i32
        %get3A_959 = arith.index_cast %add3A_958 : i32 to index
        %get3A_960 = tpu.vector_load %arg7[%get3A_959] {strides = array<i32>} : memref<25616xf32, #tpu.memory_space<vmem>>, vector<16xf32>,
        %get3A_961 = vector.shape_cast %get3A_960 : vector<16xf32> to vector<16xf32>
        %slice3A_962 = vector.extract_strided_slice %get3A_961 {offsets = [0], sizes = [1], strides = [1]} : vector<16xf32> to vector<1xf32>
        %squeeze3A_963 = vector.extract %slice3A_962[0] : f32 from vector<1xf32>
        %broadcast_in_dim3A_964 = vector.broadcast %squeeze3A_963 : f32 to vector<16xf32>
        %add3A_965 = arith.constant 0 : i32
        %add3A_966 = arith.addi %add3A_965, %scan3A_955 : i32
        %get3A_967 = arith.constant 0 : i32
        %get3A_968 = arith.index_cast %get3A_967 : i32 to index
        %get3A_969 = arith.index_cast %add3A_966 : i32 to index
        %get3A_970 = arith.constant 0 : index
        %get3A_971 = tpu.vector_load %arg8[%get3A_968, %get3A_969, %get3A_970] {strides = array<i32>} : memref<4x100x64xf32, #tpu.memory_space<vmem>>, vector<1x1x16xf32>,
        %get3A_972 = vector.shape_cast %get3A_971 : vector<1x1x16xf32> to vector<16xf32>
        %mul3A_973 = arith.mulf %get3A_972, %broadcast_in_dim3A_964 : vector<16xf32>
        %add3A_974 = arith.addf %add3A_923, %mul3A_973 : vector<16xf32>
        %add3A_975 = arith.constant 0 : i32
        %add3A_976 = arith.addi %add3A_975, %scan3A_955 : i32
        %get3A_977 = arith.constant 0 : i32
        %get3A_978 = arith.index_cast %get3A_977 : i32 to index
        %get3A_979 = arith.index_cast %add3A_976 : i32 to index
        %get3A_980 = arith.constant 16 : index
        %get3A_981 = tpu.vector_load %arg8[%get3A_978, %get3A_979, %get3A_980] {strides = array<i32>} : memref<4x100x64xf32, #tpu.memory_space<vmem>>, vector<1x1x16xf32>,
        %get3A_982 = vector.shape_cast %get3A_981 : vector<1x1x16xf32> to vector<16xf32>
        %mul3A_983 = arith.mulf %get3A_982, %broadcast_in_dim3A_964 : vector<16xf32>
        %add3A_984 = arith.addf %add3A_933, %mul3A_983 : vector<16xf32>
        %add3A_985 = arith.constant 0 : i32
        %add3A_986 = arith.addi %add3A_985, %scan3A_955 : i32
        %get3A_987 = arith.constant 0 : i32
        %get3A_988 = arith.index_cast %get3A_987 : i32 to index
        %get3A_989 = arith.index_cast %add3A_986 : i32 to index
        %get3A_990 = arith.constant 32 : index
        %get3A_991 = tpu.vector_load %arg8[%get3A_988, %get3A_989, %get3A_990] {strides = array<i32>} : memref<4x100x64xf32, #tpu.memory_space<vmem>>, vector<1x1x16xf32>,
        %get3A_992 = vector.shape_cast %get3A_991 : vector<1x1x16xf32> to vector<16xf32>
        %mul3A_993 = arith.mulf %get3A_992, %broadcast_in_dim3A_964 : vector<16xf32>
        %add3A_994 = arith.addf %add3A_943, %mul3A_993 : vector<16xf32>
        %add3A_995 = arith.constant 0 : i32
        %add3A_996 = arith.addi %add3A_995, %scan3A_955 : i32
        %get3A_997 = arith.constant 0 : i32
        %get3A_998 = arith.index_cast %get3A_997 : i32 to index
        %get3A_999 = arith.index_cast %add3A_996 : i32 to index
        %get3A_1000 = arith.constant 48 : index
        %get3A_1001 = tpu.vector_load %arg8[%get3A_998, %get3A_999, %get3A_1000] {strides = array<i32>} : memref<4x100x64xf32, #tpu.memory_space<vmem>>, vector<1x1x16xf32>,
        %get3A_1002 = vector.shape_cast %get3A_1001 : vector<1x1x16xf32> to vector<16xf32>
        %mul3A_1003 = arith.mulf %get3A_1002, %broadcast_in_dim3A_964 : vector<16xf32>
        %add3A_1004 = arith.addf %add3A_953, %mul3A_1003 : vector<16xf32>
        %scan3A_1005 = arith.constant 7 : i32
        %scan3A_1006 = arith.addi %scan3A_648, %scan3A_1005 : i32
        %add3A_1007 = arith.constant 0 : i32
        %add3A_1008 = arith.addi %mul3A_123, %add3A_1007 : i32
        %add3A_1009 = arith.addi %add3A_1008, %scan3A_1006 : i32
        %get3A_1010 = arith.index_cast %add3A_1009 : i32 to index
        %get3A_1011 = tpu.vector_load %arg7[%get3A_1010] {strides = array<i32>} : memref<25616xf32, #tpu.memory_space<vmem>>, vector<16xf32>,
        %get3A_1012 = vector.shape_cast %get3A_1011 : vector<16xf32> to vector<16xf32>
        %slice3A_1013 = vector.extract_strided_slice %get3A_1012 {offsets = [0], sizes = [1], strides = [1]} : vector<16xf32> to vector<1xf32>
        %squeeze3A_1014 = vector.extract %slice3A_1013[0] : f32 from vector<1xf32>
        %broadcast_in_dim3A_1015 = vector.broadcast %squeeze3A_1014 : f32 to vector<16xf32>
        %add3A_1016 = arith.constant 0 : i32
        %add3A_1017 = arith.addi %add3A_1016, %scan3A_1006 : i32
        %get3A_1018 = arith.constant 0 : i32
        %get3A_1019 = arith.index_cast %get3A_1018 : i32 to index
        %get3A_1020 = arith.index_cast %add3A_1017 : i32 to index
        %get3A_1021 = arith.constant 0 : index
        %get3A_1022 = tpu.vector_load %arg8[%get3A_1019, %get3A_1020, %get3A_1021] {strides = array<i32>} : memref<4x100x64xf32, #tpu.memory_space<vmem>>, vector<1x1x16xf32>,
        %get3A_1023 = vector.shape_cast %get3A_1022 : vector<1x1x16xf32> to vector<16xf32>
        %mul3A_1024 = arith.mulf %get3A_1023, %broadcast_in_dim3A_1015 : vector<16xf32>
        %add3A_1025 = arith.addf %add3A_974, %mul3A_1024 : vector<16xf32>
        %add3A_1026 = arith.constant 0 : i32
        %add3A_1027 = arith.addi %add3A_1026, %scan3A_1006 : i32
        %get3A_1028 = arith.constant 0 : i32
        %get3A_1029 = arith.index_cast %get3A_1028 : i32 to index
        %get3A_1030 = arith.index_cast %add3A_1027 : i32 to index
        %get3A_1031 = arith.constant 16 : index
        %get3A_1032 = tpu.vector_load %arg8[%get3A_1029, %get3A_1030, %get3A_1031] {strides = array<i32>} : memref<4x100x64xf32, #tpu.memory_space<vmem>>, vector<1x1x16xf32>,
        %get3A_1033 = vector.shape_cast %get3A_1032 : vector<1x1x16xf32> to vector<16xf32>
        %mul3A_1034 = arith.mulf %get3A_1033, %broadcast_in_dim3A_1015 : vector<16xf32>
        %add3A_1035 = arith.addf %add3A_984, %mul3A_1034 : vector<16xf32>
        %add3A_1036 = arith.constant 0 : i32
        %add3A_1037 = arith.addi %add3A_1036, %scan3A_1006 : i32
        %get3A_1038 = arith.constant 0 : i32
        %get3A_1039 = arith.index_cast %get3A_1038 : i32 to index
        %get3A_1040 = arith.index_cast %add3A_1037 : i32 to index
        %get3A_1041 = arith.constant 32 : index
        %get3A_1042 = tpu.vector_load %arg8[%get3A_1039, %get3A_1040, %get3A_1041] {strides = array<i32>} : memref<4x100x64xf32, #tpu.memory_space<vmem>>, vector<1x1x16xf32>,
        %get3A_1043 = vector.shape_cast %get3A_1042 : vector<1x1x16xf32> to vector<16xf32>
        %mul3A_1044 = arith.mulf %get3A_1043, %broadcast_in_dim3A_1015 : vector<16xf32>
        %add3A_1045 = arith.addf %add3A_994, %mul3A_1044 : vector<16xf32>
        %add3A_1046 = arith.constant 0 : i32
        %add3A_1047 = arith.addi %add3A_1046, %scan3A_1006 : i32
        %get3A_1048 = arith.constant 0 : i32
        %get3A_1049 = arith.index_cast %get3A_1048 : i32 to index
        %get3A_1050 = arith.index_cast %add3A_1047 : i32 to index
        %get3A_1051 = arith.constant 48 : index
        %get3A_1052 = tpu.vector_load %arg8[%get3A_1049, %get3A_1050, %get3A_1051] {strides = array<i32>} : memref<4x100x64xf32, #tpu.memory_space<vmem>>, vector<1x1x16xf32>,
        %get3A_1053 = vector.shape_cast %get3A_1052 : vector<1x1x16xf32> to vector<16xf32>
        %mul3A_1054 = arith.mulf %get3A_1053, %broadcast_in_dim3A_1015 : vector<16xf32>
        %add3A_1055 = arith.addf %add3A_1004, %mul3A_1054 : vector<16xf32>
        %scan3A_1056 = arith.constant 8 : i32
        %scan3A_1057 = arith.addi %scan3A_648, %scan3A_1056 : i32
        %add3A_1058 = arith.constant 0 : i32
        %add3A_1059 = arith.addi %mul3A_123, %add3A_1058 : i32
        %add3A_1060 = arith.addi %add3A_1059, %scan3A_1057 : i32
        %get3A_1061 = arith.index_cast %add3A_1060 : i32 to index
        %get3A_1062 = tpu.vector_load %arg7[%get3A_1061] {strides = array<i32>} : memref<25616xf32, #tpu.memory_space<vmem>>, vector<16xf32>,
        %get3A_1063 = vector.shape_cast %get3A_1062 : vector<16xf32> to vector<16xf32>
        %slice3A_1064 = vector.extract_strided_slice %get3A_1063 {offsets = [0], sizes = [1], strides = [1]} : vector<16xf32> to vector<1xf32>
        %squeeze3A_1065 = vector.extract %slice3A_1064[0] : f32 from vector<1xf32>
        %broadcast_in_dim3A_1066 = vector.broadcast %squeeze3A_1065 : f32 to vector<16xf32>
        %add3A_1067 = arith.constant 0 : i32
        %add3A_1068 = arith.addi %add3A_1067, %scan3A_1057 : i32
        %get3A_1069 = arith.constant 0 : i32
        %get3A_1070 = arith.index_cast %get3A_1069 : i32 to index
        %get3A_1071 = arith.index_cast %add3A_1068 : i32 to index
        %get3A_1072 = arith.constant 0 : index
        %get3A_1073 = tpu.vector_load %arg8[%get3A_1070, %get3A_1071, %get3A_1072] {strides = array<i32>} : memref<4x100x64xf32, #tpu.memory_space<vmem>>, vector<1x1x16xf32>,
        %get3A_1074 = vector.shape_cast %get3A_1073 : vector<1x1x16xf32> to vector<16xf32>
        %mul3A_1075 = arith.mulf %get3A_1074, %broadcast_in_dim3A_1066 : vector<16xf32>
        %add3A_1076 = arith.addf %add3A_1025, %mul3A_1075 : vector<16xf32>
        %add3A_1077 = arith.constant 0 : i32
        %add3A_1078 = arith.addi %add3A_1077, %scan3A_1057 : i32
        %get3A_1079 = arith.constant 0 : i32
        %get3A_1080 = arith.index_cast %get3A_1079 : i32 to index
        %get3A_1081 = arith.index_cast %add3A_1078 : i32 to index
        %get3A_1082 = arith.constant 16 : index
        %get3A_1083 = tpu.vector_load %arg8[%get3A_1080, %get3A_1081, %get3A_1082] {strides = array<i32>} : memref<4x100x64xf32, #tpu.memory_space<vmem>>, vector<1x1x16xf32>,
        %get3A_1084 = vector.shape_cast %get3A_1083 : vector<1x1x16xf32> to vector<16xf32>
        %mul3A_1085 = arith.mulf %get3A_1084, %broadcast_in_dim3A_1066 : vector<16xf32>
        %add3A_1086 = arith.addf %add3A_1035, %mul3A_1085 : vector<16xf32>
        %add3A_1087 = arith.constant 0 : i32
        %add3A_1088 = arith.addi %add3A_1087, %scan3A_1057 : i32
        %get3A_1089 = arith.constant 0 : i32
        %get3A_1090 = arith.index_cast %get3A_1089 : i32 to index
        %get3A_1091 = arith.index_cast %add3A_1088 : i32 to index
        %get3A_1092 = arith.constant 32 : index
        %get3A_1093 = tpu.vector_load %arg8[%get3A_1090, %get3A_1091, %get3A_1092] {strides = array<i32>} : memref<4x100x64xf32, #tpu.memory_space<vmem>>, vector<1x1x16xf32>,
        %get3A_1094 = vector.shape_cast %get3A_1093 : vector<1x1x16xf32> to vector<16xf32>
        %mul3A_1095 = arith.mulf %get3A_1094, %broadcast_in_dim3A_1066 : vector<16xf32>
        %add3A_1096 = arith.addf %add3A_1045, %mul3A_1095 : vector<16xf32>
        %add3A_1097 = arith.constant 0 : i32
        %add3A_1098 = arith.addi %add3A_1097, %scan3A_1057 : i32
        %get3A_1099 = arith.constant 0 : i32
        %get3A_1100 = arith.index_cast %get3A_1099 : i32 to index
        %get3A_1101 = arith.index_cast %add3A_1098 : i32 to index
        %get3A_1102 = arith.constant 48 : index
        %get3A_1103 = tpu.vector_load %arg8[%get3A_1100, %get3A_1101, %get3A_1102] {strides = array<i32>} : memref<4x100x64xf32, #tpu.memory_space<vmem>>, vector<1x1x16xf32>,
        %get3A_1104 = vector.shape_cast %get3A_1103 : vector<1x1x16xf32> to vector<16xf32>
        %mul3A_1105 = arith.mulf %get3A_1104, %broadcast_in_dim3A_1066 : vector<16xf32>
        %add3A_1106 = arith.addf %add3A_1055, %mul3A_1105 : vector<16xf32>
        %scan3A_1107 = arith.constant 9 : i32
        %scan3A_1108 = arith.addi %scan3A_648, %scan3A_1107 : i32
        %add3A_1109 = arith.constant 0 : i32
        %add3A_1110 = arith.addi %mul3A_123, %add3A_1109 : i32
        %add3A_1111 = arith.addi %add3A_1110, %scan3A_1108 : i32
        %get3A_1112 = arith.index_cast %add3A_1111 : i32 to index
        %get3A_1113 = tpu.vector_load %arg7[%get3A_1112] {strides = array<i32>} : memref<25616xf32, #tpu.memory_space<vmem>>, vector<16xf32>,
        %get3A_1114 = vector.shape_cast %get3A_1113 : vector<16xf32> to vector<16xf32>
        %slice3A_1115 = vector.extract_strided_slice %get3A_1114 {offsets = [0], sizes = [1], strides = [1]} : vector<16xf32> to vector<1xf32>
        %squeeze3A_1116 = vector.extract %slice3A_1115[0] : f32 from vector<1xf32>
        %broadcast_in_dim3A_1117 = vector.broadcast %squeeze3A_1116 : f32 to vector<16xf32>
        %add3A_1118 = arith.constant 0 : i32
        %add3A_1119 = arith.addi %add3A_1118, %scan3A_1108 : i32
        %get3A_1120 = arith.constant 0 : i32
        %get3A_1121 = arith.index_cast %get3A_1120 : i32 to index
        %get3A_1122 = arith.index_cast %add3A_1119 : i32 to index
        %get3A_1123 = arith.constant 0 : index
        %get3A_1124 = tpu.vector_load %arg8[%get3A_1121, %get3A_1122, %get3A_1123] {strides = array<i32>} : memref<4x100x64xf32, #tpu.memory_space<vmem>>, vector<1x1x16xf32>,
        %get3A_1125 = vector.shape_cast %get3A_1124 : vector<1x1x16xf32> to vector<16xf32>
        %mul3A_1126 = arith.mulf %get3A_1125, %broadcast_in_dim3A_1117 : vector<16xf32>
        %add3A_1127 = arith.addf %add3A_1076, %mul3A_1126 : vector<16xf32>
        %add3A_1128 = arith.constant 0 : i32
        %add3A_1129 = arith.addi %add3A_1128, %scan3A_1108 : i32
        %get3A_1130 = arith.constant 0 : i32
        %get3A_1131 = arith.index_cast %get3A_1130 : i32 to index
        %get3A_1132 = arith.index_cast %add3A_1129 : i32 to index
        %get3A_1133 = arith.constant 16 : index
        %get3A_1134 = tpu.vector_load %arg8[%get3A_1131, %get3A_1132, %get3A_1133] {strides = array<i32>} : memref<4x100x64xf32, #tpu.memory_space<vmem>>, vector<1x1x16xf32>,
        %get3A_1135 = vector.shape_cast %get3A_1134 : vector<1x1x16xf32> to vector<16xf32>
        %mul3A_1136 = arith.mulf %get3A_1135, %broadcast_in_dim3A_1117 : vector<16xf32>
        %add3A_1137 = arith.addf %add3A_1086, %mul3A_1136 : vector<16xf32>
        %add3A_1138 = arith.constant 0 : i32
        %add3A_1139 = arith.addi %add3A_1138, %scan3A_1108 : i32
        %get3A_1140 = arith.constant 0 : i32
        %get3A_1141 = arith.index_cast %get3A_1140 : i32 to index
        %get3A_1142 = arith.index_cast %add3A_1139 : i32 to index
        %get3A_1143 = arith.constant 32 : index
        %get3A_1144 = tpu.vector_load %arg8[%get3A_1141, %get3A_1142, %get3A_1143] {strides = array<i32>} : memref<4x100x64xf32, #tpu.memory_space<vmem>>, vector<1x1x16xf32>,
        %get3A_1145 = vector.shape_cast %get3A_1144 : vector<1x1x16xf32> to vector<16xf32>
        %mul3A_1146 = arith.mulf %get3A_1145, %broadcast_in_dim3A_1117 : vector<16xf32>
        %add3A_1147 = arith.addf %add3A_1096, %mul3A_1146 : vector<16xf32>
        %add3A_1148 = arith.constant 0 : i32
        %add3A_1149 = arith.addi %add3A_1148, %scan3A_1108 : i32
        %get3A_1150 = arith.constant 0 : i32
        %get3A_1151 = arith.index_cast %get3A_1150 : i32 to index
        %get3A_1152 = arith.index_cast %add3A_1149 : i32 to index
        %get3A_1153 = arith.constant 48 : index
        %get3A_1154 = tpu.vector_load %arg8[%get3A_1151, %get3A_1152, %get3A_1153] {strides = array<i32>} : memref<4x100x64xf32, #tpu.memory_space<vmem>>, vector<1x1x16xf32>,
        %get3A_1155 = vector.shape_cast %get3A_1154 : vector<1x1x16xf32> to vector<16xf32>
        %mul3A_1156 = arith.mulf %get3A_1155, %broadcast_in_dim3A_1117 : vector<16xf32>
        %add3A_1157 = arith.addf %add3A_1106, %mul3A_1156 : vector<16xf32>
        scf.yield %add3A_1127, %add3A_1137, %add3A_1147, %add3A_1157 : vector<16xf32>, vector<16xf32>, vector<16xf32>, vector<16xf32>
      }
      %scan3A_136 = arith.constant 50 : i32
      %swap3A = arith.constant 0 : i32
      %swap3A_137 = arith.constant 0 : i32
      %swap3A_138 = arith.index_cast %swap3A : i32 to index
      %swap3A_139 = arith.index_cast %swap3A_137 : i32 to index
      %swap3A_140 = arith.constant 0 : index
      %swap3A_141 = tpu.vector_load %arg9[%swap3A_138, %swap3A_139, %swap3A_140] {strides = array<i32>} : memref<4x2x64xf32, #tpu.memory_space<vmem>>, vector<1x1x16xf32>,
      %swap3A_142 = vector.shape_cast %swap3A_141 : vector<1x1x16xf32> to vector<16xf32>
      %swap3A_143 = vector.shape_cast %scan3A_135#0 : vector<16xf32> to vector<1x1x16xf32>
      tpu.vector_store %arg9[%swap3A_138, %swap3A_139, %swap3A_140], %swap3A_143 {strides = array<i32>} : memref<4x2x64xf32, #tpu.memory_space<vmem>>, vector<1x1x16xf32>,
      %swap3A_144 = arith.constant 0 : i32
      %swap3A_145 = arith.constant 0 : i32
      %swap3A_146 = arith.index_cast %swap3A_144 : i32 to index
      %swap3A_147 = arith.index_cast %swap3A_145 : i32 to index
      %swap3A_148 = arith.constant 16 : index
      %swap3A_149 = tpu.vector_load %arg9[%swap3A_146, %swap3A_147, %swap3A_148] {strides = array<i32>} : memref<4x2x64xf32, #tpu.memory_space<vmem>>, vector<1x1x16xf32>,
      %swap3A_150 = vector.shape_cast %swap3A_149 : vector<1x1x16xf32> to vector<16xf32>
      %swap3A_151 = vector.shape_cast %scan3A_135#1 : vector<16xf32> to vector<1x1x16xf32>
      tpu.vector_store %arg9[%swap3A_146, %swap3A_147, %swap3A_148], %swap3A_151 {strides = array<i32>} : memref<4x2x64xf32, #tpu.memory_space<vmem>>, vector<1x1x16xf32>,
      %swap3A_152 = arith.constant 0 : i32
      %swap3A_153 = arith.constant 0 : i32
      %swap3A_154 = arith.index_cast %swap3A_152 : i32 to index
      %swap3A_155 = arith.index_cast %swap3A_153 : i32 to index
      %swap3A_156 = arith.constant 32 : index
      %swap3A_157 = tpu.vector_load %arg9[%swap3A_154, %swap3A_155, %swap3A_156] {strides = array<i32>} : memref<4x2x64xf32, #tpu.memory_space<vmem>>, vector<1x1x16xf32>,
      %swap3A_158 = vector.shape_cast %swap3A_157 : vector<1x1x16xf32> to vector<16xf32>
      %swap3A_159 = vector.shape_cast %scan3A_135#2 : vector<16xf32> to vector<1x1x16xf32>
      tpu.vector_store %arg9[%swap3A_154, %swap3A_155, %swap3A_156], %swap3A_159 {strides = array<i32>} : memref<4x2x64xf32, #tpu.memory_space<vmem>>, vector<1x1x16xf32>,
      %swap3A_160 = arith.constant 0 : i32
      %swap3A_161 = arith.constant 0 : i32
      %swap3A_162 = arith.index_cast %swap3A_160 : i32 to index
      %swap3A_163 = arith.index_cast %swap3A_161 : i32 to index
      %swap3A_164 = arith.constant 48 : index
      %swap3A_165 = tpu.vector_load %arg9[%swap3A_162, %swap3A_163, %swap3A_164] {strides = array<i32>} : memref<4x2x64xf32, #tpu.memory_space<vmem>>, vector<1x1x16xf32>,
      %swap3A_166 = vector.shape_cast %swap3A_165 : vector<1x1x16xf32> to vector<16xf32>
      %swap3A_167 = vector.shape_cast %scan3A_135#3 : vector<16xf32> to vector<1x1x16xf32>
      tpu.vector_store %arg9[%swap3A_162, %swap3A_163, %swap3A_164], %swap3A_167 {strides = array<i32>} : memref<4x2x64xf32, #tpu.memory_space<vmem>>, vector<1x1x16xf32>,
      %broadcast_in_dim3A_168 = arith.constant 0.000000e+00 : f32
      %broadcast_in_dim3A_169 = vector.broadcast %broadcast_in_dim3A_168 : f32 to vector<16xf32>
      %broadcast_in_dim3A_170 = arith.constant 0.000000e+00 : f32
      %broadcast_in_dim3A_171 = vector.broadcast %broadcast_in_dim3A_170 : f32 to vector<16xf32>
      %broadcast_in_dim3A_172 = arith.constant 0.000000e+00 : f32
      %broadcast_in_dim3A_173 = vector.broadcast %broadcast_in_dim3A_172 : f32 to vector<16xf32>
      %broadcast_in_dim3A_174 = arith.constant 0.000000e+00 : f32
      %broadcast_in_dim3A_175 = vector.broadcast %broadcast_in_dim3A_174 : f32 to vector<16xf32>
      %scan3A_176 = arith.constant 0 : i32
      %scan3A_177 = arith.constant 50 : i32
      %scan3A_178 = arith.addi %scan3A_176, %scan3A_177 : i32
      %scan3A_179 = arith.constant 10 : i32
      %scan3A_180:4 = scf.for %scan3A_648 = %scan3A_176 to %scan3A_178 step %scan3A_179 iter_args(%scan3A_649 = %broadcast_in_dim3A_169, %scan3A_650 = %broadcast_in_dim3A_171, %scan3A_651 = %broadcast_in_dim3A_173, %scan3A_652 = %broadcast_in_dim3A_175) -> (vector<16xf32>, vector<16xf32>, vector<16xf32>, vector<16xf32>)  : i32 {
        %add3A_653 = arith.constant 50 : i32
        %add3A_654 = arith.addi %mul3A_123, %add3A_653 : i32
        %add3A_655 = arith.addi %add3A_654, %scan3A_648 : i32
        %get3A = arith.index_cast %add3A_655 : i32 to index
        %get3A_656 = tpu.vector_load %arg7[%get3A] {strides = array<i32>} : memref<25616xf32, #tpu.memory_space<vmem>>, vector<16xf32>,
        %get3A_657 = vector.shape_cast %get3A_656 : vector<16xf32> to vector<16xf32>
        %slice3A = vector.extract_strided_slice %get3A_657 {offsets = [0], sizes = [1], strides = [1]} : vector<16xf32> to vector<1xf32>
        %squeeze3A = vector.extract %slice3A[0] : f32 from vector<1xf32>
        %broadcast_in_dim3A_658 = vector.broadcast %squeeze3A : f32 to vector<16xf32>
        %add3A_659 = arith.constant 50 : i32
        %add3A_660 = arith.addi %add3A_659, %scan3A_648 : i32
        %get3A_661 = arith.constant 0 : i32
        %get3A_662 = arith.index_cast %get3A_661 : i32 to index
        %get3A_663 = arith.index_cast %add3A_660 : i32 to index
        %get3A_664 = arith.constant 0 : index
        %get3A_665 = tpu.vector_load %arg8[%get3A_662, %get3A_663, %get3A_664] {strides = array<i32>} : memref<4x100x64xf32, #tpu.memory_space<vmem>>, vector<1x1x16xf32>,
        %get3A_666 = vector.shape_cast %get3A_665 : vector<1x1x16xf32> to vector<16xf32>
        %mul3A_667 = arith.mulf %get3A_666, %broadcast_in_dim3A_658 : vector<16xf32>
        %add3A_668 = arith.addf %scan3A_649, %mul3A_667 : vector<16xf32>
        %add3A_669 = arith.constant 50 : i32
        %add3A_670 = arith.addi %add3A_669, %scan3A_648 : i32
        %get3A_671 = arith.constant 0 : i32
        %get3A_672 = arith.index_cast %get3A_671 : i32 to index
        %get3A_673 = arith.index_cast %add3A_670 : i32 to index
        %get3A_674 = arith.constant 16 : index
        %get3A_675 = tpu.vector_load %arg8[%get3A_672, %get3A_673, %get3A_674] {strides = array<i32>} : memref<4x100x64xf32, #tpu.memory_space<vmem>>, vector<1x1x16xf32>,
        %get3A_676 = vector.shape_cast %get3A_675 : vector<1x1x16xf32> to vector<16xf32>
        %mul3A_677 = arith.mulf %get3A_676, %broadcast_in_dim3A_658 : vector<16xf32>
        %add3A_678 = arith.addf %scan3A_650, %mul3A_677 : vector<16xf32>
        %add3A_679 = arith.constant 50 : i32
        %add3A_680 = arith.addi %add3A_679, %scan3A_648 : i32
        %get3A_681 = arith.constant 0 : i32
        %get3A_682 = arith.index_cast %get3A_681 : i32 to index
        %get3A_683 = arith.index_cast %add3A_680 : i32 to index
        %get3A_684 = arith.constant 32 : index
        %get3A_685 = tpu.vector_load %arg8[%get3A_682, %get3A_683, %get3A_684] {strides = array<i32>} : memref<4x100x64xf32, #tpu.memory_space<vmem>>, vector<1x1x16xf32>,
        %get3A_686 = vector.shape_cast %get3A_685 : vector<1x1x16xf32> to vector<16xf32>
        %mul3A_687 = arith.mulf %get3A_686, %broadcast_in_dim3A_658 : vector<16xf32>
        %add3A_688 = arith.addf %scan3A_651, %mul3A_687 : vector<16xf32>
        %add3A_689 = arith.constant 50 : i32
        %add3A_690 = arith.addi %add3A_689, %scan3A_648 : i32
        %get3A_691 = arith.constant 0 : i32
        %get3A_692 = arith.index_cast %get3A_691 : i32 to index
        %get3A_693 = arith.index_cast %add3A_690 : i32 to index
        %get3A_694 = arith.constant 48 : index
        %get3A_695 = tpu.vector_load %arg8[%get3A_692, %get3A_693, %get3A_694] {strides = array<i32>} : memref<4x100x64xf32, #tpu.memory_space<vmem>>, vector<1x1x16xf32>,
        %get3A_696 = vector.shape_cast %get3A_695 : vector<1x1x16xf32> to vector<16xf32>
        %mul3A_697 = arith.mulf %get3A_696, %broadcast_in_dim3A_658 : vector<16xf32>
        %add3A_698 = arith.addf %scan3A_652, %mul3A_697 : vector<16xf32>
        %scan3A_699 = arith.constant 1 : i32
        %scan3A_700 = arith.addi %scan3A_648, %scan3A_699 : i32
        %add3A_701 = arith.constant 50 : i32
        %add3A_702 = arith.addi %mul3A_123, %add3A_701 : i32
        %add3A_703 = arith.addi %add3A_702, %scan3A_700 : i32
        %get3A_704 = arith.index_cast %add3A_703 : i32 to index
        %get3A_705 = tpu.vector_load %arg7[%get3A_704] {strides = array<i32>} : memref<25616xf32, #tpu.memory_space<vmem>>, vector<16xf32>,
        %get3A_706 = vector.shape_cast %get3A_705 : vector<16xf32> to vector<16xf32>
        %slice3A_707 = vector.extract_strided_slice %get3A_706 {offsets = [0], sizes = [1], strides = [1]} : vector<16xf32> to vector<1xf32>
        %squeeze3A_708 = vector.extract %slice3A_707[0] : f32 from vector<1xf32>
        %broadcast_in_dim3A_709 = vector.broadcast %squeeze3A_708 : f32 to vector<16xf32>
        %add3A_710 = arith.constant 50 : i32
        %add3A_711 = arith.addi %add3A_710, %scan3A_700 : i32
        %get3A_712 = arith.constant 0 : i32
        %get3A_713 = arith.index_cast %get3A_712 : i32 to index
        %get3A_714 = arith.index_cast %add3A_711 : i32 to index
        %get3A_715 = arith.constant 0 : index
        %get3A_716 = tpu.vector_load %arg8[%get3A_713, %get3A_714, %get3A_715] {strides = array<i32>} : memref<4x100x64xf32, #tpu.memory_space<vmem>>, vector<1x1x16xf32>,
        %get3A_717 = vector.shape_cast %get3A_716 : vector<1x1x16xf32> to vector<16xf32>
        %mul3A_718 = arith.mulf %get3A_717, %broadcast_in_dim3A_709 : vector<16xf32>
        %add3A_719 = arith.addf %add3A_668, %mul3A_718 : vector<16xf32>
        %add3A_720 = arith.constant 50 : i32
        %add3A_721 = arith.addi %add3A_720, %scan3A_700 : i32
        %get3A_722 = arith.constant 0 : i32
        %get3A_723 = arith.index_cast %get3A_722 : i32 to index
        %get3A_724 = arith.index_cast %add3A_721 : i32 to index
        %get3A_725 = arith.constant 16 : index
        %get3A_726 = tpu.vector_load %arg8[%get3A_723, %get3A_724, %get3A_725] {strides = array<i32>} : memref<4x100x64xf32, #tpu.memory_space<vmem>>, vector<1x1x16xf32>,
        %get3A_727 = vector.shape_cast %get3A_726 : vector<1x1x16xf32> to vector<16xf32>
        %mul3A_728 = arith.mulf %get3A_727, %broadcast_in_dim3A_709 : vector<16xf32>
        %add3A_729 = arith.addf %add3A_678, %mul3A_728 : vector<16xf32>
        %add3A_730 = arith.constant 50 : i32
        %add3A_731 = arith.addi %add3A_730, %scan3A_700 : i32
        %get3A_732 = arith.constant 0 : i32
        %get3A_733 = arith.index_cast %get3A_732 : i32 to index
        %get3A_734 = arith.index_cast %add3A_731 : i32 to index
        %get3A_735 = arith.constant 32 : index
        %get3A_736 = tpu.vector_load %arg8[%get3A_733, %get3A_734, %get3A_735] {strides = array<i32>} : memref<4x100x64xf32, #tpu.memory_space<vmem>>, vector<1x1x16xf32>,
        %get3A_737 = vector.shape_cast %get3A_736 : vector<1x1x16xf32> to vector<16xf32>
        %mul3A_738 = arith.mulf %get3A_737, %broadcast_in_dim3A_709 : vector<16xf32>
        %add3A_739 = arith.addf %add3A_688, %mul3A_738 : vector<16xf32>
        %add3A_740 = arith.constant 50 : i32
        %add3A_741 = arith.addi %add3A_740, %scan3A_700 : i32
        %get3A_742 = arith.constant 0 : i32
        %get3A_743 = arith.index_cast %get3A_742 : i32 to index
        %get3A_744 = arith.index_cast %add3A_741 : i32 to index
        %get3A_745 = arith.constant 48 : index
        %get3A_746 = tpu.vector_load %arg8[%get3A_743, %get3A_744, %get3A_745] {strides = array<i32>} : memref<4x100x64xf32, #tpu.memory_space<vmem>>, vector<1x1x16xf32>,
        %get3A_747 = vector.shape_cast %get3A_746 : vector<1x1x16xf32> to vector<16xf32>
        %mul3A_748 = arith.mulf %get3A_747, %broadcast_in_dim3A_709 : vector<16xf32>
        %add3A_749 = arith.addf %add3A_698, %mul3A_748 : vector<16xf32>
        %scan3A_750 = arith.constant 2 : i32
        %scan3A_751 = arith.addi %scan3A_648, %scan3A_750 : i32
        %add3A_752 = arith.constant 50 : i32
        %add3A_753 = arith.addi %mul3A_123, %add3A_752 : i32
        %add3A_754 = arith.addi %add3A_753, %scan3A_751 : i32
        %get3A_755 = arith.index_cast %add3A_754 : i32 to index
        %get3A_756 = tpu.vector_load %arg7[%get3A_755] {strides = array<i32>} : memref<25616xf32, #tpu.memory_space<vmem>>, vector<16xf32>,
        %get3A_757 = vector.shape_cast %get3A_756 : vector<16xf32> to vector<16xf32>
        %slice3A_758 = vector.extract_strided_slice %get3A_757 {offsets = [0], sizes = [1], strides = [1]} : vector<16xf32> to vector<1xf32>
        %squeeze3A_759 = vector.extract %slice3A_758[0] : f32 from vector<1xf32>
        %broadcast_in_dim3A_760 = vector.broadcast %squeeze3A_759 : f32 to vector<16xf32>
        %add3A_761 = arith.constant 50 : i32
        %add3A_762 = arith.addi %add3A_761, %scan3A_751 : i32
        %get3A_763 = arith.constant 0 : i32
        %get3A_764 = arith.index_cast %get3A_763 : i32 to index
        %get3A_765 = arith.index_cast %add3A_762 : i32 to index
        %get3A_766 = arith.constant 0 : index
        %get3A_767 = tpu.vector_load %arg8[%get3A_764, %get3A_765, %get3A_766] {strides = array<i32>} : memref<4x100x64xf32, #tpu.memory_space<vmem>>, vector<1x1x16xf32>,
        %get3A_768 = vector.shape_cast %get3A_767 : vector<1x1x16xf32> to vector<16xf32>
        %mul3A_769 = arith.mulf %get3A_768, %broadcast_in_dim3A_760 : vector<16xf32>
        %add3A_770 = arith.addf %add3A_719, %mul3A_769 : vector<16xf32>
        %add3A_771 = arith.constant 50 : i32
        %add3A_772 = arith.addi %add3A_771, %scan3A_751 : i32
        %get3A_773 = arith.constant 0 : i32
        %get3A_774 = arith.index_cast %get3A_773 : i32 to index
        %get3A_775 = arith.index_cast %add3A_772 : i32 to index
        %get3A_776 = arith.constant 16 : index
        %get3A_777 = tpu.vector_load %arg8[%get3A_774, %get3A_775, %get3A_776] {strides = array<i32>} : memref<4x100x64xf32, #tpu.memory_space<vmem>>, vector<1x1x16xf32>,
        %get3A_778 = vector.shape_cast %get3A_777 : vector<1x1x16xf32> to vector<16xf32>
        %mul3A_779 = arith.mulf %get3A_778, %broadcast_in_dim3A_760 : vector<16xf32>
        %add3A_780 = arith.addf %add3A_729, %mul3A_779 : vector<16xf32>
        %add3A_781 = arith.constant 50 : i32
        %add3A_782 = arith.addi %add3A_781, %scan3A_751 : i32
        %get3A_783 = arith.constant 0 : i32
        %get3A_784 = arith.index_cast %get3A_783 : i32 to index
        %get3A_785 = arith.index_cast %add3A_782 : i32 to index
        %get3A_786 = arith.constant 32 : index
        %get3A_787 = tpu.vector_load %arg8[%get3A_784, %get3A_785, %get3A_786] {strides = array<i32>} : memref<4x100x64xf32, #tpu.memory_space<vmem>>, vector<1x1x16xf32>,
        %get3A_788 = vector.shape_cast %get3A_787 : vector<1x1x16xf32> to vector<16xf32>
        %mul3A_789 = arith.mulf %get3A_788, %broadcast_in_dim3A_760 : vector<16xf32>
        %add3A_790 = arith.addf %add3A_739, %mul3A_789 : vector<16xf32>
        %add3A_791 = arith.constant 50 : i32
        %add3A_792 = arith.addi %add3A_791, %scan3A_751 : i32
        %get3A_793 = arith.constant 0 : i32
        %get3A_794 = arith.index_cast %get3A_793 : i32 to index
        %get3A_795 = arith.index_cast %add3A_792 : i32 to index
        %get3A_796 = arith.constant 48 : index
        %get3A_797 = tpu.vector_load %arg8[%get3A_794, %get3A_795, %get3A_796] {strides = array<i32>} : memref<4x100x64xf32, #tpu.memory_space<vmem>>, vector<1x1x16xf32>,
        %get3A_798 = vector.shape_cast %get3A_797 : vector<1x1x16xf32> to vector<16xf32>
        %mul3A_799 = arith.mulf %get3A_798, %broadcast_in_dim3A_760 : vector<16xf32>
        %add3A_800 = arith.addf %add3A_749, %mul3A_799 : vector<16xf32>
        %scan3A_801 = arith.constant 3 : i32
        %scan3A_802 = arith.addi %scan3A_648, %scan3A_801 : i32
        %add3A_803 = arith.constant 50 : i32
        %add3A_804 = arith.addi %mul3A_123, %add3A_803 : i32
        %add3A_805 = arith.addi %add3A_804, %scan3A_802 : i32
        %get3A_806 = arith.index_cast %add3A_805 : i32 to index
        %get3A_807 = tpu.vector_load %arg7[%get3A_806] {strides = array<i32>} : memref<25616xf32, #tpu.memory_space<vmem>>, vector<16xf32>,
        %get3A_808 = vector.shape_cast %get3A_807 : vector<16xf32> to vector<16xf32>
        %slice3A_809 = vector.extract_strided_slice %get3A_808 {offsets = [0], sizes = [1], strides = [1]} : vector<16xf32> to vector<1xf32>
        %squeeze3A_810 = vector.extract %slice3A_809[0] : f32 from vector<1xf32>
        %broadcast_in_dim3A_811 = vector.broadcast %squeeze3A_810 : f32 to vector<16xf32>
        %add3A_812 = arith.constant 50 : i32
        %add3A_813 = arith.addi %add3A_812, %scan3A_802 : i32
        %get3A_814 = arith.constant 0 : i32
        %get3A_815 = arith.index_cast %get3A_814 : i32 to index
        %get3A_816 = arith.index_cast %add3A_813 : i32 to index
        %get3A_817 = arith.constant 0 : index
        %get3A_818 = tpu.vector_load %arg8[%get3A_815, %get3A_816, %get3A_817] {strides = array<i32>} : memref<4x100x64xf32, #tpu.memory_space<vmem>>, vector<1x1x16xf32>,
        %get3A_819 = vector.shape_cast %get3A_818 : vector<1x1x16xf32> to vector<16xf32>
        %mul3A_820 = arith.mulf %get3A_819, %broadcast_in_dim3A_811 : vector<16xf32>
        %add3A_821 = arith.addf %add3A_770, %mul3A_820 : vector<16xf32>
        %add3A_822 = arith.constant 50 : i32
        %add3A_823 = arith.addi %add3A_822, %scan3A_802 : i32
        %get3A_824 = arith.constant 0 : i32
        %get3A_825 = arith.index_cast %get3A_824 : i32 to index
        %get3A_826 = arith.index_cast %add3A_823 : i32 to index
        %get3A_827 = arith.constant 16 : index
        %get3A_828 = tpu.vector_load %arg8[%get3A_825, %get3A_826, %get3A_827] {strides = array<i32>} : memref<4x100x64xf32, #tpu.memory_space<vmem>>, vector<1x1x16xf32>,
        %get3A_829 = vector.shape_cast %get3A_828 : vector<1x1x16xf32> to vector<16xf32>
        %mul3A_830 = arith.mulf %get3A_829, %broadcast_in_dim3A_811 : vector<16xf32>
        %add3A_831 = arith.addf %add3A_780, %mul3A_830 : vector<16xf32>
        %add3A_832 = arith.constant 50 : i32
        %add3A_833 = arith.addi %add3A_832, %scan3A_802 : i32
        %get3A_834 = arith.constant 0 : i32
        %get3A_835 = arith.index_cast %get3A_834 : i32 to index
        %get3A_836 = arith.index_cast %add3A_833 : i32 to index
        %get3A_837 = arith.constant 32 : index
        %get3A_838 = tpu.vector_load %arg8[%get3A_835, %get3A_836, %get3A_837] {strides = array<i32>} : memref<4x100x64xf32, #tpu.memory_space<vmem>>, vector<1x1x16xf32>,
        %get3A_839 = vector.shape_cast %get3A_838 : vector<1x1x16xf32> to vector<16xf32>
        %mul3A_840 = arith.mulf %get3A_839, %broadcast_in_dim3A_811 : vector<16xf32>
        %add3A_841 = arith.addf %add3A_790, %mul3A_840 : vector<16xf32>
        %add3A_842 = arith.constant 50 : i32
        %add3A_843 = arith.addi %add3A_842, %scan3A_802 : i32
        %get3A_844 = arith.constant 0 : i32
        %get3A_845 = arith.index_cast %get3A_844 : i32 to index
        %get3A_846 = arith.index_cast %add3A_843 : i32 to index
        %get3A_847 = arith.constant 48 : index
        %get3A_848 = tpu.vector_load %arg8[%get3A_845, %get3A_846, %get3A_847] {strides = array<i32>} : memref<4x100x64xf32, #tpu.memory_space<vmem>>, vector<1x1x16xf32>,
        %get3A_849 = vector.shape_cast %get3A_848 : vector<1x1x16xf32> to vector<16xf32>
        %mul3A_850 = arith.mulf %get3A_849, %broadcast_in_dim3A_811 : vector<16xf32>
        %add3A_851 = arith.addf %add3A_800, %mul3A_850 : vector<16xf32>
        %scan3A_852 = arith.constant 4 : i32
        %scan3A_853 = arith.addi %scan3A_648, %scan3A_852 : i32
        %add3A_854 = arith.constant 50 : i32
        %add3A_855 = arith.addi %mul3A_123, %add3A_854 : i32
        %add3A_856 = arith.addi %add3A_855, %scan3A_853 : i32
        %get3A_857 = arith.index_cast %add3A_856 : i32 to index
        %get3A_858 = tpu.vector_load %arg7[%get3A_857] {strides = array<i32>} : memref<25616xf32, #tpu.memory_space<vmem>>, vector<16xf32>,
        %get3A_859 = vector.shape_cast %get3A_858 : vector<16xf32> to vector<16xf32>
        %slice3A_860 = vector.extract_strided_slice %get3A_859 {offsets = [0], sizes = [1], strides = [1]} : vector<16xf32> to vector<1xf32>
        %squeeze3A_861 = vector.extract %slice3A_860[0] : f32 from vector<1xf32>
        %broadcast_in_dim3A_862 = vector.broadcast %squeeze3A_861 : f32 to vector<16xf32>
        %add3A_863 = arith.constant 50 : i32
        %add3A_864 = arith.addi %add3A_863, %scan3A_853 : i32
        %get3A_865 = arith.constant 0 : i32
        %get3A_866 = arith.index_cast %get3A_865 : i32 to index
        %get3A_867 = arith.index_cast %add3A_864 : i32 to index
        %get3A_868 = arith.constant 0 : index
        %get3A_869 = tpu.vector_load %arg8[%get3A_866, %get3A_867, %get3A_868] {strides = array<i32>} : memref<4x100x64xf32, #tpu.memory_space<vmem>>, vector<1x1x16xf32>,
        %get3A_870 = vector.shape_cast %get3A_869 : vector<1x1x16xf32> to vector<16xf32>
        %mul3A_871 = arith.mulf %get3A_870, %broadcast_in_dim3A_862 : vector<16xf32>
        %add3A_872 = arith.addf %add3A_821, %mul3A_871 : vector<16xf32>
        %add3A_873 = arith.constant 50 : i32
        %add3A_874 = arith.addi %add3A_873, %scan3A_853 : i32
        %get3A_875 = arith.constant 0 : i32
        %get3A_876 = arith.index_cast %get3A_875 : i32 to index
        %get3A_877 = arith.index_cast %add3A_874 : i32 to index
        %get3A_878 = arith.constant 16 : index
        %get3A_879 = tpu.vector_load %arg8[%get3A_876, %get3A_877, %get3A_878] {strides = array<i32>} : memref<4x100x64xf32, #tpu.memory_space<vmem>>, vector<1x1x16xf32>,
        %get3A_880 = vector.shape_cast %get3A_879 : vector<1x1x16xf32> to vector<16xf32>
        %mul3A_881 = arith.mulf %get3A_880, %broadcast_in_dim3A_862 : vector<16xf32>
        %add3A_882 = arith.addf %add3A_831, %mul3A_881 : vector<16xf32>
        %add3A_883 = arith.constant 50 : i32
        %add3A_884 = arith.addi %add3A_883, %scan3A_853 : i32
        %get3A_885 = arith.constant 0 : i32
        %get3A_886 = arith.index_cast %get3A_885 : i32 to index
        %get3A_887 = arith.index_cast %add3A_884 : i32 to index
        %get3A_888 = arith.constant 32 : index
        %get3A_889 = tpu.vector_load %arg8[%get3A_886, %get3A_887, %get3A_888] {strides = array<i32>} : memref<4x100x64xf32, #tpu.memory_space<vmem>>, vector<1x1x16xf32>,
        %get3A_890 = vector.shape_cast %get3A_889 : vector<1x1x16xf32> to vector<16xf32>
        %mul3A_891 = arith.mulf %get3A_890, %broadcast_in_dim3A_862 : vector<16xf32>
        %add3A_892 = arith.addf %add3A_841, %mul3A_891 : vector<16xf32>
        %add3A_893 = arith.constant 50 : i32
        %add3A_894 = arith.addi %add3A_893, %scan3A_853 : i32
        %get3A_895 = arith.constant 0 : i32
        %get3A_896 = arith.index_cast %get3A_895 : i32 to index
        %get3A_897 = arith.index_cast %add3A_894 : i32 to index
        %get3A_898 = arith.constant 48 : index
        %get3A_899 = tpu.vector_load %arg8[%get3A_896, %get3A_897, %get3A_898] {strides = array<i32>} : memref<4x100x64xf32, #tpu.memory_space<vmem>>, vector<1x1x16xf32>,
        %get3A_900 = vector.shape_cast %get3A_899 : vector<1x1x16xf32> to vector<16xf32>
        %mul3A_901 = arith.mulf %get3A_900, %broadcast_in_dim3A_862 : vector<16xf32>
        %add3A_902 = arith.addf %add3A_851, %mul3A_901 : vector<16xf32>
        %scan3A_903 = arith.constant 5 : i32
        %scan3A_904 = arith.addi %scan3A_648, %scan3A_903 : i32
        %add3A_905 = arith.constant 50 : i32
        %add3A_906 = arith.addi %mul3A_123, %add3A_905 : i32
        %add3A_907 = arith.addi %add3A_906, %scan3A_904 : i32
        %get3A_908 = arith.index_cast %add3A_907 : i32 to index
        %get3A_909 = tpu.vector_load %arg7[%get3A_908] {strides = array<i32>} : memref<25616xf32, #tpu.memory_space<vmem>>, vector<16xf32>,
        %get3A_910 = vector.shape_cast %get3A_909 : vector<16xf32> to vector<16xf32>
        %slice3A_911 = vector.extract_strided_slice %get3A_910 {offsets = [0], sizes = [1], strides = [1]} : vector<16xf32> to vector<1xf32>
        %squeeze3A_912 = vector.extract %slice3A_911[0] : f32 from vector<1xf32>
        %broadcast_in_dim3A_913 = vector.broadcast %squeeze3A_912 : f32 to vector<16xf32>
        %add3A_914 = arith.constant 50 : i32
        %add3A_915 = arith.addi %add3A_914, %scan3A_904 : i32
        %get3A_916 = arith.constant 0 : i32
        %get3A_917 = arith.index_cast %get3A_916 : i32 to index
        %get3A_918 = arith.index_cast %add3A_915 : i32 to index
        %get3A_919 = arith.constant 0 : index
        %get3A_920 = tpu.vector_load %arg8[%get3A_917, %get3A_918, %get3A_919] {strides = array<i32>} : memref<4x100x64xf32, #tpu.memory_space<vmem>>, vector<1x1x16xf32>,
        %get3A_921 = vector.shape_cast %get3A_920 : vector<1x1x16xf32> to vector<16xf32>
        %mul3A_922 = arith.mulf %get3A_921, %broadcast_in_dim3A_913 : vector<16xf32>
        %add3A_923 = arith.addf %add3A_872, %mul3A_922 : vector<16xf32>
        %add3A_924 = arith.constant 50 : i32
        %add3A_925 = arith.addi %add3A_924, %scan3A_904 : i32
        %get3A_926 = arith.constant 0 : i32
        %get3A_927 = arith.index_cast %get3A_926 : i32 to index
        %get3A_928 = arith.index_cast %add3A_925 : i32 to index
        %get3A_929 = arith.constant 16 : index
        %get3A_930 = tpu.vector_load %arg8[%get3A_927, %get3A_928, %get3A_929] {strides = array<i32>} : memref<4x100x64xf32, #tpu.memory_space<vmem>>, vector<1x1x16xf32>,
        %get3A_931 = vector.shape_cast %get3A_930 : vector<1x1x16xf32> to vector<16xf32>
        %mul3A_932 = arith.mulf %get3A_931, %broadcast_in_dim3A_913 : vector<16xf32>
        %add3A_933 = arith.addf %add3A_882, %mul3A_932 : vector<16xf32>
        %add3A_934 = arith.constant 50 : i32
        %add3A_935 = arith.addi %add3A_934, %scan3A_904 : i32
        %get3A_936 = arith.constant 0 : i32
        %get3A_937 = arith.index_cast %get3A_936 : i32 to index
        %get3A_938 = arith.index_cast %add3A_935 : i32 to index
        %get3A_939 = arith.constant 32 : index
        %get3A_940 = tpu.vector_load %arg8[%get3A_937, %get3A_938, %get3A_939] {strides = array<i32>} : memref<4x100x64xf32, #tpu.memory_space<vmem>>, vector<1x1x16xf32>,
        %get3A_941 = vector.shape_cast %get3A_940 : vector<1x1x16xf32> to vector<16xf32>
        %mul3A_942 = arith.mulf %get3A_941, %broadcast_in_dim3A_913 : vector<16xf32>
        %add3A_943 = arith.addf %add3A_892, %mul3A_942 : vector<16xf32>
        %add3A_944 = arith.constant 50 : i32
        %add3A_945 = arith.addi %add3A_944, %scan3A_904 : i32
        %get3A_946 = arith.constant 0 : i32
        %get3A_947 = arith.index_cast %get3A_946 : i32 to index
        %get3A_948 = arith.index_cast %add3A_945 : i32 to index
        %get3A_949 = arith.constant 48 : index
        %get3A_950 = tpu.vector_load %arg8[%get3A_947, %get3A_948, %get3A_949] {strides = array<i32>} : memref<4x100x64xf32, #tpu.memory_space<vmem>>, vector<1x1x16xf32>,
        %get3A_951 = vector.shape_cast %get3A_950 : vector<1x1x16xf32> to vector<16xf32>
        %mul3A_952 = arith.mulf %get3A_951, %broadcast_in_dim3A_913 : vector<16xf32>
        %add3A_953 = arith.addf %add3A_902, %mul3A_952 : vector<16xf32>
        %scan3A_954 = arith.constant 6 : i32
        %scan3A_955 = arith.addi %scan3A_648, %scan3A_954 : i32
        %add3A_956 = arith.constant 50 : i32
        %add3A_957 = arith.addi %mul3A_123, %add3A_956 : i32
        %add3A_958 = arith.addi %add3A_957, %scan3A_955 : i32
        %get3A_959 = arith.index_cast %add3A_958 : i32 to index
        %get3A_960 = tpu.vector_load %arg7[%get3A_959] {strides = array<i32>} : memref<25616xf32, #tpu.memory_space<vmem>>, vector<16xf32>,
        %get3A_961 = vector.shape_cast %get3A_960 : vector<16xf32> to vector<16xf32>
        %slice3A_962 = vector.extract_strided_slice %get3A_961 {offsets = [0], sizes = [1], strides = [1]} : vector<16xf32> to vector<1xf32>
        %squeeze3A_963 = vector.extract %slice3A_962[0] : f32 from vector<1xf32>
        %broadcast_in_dim3A_964 = vector.broadcast %squeeze3A_963 : f32 to vector<16xf32>
        %add3A_965 = arith.constant 50 : i32
        %add3A_966 = arith.addi %add3A_965, %scan3A_955 : i32
        %get3A_967 = arith.constant 0 : i32
        %get3A_968 = arith.index_cast %get3A_967 : i32 to index
        %get3A_969 = arith.index_cast %add3A_966 : i32 to index
        %get3A_970 = arith.constant 0 : index
        %get3A_971 = tpu.vector_load %arg8[%get3A_968, %get3A_969, %get3A_970] {strides = array<i32>} : memref<4x100x64xf32, #tpu.memory_space<vmem>>, vector<1x1x16xf32>,
        %get3A_972 = vector.shape_cast %get3A_971 : vector<1x1x16xf32> to vector<16xf32>
        %mul3A_973 = arith.mulf %get3A_972, %broadcast_in_dim3A_964 : vector<16xf32>
        %add3A_974 = arith.addf %add3A_923, %mul3A_973 : vector<16xf32>
        %add3A_975 = arith.constant 50 : i32
        %add3A_976 = arith.addi %add3A_975, %scan3A_955 : i32
        %get3A_977 = arith.constant 0 : i32
        %get3A_978 = arith.index_cast %get3A_977 : i32 to index
        %get3A_979 = arith.index_cast %add3A_976 : i32 to index
        %get3A_980 = arith.constant 16 : index
        %get3A_981 = tpu.vector_load %arg8[%get3A_978, %get3A_979, %get3A_980] {strides = array<i32>} : memref<4x100x64xf32, #tpu.memory_space<vmem>>, vector<1x1x16xf32>,
        %get3A_982 = vector.shape_cast %get3A_981 : vector<1x1x16xf32> to vector<16xf32>
        %mul3A_983 = arith.mulf %get3A_982, %broadcast_in_dim3A_964 : vector<16xf32>
        %add3A_984 = arith.addf %add3A_933, %mul3A_983 : vector<16xf32>
        %add3A_985 = arith.constant 50 : i32
        %add3A_986 = arith.addi %add3A_985, %scan3A_955 : i32
        %get3A_987 = arith.constant 0 : i32
        %get3A_988 = arith.index_cast %get3A_987 : i32 to index
        %get3A_989 = arith.index_cast %add3A_986 : i32 to index
        %get3A_990 = arith.constant 32 : index
        %get3A_991 = tpu.vector_load %arg8[%get3A_988, %get3A_989, %get3A_990] {strides = array<i32>} : memref<4x100x64xf32, #tpu.memory_space<vmem>>, vector<1x1x16xf32>,
        %get3A_992 = vector.shape_cast %get3A_991 : vector<1x1x16xf32> to vector<16xf32>
        %mul3A_993 = arith.mulf %get3A_992, %broadcast_in_dim3A_964 : vector<16xf32>
        %add3A_994 = arith.addf %add3A_943, %mul3A_993 : vector<16xf32>
        %add3A_995 = arith.constant 50 : i32
        %add3A_996 = arith.addi %add3A_995, %scan3A_955 : i32
        %get3A_997 = arith.constant 0 : i32
        %get3A_998 = arith.index_cast %get3A_997 : i32 to index
        %get3A_999 = arith.index_cast %add3A_996 : i32 to index
        %get3A_1000 = arith.constant 48 : index
        %get3A_1001 = tpu.vector_load %arg8[%get3A_998, %get3A_999, %get3A_1000] {strides = array<i32>} : memref<4x100x64xf32, #tpu.memory_space<vmem>>, vector<1x1x16xf32>,
        %get3A_1002 = vector.shape_cast %get3A_1001 : vector<1x1x16xf32> to vector<16xf32>
        %mul3A_1003 = arith.mulf %get3A_1002, %broadcast_in_dim3A_964 : vector<16xf32>
        %add3A_1004 = arith.addf %add3A_953, %mul3A_1003 : vector<16xf32>
        %scan3A_1005 = arith.constant 7 : i32
        %scan3A_1006 = arith.addi %scan3A_648, %scan3A_1005 : i32
        %add3A_1007 = arith.constant 50 : i32
        %add3A_1008 = arith.addi %mul3A_123, %add3A_1007 : i32
        %add3A_1009 = arith.addi %add3A_1008, %scan3A_1006 : i32
        %get3A_1010 = arith.index_cast %add3A_1009 : i32 to index
        %get3A_1011 = tpu.vector_load %arg7[%get3A_1010] {strides = array<i32>} : memref<25616xf32, #tpu.memory_space<vmem>>, vector<16xf32>,
        %get3A_1012 = vector.shape_cast %get3A_1011 : vector<16xf32> to vector<16xf32>
        %slice3A_1013 = vector.extract_strided_slice %get3A_1012 {offsets = [0], sizes = [1], strides = [1]} : vector<16xf32> to vector<1xf32>
        %squeeze3A_1014 = vector.extract %slice3A_1013[0] : f32 from vector<1xf32>
        %broadcast_in_dim3A_1015 = vector.broadcast %squeeze3A_1014 : f32 to vector<16xf32>
        %add3A_1016 = arith.constant 50 : i32
        %add3A_1017 = arith.addi %add3A_1016, %scan3A_1006 : i32
        %get3A_1018 = arith.constant 0 : i32
        %get3A_1019 = arith.index_cast %get3A_1018 : i32 to index
        %get3A_1020 = arith.index_cast %add3A_1017 : i32 to index
        %get3A_1021 = arith.constant 0 : index
        %get3A_1022 = tpu.vector_load %arg8[%get3A_1019, %get3A_1020, %get3A_1021] {strides = array<i32>} : memref<4x100x64xf32, #tpu.memory_space<vmem>>, vector<1x1x16xf32>,
        %get3A_1023 = vector.shape_cast %get3A_1022 : vector<1x1x16xf32> to vector<16xf32>
        %mul3A_1024 = arith.mulf %get3A_1023, %broadcast_in_dim3A_1015 : vector<16xf32>
        %add3A_1025 = arith.addf %add3A_974, %mul3A_1024 : vector<16xf32>
        %add3A_1026 = arith.constant 50 : i32
        %add3A_1027 = arith.addi %add3A_1026, %scan3A_1006 : i32
        %get3A_1028 = arith.constant 0 : i32
        %get3A_1029 = arith.index_cast %get3A_1028 : i32 to index
        %get3A_1030 = arith.index_cast %add3A_1027 : i32 to index
        %get3A_1031 = arith.constant 16 : index
        %get3A_1032 = tpu.vector_load %arg8[%get3A_1029, %get3A_1030, %get3A_1031] {strides = array<i32>} : memref<4x100x64xf32, #tpu.memory_space<vmem>>, vector<1x1x16xf32>,
        %get3A_1033 = vector.shape_cast %get3A_1032 : vector<1x1x16xf32> to vector<16xf32>
        %mul3A_1034 = arith.mulf %get3A_1033, %broadcast_in_dim3A_1015 : vector<16xf32>
        %add3A_1035 = arith.addf %add3A_984, %mul3A_1034 : vector<16xf32>
        %add3A_1036 = arith.constant 50 : i32
        %add3A_1037 = arith.addi %add3A_1036, %scan3A_1006 : i32
        %get3A_1038 = arith.constant 0 : i32
        %get3A_1039 = arith.index_cast %get3A_1038 : i32 to index
        %get3A_1040 = arith.index_cast %add3A_1037 : i32 to index
        %get3A_1041 = arith.constant 32 : index
        %get3A_1042 = tpu.vector_load %arg8[%get3A_1039, %get3A_1040, %get3A_1041] {strides = array<i32>} : memref<4x100x64xf32, #tpu.memory_space<vmem>>, vector<1x1x16xf32>,
        %get3A_1043 = vector.shape_cast %get3A_1042 : vector<1x1x16xf32> to vector<16xf32>
        %mul3A_1044 = arith.mulf %get3A_1043, %broadcast_in_dim3A_1015 : vector<16xf32>
        %add3A_1045 = arith.addf %add3A_994, %mul3A_1044 : vector<16xf32>
        %add3A_1046 = arith.constant 50 : i32
        %add3A_1047 = arith.addi %add3A_1046, %scan3A_1006 : i32
        %get3A_1048 = arith.constant 0 : i32
        %get3A_1049 = arith.index_cast %get3A_1048 : i32 to index
        %get3A_1050 = arith.index_cast %add3A_1047 : i32 to index
        %get3A_1051 = arith.constant 48 : index
        %get3A_1052 = tpu.vector_load %arg8[%get3A_1049, %get3A_1050, %get3A_1051] {strides = array<i32>} : memref<4x100x64xf32, #tpu.memory_space<vmem>>, vector<1x1x16xf32>,
        %get3A_1053 = vector.shape_cast %get3A_1052 : vector<1x1x16xf32> to vector<16xf32>
        %mul3A_1054 = arith.mulf %get3A_1053, %broadcast_in_dim3A_1015 : vector<16xf32>
        %add3A_1055 = arith.addf %add3A_1004, %mul3A_1054 : vector<16xf32>
        %scan3A_1056 = arith.constant 8 : i32
        %scan3A_1057 = arith.addi %scan3A_648, %scan3A_1056 : i32
        %add3A_1058 = arith.constant 50 : i32
        %add3A_1059 = arith.addi %mul3A_123, %add3A_1058 : i32
        %add3A_1060 = arith.addi %add3A_1059, %scan3A_1057 : i32
        %get3A_1061 = arith.index_cast %add3A_1060 : i32 to index
        %get3A_1062 = tpu.vector_load %arg7[%get3A_1061] {strides = array<i32>} : memref<25616xf32, #tpu.memory_space<vmem>>, vector<16xf32>,
        %get3A_1063 = vector.shape_cast %get3A_1062 : vector<16xf32> to vector<16xf32>
        %slice3A_1064 = vector.extract_strided_slice %get3A_1063 {offsets = [0], sizes = [1], strides = [1]} : vector<16xf32> to vector<1xf32>
        %squeeze3A_1065 = vector.extract %slice3A_1064[0] : f32 from vector<1xf32>
        %broadcast_in_dim3A_1066 = vector.broadcast %squeeze3A_1065 : f32 to vector<16xf32>
        %add3A_1067 = arith.constant 50 : i32
        %add3A_1068 = arith.addi %add3A_1067, %scan3A_1057 : i32
        %get3A_1069 = arith.constant 0 : i32
        %get3A_1070 = arith.index_cast %get3A_1069 : i32 to index
        %get3A_1071 = arith.index_cast %add3A_1068 : i32 to index
        %get3A_1072 = arith.constant 0 : index
        %get3A_1073 = tpu.vector_load %arg8[%get3A_1070, %get3A_1071, %get3A_1072] {strides = array<i32>} : memref<4x100x64xf32, #tpu.memory_space<vmem>>, vector<1x1x16xf32>,
        %get3A_1074 = vector.shape_cast %get3A_1073 : vector<1x1x16xf32> to vector<16xf32>
        %mul3A_1075 = arith.mulf %get3A_1074, %broadcast_in_dim3A_1066 : vector<16xf32>
        %add3A_1076 = arith.addf %add3A_1025, %mul3A_1075 : vector<16xf32>
        %add3A_1077 = arith.constant 50 : i32
        %add3A_1078 = arith.addi %add3A_1077, %scan3A_1057 : i32
        %get3A_1079 = arith.constant 0 : i32
        %get3A_1080 = arith.index_cast %get3A_1079 : i32 to index
        %get3A_1081 = arith.index_cast %add3A_1078 : i32 to index
        %get3A_1082 = arith.constant 16 : index
        %get3A_1083 = tpu.vector_load %arg8[%get3A_1080, %get3A_1081, %get3A_1082] {strides = array<i32>} : memref<4x100x64xf32, #tpu.memory_space<vmem>>, vector<1x1x16xf32>,
        %get3A_1084 = vector.shape_cast %get3A_1083 : vector<1x1x16xf32> to vector<16xf32>
        %mul3A_1085 = arith.mulf %get3A_1084, %broadcast_in_dim3A_1066 : vector<16xf32>
        %add3A_1086 = arith.addf %add3A_1035, %mul3A_1085 : vector<16xf32>
        %add3A_1087 = arith.constant 50 : i32
        %add3A_1088 = arith.addi %add3A_1087, %scan3A_1057 : i32
        %get3A_1089 = arith.constant 0 : i32
        %get3A_1090 = arith.index_cast %get3A_1089 : i32 to index
        %get3A_1091 = arith.index_cast %add3A_1088 : i32 to index
        %get3A_1092 = arith.constant 32 : index
        %get3A_1093 = tpu.vector_load %arg8[%get3A_1090, %get3A_1091, %get3A_1092] {strides = array<i32>} : memref<4x100x64xf32, #tpu.memory_space<vmem>>, vector<1x1x16xf32>,
        %get3A_1094 = vector.shape_cast %get3A_1093 : vector<1x1x16xf32> to vector<16xf32>
        %mul3A_1095 = arith.mulf %get3A_1094, %broadcast_in_dim3A_1066 : vector<16xf32>
        %add3A_1096 = arith.addf %add3A_1045, %mul3A_1095 : vector<16xf32>
        %add3A_1097 = arith.constant 50 : i32
        %add3A_1098 = arith.addi %add3A_1097, %scan3A_1057 : i32
        %get3A_1099 = arith.constant 0 : i32
        %get3A_1100 = arith.index_cast %get3A_1099 : i32 to index
        %get3A_1101 = arith.index_cast %add3A_1098 : i32 to index
        %get3A_1102 = arith.constant 48 : index
        %get3A_1103 = tpu.vector_load %arg8[%get3A_1100, %get3A_1101, %get3A_1102] {strides = array<i32>} : memref<4x100x64xf32, #tpu.memory_space<vmem>>, vector<1x1x16xf32>,
        %get3A_1104 = vector.shape_cast %get3A_1103 : vector<1x1x16xf32> to vector<16xf32>
        %mul3A_1105 = arith.mulf %get3A_1104, %broadcast_in_dim3A_1066 : vector<16xf32>
        %add3A_1106 = arith.addf %add3A_1055, %mul3A_1105 : vector<16xf32>
        %scan3A_1107 = arith.constant 9 : i32
        %scan3A_1108 = arith.addi %scan3A_648, %scan3A_1107 : i32
        %add3A_1109 = arith.constant 50 : i32
        %add3A_1110 = arith.addi %mul3A_123, %add3A_1109 : i32
        %add3A_1111 = arith.addi %add3A_1110, %scan3A_1108 : i32
        %get3A_1112 = arith.index_cast %add3A_1111 : i32 to index
        %get3A_1113 = tpu.vector_load %arg7[%get3A_1112] {strides = array<i32>} : memref<25616xf32, #tpu.memory_space<vmem>>, vector<16xf32>,
        %get3A_1114 = vector.shape_cast %get3A_1113 : vector<16xf32> to vector<16xf32>
        %slice3A_1115 = vector.extract_strided_slice %get3A_1114 {offsets = [0], sizes = [1], strides = [1]} : vector<16xf32> to vector<1xf32>
        %squeeze3A_1116 = vector.extract %slice3A_1115[0] : f32 from vector<1xf32>
        %broadcast_in_dim3A_1117 = vector.broadcast %squeeze3A_1116 : f32 to vector<16xf32>
        %add3A_1118 = arith.constant 50 : i32
        %add3A_1119 = arith.addi %add3A_1118, %scan3A_1108 : i32
        %get3A_1120 = arith.constant 0 : i32
        %get3A_1121 = arith.index_cast %get3A_1120 : i32 to index
        %get3A_1122 = arith.index_cast %add3A_1119 : i32 to index
        %get3A_1123 = arith.constant 0 : index
        %get3A_1124 = tpu.vector_load %arg8[%get3A_1121, %get3A_1122, %get3A_1123] {strides = array<i32>} : memref<4x100x64xf32, #tpu.memory_space<vmem>>, vector<1x1x16xf32>,
        %get3A_1125 = vector.shape_cast %get3A_1124 : vector<1x1x16xf32> to vector<16xf32>
        %mul3A_1126 = arith.mulf %get3A_1125, %broadcast_in_dim3A_1117 : vector<16xf32>
        %add3A_1127 = arith.addf %add3A_1076, %mul3A_1126 : vector<16xf32>
        %add3A_1128 = arith.constant 50 : i32
        %add3A_1129 = arith.addi %add3A_1128, %scan3A_1108 : i32
        %get3A_1130 = arith.constant 0 : i32
        %get3A_1131 = arith.index_cast %get3A_1130 : i32 to index
        %get3A_1132 = arith.index_cast %add3A_1129 : i32 to index
        %get3A_1133 = arith.constant 16 : index
        %get3A_1134 = tpu.vector_load %arg8[%get3A_1131, %get3A_1132, %get3A_1133] {strides = array<i32>} : memref<4x100x64xf32, #tpu.memory_space<vmem>>, vector<1x1x16xf32>,
        %get3A_1135 = vector.shape_cast %get3A_1134 : vector<1x1x16xf32> to vector<16xf32>
        %mul3A_1136 = arith.mulf %get3A_1135, %broadcast_in_dim3A_1117 : vector<16xf32>
        %add3A_1137 = arith.addf %add3A_1086, %mul3A_1136 : vector<16xf32>
        %add3A_1138 = arith.constant 50 : i32
        %add3A_1139 = arith.addi %add3A_1138, %scan3A_1108 : i32
        %get3A_1140 = arith.constant 0 : i32
        %get3A_1141 = arith.index_cast %get3A_1140 : i32 to index
        %get3A_1142 = arith.index_cast %add3A_1139 : i32 to index
        %get3A_1143 = arith.constant 32 : index
        %get3A_1144 = tpu.vector_load %arg8[%get3A_1141, %get3A_1142, %get3A_1143] {strides = array<i32>} : memref<4x100x64xf32, #tpu.memory_space<vmem>>, vector<1x1x16xf32>,
        %get3A_1145 = vector.shape_cast %get3A_1144 : vector<1x1x16xf32> to vector<16xf32>
        %mul3A_1146 = arith.mulf %get3A_1145, %broadcast_in_dim3A_1117 : vector<16xf32>
        %add3A_1147 = arith.addf %add3A_1096, %mul3A_1146 : vector<16xf32>
        %add3A_1148 = arith.constant 50 : i32
        %add3A_1149 = arith.addi %add3A_1148, %scan3A_1108 : i32
        %get3A_1150 = arith.constant 0 : i32
        %get3A_1151 = arith.index_cast %get3A_1150 : i32 to index
        %get3A_1152 = arith.index_cast %add3A_1149 : i32 to index
        %get3A_1153 = arith.constant 48 : index
        %get3A_1154 = tpu.vector_load %arg8[%get3A_1151, %get3A_1152, %get3A_1153] {strides = array<i32>} : memref<4x100x64xf32, #tpu.memory_space<vmem>>, vector<1x1x16xf32>,
        %get3A_1155 = vector.shape_cast %get3A_1154 : vector<1x1x16xf32> to vector<16xf32>
        %mul3A_1156 = arith.mulf %get3A_1155, %broadcast_in_dim3A_1117 : vector<16xf32>
        %add3A_1157 = arith.addf %add3A_1106, %mul3A_1156 : vector<16xf32>
        scf.yield %add3A_1127, %add3A_1137, %add3A_1147, %add3A_1157 : vector<16xf32>, vector<16xf32>, vector<16xf32>, vector<16xf32>
      }
      %scan3A_181 = arith.constant 50 : i32
      %swap3A_182 = arith.constant 0 : i32
      %swap3A_183 = arith.constant 1 : i32
      %swap3A_184 = arith.index_cast %swap3A_182 : i32 to index
      %swap3A_185 = arith.index_cast %swap3A_183 : i32 to index
      %swap3A_186 = arith.constant 0 : index
      %swap3A_187 = tpu.vector_load %arg9[%swap3A_184, %swap3A_185, %swap3A_186] {strides = array<i32>} : memref<4x2x64xf32, #tpu.memory_space<vmem>>, vector<1x1x16xf32>,
      %swap3A_188 = vector.shape_cast %swap3A_187 : vector<1x1x16xf32> to vector<16xf32>
      %swap3A_189 = vector.shape_cast %scan3A_180#0 : vector<16xf32> to vector<1x1x16xf32>
      tpu.vector_store %arg9[%swap3A_184, %swap3A_185, %swap3A_186], %swap3A_189 {strides = array<i32>} : memref<4x2x64xf32, #tpu.memory_space<vmem>>, vector<1x1x16xf32>,
      %swap3A_190 = arith.constant 0 : i32
      %swap3A_191 = arith.constant 1 : i32
      %swap3A_192 = arith.index_cast %swap3A_190 : i32 to index
      %swap3A_193 = arith.index_cast %swap3A_191 : i32 to index
      %swap3A_194 = arith.constant 16 : index
      %swap3A_195 = tpu.vector_load %arg9[%swap3A_192, %swap3A_193, %swap3A_194] {strides = array<i32>} : memref<4x2x64xf32, #tpu.memory_space<vmem>>, vector<1x1x16xf32>,
      %swap3A_196 = vector.shape_cast %swap3A_195 : vector<1x1x16xf32> to vector<16xf32>
      %swap3A_197 = vector.shape_cast %scan3A_180#1 : vector<16xf32> to vector<1x1x16xf32>
      tpu.vector_store %arg9[%swap3A_192, %swap3A_193, %swap3A_194], %swap3A_197 {strides = array<i32>} : memref<4x2x64xf32, #tpu.memory_space<vmem>>, vector<1x1x16xf32>,
      %swap3A_198 = arith.constant 0 : i32
      %swap3A_199 = arith.constant 1 : i32
      %swap3A_200 = arith.index_cast %swap3A_198 : i32 to index
      %swap3A_201 = arith.index_cast %swap3A_199 : i32 to index
      %swap3A_202 = arith.constant 32 : index
      %swap3A_203 = tpu.vector_load %arg9[%swap3A_200, %swap3A_201, %swap3A_202] {strides = array<i32>} : memref<4x2x64xf32, #tpu.memory_space<vmem>>, vector<1x1x16xf32>,
      %swap3A_204 = vector.shape_cast %swap3A_203 : vector<1x1x16xf32> to vector<16xf32>
      %swap3A_205 = vector.shape_cast %scan3A_180#2 : vector<16xf32> to vector<1x1x16xf32>
      tpu.vector_store %arg9[%swap3A_200, %swap3A_201, %swap3A_202], %swap3A_205 {strides = array<i32>} : memref<4x2x64xf32, #tpu.memory_space<vmem>>, vector<1x1x16xf32>,
      %swap3A_206 = arith.constant 0 : i32
      %swap3A_207 = arith.constant 1 : i32
      %swap3A_208 = arith.index_cast %swap3A_206 : i32 to index
      %swap3A_209 = arith.index_cast %swap3A_207 : i32 to index
      %swap3A_210 = arith.constant 48 : index
      %swap3A_211 = tpu.vector_load %arg9[%swap3A_208, %swap3A_209, %swap3A_210] {strides = array<i32>} : memref<4x2x64xf32, #tpu.memory_space<vmem>>, vector<1x1x16xf32>,
      %swap3A_212 = vector.shape_cast %swap3A_211 : vector<1x1x16xf32> to vector<16xf32>
      %swap3A_213 = vector.shape_cast %scan3A_180#3 : vector<16xf32> to vector<1x1x16xf32>
      tpu.vector_store %arg9[%swap3A_208, %swap3A_209, %swap3A_210], %swap3A_213 {strides = array<i32>} : memref<4x2x64xf32, #tpu.memory_space<vmem>>, vector<1x1x16xf32>,
      %add3A_214 = arith.addi %mul3A_2, %add3A_108 : i32
      %mul3A_215 = arith.constant 2 : i32
      %mul3A_216 = arith.muli %add3A_214, %mul3A_215 : i32
      %dma_start3A_217 = arith.constant 0 : i32
      %dma_start3A_218 = arith.constant 0 : i32
      %dma_start3A_219 = arith.constant 0 : i32
      %dma_start3A_220 = tpu.memref_slice %arg9[%dma_start3A_217, %dma_start3A_218, %dma_start3A_219] : memref<4x2x64xf32, #tpu.memory_space<vmem>> -> memref<1x2x64xf32, #tpu.memory_space<vmem>>
      %dma_start3A_221 = tpu.memref_squeeze %dma_start3A_220 : memref<1x2x64xf32, #tpu.memory_space<vmem>> -> memref<2x64xf32, #tpu.memory_space<vmem>>
      %dma_start3A_222 = arith.constant 0 : i32
      %dma_start3A_223 = tpu.memref_slice %arg5[%mul3A_216, %dma_start3A_222] : memref<16384x64xf32, #tpu.memory_space<hbm>> -> memref<2x64xf32, #tpu.memory_space<hbm>>
      %dma_start3A_224 = arith.constant 0 : i32
      %dma_start3A_225 = tpu.memref_slice %arg5[%mul3A_216, %dma_start3A_224] : memref<16384x64xf32, #tpu.memory_space<hbm>> -> memref<2x64xf32, #tpu.memory_space<hbm>>
      %dma_start3A_226 = arith.constant 0 : i32
      %dma_start3A_227 = arith.constant 0 : i32
      %dma_start3A_228 = tpu.memref_slice %arg9[%dma_start3A_217, %dma_start3A_226, %dma_start3A_227] : memref<4x2x64xf32, #tpu.memory_space<vmem>> -> memref<1x2x64xf32, #tpu.memory_space<vmem>>
      %dma_start3A_229 = tpu.memref_squeeze %dma_start3A_228 : memref<1x2x64xf32, #tpu.memory_space<vmem>> -> memref<2x64xf32, #tpu.memory_space<vmem>>
      tpu.enqueue_dma source(%dma_start3A_229 : memref<2x64xf32, #tpu.memory_space<vmem>>) target(%dma_start3A_225 : memref<2x64xf32, #tpu.memory_space<hbm>>) target_semaphore(%arg14 : memref<!tpu.dma_semaphore, #tpu.memory_space<semaphore_mem>>)
      %add3A_230 = arith.constant 4 : i32
      %add3A_231 = arith.addi %add3A_108, %add3A_230 : i32
      %sub3A = arith.constant 1 : i32
      %sub3A_232 = arith.subi %add3A_231, %sub3A : i32
      %lt3A = arith.constant 256 : i32
      %lt3A_233 = arith.cmpi slt, %sub3A_232, %lt3A : i32
      %convert_element_type3A_234 = arith.extui %lt3A_233 : i1 to i32
      %cond3A_235 = arith.constant 0 : i32
      %cond3A_236 = arith.cmpi ne, %convert_element_type3A_234, %cond3A_235 : i32
      scf.if %cond3A_236 {
        %add3A_648 = arith.constant 4 : i32
        %add3A_649 = arith.addi %add3A_108, %add3A_648 : i32
        %sub3A_650 = arith.constant 1 : i32
        %sub3A_651 = arith.subi %add3A_649, %sub3A_650 : i32
        %dma_start3A_652 = arith.constant 3 : i32
        %dma_start3A_653 = arith.constant 0 : i32
        %dma_start3A_654 = arith.constant 0 : i32
        %dma_start3A_655 = tpu.memref_slice %arg8[%dma_start3A_652, %dma_start3A_653, %dma_start3A_654] : memref<4x100x64xf32, #tpu.memory_space<vmem>> -> memref<1x100x64xf32, #tpu.memory_space<vmem>>
        %dma_start3A_656 = tpu.memref_squeeze %dma_start3A_655 : memref<1x100x64xf32, #tpu.memory_space<vmem>> -> memref<100x64xf32, #tpu.memory_space<vmem>>
        %dma_start3A_657 = arith.constant 0 : i32
        %dma_start3A_658 = tpu.memref_slice %arg6[%sub3A_651, %dma_start3A_657] : memref<256x100xi32, #tpu.memory_space<vmem>> -> memref<1x100xi32, #tpu.memory_space<vmem>>
        %dma_start3A_659 = tpu.memref_squeeze %dma_start3A_658 : memref<1x100xi32, #tpu.memory_space<vmem>> -> memref<100xi32, #tpu.memory_space<vmem>>
        %dma_start3A_660 = arith.constant 0 : i32
        %dma_start3A_661 = arith.constant 0 : i32
        %dma_start3A_662 = tpu.memref_slice %arg4[%dma_start3A_660, %dma_start3A_661] : memref<1000000x64xf32, #tpu.memory_space<hbm>> -> memref<1000000x64xf32, #tpu.memory_space<hbm>>
        tpu.enqueue_indirect_dma source(%dma_start3A_662 : memref<1000000x64xf32, #tpu.memory_space<hbm>>) target(%dma_start3A_656 : memref<100x64xf32, #tpu.memory_space<vmem>>) offsets(%dma_start3A_659 : memref<100xi32, #tpu.memory_space<vmem>>) semaphore(%arg13 : memref<!tpu.dma_semaphore, #tpu.memory_space<semaphore_mem>>)
      } else {
      }
      %add3A_237 = arith.constant 1 : i32
      %add3A_238 = arith.addi %mul3A_106, %add3A_237 : i32
      %dma_wait3A_239 = arith.constant 1 : i32
      %dma_wait3A_240 = arith.constant 0 : i32
      %dma_wait3A_241 = arith.constant 0 : i32
      %dma_wait3A_242 = tpu.memref_slice %arg8[%dma_wait3A_239, %dma_wait3A_240, %dma_wait3A_241] : memref<4x100x64xf32, #tpu.memory_space<vmem>> -> memref<1x100x64xf32, #tpu.memory_space<vmem>>
      %dma_wait3A_243 = tpu.memref_squeeze %dma_wait3A_242 : memref<1x100x64xf32, #tpu.memory_space<vmem>> -> memref<100x64xf32, #tpu.memory_space<vmem>>
      %dma_wait3A_244 = arith.constant 0 : i32
      %dma_wait3A_245 = tpu.memref_slice %arg6[%add3A_238, %dma_wait3A_244] : memref<256x100xi32, #tpu.memory_space<vmem>> -> memref<1x100xi32, #tpu.memory_space<vmem>>
      %dma_wait3A_246 = tpu.memref_squeeze %dma_wait3A_245 : memref<1x100xi32, #tpu.memory_space<vmem>> -> memref<100xi32, #tpu.memory_space<vmem>>
      %dma_wait3A_247 = arith.constant 0 : i32
      %dma_wait3A_248 = arith.constant 0 : i32
      %dma_wait3A_249 = tpu.memref_slice %arg4[%dma_wait3A_247, %dma_wait3A_248] : memref<1000000x64xf32, #tpu.memory_space<hbm>> -> memref<1000000x64xf32, #tpu.memory_space<hbm>>
      tpu.wait_indirect_dma semaphore(%arg11 : memref<!tpu.dma_semaphore, #tpu.memory_space<semaphore_mem>>) src(%dma_wait3A_249 : memref<1000000x64xf32, #tpu.memory_space<hbm>>) dst(%dma_wait3A_243 : memref<100x64xf32, #tpu.memory_space<vmem>>)
      %gt3A_250 = arith.constant 0 : i32
      %gt3A_251 = arith.cmpi sgt, %scan3A_104, %gt3A_250 : i32
      %convert_element_type3A_252 = arith.extui %gt3A_251 : i1 to i32
      %cond3A_253 = arith.constant 0 : i32
      %cond3A_254 = arith.cmpi ne, %convert_element_type3A_252, %cond3A_253 : i32
      scf.if %cond3A_254 {
        %dma_wait3A_648 = arith.constant 1 : i32
        %dma_wait3A_649 = arith.constant 0 : i32
        %dma_wait3A_650 = arith.constant 0 : i32
        %dma_wait3A_651 = tpu.memref_slice %arg9[%dma_wait3A_648, %dma_wait3A_649, %dma_wait3A_650] : memref<4x2x64xf32, #tpu.memory_space<vmem>> -> memref<1x2x64xf32, #tpu.memory_space<vmem>>
        %dma_wait3A_652 = tpu.memref_squeeze %dma_wait3A_651 : memref<1x2x64xf32, #tpu.memory_space<vmem>> -> memref<2x64xf32, #tpu.memory_space<vmem>>
        %dma_wait3A_653 = arith.constant 0 : i32
        %dma_wait3A_654 = arith.constant 0 : i32
        %dma_wait3A_655 = tpu.memref_slice %arg5[%dma_wait3A_653, %dma_wait3A_654] : memref<16384x64xf32, #tpu.memory_space<hbm>> -> memref<2x64xf32, #tpu.memory_space<hbm>>
        %dma_wait3A_656 = arith.constant 0 : i32
        %dma_wait3A_657 = arith.constant 0 : i32
        %dma_wait3A_658 = tpu.memref_slice %arg5[%dma_wait3A_656, %dma_wait3A_657] : memref<16384x64xf32, #tpu.memory_space<hbm>> -> memref<2x64xf32, #tpu.memory_space<hbm>>
        %dma_wait3A_659 = arith.constant 0 : i32
        %dma_wait3A_660 = arith.constant 0 : i32
        %dma_wait3A_661 = tpu.memref_slice %arg9[%dma_wait3A_648, %dma_wait3A_659, %dma_wait3A_660] : memref<4x2x64xf32, #tpu.memory_space<vmem>> -> memref<1x2x64xf32, #tpu.memory_space<vmem>>
        %dma_wait3A_662 = tpu.memref_squeeze %dma_wait3A_661 : memref<1x2x64xf32, #tpu.memory_space<vmem>> -> memref<2x64xf32, #tpu.memory_space<vmem>>
        tpu.wait_dma2 semaphore(%arg15 : memref<!tpu.dma_semaphore, #tpu.memory_space<semaphore_mem>>) src(%dma_wait3A_662 : memref<2x64xf32, #tpu.memory_space<vmem>>) dst(%dma_wait3A_658 : memref<2x64xf32, #tpu.memory_space<hbm>>)
      } else {
      }
      %mul3A_255 = arith.constant 100 : i32
      %mul3A_256 = arith.muli %add3A_238, %mul3A_255 : i32
      %broadcast_in_dim3A_257 = arith.constant 0.000000e+00 : f32
      %broadcast_in_dim3A_258 = vector.broadcast %broadcast_in_dim3A_257 : f32 to vector<16xf32>
      %broadcast_in_dim3A_259 = arith.constant 0.000000e+00 : f32
      %broadcast_in_dim3A_260 = vector.broadcast %broadcast_in_dim3A_259 : f32 to vector<16xf32>
      %broadcast_in_dim3A_261 = arith.constant 0.000000e+00 : f32
      %broadcast_in_dim3A_262 = vector.broadcast %broadcast_in_dim3A_261 : f32 to vector<16xf32>
      %broadcast_in_dim3A_263 = arith.constant 0.000000e+00 : f32
      %broadcast_in_dim3A_264 = vector.broadcast %broadcast_in_dim3A_263 : f32 to vector<16xf32>
      %scan3A_265 = arith.constant 0 : i32
      %scan3A_266 = arith.constant 50 : i32
      %scan3A_267 = arith.addi %scan3A_265, %scan3A_266 : i32
      %scan3A_268 = arith.constant 10 : i32
      %scan3A_269:4 = scf.for %scan3A_648 = %scan3A_265 to %scan3A_267 step %scan3A_268 iter_args(%scan3A_649 = %broadcast_in_dim3A_258, %scan3A_650 = %broadcast_in_dim3A_260, %scan3A_651 = %broadcast_in_dim3A_262, %scan3A_652 = %broadcast_in_dim3A_264) -> (vector<16xf32>, vector<16xf32>, vector<16xf32>, vector<16xf32>)  : i32 {
        %add3A_653 = arith.constant 0 : i32
        %add3A_654 = arith.addi %mul3A_256, %add3A_653 : i32
        %add3A_655 = arith.addi %add3A_654, %scan3A_648 : i32
        %get3A = arith.index_cast %add3A_655 : i32 to index
        %get3A_656 = tpu.vector_load %arg7[%get3A] {strides = array<i32>} : memref<25616xf32, #tpu.memory_space<vmem>>, vector<16xf32>,
        %get3A_657 = vector.shape_cast %get3A_656 : vector<16xf32> to vector<16xf32>
        %slice3A = vector.extract_strided_slice %get3A_657 {offsets = [0], sizes = [1], strides = [1]} : vector<16xf32> to vector<1xf32>
        %squeeze3A = vector.extract %slice3A[0] : f32 from vector<1xf32>
        %broadcast_in_dim3A_658 = vector.broadcast %squeeze3A : f32 to vector<16xf32>
        %add3A_659 = arith.constant 0 : i32
        %add3A_660 = arith.addi %add3A_659, %scan3A_648 : i32
        %get3A_661 = arith.constant 1 : i32
        %get3A_662 = arith.index_cast %get3A_661 : i32 to index
        %get3A_663 = arith.index_cast %add3A_660 : i32 to index
        %get3A_664 = arith.constant 0 : index
        %get3A_665 = tpu.vector_load %arg8[%get3A_662, %get3A_663, %get3A_664] {strides = array<i32>} : memref<4x100x64xf32, #tpu.memory_space<vmem>>, vector<1x1x16xf32>,
        %get3A_666 = vector.shape_cast %get3A_665 : vector<1x1x16xf32> to vector<16xf32>
        %mul3A_667 = arith.mulf %get3A_666, %broadcast_in_dim3A_658 : vector<16xf32>
        %add3A_668 = arith.addf %scan3A_649, %mul3A_667 : vector<16xf32>
        %add3A_669 = arith.constant 0 : i32
        %add3A_670 = arith.addi %add3A_669, %scan3A_648 : i32
        %get3A_671 = arith.constant 1 : i32
        %get3A_672 = arith.index_cast %get3A_671 : i32 to index
        %get3A_673 = arith.index_cast %add3A_670 : i32 to index
        %get3A_674 = arith.constant 16 : index
        %get3A_675 = tpu.vector_load %arg8[%get3A_672, %get3A_673, %get3A_674] {strides = array<i32>} : memref<4x100x64xf32, #tpu.memory_space<vmem>>, vector<1x1x16xf32>,
        %get3A_676 = vector.shape_cast %get3A_675 : vector<1x1x16xf32> to vector<16xf32>
        %mul3A_677 = arith.mulf %get3A_676, %broadcast_in_dim3A_658 : vector<16xf32>
        %add3A_678 = arith.addf %scan3A_650, %mul3A_677 : vector<16xf32>
        %add3A_679 = arith.constant 0 : i32
        %add3A_680 = arith.addi %add3A_679, %scan3A_648 : i32
        %get3A_681 = arith.constant 1 : i32
        %get3A_682 = arith.index_cast %get3A_681 : i32 to index
        %get3A_683 = arith.index_cast %add3A_680 : i32 to index
        %get3A_684 = arith.constant 32 : index
        %get3A_685 = tpu.vector_load %arg8[%get3A_682, %get3A_683, %get3A_684] {strides = array<i32>} : memref<4x100x64xf32, #tpu.memory_space<vmem>>, vector<1x1x16xf32>,
        %get3A_686 = vector.shape_cast %get3A_685 : vector<1x1x16xf32> to vector<16xf32>
        %mul3A_687 = arith.mulf %get3A_686, %broadcast_in_dim3A_658 : vector<16xf32>
        %add3A_688 = arith.addf %scan3A_651, %mul3A_687 : vector<16xf32>
        %add3A_689 = arith.constant 0 : i32
        %add3A_690 = arith.addi %add3A_689, %scan3A_648 : i32
        %get3A_691 = arith.constant 1 : i32
        %get3A_692 = arith.index_cast %get3A_691 : i32 to index
        %get3A_693 = arith.index_cast %add3A_690 : i32 to index
        %get3A_694 = arith.constant 48 : index
        %get3A_695 = tpu.vector_load %arg8[%get3A_692, %get3A_693, %get3A_694] {strides = array<i32>} : memref<4x100x64xf32, #tpu.memory_space<vmem>>, vector<1x1x16xf32>,
        %get3A_696 = vector.shape_cast %get3A_695 : vector<1x1x16xf32> to vector<16xf32>
        %mul3A_697 = arith.mulf %get3A_696, %broadcast_in_dim3A_658 : vector<16xf32>
        %add3A_698 = arith.addf %scan3A_652, %mul3A_697 : vector<16xf32>
        %scan3A_699 = arith.constant 1 : i32
        %scan3A_700 = arith.addi %scan3A_648, %scan3A_699 : i32
        %add3A_701 = arith.constant 0 : i32
        %add3A_702 = arith.addi %mul3A_256, %add3A_701 : i32
        %add3A_703 = arith.addi %add3A_702, %scan3A_700 : i32
        %get3A_704 = arith.index_cast %add3A_703 : i32 to index
        %get3A_705 = tpu.vector_load %arg7[%get3A_704] {strides = array<i32>} : memref<25616xf32, #tpu.memory_space<vmem>>, vector<16xf32>,
        %get3A_706 = vector.shape_cast %get3A_705 : vector<16xf32> to vector<16xf32>
        %slice3A_707 = vector.extract_strided_slice %get3A_706 {offsets = [0], sizes = [1], strides = [1]} : vector<16xf32> to vector<1xf32>
        %squeeze3A_708 = vector.extract %slice3A_707[0] : f32 from vector<1xf32>
        %broadcast_in_dim3A_709 = vector.broadcast %squeeze3A_708 : f32 to vector<16xf32>
        %add3A_710 = arith.constant 0 : i32
        %add3A_711 = arith.addi %add3A_710, %scan3A_700 : i32
        %get3A_712 = arith.constant 1 : i32
        %get3A_713 = arith.index_cast %get3A_712 : i32 to index
        %get3A_714 = arith.index_cast %add3A_711 : i32 to index
        %get3A_715 = arith.constant 0 : index
        %get3A_716 = tpu.vector_load %arg8[%get3A_713, %get3A_714, %get3A_715] {strides = array<i32>} : memref<4x100x64xf32, #tpu.memory_space<vmem>>, vector<1x1x16xf32>,
        %get3A_717 = vector.shape_cast %get3A_716 : vector<1x1x16xf32> to vector<16xf32>
        %mul3A_718 = arith.mulf %get3A_717, %broadcast_in_dim3A_709 : vector<16xf32>
        %add3A_719 = arith.addf %add3A_668, %mul3A_718 : vector<16xf32>
        %add3A_720 = arith.constant 0 : i32
        %add3A_721 = arith.addi %add3A_720, %scan3A_700 : i32
        %get3A_722 = arith.constant 1 : i32
        %get3A_723 = arith.index_cast %get3A_722 : i32 to index
        %get3A_724 = arith.index_cast %add3A_721 : i32 to index
        %get3A_725 = arith.constant 16 : index
        %get3A_726 = tpu.vector_load %arg8[%get3A_723, %get3A_724, %get3A_725] {strides = array<i32>} : memref<4x100x64xf32, #tpu.memory_space<vmem>>, vector<1x1x16xf32>,
        %get3A_727 = vector.shape_cast %get3A_726 : vector<1x1x16xf32> to vector<16xf32>
        %mul3A_728 = arith.mulf %get3A_727, %broadcast_in_dim3A_709 : vector<16xf32>
        %add3A_729 = arith.addf %add3A_678, %mul3A_728 : vector<16xf32>
        %add3A_730 = arith.constant 0 : i32
        %add3A_731 = arith.addi %add3A_730, %scan3A_700 : i32
        %get3A_732 = arith.constant 1 : i32
        %get3A_733 = arith.index_cast %get3A_732 : i32 to index
        %get3A_734 = arith.index_cast %add3A_731 : i32 to index
        %get3A_735 = arith.constant 32 : index
        %get3A_736 = tpu.vector_load %arg8[%get3A_733, %get3A_734, %get3A_735] {strides = array<i32>} : memref<4x100x64xf32, #tpu.memory_space<vmem>>, vector<1x1x16xf32>,
        %get3A_737 = vector.shape_cast %get3A_736 : vector<1x1x16xf32> to vector<16xf32>
        %mul3A_738 = arith.mulf %get3A_737, %broadcast_in_dim3A_709 : vector<16xf32>
        %add3A_739 = arith.addf %add3A_688, %mul3A_738 : vector<16xf32>
        %add3A_740 = arith.constant 0 : i32
        %add3A_741 = arith.addi %add3A_740, %scan3A_700 : i32
        %get3A_742 = arith.constant 1 : i32
        %get3A_743 = arith.index_cast %get3A_742 : i32 to index
        %get3A_744 = arith.index_cast %add3A_741 : i32 to index
        %get3A_745 = arith.constant 48 : index
        %get3A_746 = tpu.vector_load %arg8[%get3A_743, %get3A_744, %get3A_745] {strides = array<i32>} : memref<4x100x64xf32, #tpu.memory_space<vmem>>, vector<1x1x16xf32>,
        %get3A_747 = vector.shape_cast %get3A_746 : vector<1x1x16xf32> to vector<16xf32>
        %mul3A_748 = arith.mulf %get3A_747, %broadcast_in_dim3A_709 : vector<16xf32>
        %add3A_749 = arith.addf %add3A_698, %mul3A_748 : vector<16xf32>
        %scan3A_750 = arith.constant 2 : i32
        %scan3A_751 = arith.addi %scan3A_648, %scan3A_750 : i32
        %add3A_752 = arith.constant 0 : i32
        %add3A_753 = arith.addi %mul3A_256, %add3A_752 : i32
        %add3A_754 = arith.addi %add3A_753, %scan3A_751 : i32
        %get3A_755 = arith.index_cast %add3A_754 : i32 to index
        %get3A_756 = tpu.vector_load %arg7[%get3A_755] {strides = array<i32>} : memref<25616xf32, #tpu.memory_space<vmem>>, vector<16xf32>,
        %get3A_757 = vector.shape_cast %get3A_756 : vector<16xf32> to vector<16xf32>
        %slice3A_758 = vector.extract_strided_slice %get3A_757 {offsets = [0], sizes = [1], strides = [1]} : vector<16xf32> to vector<1xf32>
        %squeeze3A_759 = vector.extract %slice3A_758[0] : f32 from vector<1xf32>
        %broadcast_in_dim3A_760 = vector.broadcast %squeeze3A_759 : f32 to vector<16xf32>
        %add3A_761 = arith.constant 0 : i32
        %add3A_762 = arith.addi %add3A_761, %scan3A_751 : i32
        %get3A_763 = arith.constant 1 : i32
        %get3A_764 = arith.index_cast %get3A_763 : i32 to index
        %get3A_765 = arith.index_cast %add3A_762 : i32 to index
        %get3A_766 = arith.constant 0 : index
        %get3A_767 = tpu.vector_load %arg8[%get3A_764, %get3A_765, %get3A_766] {strides = array<i32>} : memref<4x100x64xf32, #tpu.memory_space<vmem>>, vector<1x1x16xf32>,
        %get3A_768 = vector.shape_cast %get3A_767 : vector<1x1x16xf32> to vector<16xf32>
        %mul3A_769 = arith.mulf %get3A_768, %broadcast_in_dim3A_760 : vector<16xf32>
        %add3A_770 = arith.addf %add3A_719, %mul3A_769 : vector<16xf32>
        %add3A_771 = arith.constant 0 : i32
        %add3A_772 = arith.addi %add3A_771, %scan3A_751 : i32
        %get3A_773 = arith.constant 1 : i32
        %get3A_774 = arith.index_cast %get3A_773 : i32 to index
        %get3A_775 = arith.index_cast %add3A_772 : i32 to index
        %get3A_776 = arith.constant 16 : index
        %get3A_777 = tpu.vector_load %arg8[%get3A_774, %get3A_775, %get3A_776] {strides = array<i32>} : memref<4x100x64xf32, #tpu.memory_space<vmem>>, vector<1x1x16xf32>,
        %get3A_778 = vector.shape_cast %get3A_777 : vector<1x1x16xf32> to vector<16xf32>
        %mul3A_779 = arith.mulf %get3A_778, %broadcast_in_dim3A_760 : vector<16xf32>
        %add3A_780 = arith.addf %add3A_729, %mul3A_779 : vector<16xf32>
        %add3A_781 = arith.constant 0 : i32
        %add3A_782 = arith.addi %add3A_781, %scan3A_751 : i32
        %get3A_783 = arith.constant 1 : i32
        %get3A_784 = arith.index_cast %get3A_783 : i32 to index
        %get3A_785 = arith.index_cast %add3A_782 : i32 to index
        %get3A_786 = arith.constant 32 : index
        %get3A_787 = tpu.vector_load %arg8[%get3A_784, %get3A_785, %get3A_786] {strides = array<i32>} : memref<4x100x64xf32, #tpu.memory_space<vmem>>, vector<1x1x16xf32>,
        %get3A_788 = vector.shape_cast %get3A_787 : vector<1x1x16xf32> to vector<16xf32>
        %mul3A_789 = arith.mulf %get3A_788, %broadcast_in_dim3A_760 : vector<16xf32>
        %add3A_790 = arith.addf %add3A_739, %mul3A_789 : vector<16xf32>
        %add3A_791 = arith.constant 0 : i32
        %add3A_792 = arith.addi %add3A_791, %scan3A_751 : i32
        %get3A_793 = arith.constant 1 : i32
        %get3A_794 = arith.index_cast %get3A_793 : i32 to index
        %get3A_795 = arith.index_cast %add3A_792 : i32 to index
        %get3A_796 = arith.constant 48 : index
        %get3A_797 = tpu.vector_load %arg8[%get3A_794, %get3A_795, %get3A_796] {strides = array<i32>} : memref<4x100x64xf32, #tpu.memory_space<vmem>>, vector<1x1x16xf32>,
        %get3A_798 = vector.shape_cast %get3A_797 : vector<1x1x16xf32> to vector<16xf32>
        %mul3A_799 = arith.mulf %get3A_798, %broadcast_in_dim3A_760 : vector<16xf32>
        %add3A_800 = arith.addf %add3A_749, %mul3A_799 : vector<16xf32>
        %scan3A_801 = arith.constant 3 : i32
        %scan3A_802 = arith.addi %scan3A_648, %scan3A_801 : i32
        %add3A_803 = arith.constant 0 : i32
        %add3A_804 = arith.addi %mul3A_256, %add3A_803 : i32
        %add3A_805 = arith.addi %add3A_804, %scan3A_802 : i32
        %get3A_806 = arith.index_cast %add3A_805 : i32 to index
        %get3A_807 = tpu.vector_load %arg7[%get3A_806] {strides = array<i32>} : memref<25616xf32, #tpu.memory_space<vmem>>, vector<16xf32>,
        %get3A_808 = vector.shape_cast %get3A_807 : vector<16xf32> to vector<16xf32>
        %slice3A_809 = vector.extract_strided_slice %get3A_808 {offsets = [0], sizes = [1], strides = [1]} : vector<16xf32> to vector<1xf32>
        %squeeze3A_810 = vector.extract %slice3A_809[0] : f32 from vector<1xf32>
        %broadcast_in_dim3A_811 = vector.broadcast %squeeze3A_810 : f32 to vector<16xf32>
        %add3A_812 = arith.constant 0 : i32
        %add3A_813 = arith.addi %add3A_812, %scan3A_802 : i32
        %get3A_814 = arith.constant 1 : i32
        %get3A_815 = arith.index_cast %get3A_814 : i32 to index
        %get3A_816 = arith.index_cast %add3A_813 : i32 to index
        %get3A_817 = arith.constant 0 : index
        %get3A_818 = tpu.vector_load %arg8[%get3A_815, %get3A_816, %get3A_817] {strides = array<i32>} : memref<4x100x64xf32, #tpu.memory_space<vmem>>, vector<1x1x16xf32>,
        %get3A_819 = vector.shape_cast %get3A_818 : vector<1x1x16xf32> to vector<16xf32>
        %mul3A_820 = arith.mulf %get3A_819, %broadcast_in_dim3A_811 : vector<16xf32>
        %add3A_821 = arith.addf %add3A_770, %mul3A_820 : vector<16xf32>
        %add3A_822 = arith.constant 0 : i32
        %add3A_823 = arith.addi %add3A_822, %scan3A_802 : i32
        %get3A_824 = arith.constant 1 : i32
        %get3A_825 = arith.index_cast %get3A_824 : i32 to index
        %get3A_826 = arith.index_cast %add3A_823 : i32 to index
        %get3A_827 = arith.constant 16 : index
        %get3A_828 = tpu.vector_load %arg8[%get3A_825, %get3A_826, %get3A_827] {strides = array<i32>} : memref<4x100x64xf32, #tpu.memory_space<vmem>>, vector<1x1x16xf32>,
        %get3A_829 = vector.shape_cast %get3A_828 : vector<1x1x16xf32> to vector<16xf32>
        %mul3A_830 = arith.mulf %get3A_829, %broadcast_in_dim3A_811 : vector<16xf32>
        %add3A_831 = arith.addf %add3A_780, %mul3A_830 : vector<16xf32>
        %add3A_832 = arith.constant 0 : i32
        %add3A_833 = arith.addi %add3A_832, %scan3A_802 : i32
        %get3A_834 = arith.constant 1 : i32
        %get3A_835 = arith.index_cast %get3A_834 : i32 to index
        %get3A_836 = arith.index_cast %add3A_833 : i32 to index
        %get3A_837 = arith.constant 32 : index
        %get3A_838 = tpu.vector_load %arg8[%get3A_835, %get3A_836, %get3A_837] {strides = array<i32>} : memref<4x100x64xf32, #tpu.memory_space<vmem>>, vector<1x1x16xf32>,
        %get3A_839 = vector.shape_cast %get3A_838 : vector<1x1x16xf32> to vector<16xf32>
        %mul3A_840 = arith.mulf %get3A_839, %broadcast_in_dim3A_811 : vector<16xf32>
        %add3A_841 = arith.addf %add3A_790, %mul3A_840 : vector<16xf32>
        %add3A_842 = arith.constant 0 : i32
        %add3A_843 = arith.addi %add3A_842, %scan3A_802 : i32
        %get3A_844 = arith.constant 1 : i32
        %get3A_845 = arith.index_cast %get3A_844 : i32 to index
        %get3A_846 = arith.index_cast %add3A_843 : i32 to index
        %get3A_847 = arith.constant 48 : index
        %get3A_848 = tpu.vector_load %arg8[%get3A_845, %get3A_846, %get3A_847] {strides = array<i32>} : memref<4x100x64xf32, #tpu.memory_space<vmem>>, vector<1x1x16xf32>,
        %get3A_849 = vector.shape_cast %get3A_848 : vector<1x1x16xf32> to vector<16xf32>
        %mul3A_850 = arith.mulf %get3A_849, %broadcast_in_dim3A_811 : vector<16xf32>
        %add3A_851 = arith.addf %add3A_800, %mul3A_850 : vector<16xf32>
        %scan3A_852 = arith.constant 4 : i32
        %scan3A_853 = arith.addi %scan3A_648, %scan3A_852 : i32
        %add3A_854 = arith.constant 0 : i32
        %add3A_855 = arith.addi %mul3A_256, %add3A_854 : i32
        %add3A_856 = arith.addi %add3A_855, %scan3A_853 : i32
        %get3A_857 = arith.index_cast %add3A_856 : i32 to index
        %get3A_858 = tpu.vector_load %arg7[%get3A_857] {strides = array<i32>} : memref<25616xf32, #tpu.memory_space<vmem>>, vector<16xf32>,
        %get3A_859 = vector.shape_cast %get3A_858 : vector<16xf32> to vector<16xf32>
        %slice3A_860 = vector.extract_strided_slice %get3A_859 {offsets = [0], sizes = [1], strides = [1]} : vector<16xf32> to vector<1xf32>
        %squeeze3A_861 = vector.extract %slice3A_860[0] : f32 from vector<1xf32>
        %broadcast_in_dim3A_862 = vector.broadcast %squeeze3A_861 : f32 to vector<16xf32>
        %add3A_863 = arith.constant 0 : i32
        %add3A_864 = arith.addi %add3A_863, %scan3A_853 : i32
        %get3A_865 = arith.constant 1 : i32
        %get3A_866 = arith.index_cast %get3A_865 : i32 to index
        %get3A_867 = arith.index_cast %add3A_864 : i32 to index
        %get3A_868 = arith.constant 0 : index
        %get3A_869 = tpu.vector_load %arg8[%get3A_866, %get3A_867, %get3A_868] {strides = array<i32>} : memref<4x100x64xf32, #tpu.memory_space<vmem>>, vector<1x1x16xf32>,
        %get3A_870 = vector.shape_cast %get3A_869 : vector<1x1x16xf32> to vector<16xf32>
        %mul3A_871 = arith.mulf %get3A_870, %broadcast_in_dim3A_862 : vector<16xf32>
        %add3A_872 = arith.addf %add3A_821, %mul3A_871 : vector<16xf32>
        %add3A_873 = arith.constant 0 : i32
        %add3A_874 = arith.addi %add3A_873, %scan3A_853 : i32
        %get3A_875 = arith.constant 1 : i32
        %get3A_876 = arith.index_cast %get3A_875 : i32 to index
        %get3A_877 = arith.index_cast %add3A_874 : i32 to index
        %get3A_878 = arith.constant 16 : index
        %get3A_879 = tpu.vector_load %arg8[%get3A_876, %get3A_877, %get3A_878] {strides = array<i32>} : memref<4x100x64xf32, #tpu.memory_space<vmem>>, vector<1x1x16xf32>,
        %get3A_880 = vector.shape_cast %get3A_879 : vector<1x1x16xf32> to vector<16xf32>
        %mul3A_881 = arith.mulf %get3A_880, %broadcast_in_dim3A_862 : vector<16xf32>
        %add3A_882 = arith.addf %add3A_831, %mul3A_881 : vector<16xf32>
        %add3A_883 = arith.constant 0 : i32
        %add3A_884 = arith.addi %add3A_883, %scan3A_853 : i32
        %get3A_885 = arith.constant 1 : i32
        %get3A_886 = arith.index_cast %get3A_885 : i32 to index
        %get3A_887 = arith.index_cast %add3A_884 : i32 to index
        %get3A_888 = arith.constant 32 : index
        %get3A_889 = tpu.vector_load %arg8[%get3A_886, %get3A_887, %get3A_888] {strides = array<i32>} : memref<4x100x64xf32, #tpu.memory_space<vmem>>, vector<1x1x16xf32>,
        %get3A_890 = vector.shape_cast %get3A_889 : vector<1x1x16xf32> to vector<16xf32>
        %mul3A_891 = arith.mulf %get3A_890, %broadcast_in_dim3A_862 : vector<16xf32>
        %add3A_892 = arith.addf %add3A_841, %mul3A_891 : vector<16xf32>
        %add3A_893 = arith.constant 0 : i32
        %add3A_894 = arith.addi %add3A_893, %scan3A_853 : i32
        %get3A_895 = arith.constant 1 : i32
        %get3A_896 = arith.index_cast %get3A_895 : i32 to index
        %get3A_897 = arith.index_cast %add3A_894 : i32 to index
        %get3A_898 = arith.constant 48 : index
        %get3A_899 = tpu.vector_load %arg8[%get3A_896, %get3A_897, %get3A_898] {strides = array<i32>} : memref<4x100x64xf32, #tpu.memory_space<vmem>>, vector<1x1x16xf32>,
        %get3A_900 = vector.shape_cast %get3A_899 : vector<1x1x16xf32> to vector<16xf32>
        %mul3A_901 = arith.mulf %get3A_900, %broadcast_in_dim3A_862 : vector<16xf32>
        %add3A_902 = arith.addf %add3A_851, %mul3A_901 : vector<16xf32>
        %scan3A_903 = arith.constant 5 : i32
        %scan3A_904 = arith.addi %scan3A_648, %scan3A_903 : i32
        %add3A_905 = arith.constant 0 : i32
        %add3A_906 = arith.addi %mul3A_256, %add3A_905 : i32
        %add3A_907 = arith.addi %add3A_906, %scan3A_904 : i32
        %get3A_908 = arith.index_cast %add3A_907 : i32 to index
        %get3A_909 = tpu.vector_load %arg7[%get3A_908] {strides = array<i32>} : memref<25616xf32, #tpu.memory_space<vmem>>, vector<16xf32>,
        %get3A_910 = vector.shape_cast %get3A_909 : vector<16xf32> to vector<16xf32>
        %slice3A_911 = vector.extract_strided_slice %get3A_910 {offsets = [0], sizes = [1], strides = [1]} : vector<16xf32> to vector<1xf32>
        %squeeze3A_912 = vector.extract %slice3A_911[0] : f32 from vector<1xf32>
        %broadcast_in_dim3A_913 = vector.broadcast %squeeze3A_912 : f32 to vector<16xf32>
        %add3A_914 = arith.constant 0 : i32
        %add3A_915 = arith.addi %add3A_914, %scan3A_904 : i32
        %get3A_916 = arith.constant 1 : i32
        %get3A_917 = arith.index_cast %get3A_916 : i32 to index
        %get3A_918 = arith.index_cast %add3A_915 : i32 to index
        %get3A_919 = arith.constant 0 : index
        %get3A_920 = tpu.vector_load %arg8[%get3A_917, %get3A_918, %get3A_919] {strides = array<i32>} : memref<4x100x64xf32, #tpu.memory_space<vmem>>, vector<1x1x16xf32>,
        %get3A_921 = vector.shape_cast %get3A_920 : vector<1x1x16xf32> to vector<16xf32>
        %mul3A_922 = arith.mulf %get3A_921, %broadcast_in_dim3A_913 : vector<16xf32>
        %add3A_923 = arith.addf %add3A_872, %mul3A_922 : vector<16xf32>
        %add3A_924 = arith.constant 0 : i32
        %add3A_925 = arith.addi %add3A_924, %scan3A_904 : i32
        %get3A_926 = arith.constant 1 : i32
        %get3A_927 = arith.index_cast %get3A_926 : i32 to index
        %get3A_928 = arith.index_cast %add3A_925 : i32 to index
        %get3A_929 = arith.constant 16 : index
        %get3A_930 = tpu.vector_load %arg8[%get3A_927, %get3A_928, %get3A_929] {strides = array<i32>} : memref<4x100x64xf32, #tpu.memory_space<vmem>>, vector<1x1x16xf32>,
        %get3A_931 = vector.shape_cast %get3A_930 : vector<1x1x16xf32> to vector<16xf32>
        %mul3A_932 = arith.mulf %get3A_931, %broadcast_in_dim3A_913 : vector<16xf32>
        %add3A_933 = arith.addf %add3A_882, %mul3A_932 : vector<16xf32>
        %add3A_934 = arith.constant 0 : i32
        %add3A_935 = arith.addi %add3A_934, %scan3A_904 : i32
        %get3A_936 = arith.constant 1 : i32
        %get3A_937 = arith.index_cast %get3A_936 : i32 to index
        %get3A_938 = arith.index_cast %add3A_935 : i32 to index
        %get3A_939 = arith.constant 32 : index
        %get3A_940 = tpu.vector_load %arg8[%get3A_937, %get3A_938, %get3A_939] {strides = array<i32>} : memref<4x100x64xf32, #tpu.memory_space<vmem>>, vector<1x1x16xf32>,
        %get3A_941 = vector.shape_cast %get3A_940 : vector<1x1x16xf32> to vector<16xf32>
        %mul3A_942 = arith.mulf %get3A_941, %broadcast_in_dim3A_913 : vector<16xf32>
        %add3A_943 = arith.addf %add3A_892, %mul3A_942 : vector<16xf32>
        %add3A_944 = arith.constant 0 : i32
        %add3A_945 = arith.addi %add3A_944, %scan3A_904 : i32
        %get3A_946 = arith.constant 1 : i32
        %get3A_947 = arith.index_cast %get3A_946 : i32 to index
        %get3A_948 = arith.index_cast %add3A_945 : i32 to index
        %get3A_949 = arith.constant 48 : index
        %get3A_950 = tpu.vector_load %arg8[%get3A_947, %get3A_948, %get3A_949] {strides = array<i32>} : memref<4x100x64xf32, #tpu.memory_space<vmem>>, vector<1x1x16xf32>,
        %get3A_951 = vector.shape_cast %get3A_950 : vector<1x1x16xf32> to vector<16xf32>
        %mul3A_952 = arith.mulf %get3A_951, %broadcast_in_dim3A_913 : vector<16xf32>
        %add3A_953 = arith.addf %add3A_902, %mul3A_952 : vector<16xf32>
        %scan3A_954 = arith.constant 6 : i32
        %scan3A_955 = arith.addi %scan3A_648, %scan3A_954 : i32
        %add3A_956 = arith.constant 0 : i32
        %add3A_957 = arith.addi %mul3A_256, %add3A_956 : i32
        %add3A_958 = arith.addi %add3A_957, %scan3A_955 : i32
        %get3A_959 = arith.index_cast %add3A_958 : i32 to index
        %get3A_960 = tpu.vector_load %arg7[%get3A_959] {strides = array<i32>} : memref<25616xf32, #tpu.memory_space<vmem>>, vector<16xf32>,
        %get3A_961 = vector.shape_cast %get3A_960 : vector<16xf32> to vector<16xf32>
        %slice3A_962 = vector.extract_strided_slice %get3A_961 {offsets = [0], sizes = [1], strides = [1]} : vector<16xf32> to vector<1xf32>
        %squeeze3A_963 = vector.extract %slice3A_962[0] : f32 from vector<1xf32>
        %broadcast_in_dim3A_964 = vector.broadcast %squeeze3A_963 : f32 to vector<16xf32>
        %add3A_965 = arith.constant 0 : i32
        %add3A_966 = arith.addi %add3A_965, %scan3A_955 : i32
        %get3A_967 = arith.constant 1 : i32
        %get3A_968 = arith.index_cast %get3A_967 : i32 to index
        %get3A_969 = arith.index_cast %add3A_966 : i32 to index
        %get3A_970 = arith.constant 0 : index
        %get3A_971 = tpu.vector_load %arg8[%get3A_968, %get3A_969, %get3A_970] {strides = array<i32>} : memref<4x100x64xf32, #tpu.memory_space<vmem>>, vector<1x1x16xf32>,
        %get3A_972 = vector.shape_cast %get3A_971 : vector<1x1x16xf32> to vector<16xf32>
        %mul3A_973 = arith.mulf %get3A_972, %broadcast_in_dim3A_964 : vector<16xf32>
        %add3A_974 = arith.addf %add3A_923, %mul3A_973 : vector<16xf32>
        %add3A_975 = arith.constant 0 : i32
        %add3A_976 = arith.addi %add3A_975, %scan3A_955 : i32
        %get3A_977 = arith.constant 1 : i32
        %get3A_978 = arith.index_cast %get3A_977 : i32 to index
        %get3A_979 = arith.index_cast %add3A_976 : i32 to index
        %get3A_980 = arith.constant 16 : index
        %get3A_981 = tpu.vector_load %arg8[%get3A_978, %get3A_979, %get3A_980] {strides = array<i32>} : memref<4x100x64xf32, #tpu.memory_space<vmem>>, vector<1x1x16xf32>,
        %get3A_982 = vector.shape_cast %get3A_981 : vector<1x1x16xf32> to vector<16xf32>
        %mul3A_983 = arith.mulf %get3A_982, %broadcast_in_dim3A_964 : vector<16xf32>
        %add3A_984 = arith.addf %add3A_933, %mul3A_983 : vector<16xf32>
        %add3A_985 = arith.constant 0 : i32
        %add3A_986 = arith.addi %add3A_985, %scan3A_955 : i32
        %get3A_987 = arith.constant 1 : i32
        %get3A_988 = arith.index_cast %get3A_987 : i32 to index
        %get3A_989 = arith.index_cast %add3A_986 : i32 to index
        %get3A_990 = arith.constant 32 : index
        %get3A_991 = tpu.vector_load %arg8[%get3A_988, %get3A_989, %get3A_990] {strides = array<i32>} : memref<4x100x64xf32, #tpu.memory_space<vmem>>, vector<1x1x16xf32>,
        %get3A_992 = vector.shape_cast %get3A_991 : vector<1x1x16xf32> to vector<16xf32>
        %mul3A_993 = arith.mulf %get3A_992, %broadcast_in_dim3A_964 : vector<16xf32>
        %add3A_994 = arith.addf %add3A_943, %mul3A_993 : vector<16xf32>
        %add3A_995 = arith.constant 0 : i32
        %add3A_996 = arith.addi %add3A_995, %scan3A_955 : i32
        %get3A_997 = arith.constant 1 : i32
        %get3A_998 = arith.index_cast %get3A_997 : i32 to index
        %get3A_999 = arith.index_cast %add3A_996 : i32 to index
        %get3A_1000 = arith.constant 48 : index
        %get3A_1001 = tpu.vector_load %arg8[%get3A_998, %get3A_999, %get3A_1000] {strides = array<i32>} : memref<4x100x64xf32, #tpu.memory_space<vmem>>, vector<1x1x16xf32>,
        %get3A_1002 = vector.shape_cast %get3A_1001 : vector<1x1x16xf32> to vector<16xf32>
        %mul3A_1003 = arith.mulf %get3A_1002, %broadcast_in_dim3A_964 : vector<16xf32>
        %add3A_1004 = arith.addf %add3A_953, %mul3A_1003 : vector<16xf32>
        %scan3A_1005 = arith.constant 7 : i32
        %scan3A_1006 = arith.addi %scan3A_648, %scan3A_1005 : i32
        %add3A_1007 = arith.constant 0 : i32
        %add3A_1008 = arith.addi %mul3A_256, %add3A_1007 : i32
        %add3A_1009 = arith.addi %add3A_1008, %scan3A_1006 : i32
        %get3A_1010 = arith.index_cast %add3A_1009 : i32 to index
        %get3A_1011 = tpu.vector_load %arg7[%get3A_1010] {strides = array<i32>} : memref<25616xf32, #tpu.memory_space<vmem>>, vector<16xf32>,
        %get3A_1012 = vector.shape_cast %get3A_1011 : vector<16xf32> to vector<16xf32>
        %slice3A_1013 = vector.extract_strided_slice %get3A_1012 {offsets = [0], sizes = [1], strides = [1]} : vector<16xf32> to vector<1xf32>
        %squeeze3A_1014 = vector.extract %slice3A_1013[0] : f32 from vector<1xf32>
        %broadcast_in_dim3A_1015 = vector.broadcast %squeeze3A_1014 : f32 to vector<16xf32>
        %add3A_1016 = arith.constant 0 : i32
        %add3A_1017 = arith.addi %add3A_1016, %scan3A_1006 : i32
        %get3A_1018 = arith.constant 1 : i32
        %get3A_1019 = arith.index_cast %get3A_1018 : i32 to index
        %get3A_1020 = arith.index_cast %add3A_1017 : i32 to index
        %get3A_1021 = arith.constant 0 : index
        %get3A_1022 = tpu.vector_load %arg8[%get3A_1019, %get3A_1020, %get3A_1021] {strides = array<i32>} : memref<4x100x64xf32, #tpu.memory_space<vmem>>, vector<1x1x16xf32>,
        %get3A_1023 = vector.shape_cast %get3A_1022 : vector<1x1x16xf32> to vector<16xf32>
        %mul3A_1024 = arith.mulf %get3A_1023, %broadcast_in_dim3A_1015 : vector<16xf32>
        %add3A_1025 = arith.addf %add3A_974, %mul3A_1024 : vector<16xf32>
        %add3A_1026 = arith.constant 0 : i32
        %add3A_1027 = arith.addi %add3A_1026, %scan3A_1006 : i32
        %get3A_1028 = arith.constant 1 : i32
        %get3A_1029 = arith.index_cast %get3A_1028 : i32 to index
        %get3A_1030 = arith.index_cast %add3A_1027 : i32 to index
        %get3A_1031 = arith.constant 16 : index
        %get3A_1032 = tpu.vector_load %arg8[%get3A_1029, %get3A_1030, %get3A_1031] {strides = array<i32>} : memref<4x100x64xf32, #tpu.memory_space<vmem>>, vector<1x1x16xf32>,
        %get3A_1033 = vector.shape_cast %get3A_1032 : vector<1x1x16xf32> to vector<16xf32>
        %mul3A_1034 = arith.mulf %get3A_1033, %broadcast_in_dim3A_1015 : vector<16xf32>
        %add3A_1035 = arith.addf %add3A_984, %mul3A_1034 : vector<16xf32>
        %add3A_1036 = arith.constant 0 : i32
        %add3A_1037 = arith.addi %add3A_1036, %scan3A_1006 : i32
        %get3A_1038 = arith.constant 1 : i32
        %get3A_1039 = arith.index_cast %get3A_1038 : i32 to index
        %get3A_1040 = arith.index_cast %add3A_1037 : i32 to index
        %get3A_1041 = arith.constant 32 : index
        %get3A_1042 = tpu.vector_load %arg8[%get3A_1039, %get3A_1040, %get3A_1041] {strides = array<i32>} : memref<4x100x64xf32, #tpu.memory_space<vmem>>, vector<1x1x16xf32>,
        %get3A_1043 = vector.shape_cast %get3A_1042 : vector<1x1x16xf32> to vector<16xf32>
        %mul3A_1044 = arith.mulf %get3A_1043, %broadcast_in_dim3A_1015 : vector<16xf32>
        %add3A_1045 = arith.addf %add3A_994, %mul3A_1044 : vector<16xf32>
        %add3A_1046 = arith.constant 0 : i32
        %add3A_1047 = arith.addi %add3A_1046, %scan3A_1006 : i32
        %get3A_1048 = arith.constant 1 : i32
        %get3A_1049 = arith.index_cast %get3A_1048 : i32 to index
        %get3A_1050 = arith.index_cast %add3A_1047 : i32 to index
        %get3A_1051 = arith.constant 48 : index
        %get3A_1052 = tpu.vector_load %arg8[%get3A_1049, %get3A_1050, %get3A_1051] {strides = array<i32>} : memref<4x100x64xf32, #tpu.memory_space<vmem>>, vector<1x1x16xf32>,
        %get3A_1053 = vector.shape_cast %get3A_1052 : vector<1x1x16xf32> to vector<16xf32>
        %mul3A_1054 = arith.mulf %get3A_1053, %broadcast_in_dim3A_1015 : vector<16xf32>
        %add3A_1055 = arith.addf %add3A_1004, %mul3A_1054 : vector<16xf32>
        %scan3A_1056 = arith.constant 8 : i32
        %scan3A_1057 = arith.addi %scan3A_648, %scan3A_1056 : i32
        %add3A_1058 = arith.constant 0 : i32
        %add3A_1059 = arith.addi %mul3A_256, %add3A_1058 : i32
        %add3A_1060 = arith.addi %add3A_1059, %scan3A_1057 : i32
        %get3A_1061 = arith.index_cast %add3A_1060 : i32 to index
        %get3A_1062 = tpu.vector_load %arg7[%get3A_1061] {strides = array<i32>} : memref<25616xf32, #tpu.memory_space<vmem>>, vector<16xf32>,
        %get3A_1063 = vector.shape_cast %get3A_1062 : vector<16xf32> to vector<16xf32>
        %slice3A_1064 = vector.extract_strided_slice %get3A_1063 {offsets = [0], sizes = [1], strides = [1]} : vector<16xf32> to vector<1xf32>
        %squeeze3A_1065 = vector.extract %slice3A_1064[0] : f32 from vector<1xf32>
        %broadcast_in_dim3A_1066 = vector.broadcast %squeeze3A_1065 : f32 to vector<16xf32>
        %add3A_1067 = arith.constant 0 : i32
        %add3A_1068 = arith.addi %add3A_1067, %scan3A_1057 : i32
        %get3A_1069 = arith.constant 1 : i32
        %get3A_1070 = arith.index_cast %get3A_1069 : i32 to index
        %get3A_1071 = arith.index_cast %add3A_1068 : i32 to index
        %get3A_1072 = arith.constant 0 : index
        %get3A_1073 = tpu.vector_load %arg8[%get3A_1070, %get3A_1071, %get3A_1072] {strides = array<i32>} : memref<4x100x64xf32, #tpu.memory_space<vmem>>, vector<1x1x16xf32>,
        %get3A_1074 = vector.shape_cast %get3A_1073 : vector<1x1x16xf32> to vector<16xf32>
        %mul3A_1075 = arith.mulf %get3A_1074, %broadcast_in_dim3A_1066 : vector<16xf32>
        %add3A_1076 = arith.addf %add3A_1025, %mul3A_1075 : vector<16xf32>
        %add3A_1077 = arith.constant 0 : i32
        %add3A_1078 = arith.addi %add3A_1077, %scan3A_1057 : i32
        %get3A_1079 = arith.constant 1 : i32
        %get3A_1080 = arith.index_cast %get3A_1079 : i32 to index
        %get3A_1081 = arith.index_cast %add3A_1078 : i32 to index
        %get3A_1082 = arith.constant 16 : index
        %get3A_1083 = tpu.vector_load %arg8[%get3A_1080, %get3A_1081, %get3A_1082] {strides = array<i32>} : memref<4x100x64xf32, #tpu.memory_space<vmem>>, vector<1x1x16xf32>,
        %get3A_1084 = vector.shape_cast %get3A_1083 : vector<1x1x16xf32> to vector<16xf32>
        %mul3A_1085 = arith.mulf %get3A_1084, %broadcast_in_dim3A_1066 : vector<16xf32>
        %add3A_1086 = arith.addf %add3A_1035, %mul3A_1085 : vector<16xf32>
        %add3A_1087 = arith.constant 0 : i32
        %add3A_1088 = arith.addi %add3A_1087, %scan3A_1057 : i32
        %get3A_1089 = arith.constant 1 : i32
        %get3A_1090 = arith.index_cast %get3A_1089 : i32 to index
        %get3A_1091 = arith.index_cast %add3A_1088 : i32 to index
        %get3A_1092 = arith.constant 32 : index
        %get3A_1093 = tpu.vector_load %arg8[%get3A_1090, %get3A_1091, %get3A_1092] {strides = array<i32>} : memref<4x100x64xf32, #tpu.memory_space<vmem>>, vector<1x1x16xf32>,
        %get3A_1094 = vector.shape_cast %get3A_1093 : vector<1x1x16xf32> to vector<16xf32>
        %mul3A_1095 = arith.mulf %get3A_1094, %broadcast_in_dim3A_1066 : vector<16xf32>
        %add3A_1096 = arith.addf %add3A_1045, %mul3A_1095 : vector<16xf32>
        %add3A_1097 = arith.constant 0 : i32
        %add3A_1098 = arith.addi %add3A_1097, %scan3A_1057 : i32
        %get3A_1099 = arith.constant 1 : i32
        %get3A_1100 = arith.index_cast %get3A_1099 : i32 to index
        %get3A_1101 = arith.index_cast %add3A_1098 : i32 to index
        %get3A_1102 = arith.constant 48 : index
        %get3A_1103 = tpu.vector_load %arg8[%get3A_1100, %get3A_1101, %get3A_1102] {strides = array<i32>} : memref<4x100x64xf32, #tpu.memory_space<vmem>>, vector<1x1x16xf32>,
        %get3A_1104 = vector.shape_cast %get3A_1103 : vector<1x1x16xf32> to vector<16xf32>
        %mul3A_1105 = arith.mulf %get3A_1104, %broadcast_in_dim3A_1066 : vector<16xf32>
        %add3A_1106 = arith.addf %add3A_1055, %mul3A_1105 : vector<16xf32>
        %scan3A_1107 = arith.constant 9 : i32
        %scan3A_1108 = arith.addi %scan3A_648, %scan3A_1107 : i32
        %add3A_1109 = arith.constant 0 : i32
        %add3A_1110 = arith.addi %mul3A_256, %add3A_1109 : i32
        %add3A_1111 = arith.addi %add3A_1110, %scan3A_1108 : i32
        %get3A_1112 = arith.index_cast %add3A_1111 : i32 to index
        %get3A_1113 = tpu.vector_load %arg7[%get3A_1112] {strides = array<i32>} : memref<25616xf32, #tpu.memory_space<vmem>>, vector<16xf32>,
        %get3A_1114 = vector.shape_cast %get3A_1113 : vector<16xf32> to vector<16xf32>
        %slice3A_1115 = vector.extract_strided_slice %get3A_1114 {offsets = [0], sizes = [1], strides = [1]} : vector<16xf32> to vector<1xf32>
        %squeeze3A_1116 = vector.extract %slice3A_1115[0] : f32 from vector<1xf32>
        %broadcast_in_dim3A_1117 = vector.broadcast %squeeze3A_1116 : f32 to vector<16xf32>
        %add3A_1118 = arith.constant 0 : i32
        %add3A_1119 = arith.addi %add3A_1118, %scan3A_1108 : i32
        %get3A_1120 = arith.constant 1 : i32
        %get3A_1121 = arith.index_cast %get3A_1120 : i32 to index
        %get3A_1122 = arith.index_cast %add3A_1119 : i32 to index
        %get3A_1123 = arith.constant 0 : index
        %get3A_1124 = tpu.vector_load %arg8[%get3A_1121, %get3A_1122, %get3A_1123] {strides = array<i32>} : memref<4x100x64xf32, #tpu.memory_space<vmem>>, vector<1x1x16xf32>,
        %get3A_1125 = vector.shape_cast %get3A_1124 : vector<1x1x16xf32> to vector<16xf32>
        %mul3A_1126 = arith.mulf %get3A_1125, %broadcast_in_dim3A_1117 : vector<16xf32>
        %add3A_1127 = arith.addf %add3A_1076, %mul3A_1126 : vector<16xf32>
        %add3A_1128 = arith.constant 0 : i32
        %add3A_1129 = arith.addi %add3A_1128, %scan3A_1108 : i32
        %get3A_1130 = arith.constant 1 : i32
        %get3A_1131 = arith.index_cast %get3A_1130 : i32 to index
        %get3A_1132 = arith.index_cast %add3A_1129 : i32 to index
        %get3A_1133 = arith.constant 16 : index
        %get3A_1134 = tpu.vector_load %arg8[%get3A_1131, %get3A_1132, %get3A_1133] {strides = array<i32>} : memref<4x100x64xf32, #tpu.memory_space<vmem>>, vector<1x1x16xf32>,
        %get3A_1135 = vector.shape_cast %get3A_1134 : vector<1x1x16xf32> to vector<16xf32>
        %mul3A_1136 = arith.mulf %get3A_1135, %broadcast_in_dim3A_1117 : vector<16xf32>
        %add3A_1137 = arith.addf %add3A_1086, %mul3A_1136 : vector<16xf32>
        %add3A_1138 = arith.constant 0 : i32
        %add3A_1139 = arith.addi %add3A_1138, %scan3A_1108 : i32
        %get3A_1140 = arith.constant 1 : i32
        %get3A_1141 = arith.index_cast %get3A_1140 : i32 to index
        %get3A_1142 = arith.index_cast %add3A_1139 : i32 to index
        %get3A_1143 = arith.constant 32 : index
        %get3A_1144 = tpu.vector_load %arg8[%get3A_1141, %get3A_1142, %get3A_1143] {strides = array<i32>} : memref<4x100x64xf32, #tpu.memory_space<vmem>>, vector<1x1x16xf32>,
        %get3A_1145 = vector.shape_cast %get3A_1144 : vector<1x1x16xf32> to vector<16xf32>
        %mul3A_1146 = arith.mulf %get3A_1145, %broadcast_in_dim3A_1117 : vector<16xf32>
        %add3A_1147 = arith.addf %add3A_1096, %mul3A_1146 : vector<16xf32>
        %add3A_1148 = arith.constant 0 : i32
        %add3A_1149 = arith.addi %add3A_1148, %scan3A_1108 : i32
        %get3A_1150 = arith.constant 1 : i32
        %get3A_1151 = arith.index_cast %get3A_1150 : i32 to index
        %get3A_1152 = arith.index_cast %add3A_1149 : i32 to index
        %get3A_1153 = arith.constant 48 : index
        %get3A_1154 = tpu.vector_load %arg8[%get3A_1151, %get3A_1152, %get3A_1153] {strides = array<i32>} : memref<4x100x64xf32, #tpu.memory_space<vmem>>, vector<1x1x16xf32>,
        %get3A_1155 = vector.shape_cast %get3A_1154 : vector<1x1x16xf32> to vector<16xf32>
        %mul3A_1156 = arith.mulf %get3A_1155, %broadcast_in_dim3A_1117 : vector<16xf32>
        %add3A_1157 = arith.addf %add3A_1106, %mul3A_1156 : vector<16xf32>
        scf.yield %add3A_1127, %add3A_1137, %add3A_1147, %add3A_1157 : vector<16xf32>, vector<16xf32>, vector<16xf32>, vector<16xf32>
      }
      %scan3A_270 = arith.constant 50 : i32
      %swap3A_271 = arith.constant 1 : i32
      %swap3A_272 = arith.constant 0 : i32
      %swap3A_273 = arith.index_cast %swap3A_271 : i32 to index
      %swap3A_274 = arith.index_cast %swap3A_272 : i32 to index
      %swap3A_275 = arith.constant 0 : index
      %swap3A_276 = tpu.vector_load %arg9[%swap3A_273, %swap3A_274, %swap3A_275] {strides = array<i32>} : memref<4x2x64xf32, #tpu.memory_space<vmem>>, vector<1x1x16xf32>,
      %swap3A_277 = vector.shape_cast %swap3A_276 : vector<1x1x16xf32> to vector<16xf32>
      %swap3A_278 = vector.shape_cast %scan3A_269#0 : vector<16xf32> to vector<1x1x16xf32>
      tpu.vector_store %arg9[%swap3A_273, %swap3A_274, %swap3A_275], %swap3A_278 {strides = array<i32>} : memref<4x2x64xf32, #tpu.memory_space<vmem>>, vector<1x1x16xf32>,
      %swap3A_279 = arith.constant 1 : i32
      %swap3A_280 = arith.constant 0 : i32
      %swap3A_281 = arith.index_cast %swap3A_279 : i32 to index
      %swap3A_282 = arith.index_cast %swap3A_280 : i32 to index
      %swap3A_283 = arith.constant 16 : index
      %swap3A_284 = tpu.vector_load %arg9[%swap3A_281, %swap3A_282, %swap3A_283] {strides = array<i32>} : memref<4x2x64xf32, #tpu.memory_space<vmem>>, vector<1x1x16xf32>,
      %swap3A_285 = vector.shape_cast %swap3A_284 : vector<1x1x16xf32> to vector<16xf32>
      %swap3A_286 = vector.shape_cast %scan3A_269#1 : vector<16xf32> to vector<1x1x16xf32>
      tpu.vector_store %arg9[%swap3A_281, %swap3A_282, %swap3A_283], %swap3A_286 {strides = array<i32>} : memref<4x2x64xf32, #tpu.memory_space<vmem>>, vector<1x1x16xf32>,
      %swap3A_287 = arith.constant 1 : i32
      %swap3A_288 = arith.constant 0 : i32
      %swap3A_289 = arith.index_cast %swap3A_287 : i32 to index
      %swap3A_290 = arith.index_cast %swap3A_288 : i32 to index
      %swap3A_291 = arith.constant 32 : index
      %swap3A_292 = tpu.vector_load %arg9[%swap3A_289, %swap3A_290, %swap3A_291] {strides = array<i32>} : memref<4x2x64xf32, #tpu.memory_space<vmem>>, vector<1x1x16xf32>,
      %swap3A_293 = vector.shape_cast %swap3A_292 : vector<1x1x16xf32> to vector<16xf32>
      %swap3A_294 = vector.shape_cast %scan3A_269#2 : vector<16xf32> to vector<1x1x16xf32>
      tpu.vector_store %arg9[%swap3A_289, %swap3A_290, %swap3A_291], %swap3A_294 {strides = array<i32>} : memref<4x2x64xf32, #tpu.memory_space<vmem>>, vector<1x1x16xf32>,
      %swap3A_295 = arith.constant 1 : i32
      %swap3A_296 = arith.constant 0 : i32
      %swap3A_297 = arith.index_cast %swap3A_295 : i32 to index
      %swap3A_298 = arith.index_cast %swap3A_296 : i32 to index
      %swap3A_299 = arith.constant 48 : index
      %swap3A_300 = tpu.vector_load %arg9[%swap3A_297, %swap3A_298, %swap3A_299] {strides = array<i32>} : memref<4x2x64xf32, #tpu.memory_space<vmem>>, vector<1x1x16xf32>,
      %swap3A_301 = vector.shape_cast %swap3A_300 : vector<1x1x16xf32> to vector<16xf32>
      %swap3A_302 = vector.shape_cast %scan3A_269#3 : vector<16xf32> to vector<1x1x16xf32>
      tpu.vector_store %arg9[%swap3A_297, %swap3A_298, %swap3A_299], %swap3A_302 {strides = array<i32>} : memref<4x2x64xf32, #tpu.memory_space<vmem>>, vector<1x1x16xf32>,
      %broadcast_in_dim3A_303 = arith.constant 0.000000e+00 : f32
      %broadcast_in_dim3A_304 = vector.broadcast %broadcast_in_dim3A_303 : f32 to vector<16xf32>
      %broadcast_in_dim3A_305 = arith.constant 0.000000e+00 : f32
      %broadcast_in_dim3A_306 = vector.broadcast %broadcast_in_dim3A_305 : f32 to vector<16xf32>
      %broadcast_in_dim3A_307 = arith.constant 0.000000e+00 : f32
      %broadcast_in_dim3A_308 = vector.broadcast %broadcast_in_dim3A_307 : f32 to vector<16xf32>
      %broadcast_in_dim3A_309 = arith.constant 0.000000e+00 : f32
      %broadcast_in_dim3A_310 = vector.broadcast %broadcast_in_dim3A_309 : f32 to vector<16xf32>
      %scan3A_311 = arith.constant 0 : i32
      %scan3A_312 = arith.constant 50 : i32
      %scan3A_313 = arith.addi %scan3A_311, %scan3A_312 : i32
      %scan3A_314 = arith.constant 10 : i32
      %scan3A_315:4 = scf.for %scan3A_648 = %scan3A_311 to %scan3A_313 step %scan3A_314 iter_args(%scan3A_649 = %broadcast_in_dim3A_304, %scan3A_650 = %broadcast_in_dim3A_306, %scan3A_651 = %broadcast_in_dim3A_308, %scan3A_652 = %broadcast_in_dim3A_310) -> (vector<16xf32>, vector<16xf32>, vector<16xf32>, vector<16xf32>)  : i32 {
        %add3A_653 = arith.constant 50 : i32
        %add3A_654 = arith.addi %mul3A_256, %add3A_653 : i32
        %add3A_655 = arith.addi %add3A_654, %scan3A_648 : i32
        %get3A = arith.index_cast %add3A_655 : i32 to index
        %get3A_656 = tpu.vector_load %arg7[%get3A] {strides = array<i32>} : memref<25616xf32, #tpu.memory_space<vmem>>, vector<16xf32>,
        %get3A_657 = vector.shape_cast %get3A_656 : vector<16xf32> to vector<16xf32>
        %slice3A = vector.extract_strided_slice %get3A_657 {offsets = [0], sizes = [1], strides = [1]} : vector<16xf32> to vector<1xf32>
        %squeeze3A = vector.extract %slice3A[0] : f32 from vector<1xf32>
        %broadcast_in_dim3A_658 = vector.broadcast %squeeze3A : f32 to vector<16xf32>
        %add3A_659 = arith.constant 50 : i32
        %add3A_660 = arith.addi %add3A_659, %scan3A_648 : i32
        %get3A_661 = arith.constant 1 : i32
        %get3A_662 = arith.index_cast %get3A_661 : i32 to index
        %get3A_663 = arith.index_cast %add3A_660 : i32 to index
        %get3A_664 = arith.constant 0 : index
        %get3A_665 = tpu.vector_load %arg8[%get3A_662, %get3A_663, %get3A_664] {strides = array<i32>} : memref<4x100x64xf32, #tpu.memory_space<vmem>>, vector<1x1x16xf32>,
        %get3A_666 = vector.shape_cast %get3A_665 : vector<1x1x16xf32> to vector<16xf32>
        %mul3A_667 = arith.mulf %get3A_666, %broadcast_in_dim3A_658 : vector<16xf32>
        %add3A_668 = arith.addf %scan3A_649, %mul3A_667 : vector<16xf32>
        %add3A_669 = arith.constant 50 : i32
        %add3A_670 = arith.addi %add3A_669, %scan3A_648 : i32
        %get3A_671 = arith.constant 1 : i32
        %get3A_672 = arith.index_cast %get3A_671 : i32 to index
        %get3A_673 = arith.index_cast %add3A_670 : i32 to index
        %get3A_674 = arith.constant 16 : index
        %get3A_675 = tpu.vector_load %arg8[%get3A_672, %get3A_673, %get3A_674] {strides = array<i32>} : memref<4x100x64xf32, #tpu.memory_space<vmem>>, vector<1x1x16xf32>,
        %get3A_676 = vector.shape_cast %get3A_675 : vector<1x1x16xf32> to vector<16xf32>
        %mul3A_677 = arith.mulf %get3A_676, %broadcast_in_dim3A_658 : vector<16xf32>
        %add3A_678 = arith.addf %scan3A_650, %mul3A_677 : vector<16xf32>
        %add3A_679 = arith.constant 50 : i32
        %add3A_680 = arith.addi %add3A_679, %scan3A_648 : i32
        %get3A_681 = arith.constant 1 : i32
        %get3A_682 = arith.index_cast %get3A_681 : i32 to index
        %get3A_683 = arith.index_cast %add3A_680 : i32 to index
        %get3A_684 = arith.constant 32 : index
        %get3A_685 = tpu.vector_load %arg8[%get3A_682, %get3A_683, %get3A_684] {strides = array<i32>} : memref<4x100x64xf32, #tpu.memory_space<vmem>>, vector<1x1x16xf32>,
        %get3A_686 = vector.shape_cast %get3A_685 : vector<1x1x16xf32> to vector<16xf32>
        %mul3A_687 = arith.mulf %get3A_686, %broadcast_in_dim3A_658 : vector<16xf32>
        %add3A_688 = arith.addf %scan3A_651, %mul3A_687 : vector<16xf32>
        %add3A_689 = arith.constant 50 : i32
        %add3A_690 = arith.addi %add3A_689, %scan3A_648 : i32
        %get3A_691 = arith.constant 1 : i32
        %get3A_692 = arith.index_cast %get3A_691 : i32 to index
        %get3A_693 = arith.index_cast %add3A_690 : i32 to index
        %get3A_694 = arith.constant 48 : index
        %get3A_695 = tpu.vector_load %arg8[%get3A_692, %get3A_693, %get3A_694] {strides = array<i32>} : memref<4x100x64xf32, #tpu.memory_space<vmem>>, vector<1x1x16xf32>,
        %get3A_696 = vector.shape_cast %get3A_695 : vector<1x1x16xf32> to vector<16xf32>
        %mul3A_697 = arith.mulf %get3A_696, %broadcast_in_dim3A_658 : vector<16xf32>
        %add3A_698 = arith.addf %scan3A_652, %mul3A_697 : vector<16xf32>
        %scan3A_699 = arith.constant 1 : i32
        %scan3A_700 = arith.addi %scan3A_648, %scan3A_699 : i32
        %add3A_701 = arith.constant 50 : i32
        %add3A_702 = arith.addi %mul3A_256, %add3A_701 : i32
        %add3A_703 = arith.addi %add3A_702, %scan3A_700 : i32
        %get3A_704 = arith.index_cast %add3A_703 : i32 to index
        %get3A_705 = tpu.vector_load %arg7[%get3A_704] {strides = array<i32>} : memref<25616xf32, #tpu.memory_space<vmem>>, vector<16xf32>,
        %get3A_706 = vector.shape_cast %get3A_705 : vector<16xf32> to vector<16xf32>
        %slice3A_707 = vector.extract_strided_slice %get3A_706 {offsets = [0], sizes = [1], strides = [1]} : vector<16xf32> to vector<1xf32>
        %squeeze3A_708 = vector.extract %slice3A_707[0] : f32 from vector<1xf32>
        %broadcast_in_dim3A_709 = vector.broadcast %squeeze3A_708 : f32 to vector<16xf32>
        %add3A_710 = arith.constant 50 : i32
        %add3A_711 = arith.addi %add3A_710, %scan3A_700 : i32
        %get3A_712 = arith.constant 1 : i32
        %get3A_713 = arith.index_cast %get3A_712 : i32 to index
        %get3A_714 = arith.index_cast %add3A_711 : i32 to index
        %get3A_715 = arith.constant 0 : index
        %get3A_716 = tpu.vector_load %arg8[%get3A_713, %get3A_714, %get3A_715] {strides = array<i32>} : memref<4x100x64xf32, #tpu.memory_space<vmem>>, vector<1x1x16xf32>,
        %get3A_717 = vector.shape_cast %get3A_716 : vector<1x1x16xf32> to vector<16xf32>
        %mul3A_718 = arith.mulf %get3A_717, %broadcast_in_dim3A_709 : vector<16xf32>
        %add3A_719 = arith.addf %add3A_668, %mul3A_718 : vector<16xf32>
        %add3A_720 = arith.constant 50 : i32
        %add3A_721 = arith.addi %add3A_720, %scan3A_700 : i32
        %get3A_722 = arith.constant 1 : i32
        %get3A_723 = arith.index_cast %get3A_722 : i32 to index
        %get3A_724 = arith.index_cast %add3A_721 : i32 to index
        %get3A_725 = arith.constant 16 : index
        %get3A_726 = tpu.vector_load %arg8[%get3A_723, %get3A_724, %get3A_725] {strides = array<i32>} : memref<4x100x64xf32, #tpu.memory_space<vmem>>, vector<1x1x16xf32>,
        %get3A_727 = vector.shape_cast %get3A_726 : vector<1x1x16xf32> to vector<16xf32>
        %mul3A_728 = arith.mulf %get3A_727, %broadcast_in_dim3A_709 : vector<16xf32>
        %add3A_729 = arith.addf %add3A_678, %mul3A_728 : vector<16xf32>
        %add3A_730 = arith.constant 50 : i32
        %add3A_731 = arith.addi %add3A_730, %scan3A_700 : i32
        %get3A_732 = arith.constant 1 : i32
        %get3A_733 = arith.index_cast %get3A_732 : i32 to index
        %get3A_734 = arith.index_cast %add3A_731 : i32 to index
        %get3A_735 = arith.constant 32 : index
        %get3A_736 = tpu.vector_load %arg8[%get3A_733, %get3A_734, %get3A_735] {strides = array<i32>} : memref<4x100x64xf32, #tpu.memory_space<vmem>>, vector<1x1x16xf32>,
        %get3A_737 = vector.shape_cast %get3A_736 : vector<1x1x16xf32> to vector<16xf32>
        %mul3A_738 = arith.mulf %get3A_737, %broadcast_in_dim3A_709 : vector<16xf32>
        %add3A_739 = arith.addf %add3A_688, %mul3A_738 : vector<16xf32>
        %add3A_740 = arith.constant 50 : i32
        %add3A_741 = arith.addi %add3A_740, %scan3A_700 : i32
        %get3A_742 = arith.constant 1 : i32
        %get3A_743 = arith.index_cast %get3A_742 : i32 to index
        %get3A_744 = arith.index_cast %add3A_741 : i32 to index
        %get3A_745 = arith.constant 48 : index
        %get3A_746 = tpu.vector_load %arg8[%get3A_743, %get3A_744, %get3A_745] {strides = array<i32>} : memref<4x100x64xf32, #tpu.memory_space<vmem>>, vector<1x1x16xf32>,
        %get3A_747 = vector.shape_cast %get3A_746 : vector<1x1x16xf32> to vector<16xf32>
        %mul3A_748 = arith.mulf %get3A_747, %broadcast_in_dim3A_709 : vector<16xf32>
        %add3A_749 = arith.addf %add3A_698, %mul3A_748 : vector<16xf32>
        %scan3A_750 = arith.constant 2 : i32
        %scan3A_751 = arith.addi %scan3A_648, %scan3A_750 : i32
        %add3A_752 = arith.constant 50 : i32
        %add3A_753 = arith.addi %mul3A_256, %add3A_752 : i32
        %add3A_754 = arith.addi %add3A_753, %scan3A_751 : i32
        %get3A_755 = arith.index_cast %add3A_754 : i32 to index
        %get3A_756 = tpu.vector_load %arg7[%get3A_755] {strides = array<i32>} : memref<25616xf32, #tpu.memory_space<vmem>>, vector<16xf32>,
        %get3A_757 = vector.shape_cast %get3A_756 : vector<16xf32> to vector<16xf32>
        %slice3A_758 = vector.extract_strided_slice %get3A_757 {offsets = [0], sizes = [1], strides = [1]} : vector<16xf32> to vector<1xf32>
        %squeeze3A_759 = vector.extract %slice3A_758[0] : f32 from vector<1xf32>
        %broadcast_in_dim3A_760 = vector.broadcast %squeeze3A_759 : f32 to vector<16xf32>
        %add3A_761 = arith.constant 50 : i32
        %add3A_762 = arith.addi %add3A_761, %scan3A_751 : i32
        %get3A_763 = arith.constant 1 : i32
        %get3A_764 = arith.index_cast %get3A_763 : i32 to index
        %get3A_765 = arith.index_cast %add3A_762 : i32 to index
        %get3A_766 = arith.constant 0 : index
        %get3A_767 = tpu.vector_load %arg8[%get3A_764, %get3A_765, %get3A_766] {strides = array<i32>} : memref<4x100x64xf32, #tpu.memory_space<vmem>>, vector<1x1x16xf32>,
        %get3A_768 = vector.shape_cast %get3A_767 : vector<1x1x16xf32> to vector<16xf32>
        %mul3A_769 = arith.mulf %get3A_768, %broadcast_in_dim3A_760 : vector<16xf32>
        %add3A_770 = arith.addf %add3A_719, %mul3A_769 : vector<16xf32>
        %add3A_771 = arith.constant 50 : i32
        %add3A_772 = arith.addi %add3A_771, %scan3A_751 : i32
        %get3A_773 = arith.constant 1 : i32
        %get3A_774 = arith.index_cast %get3A_773 : i32 to index
        %get3A_775 = arith.index_cast %add3A_772 : i32 to index
        %get3A_776 = arith.constant 16 : index
        %get3A_777 = tpu.vector_load %arg8[%get3A_774, %get3A_775, %get3A_776] {strides = array<i32>} : memref<4x100x64xf32, #tpu.memory_space<vmem>>, vector<1x1x16xf32>,
        %get3A_778 = vector.shape_cast %get3A_777 : vector<1x1x16xf32> to vector<16xf32>
        %mul3A_779 = arith.mulf %get3A_778, %broadcast_in_dim3A_760 : vector<16xf32>
        %add3A_780 = arith.addf %add3A_729, %mul3A_779 : vector<16xf32>
        %add3A_781 = arith.constant 50 : i32
        %add3A_782 = arith.addi %add3A_781, %scan3A_751 : i32
        %get3A_783 = arith.constant 1 : i32
        %get3A_784 = arith.index_cast %get3A_783 : i32 to index
        %get3A_785 = arith.index_cast %add3A_782 : i32 to index
        %get3A_786 = arith.constant 32 : index
        %get3A_787 = tpu.vector_load %arg8[%get3A_784, %get3A_785, %get3A_786] {strides = array<i32>} : memref<4x100x64xf32, #tpu.memory_space<vmem>>, vector<1x1x16xf32>,
        %get3A_788 = vector.shape_cast %get3A_787 : vector<1x1x16xf32> to vector<16xf32>
        %mul3A_789 = arith.mulf %get3A_788, %broadcast_in_dim3A_760 : vector<16xf32>
        %add3A_790 = arith.addf %add3A_739, %mul3A_789 : vector<16xf32>
        %add3A_791 = arith.constant 50 : i32
        %add3A_792 = arith.addi %add3A_791, %scan3A_751 : i32
        %get3A_793 = arith.constant 1 : i32
        %get3A_794 = arith.index_cast %get3A_793 : i32 to index
        %get3A_795 = arith.index_cast %add3A_792 : i32 to index
        %get3A_796 = arith.constant 48 : index
        %get3A_797 = tpu.vector_load %arg8[%get3A_794, %get3A_795, %get3A_796] {strides = array<i32>} : memref<4x100x64xf32, #tpu.memory_space<vmem>>, vector<1x1x16xf32>,
        %get3A_798 = vector.shape_cast %get3A_797 : vector<1x1x16xf32> to vector<16xf32>
        %mul3A_799 = arith.mulf %get3A_798, %broadcast_in_dim3A_760 : vector<16xf32>
        %add3A_800 = arith.addf %add3A_749, %mul3A_799 : vector<16xf32>
        %scan3A_801 = arith.constant 3 : i32
        %scan3A_802 = arith.addi %scan3A_648, %scan3A_801 : i32
        %add3A_803 = arith.constant 50 : i32
        %add3A_804 = arith.addi %mul3A_256, %add3A_803 : i32
        %add3A_805 = arith.addi %add3A_804, %scan3A_802 : i32
        %get3A_806 = arith.index_cast %add3A_805 : i32 to index
        %get3A_807 = tpu.vector_load %arg7[%get3A_806] {strides = array<i32>} : memref<25616xf32, #tpu.memory_space<vmem>>, vector<16xf32>,
        %get3A_808 = vector.shape_cast %get3A_807 : vector<16xf32> to vector<16xf32>
        %slice3A_809 = vector.extract_strided_slice %get3A_808 {offsets = [0], sizes = [1], strides = [1]} : vector<16xf32> to vector<1xf32>
        %squeeze3A_810 = vector.extract %slice3A_809[0] : f32 from vector<1xf32>
        %broadcast_in_dim3A_811 = vector.broadcast %squeeze3A_810 : f32 to vector<16xf32>
        %add3A_812 = arith.constant 50 : i32
        %add3A_813 = arith.addi %add3A_812, %scan3A_802 : i32
        %get3A_814 = arith.constant 1 : i32
        %get3A_815 = arith.index_cast %get3A_814 : i32 to index
        %get3A_816 = arith.index_cast %add3A_813 : i32 to index
        %get3A_817 = arith.constant 0 : index
        %get3A_818 = tpu.vector_load %arg8[%get3A_815, %get3A_816, %get3A_817] {strides = array<i32>} : memref<4x100x64xf32, #tpu.memory_space<vmem>>, vector<1x1x16xf32>,
        %get3A_819 = vector.shape_cast %get3A_818 : vector<1x1x16xf32> to vector<16xf32>
        %mul3A_820 = arith.mulf %get3A_819, %broadcast_in_dim3A_811 : vector<16xf32>
        %add3A_821 = arith.addf %add3A_770, %mul3A_820 : vector<16xf32>
        %add3A_822 = arith.constant 50 : i32
        %add3A_823 = arith.addi %add3A_822, %scan3A_802 : i32
        %get3A_824 = arith.constant 1 : i32
        %get3A_825 = arith.index_cast %get3A_824 : i32 to index
        %get3A_826 = arith.index_cast %add3A_823 : i32 to index
        %get3A_827 = arith.constant 16 : index
        %get3A_828 = tpu.vector_load %arg8[%get3A_825, %get3A_826, %get3A_827] {strides = array<i32>} : memref<4x100x64xf32, #tpu.memory_space<vmem>>, vector<1x1x16xf32>,
        %get3A_829 = vector.shape_cast %get3A_828 : vector<1x1x16xf32> to vector<16xf32>
        %mul3A_830 = arith.mulf %get3A_829, %broadcast_in_dim3A_811 : vector<16xf32>
        %add3A_831 = arith.addf %add3A_780, %mul3A_830 : vector<16xf32>
        %add3A_832 = arith.constant 50 : i32
        %add3A_833 = arith.addi %add3A_832, %scan3A_802 : i32
        %get3A_834 = arith.constant 1 : i32
        %get3A_835 = arith.index_cast %get3A_834 : i32 to index
        %get3A_836 = arith.index_cast %add3A_833 : i32 to index
        %get3A_837 = arith.constant 32 : index
        %get3A_838 = tpu.vector_load %arg8[%get3A_835, %get3A_836, %get3A_837] {strides = array<i32>} : memref<4x100x64xf32, #tpu.memory_space<vmem>>, vector<1x1x16xf32>,
        %get3A_839 = vector.shape_cast %get3A_838 : vector<1x1x16xf32> to vector<16xf32>
        %mul3A_840 = arith.mulf %get3A_839, %broadcast_in_dim3A_811 : vector<16xf32>
        %add3A_841 = arith.addf %add3A_790, %mul3A_840 : vector<16xf32>
        %add3A_842 = arith.constant 50 : i32
        %add3A_843 = arith.addi %add3A_842, %scan3A_802 : i32
        %get3A_844 = arith.constant 1 : i32
        %get3A_845 = arith.index_cast %get3A_844 : i32 to index
        %get3A_846 = arith.index_cast %add3A_843 : i32 to index
        %get3A_847 = arith.constant 48 : index
        %get3A_848 = tpu.vector_load %arg8[%get3A_845, %get3A_846, %get3A_847] {strides = array<i32>} : memref<4x100x64xf32, #tpu.memory_space<vmem>>, vector<1x1x16xf32>,
        %get3A_849 = vector.shape_cast %get3A_848 : vector<1x1x16xf32> to vector<16xf32>
        %mul3A_850 = arith.mulf %get3A_849, %broadcast_in_dim3A_811 : vector<16xf32>
        %add3A_851 = arith.addf %add3A_800, %mul3A_850 : vector<16xf32>
        %scan3A_852 = arith.constant 4 : i32
        %scan3A_853 = arith.addi %scan3A_648, %scan3A_852 : i32
        %add3A_854 = arith.constant 50 : i32
        %add3A_855 = arith.addi %mul3A_256, %add3A_854 : i32
        %add3A_856 = arith.addi %add3A_855, %scan3A_853 : i32
        %get3A_857 = arith.index_cast %add3A_856 : i32 to index
        %get3A_858 = tpu.vector_load %arg7[%get3A_857] {strides = array<i32>} : memref<25616xf32, #tpu.memory_space<vmem>>, vector<16xf32>,
        %get3A_859 = vector.shape_cast %get3A_858 : vector<16xf32> to vector<16xf32>
        %slice3A_860 = vector.extract_strided_slice %get3A_859 {offsets = [0], sizes = [1], strides = [1]} : vector<16xf32> to vector<1xf32>
        %squeeze3A_861 = vector.extract %slice3A_860[0] : f32 from vector<1xf32>
        %broadcast_in_dim3A_862 = vector.broadcast %squeeze3A_861 : f32 to vector<16xf32>
        %add3A_863 = arith.constant 50 : i32
        %add3A_864 = arith.addi %add3A_863, %scan3A_853 : i32
        %get3A_865 = arith.constant 1 : i32
        %get3A_866 = arith.index_cast %get3A_865 : i32 to index
        %get3A_867 = arith.index_cast %add3A_864 : i32 to index
        %get3A_868 = arith.constant 0 : index
        %get3A_869 = tpu.vector_load %arg8[%get3A_866, %get3A_867, %get3A_868] {strides = array<i32>} : memref<4x100x64xf32, #tpu.memory_space<vmem>>, vector<1x1x16xf32>,
        %get3A_870 = vector.shape_cast %get3A_869 : vector<1x1x16xf32> to vector<16xf32>
        %mul3A_871 = arith.mulf %get3A_870, %broadcast_in_dim3A_862 : vector<16xf32>
        %add3A_872 = arith.addf %add3A_821, %mul3A_871 : vector<16xf32>
        %add3A_873 = arith.constant 50 : i32
        %add3A_874 = arith.addi %add3A_873, %scan3A_853 : i32
        %get3A_875 = arith.constant 1 : i32
        %get3A_876 = arith.index_cast %get3A_875 : i32 to index
        %get3A_877 = arith.index_cast %add3A_874 : i32 to index
        %get3A_878 = arith.constant 16 : index
        %get3A_879 = tpu.vector_load %arg8[%get3A_876, %get3A_877, %get3A_878] {strides = array<i32>} : memref<4x100x64xf32, #tpu.memory_space<vmem>>, vector<1x1x16xf32>,
        %get3A_880 = vector.shape_cast %get3A_879 : vector<1x1x16xf32> to vector<16xf32>
        %mul3A_881 = arith.mulf %get3A_880, %broadcast_in_dim3A_862 : vector<16xf32>
        %add3A_882 = arith.addf %add3A_831, %mul3A_881 : vector<16xf32>
        %add3A_883 = arith.constant 50 : i32
        %add3A_884 = arith.addi %add3A_883, %scan3A_853 : i32
        %get3A_885 = arith.constant 1 : i32
        %get3A_886 = arith.index_cast %get3A_885 : i32 to index
        %get3A_887 = arith.index_cast %add3A_884 : i32 to index
        %get3A_888 = arith.constant 32 : index
        %get3A_889 = tpu.vector_load %arg8[%get3A_886, %get3A_887, %get3A_888] {strides = array<i32>} : memref<4x100x64xf32, #tpu.memory_space<vmem>>, vector<1x1x16xf32>,
        %get3A_890 = vector.shape_cast %get3A_889 : vector<1x1x16xf32> to vector<16xf32>
        %mul3A_891 = arith.mulf %get3A_890, %broadcast_in_dim3A_862 : vector<16xf32>
        %add3A_892 = arith.addf %add3A_841, %mul3A_891 : vector<16xf32>
        %add3A_893 = arith.constant 50 : i32
        %add3A_894 = arith.addi %add3A_893, %scan3A_853 : i32
        %get3A_895 = arith.constant 1 : i32
        %get3A_896 = arith.index_cast %get3A_895 : i32 to index
        %get3A_897 = arith.index_cast %add3A_894 : i32 to index
        %get3A_898 = arith.constant 48 : index
        %get3A_899 = tpu.vector_load %arg8[%get3A_896, %get3A_897, %get3A_898] {strides = array<i32>} : memref<4x100x64xf32, #tpu.memory_space<vmem>>, vector<1x1x16xf32>,
        %get3A_900 = vector.shape_cast %get3A_899 : vector<1x1x16xf32> to vector<16xf32>
        %mul3A_901 = arith.mulf %get3A_900, %broadcast_in_dim3A_862 : vector<16xf32>
        %add3A_902 = arith.addf %add3A_851, %mul3A_901 : vector<16xf32>
        %scan3A_903 = arith.constant 5 : i32
        %scan3A_904 = arith.addi %scan3A_648, %scan3A_903 : i32
        %add3A_905 = arith.constant 50 : i32
        %add3A_906 = arith.addi %mul3A_256, %add3A_905 : i32
        %add3A_907 = arith.addi %add3A_906, %scan3A_904 : i32
        %get3A_908 = arith.index_cast %add3A_907 : i32 to index
        %get3A_909 = tpu.vector_load %arg7[%get3A_908] {strides = array<i32>} : memref<25616xf32, #tpu.memory_space<vmem>>, vector<16xf32>,
        %get3A_910 = vector.shape_cast %get3A_909 : vector<16xf32> to vector<16xf32>
        %slice3A_911 = vector.extract_strided_slice %get3A_910 {offsets = [0], sizes = [1], strides = [1]} : vector<16xf32> to vector<1xf32>
        %squeeze3A_912 = vector.extract %slice3A_911[0] : f32 from vector<1xf32>
        %broadcast_in_dim3A_913 = vector.broadcast %squeeze3A_912 : f32 to vector<16xf32>
        %add3A_914 = arith.constant 50 : i32
        %add3A_915 = arith.addi %add3A_914, %scan3A_904 : i32
        %get3A_916 = arith.constant 1 : i32
        %get3A_917 = arith.index_cast %get3A_916 : i32 to index
        %get3A_918 = arith.index_cast %add3A_915 : i32 to index
        %get3A_919 = arith.constant 0 : index
        %get3A_920 = tpu.vector_load %arg8[%get3A_917, %get3A_918, %get3A_919] {strides = array<i32>} : memref<4x100x64xf32, #tpu.memory_space<vmem>>, vector<1x1x16xf32>,
        %get3A_921 = vector.shape_cast %get3A_920 : vector<1x1x16xf32> to vector<16xf32>
        %mul3A_922 = arith.mulf %get3A_921, %broadcast_in_dim3A_913 : vector<16xf32>
        %add3A_923 = arith.addf %add3A_872, %mul3A_922 : vector<16xf32>
        %add3A_924 = arith.constant 50 : i32
        %add3A_925 = arith.addi %add3A_924, %scan3A_904 : i32
        %get3A_926 = arith.constant 1 : i32
        %get3A_927 = arith.index_cast %get3A_926 : i32 to index
        %get3A_928 = arith.index_cast %add3A_925 : i32 to index
        %get3A_929 = arith.constant 16 : index
        %get3A_930 = tpu.vector_load %arg8[%get3A_927, %get3A_928, %get3A_929] {strides = array<i32>} : memref<4x100x64xf32, #tpu.memory_space<vmem>>, vector<1x1x16xf32>,
        %get3A_931 = vector.shape_cast %get3A_930 : vector<1x1x16xf32> to vector<16xf32>
        %mul3A_932 = arith.mulf %get3A_931, %broadcast_in_dim3A_913 : vector<16xf32>
        %add3A_933 = arith.addf %add3A_882, %mul3A_932 : vector<16xf32>
        %add3A_934 = arith.constant 50 : i32
        %add3A_935 = arith.addi %add3A_934, %scan3A_904 : i32
        %get3A_936 = arith.constant 1 : i32
        %get3A_937 = arith.index_cast %get3A_936 : i32 to index
        %get3A_938 = arith.index_cast %add3A_935 : i32 to index
        %get3A_939 = arith.constant 32 : index
        %get3A_940 = tpu.vector_load %arg8[%get3A_937, %get3A_938, %get3A_939] {strides = array<i32>} : memref<4x100x64xf32, #tpu.memory_space<vmem>>, vector<1x1x16xf32>,
        %get3A_941 = vector.shape_cast %get3A_940 : vector<1x1x16xf32> to vector<16xf32>
        %mul3A_942 = arith.mulf %get3A_941, %broadcast_in_dim3A_913 : vector<16xf32>
        %add3A_943 = arith.addf %add3A_892, %mul3A_942 : vector<16xf32>
        %add3A_944 = arith.constant 50 : i32
        %add3A_945 = arith.addi %add3A_944, %scan3A_904 : i32
        %get3A_946 = arith.constant 1 : i32
        %get3A_947 = arith.index_cast %get3A_946 : i32 to index
        %get3A_948 = arith.index_cast %add3A_945 : i32 to index
        %get3A_949 = arith.constant 48 : index
        %get3A_950 = tpu.vector_load %arg8[%get3A_947, %get3A_948, %get3A_949] {strides = array<i32>} : memref<4x100x64xf32, #tpu.memory_space<vmem>>, vector<1x1x16xf32>,
        %get3A_951 = vector.shape_cast %get3A_950 : vector<1x1x16xf32> to vector<16xf32>
        %mul3A_952 = arith.mulf %get3A_951, %broadcast_in_dim3A_913 : vector<16xf32>
        %add3A_953 = arith.addf %add3A_902, %mul3A_952 : vector<16xf32>
        %scan3A_954 = arith.constant 6 : i32
        %scan3A_955 = arith.addi %scan3A_648, %scan3A_954 : i32
        %add3A_956 = arith.constant 50 : i32
        %add3A_957 = arith.addi %mul3A_256, %add3A_956 : i32
        %add3A_958 = arith.addi %add3A_957, %scan3A_955 : i32
        %get3A_959 = arith.index_cast %add3A_958 : i32 to index
        %get3A_960 = tpu.vector_load %arg7[%get3A_959] {strides = array<i32>} : memref<25616xf32, #tpu.memory_space<vmem>>, vector<16xf32>,
        %get3A_961 = vector.shape_cast %get3A_960 : vector<16xf32> to vector<16xf32>
        %slice3A_962 = vector.extract_strided_slice %get3A_961 {offsets = [0], sizes = [1], strides = [1]} : vector<16xf32> to vector<1xf32>
        %squeeze3A_963 = vector.extract %slice3A_962[0] : f32 from vector<1xf32>
        %broadcast_in_dim3A_964 = vector.broadcast %squeeze3A_963 : f32 to vector<16xf32>
        %add3A_965 = arith.constant 50 : i32
        %add3A_966 = arith.addi %add3A_965, %scan3A_955 : i32
        %get3A_967 = arith.constant 1 : i32
        %get3A_968 = arith.index_cast %get3A_967 : i32 to index
        %get3A_969 = arith.index_cast %add3A_966 : i32 to index
        %get3A_970 = arith.constant 0 : index
        %get3A_971 = tpu.vector_load %arg8[%get3A_968, %get3A_969, %get3A_970] {strides = array<i32>} : memref<4x100x64xf32, #tpu.memory_space<vmem>>, vector<1x1x16xf32>,
        %get3A_972 = vector.shape_cast %get3A_971 : vector<1x1x16xf32> to vector<16xf32>
        %mul3A_973 = arith.mulf %get3A_972, %broadcast_in_dim3A_964 : vector<16xf32>
        %add3A_974 = arith.addf %add3A_923, %mul3A_973 : vector<16xf32>
        %add3A_975 = arith.constant 50 : i32
        %add3A_976 = arith.addi %add3A_975, %scan3A_955 : i32
        %get3A_977 = arith.constant 1 : i32
        %get3A_978 = arith.index_cast %get3A_977 : i32 to index
        %get3A_979 = arith.index_cast %add3A_976 : i32 to index
        %get3A_980 = arith.constant 16 : index
        %get3A_981 = tpu.vector_load %arg8[%get3A_978, %get3A_979, %get3A_980] {strides = array<i32>} : memref<4x100x64xf32, #tpu.memory_space<vmem>>, vector<1x1x16xf32>,
        %get3A_982 = vector.shape_cast %get3A_981 : vector<1x1x16xf32> to vector<16xf32>
        %mul3A_983 = arith.mulf %get3A_982, %broadcast_in_dim3A_964 : vector<16xf32>
        %add3A_984 = arith.addf %add3A_933, %mul3A_983 : vector<16xf32>
        %add3A_985 = arith.constant 50 : i32
        %add3A_986 = arith.addi %add3A_985, %scan3A_955 : i32
        %get3A_987 = arith.constant 1 : i32
        %get3A_988 = arith.index_cast %get3A_987 : i32 to index
        %get3A_989 = arith.index_cast %add3A_986 : i32 to index
        %get3A_990 = arith.constant 32 : index
        %get3A_991 = tpu.vector_load %arg8[%get3A_988, %get3A_989, %get3A_990] {strides = array<i32>} : memref<4x100x64xf32, #tpu.memory_space<vmem>>, vector<1x1x16xf32>,
        %get3A_992 = vector.shape_cast %get3A_991 : vector<1x1x16xf32> to vector<16xf32>
        %mul3A_993 = arith.mulf %get3A_992, %broadcast_in_dim3A_964 : vector<16xf32>
        %add3A_994 = arith.addf %add3A_943, %mul3A_993 : vector<16xf32>
        %add3A_995 = arith.constant 50 : i32
        %add3A_996 = arith.addi %add3A_995, %scan3A_955 : i32
        %get3A_997 = arith.constant 1 : i32
        %get3A_998 = arith.index_cast %get3A_997 : i32 to index
        %get3A_999 = arith.index_cast %add3A_996 : i32 to index
        %get3A_1000 = arith.constant 48 : index
        %get3A_1001 = tpu.vector_load %arg8[%get3A_998, %get3A_999, %get3A_1000] {strides = array<i32>} : memref<4x100x64xf32, #tpu.memory_space<vmem>>, vector<1x1x16xf32>,
        %get3A_1002 = vector.shape_cast %get3A_1001 : vector<1x1x16xf32> to vector<16xf32>
        %mul3A_1003 = arith.mulf %get3A_1002, %broadcast_in_dim3A_964 : vector<16xf32>
        %add3A_1004 = arith.addf %add3A_953, %mul3A_1003 : vector<16xf32>
        %scan3A_1005 = arith.constant 7 : i32
        %scan3A_1006 = arith.addi %scan3A_648, %scan3A_1005 : i32
        %add3A_1007 = arith.constant 50 : i32
        %add3A_1008 = arith.addi %mul3A_256, %add3A_1007 : i32
        %add3A_1009 = arith.addi %add3A_1008, %scan3A_1006 : i32
        %get3A_1010 = arith.index_cast %add3A_1009 : i32 to index
        %get3A_1011 = tpu.vector_load %arg7[%get3A_1010] {strides = array<i32>} : memref<25616xf32, #tpu.memory_space<vmem>>, vector<16xf32>,
        %get3A_1012 = vector.shape_cast %get3A_1011 : vector<16xf32> to vector<16xf32>
        %slice3A_1013 = vector.extract_strided_slice %get3A_1012 {offsets = [0], sizes = [1], strides = [1]} : vector<16xf32> to vector<1xf32>
        %squeeze3A_1014 = vector.extract %slice3A_1013[0] : f32 from vector<1xf32>
        %broadcast_in_dim3A_1015 = vector.broadcast %squeeze3A_1014 : f32 to vector<16xf32>
        %add3A_1016 = arith.constant 50 : i32
        %add3A_1017 = arith.addi %add3A_1016, %scan3A_1006 : i32
        %get3A_1018 = arith.constant 1 : i32
        %get3A_1019 = arith.index_cast %get3A_1018 : i32 to index
        %get3A_1020 = arith.index_cast %add3A_1017 : i32 to index
        %get3A_1021 = arith.constant 0 : index
        %get3A_1022 = tpu.vector_load %arg8[%get3A_1019, %get3A_1020, %get3A_1021] {strides = array<i32>} : memref<4x100x64xf32, #tpu.memory_space<vmem>>, vector<1x1x16xf32>,
        %get3A_1023 = vector.shape_cast %get3A_1022 : vector<1x1x16xf32> to vector<16xf32>
        %mul3A_1024 = arith.mulf %get3A_1023, %broadcast_in_dim3A_1015 : vector<16xf32>
        %add3A_1025 = arith.addf %add3A_974, %mul3A_1024 : vector<16xf32>
        %add3A_1026 = arith.constant 50 : i32
        %add3A_1027 = arith.addi %add3A_1026, %scan3A_1006 : i32
        %get3A_1028 = arith.constant 1 : i32
        %get3A_1029 = arith.index_cast %get3A_1028 : i32 to index
        %get3A_1030 = arith.index_cast %add3A_1027 : i32 to index
        %get3A_1031 = arith.constant 16 : index
        %get3A_1032 = tpu.vector_load %arg8[%get3A_1029, %get3A_1030, %get3A_1031] {strides = array<i32>} : memref<4x100x64xf32, #tpu.memory_space<vmem>>, vector<1x1x16xf32>,
        %get3A_1033 = vector.shape_cast %get3A_1032 : vector<1x1x16xf32> to vector<16xf32>
        %mul3A_1034 = arith.mulf %get3A_1033, %broadcast_in_dim3A_1015 : vector<16xf32>
        %add3A_1035 = arith.addf %add3A_984, %mul3A_1034 : vector<16xf32>
        %add3A_1036 = arith.constant 50 : i32
        %add3A_1037 = arith.addi %add3A_1036, %scan3A_1006 : i32
        %get3A_1038 = arith.constant 1 : i32
        %get3A_1039 = arith.index_cast %get3A_1038 : i32 to index
        %get3A_1040 = arith.index_cast %add3A_1037 : i32 to index
        %get3A_1041 = arith.constant 32 : index
        %get3A_1042 = tpu.vector_load %arg8[%get3A_1039, %get3A_1040, %get3A_1041] {strides = array<i32>} : memref<4x100x64xf32, #tpu.memory_space<vmem>>, vector<1x1x16xf32>,
        %get3A_1043 = vector.shape_cast %get3A_1042 : vector<1x1x16xf32> to vector<16xf32>
        %mul3A_1044 = arith.mulf %get3A_1043, %broadcast_in_dim3A_1015 : vector<16xf32>
        %add3A_1045 = arith.addf %add3A_994, %mul3A_1044 : vector<16xf32>
        %add3A_1046 = arith.constant 50 : i32
        %add3A_1047 = arith.addi %add3A_1046, %scan3A_1006 : i32
        %get3A_1048 = arith.constant 1 : i32
        %get3A_1049 = arith.index_cast %get3A_1048 : i32 to index
        %get3A_1050 = arith.index_cast %add3A_1047 : i32 to index
        %get3A_1051 = arith.constant 48 : index
        %get3A_1052 = tpu.vector_load %arg8[%get3A_1049, %get3A_1050, %get3A_1051] {strides = array<i32>} : memref<4x100x64xf32, #tpu.memory_space<vmem>>, vector<1x1x16xf32>,
        %get3A_1053 = vector.shape_cast %get3A_1052 : vector<1x1x16xf32> to vector<16xf32>
        %mul3A_1054 = arith.mulf %get3A_1053, %broadcast_in_dim3A_1015 : vector<16xf32>
        %add3A_1055 = arith.addf %add3A_1004, %mul3A_1054 : vector<16xf32>
        %scan3A_1056 = arith.constant 8 : i32
        %scan3A_1057 = arith.addi %scan3A_648, %scan3A_1056 : i32
        %add3A_1058 = arith.constant 50 : i32
        %add3A_1059 = arith.addi %mul3A_256, %add3A_1058 : i32
        %add3A_1060 = arith.addi %add3A_1059, %scan3A_1057 : i32
        %get3A_1061 = arith.index_cast %add3A_1060 : i32 to index
        %get3A_1062 = tpu.vector_load %arg7[%get3A_1061] {strides = array<i32>} : memref<25616xf32, #tpu.memory_space<vmem>>, vector<16xf32>,
        %get3A_1063 = vector.shape_cast %get3A_1062 : vector<16xf32> to vector<16xf32>
        %slice3A_1064 = vector.extract_strided_slice %get3A_1063 {offsets = [0], sizes = [1], strides = [1]} : vector<16xf32> to vector<1xf32>
        %squeeze3A_1065 = vector.extract %slice3A_1064[0] : f32 from vector<1xf32>
        %broadcast_in_dim3A_1066 = vector.broadcast %squeeze3A_1065 : f32 to vector<16xf32>
        %add3A_1067 = arith.constant 50 : i32
        %add3A_1068 = arith.addi %add3A_1067, %scan3A_1057 : i32
        %get3A_1069 = arith.constant 1 : i32
        %get3A_1070 = arith.index_cast %get3A_1069 : i32 to index
        %get3A_1071 = arith.index_cast %add3A_1068 : i32 to index
        %get3A_1072 = arith.constant 0 : index
        %get3A_1073 = tpu.vector_load %arg8[%get3A_1070, %get3A_1071, %get3A_1072] {strides = array<i32>} : memref<4x100x64xf32, #tpu.memory_space<vmem>>, vector<1x1x16xf32>,
        %get3A_1074 = vector.shape_cast %get3A_1073 : vector<1x1x16xf32> to vector<16xf32>
        %mul3A_1075 = arith.mulf %get3A_1074, %broadcast_in_dim3A_1066 : vector<16xf32>
        %add3A_1076 = arith.addf %add3A_1025, %mul3A_1075 : vector<16xf32>
        %add3A_1077 = arith.constant 50 : i32
        %add3A_1078 = arith.addi %add3A_1077, %scan3A_1057 : i32
        %get3A_1079 = arith.constant 1 : i32
        %get3A_1080 = arith.index_cast %get3A_1079 : i32 to index
        %get3A_1081 = arith.index_cast %add3A_1078 : i32 to index
        %get3A_1082 = arith.constant 16 : index
        %get3A_1083 = tpu.vector_load %arg8[%get3A_1080, %get3A_1081, %get3A_1082] {strides = array<i32>} : memref<4x100x64xf32, #tpu.memory_space<vmem>>, vector<1x1x16xf32>,
        %get3A_1084 = vector.shape_cast %get3A_1083 : vector<1x1x16xf32> to vector<16xf32>
        %mul3A_1085 = arith.mulf %get3A_1084, %broadcast_in_dim3A_1066 : vector<16xf32>
        %add3A_1086 = arith.addf %add3A_1035, %mul3A_1085 : vector<16xf32>
        %add3A_1087 = arith.constant 50 : i32
        %add3A_1088 = arith.addi %add3A_1087, %scan3A_1057 : i32
        %get3A_1089 = arith.constant 1 : i32
        %get3A_1090 = arith.index_cast %get3A_1089 : i32 to index
        %get3A_1091 = arith.index_cast %add3A_1088 : i32 to index
        %get3A_1092 = arith.constant 32 : index
        %get3A_1093 = tpu.vector_load %arg8[%get3A_1090, %get3A_1091, %get3A_1092] {strides = array<i32>} : memref<4x100x64xf32, #tpu.memory_space<vmem>>, vector<1x1x16xf32>,
        %get3A_1094 = vector.shape_cast %get3A_1093 : vector<1x1x16xf32> to vector<16xf32>
        %mul3A_1095 = arith.mulf %get3A_1094, %broadcast_in_dim3A_1066 : vector<16xf32>
        %add3A_1096 = arith.addf %add3A_1045, %mul3A_1095 : vector<16xf32>
        %add3A_1097 = arith.constant 50 : i32
        %add3A_1098 = arith.addi %add3A_1097, %scan3A_1057 : i32
        %get3A_1099 = arith.constant 1 : i32
        %get3A_1100 = arith.index_cast %get3A_1099 : i32 to index
        %get3A_1101 = arith.index_cast %add3A_1098 : i32 to index
        %get3A_1102 = arith.constant 48 : index
        %get3A_1103 = tpu.vector_load %arg8[%get3A_1100, %get3A_1101, %get3A_1102] {strides = array<i32>} : memref<4x100x64xf32, #tpu.memory_space<vmem>>, vector<1x1x16xf32>,
        %get3A_1104 = vector.shape_cast %get3A_1103 : vector<1x1x16xf32> to vector<16xf32>
        %mul3A_1105 = arith.mulf %get3A_1104, %broadcast_in_dim3A_1066 : vector<16xf32>
        %add3A_1106 = arith.addf %add3A_1055, %mul3A_1105 : vector<16xf32>
        %scan3A_1107 = arith.constant 9 : i32
        %scan3A_1108 = arith.addi %scan3A_648, %scan3A_1107 : i32
        %add3A_1109 = arith.constant 50 : i32
        %add3A_1110 = arith.addi %mul3A_256, %add3A_1109 : i32
        %add3A_1111 = arith.addi %add3A_1110, %scan3A_1108 : i32
        %get3A_1112 = arith.index_cast %add3A_1111 : i32 to index
        %get3A_1113 = tpu.vector_load %arg7[%get3A_1112] {strides = array<i32>} : memref<25616xf32, #tpu.memory_space<vmem>>, vector<16xf32>,
        %get3A_1114 = vector.shape_cast %get3A_1113 : vector<16xf32> to vector<16xf32>
        %slice3A_1115 = vector.extract_strided_slice %get3A_1114 {offsets = [0], sizes = [1], strides = [1]} : vector<16xf32> to vector<1xf32>
        %squeeze3A_1116 = vector.extract %slice3A_1115[0] : f32 from vector<1xf32>
        %broadcast_in_dim3A_1117 = vector.broadcast %squeeze3A_1116 : f32 to vector<16xf32>
        %add3A_1118 = arith.constant 50 : i32
        %add3A_1119 = arith.addi %add3A_1118, %scan3A_1108 : i32
        %get3A_1120 = arith.constant 1 : i32
        %get3A_1121 = arith.index_cast %get3A_1120 : i32 to index
        %get3A_1122 = arith.index_cast %add3A_1119 : i32 to index
        %get3A_1123 = arith.constant 0 : index
        %get3A_1124 = tpu.vector_load %arg8[%get3A_1121, %get3A_1122, %get3A_1123] {strides = array<i32>} : memref<4x100x64xf32, #tpu.memory_space<vmem>>, vector<1x1x16xf32>,
        %get3A_1125 = vector.shape_cast %get3A_1124 : vector<1x1x16xf32> to vector<16xf32>
        %mul3A_1126 = arith.mulf %get3A_1125, %broadcast_in_dim3A_1117 : vector<16xf32>
        %add3A_1127 = arith.addf %add3A_1076, %mul3A_1126 : vector<16xf32>
        %add3A_1128 = arith.constant 50 : i32
        %add3A_1129 = arith.addi %add3A_1128, %scan3A_1108 : i32
        %get3A_1130 = arith.constant 1 : i32
        %get3A_1131 = arith.index_cast %get3A_1130 : i32 to index
        %get3A_1132 = arith.index_cast %add3A_1129 : i32 to index
        %get3A_1133 = arith.constant 16 : index
        %get3A_1134 = tpu.vector_load %arg8[%get3A_1131, %get3A_1132, %get3A_1133] {strides = array<i32>} : memref<4x100x64xf32, #tpu.memory_space<vmem>>, vector<1x1x16xf32>,
        %get3A_1135 = vector.shape_cast %get3A_1134 : vector<1x1x16xf32> to vector<16xf32>
        %mul3A_1136 = arith.mulf %get3A_1135, %broadcast_in_dim3A_1117 : vector<16xf32>
        %add3A_1137 = arith.addf %add3A_1086, %mul3A_1136 : vector<16xf32>
        %add3A_1138 = arith.constant 50 : i32
        %add3A_1139 = arith.addi %add3A_1138, %scan3A_1108 : i32
        %get3A_1140 = arith.constant 1 : i32
        %get3A_1141 = arith.index_cast %get3A_1140 : i32 to index
        %get3A_1142 = arith.index_cast %add3A_1139 : i32 to index
        %get3A_1143 = arith.constant 32 : index
        %get3A_1144 = tpu.vector_load %arg8[%get3A_1141, %get3A_1142, %get3A_1143] {strides = array<i32>} : memref<4x100x64xf32, #tpu.memory_space<vmem>>, vector<1x1x16xf32>,
        %get3A_1145 = vector.shape_cast %get3A_1144 : vector<1x1x16xf32> to vector<16xf32>
        %mul3A_1146 = arith.mulf %get3A_1145, %broadcast_in_dim3A_1117 : vector<16xf32>
        %add3A_1147 = arith.addf %add3A_1096, %mul3A_1146 : vector<16xf32>
        %add3A_1148 = arith.constant 50 : i32
        %add3A_1149 = arith.addi %add3A_1148, %scan3A_1108 : i32
        %get3A_1150 = arith.constant 1 : i32
        %get3A_1151 = arith.index_cast %get3A_1150 : i32 to index
        %get3A_1152 = arith.index_cast %add3A_1149 : i32 to index
        %get3A_1153 = arith.constant 48 : index
        %get3A_1154 = tpu.vector_load %arg8[%get3A_1151, %get3A_1152, %get3A_1153] {strides = array<i32>} : memref<4x100x64xf32, #tpu.memory_space<vmem>>, vector<1x1x16xf32>,
        %get3A_1155 = vector.shape_cast %get3A_1154 : vector<1x1x16xf32> to vector<16xf32>
        %mul3A_1156 = arith.mulf %get3A_1155, %broadcast_in_dim3A_1117 : vector<16xf32>
        %add3A_1157 = arith.addf %add3A_1106, %mul3A_1156 : vector<16xf32>
        scf.yield %add3A_1127, %add3A_1137, %add3A_1147, %add3A_1157 : vector<16xf32>, vector<16xf32>, vector<16xf32>, vector<16xf32>
      }
      %scan3A_316 = arith.constant 50 : i32
      %swap3A_317 = arith.constant 1 : i32
      %swap3A_318 = arith.constant 1 : i32
      %swap3A_319 = arith.index_cast %swap3A_317 : i32 to index
      %swap3A_320 = arith.index_cast %swap3A_318 : i32 to index
      %swap3A_321 = arith.constant 0 : index
      %swap3A_322 = tpu.vector_load %arg9[%swap3A_319, %swap3A_320, %swap3A_321] {strides = array<i32>} : memref<4x2x64xf32, #tpu.memory_space<vmem>>, vector<1x1x16xf32>,
      %swap3A_323 = vector.shape_cast %swap3A_322 : vector<1x1x16xf32> to vector<16xf32>
      %swap3A_324 = vector.shape_cast %scan3A_315#0 : vector<16xf32> to vector<1x1x16xf32>
      tpu.vector_store %arg9[%swap3A_319, %swap3A_320, %swap3A_321], %swap3A_324 {strides = array<i32>} : memref<4x2x64xf32, #tpu.memory_space<vmem>>, vector<1x1x16xf32>,
      %swap3A_325 = arith.constant 1 : i32
      %swap3A_326 = arith.constant 1 : i32
      %swap3A_327 = arith.index_cast %swap3A_325 : i32 to index
      %swap3A_328 = arith.index_cast %swap3A_326 : i32 to index
      %swap3A_329 = arith.constant 16 : index
      %swap3A_330 = tpu.vector_load %arg9[%swap3A_327, %swap3A_328, %swap3A_329] {strides = array<i32>} : memref<4x2x64xf32, #tpu.memory_space<vmem>>, vector<1x1x16xf32>,
      %swap3A_331 = vector.shape_cast %swap3A_330 : vector<1x1x16xf32> to vector<16xf32>
      %swap3A_332 = vector.shape_cast %scan3A_315#1 : vector<16xf32> to vector<1x1x16xf32>
      tpu.vector_store %arg9[%swap3A_327, %swap3A_328, %swap3A_329], %swap3A_332 {strides = array<i32>} : memref<4x2x64xf32, #tpu.memory_space<vmem>>, vector<1x1x16xf32>,
      %swap3A_333 = arith.constant 1 : i32
      %swap3A_334 = arith.constant 1 : i32
      %swap3A_335 = arith.index_cast %swap3A_333 : i32 to index
      %swap3A_336 = arith.index_cast %swap3A_334 : i32 to index
      %swap3A_337 = arith.constant 32 : index
      %swap3A_338 = tpu.vector_load %arg9[%swap3A_335, %swap3A_336, %swap3A_337] {strides = array<i32>} : memref<4x2x64xf32, #tpu.memory_space<vmem>>, vector<1x1x16xf32>,
      %swap3A_339 = vector.shape_cast %swap3A_338 : vector<1x1x16xf32> to vector<16xf32>
      %swap3A_340 = vector.shape_cast %scan3A_315#2 : vector<16xf32> to vector<1x1x16xf32>
      tpu.vector_store %arg9[%swap3A_335, %swap3A_336, %swap3A_337], %swap3A_340 {strides = array<i32>} : memref<4x2x64xf32, #tpu.memory_space<vmem>>, vector<1x1x16xf32>,
      %swap3A_341 = arith.constant 1 : i32
      %swap3A_342 = arith.constant 1 : i32
      %swap3A_343 = arith.index_cast %swap3A_341 : i32 to index
      %swap3A_344 = arith.index_cast %swap3A_342 : i32 to index
      %swap3A_345 = arith.constant 48 : index
      %swap3A_346 = tpu.vector_load %arg9[%swap3A_343, %swap3A_344, %swap3A_345] {strides = array<i32>} : memref<4x2x64xf32, #tpu.memory_space<vmem>>, vector<1x1x16xf32>,
      %swap3A_347 = vector.shape_cast %swap3A_346 : vector<1x1x16xf32> to vector<16xf32>
      %swap3A_348 = vector.shape_cast %scan3A_315#3 : vector<16xf32> to vector<1x1x16xf32>
      tpu.vector_store %arg9[%swap3A_343, %swap3A_344, %swap3A_345], %swap3A_348 {strides = array<i32>} : memref<4x2x64xf32, #tpu.memory_space<vmem>>, vector<1x1x16xf32>,
      %add3A_349 = arith.addi %mul3A_2, %add3A_238 : i32
      %mul3A_350 = arith.constant 2 : i32
      %mul3A_351 = arith.muli %add3A_349, %mul3A_350 : i32
      %dma_start3A_352 = arith.constant 1 : i32
      %dma_start3A_353 = arith.constant 0 : i32
      %dma_start3A_354 = arith.constant 0 : i32
      %dma_start3A_355 = tpu.memref_slice %arg9[%dma_start3A_352, %dma_start3A_353, %dma_start3A_354] : memref<4x2x64xf32, #tpu.memory_space<vmem>> -> memref<1x2x64xf32, #tpu.memory_space<vmem>>
      %dma_start3A_356 = tpu.memref_squeeze %dma_start3A_355 : memref<1x2x64xf32, #tpu.memory_space<vmem>> -> memref<2x64xf32, #tpu.memory_space<vmem>>
      %dma_start3A_357 = arith.constant 0 : i32
      %dma_start3A_358 = tpu.memref_slice %arg5[%mul3A_351, %dma_start3A_357] : memref<16384x64xf32, #tpu.memory_space<hbm>> -> memref<2x64xf32, #tpu.memory_space<hbm>>
      %dma_start3A_359 = arith.constant 0 : i32
      %dma_start3A_360 = tpu.memref_slice %arg5[%mul3A_351, %dma_start3A_359] : memref<16384x64xf32, #tpu.memory_space<hbm>> -> memref<2x64xf32, #tpu.memory_space<hbm>>
      %dma_start3A_361 = arith.constant 0 : i32
      %dma_start3A_362 = arith.constant 0 : i32
      %dma_start3A_363 = tpu.memref_slice %arg9[%dma_start3A_352, %dma_start3A_361, %dma_start3A_362] : memref<4x2x64xf32, #tpu.memory_space<vmem>> -> memref<1x2x64xf32, #tpu.memory_space<vmem>>
      %dma_start3A_364 = tpu.memref_squeeze %dma_start3A_363 : memref<1x2x64xf32, #tpu.memory_space<vmem>> -> memref<2x64xf32, #tpu.memory_space<vmem>>
      tpu.enqueue_dma source(%dma_start3A_364 : memref<2x64xf32, #tpu.memory_space<vmem>>) target(%dma_start3A_360 : memref<2x64xf32, #tpu.memory_space<hbm>>) target_semaphore(%arg15 : memref<!tpu.dma_semaphore, #tpu.memory_space<semaphore_mem>>)
      %add3A_365 = arith.constant 4 : i32
      %add3A_366 = arith.addi %add3A_238, %add3A_365 : i32
      %sub3A_367 = arith.constant 1 : i32
      %sub3A_368 = arith.subi %add3A_366, %sub3A_367 : i32
      %lt3A_369 = arith.constant 256 : i32
      %lt3A_370 = arith.cmpi slt, %sub3A_368, %lt3A_369 : i32
      %convert_element_type3A_371 = arith.extui %lt3A_370 : i1 to i32
      %cond3A_372 = arith.constant 0 : i32
      %cond3A_373 = arith.cmpi ne, %convert_element_type3A_371, %cond3A_372 : i32
      scf.if %cond3A_373 {
        %add3A_648 = arith.constant 4 : i32
        %add3A_649 = arith.addi %add3A_238, %add3A_648 : i32
        %sub3A_650 = arith.constant 1 : i32
        %sub3A_651 = arith.subi %add3A_649, %sub3A_650 : i32
        %dma_start3A_652 = arith.constant 0 : i32
        %dma_start3A_653 = arith.constant 0 : i32
        %dma_start3A_654 = arith.constant 0 : i32
        %dma_start3A_655 = tpu.memref_slice %arg8[%dma_start3A_652, %dma_start3A_653, %dma_start3A_654] : memref<4x100x64xf32, #tpu.memory_space<vmem>> -> memref<1x100x64xf32, #tpu.memory_space<vmem>>
        %dma_start3A_656 = tpu.memref_squeeze %dma_start3A_655 : memref<1x100x64xf32, #tpu.memory_space<vmem>> -> memref<100x64xf32, #tpu.memory_space<vmem>>
        %dma_start3A_657 = arith.constant 0 : i32
        %dma_start3A_658 = tpu.memref_slice %arg6[%sub3A_651, %dma_start3A_657] : memref<256x100xi32, #tpu.memory_space<vmem>> -> memref<1x100xi32, #tpu.memory_space<vmem>>
        %dma_start3A_659 = tpu.memref_squeeze %dma_start3A_658 : memref<1x100xi32, #tpu.memory_space<vmem>> -> memref<100xi32, #tpu.memory_space<vmem>>
        %dma_start3A_660 = arith.constant 0 : i32
        %dma_start3A_661 = arith.constant 0 : i32
        %dma_start3A_662 = tpu.memref_slice %arg4[%dma_start3A_660, %dma_start3A_661] : memref<1000000x64xf32, #tpu.memory_space<hbm>> -> memref<1000000x64xf32, #tpu.memory_space<hbm>>
        tpu.enqueue_indirect_dma source(%dma_start3A_662 : memref<1000000x64xf32, #tpu.memory_space<hbm>>) target(%dma_start3A_656 : memref<100x64xf32, #tpu.memory_space<vmem>>) offsets(%dma_start3A_659 : memref<100xi32, #tpu.memory_space<vmem>>) semaphore(%arg10 : memref<!tpu.dma_semaphore, #tpu.memory_space<semaphore_mem>>)
      } else {
      }
      %add3A_374 = arith.constant 2 : i32
      %add3A_375 = arith.addi %mul3A_106, %add3A_374 : i32
      %dma_wait3A_376 = arith.constant 2 : i32
      %dma_wait3A_377 = arith.constant 0 : i32
      %dma_wait3A_378 = arith.constant 0 : i32
      %dma_wait3A_379 = tpu.memref_slice %arg8[%dma_wait3A_376, %dma_wait3A_377, %dma_wait3A_378] : memref<4x100x64xf32, #tpu.memory_space<vmem>> -> memref<1x100x64xf32, #tpu.memory_space<vmem>>
      %dma_wait3A_380 = tpu.memref_squeeze %dma_wait3A_379 : memref<1x100x64xf32, #tpu.memory_space<vmem>> -> memref<100x64xf32, #tpu.memory_space<vmem>>
      %dma_wait3A_381 = arith.constant 0 : i32
      %dma_wait3A_382 = tpu.memref_slice %arg6[%add3A_375, %dma_wait3A_381] : memref<256x100xi32, #tpu.memory_space<vmem>> -> memref<1x100xi32, #tpu.memory_space<vmem>>
      %dma_wait3A_383 = tpu.memref_squeeze %dma_wait3A_382 : memref<1x100xi32, #tpu.memory_space<vmem>> -> memref<100xi32, #tpu.memory_space<vmem>>
      %dma_wait3A_384 = arith.constant 0 : i32
      %dma_wait3A_385 = arith.constant 0 : i32
      %dma_wait3A_386 = tpu.memref_slice %arg4[%dma_wait3A_384, %dma_wait3A_385] : memref<1000000x64xf32, #tpu.memory_space<hbm>> -> memref<1000000x64xf32, #tpu.memory_space<hbm>>
      tpu.wait_indirect_dma semaphore(%arg12 : memref<!tpu.dma_semaphore, #tpu.memory_space<semaphore_mem>>) src(%dma_wait3A_386 : memref<1000000x64xf32, #tpu.memory_space<hbm>>) dst(%dma_wait3A_380 : memref<100x64xf32, #tpu.memory_space<vmem>>)
      %gt3A_387 = arith.constant 0 : i32
      %gt3A_388 = arith.cmpi sgt, %scan3A_104, %gt3A_387 : i32
      %convert_element_type3A_389 = arith.extui %gt3A_388 : i1 to i32
      %cond3A_390 = arith.constant 0 : i32
      %cond3A_391 = arith.cmpi ne, %convert_element_type3A_389, %cond3A_390 : i32
      scf.if %cond3A_391 {
        %dma_wait3A_648 = arith.constant 2 : i32
        %dma_wait3A_649 = arith.constant 0 : i32
        %dma_wait3A_650 = arith.constant 0 : i32
        %dma_wait3A_651 = tpu.memref_slice %arg9[%dma_wait3A_648, %dma_wait3A_649, %dma_wait3A_650] : memref<4x2x64xf32, #tpu.memory_space<vmem>> -> memref<1x2x64xf32, #tpu.memory_space<vmem>>
        %dma_wait3A_652 = tpu.memref_squeeze %dma_wait3A_651 : memref<1x2x64xf32, #tpu.memory_space<vmem>> -> memref<2x64xf32, #tpu.memory_space<vmem>>
        %dma_wait3A_653 = arith.constant 0 : i32
        %dma_wait3A_654 = arith.constant 0 : i32
        %dma_wait3A_655 = tpu.memref_slice %arg5[%dma_wait3A_653, %dma_wait3A_654] : memref<16384x64xf32, #tpu.memory_space<hbm>> -> memref<2x64xf32, #tpu.memory_space<hbm>>
        %dma_wait3A_656 = arith.constant 0 : i32
        %dma_wait3A_657 = arith.constant 0 : i32
        %dma_wait3A_658 = tpu.memref_slice %arg5[%dma_wait3A_656, %dma_wait3A_657] : memref<16384x64xf32, #tpu.memory_space<hbm>> -> memref<2x64xf32, #tpu.memory_space<hbm>>
        %dma_wait3A_659 = arith.constant 0 : i32
        %dma_wait3A_660 = arith.constant 0 : i32
        %dma_wait3A_661 = tpu.memref_slice %arg9[%dma_wait3A_648, %dma_wait3A_659, %dma_wait3A_660] : memref<4x2x64xf32, #tpu.memory_space<vmem>> -> memref<1x2x64xf32, #tpu.memory_space<vmem>>
        %dma_wait3A_662 = tpu.memref_squeeze %dma_wait3A_661 : memref<1x2x64xf32, #tpu.memory_space<vmem>> -> memref<2x64xf32, #tpu.memory_space<vmem>>
        tpu.wait_dma2 semaphore(%arg16 : memref<!tpu.dma_semaphore, #tpu.memory_space<semaphore_mem>>) src(%dma_wait3A_662 : memref<2x64xf32, #tpu.memory_space<vmem>>) dst(%dma_wait3A_658 : memref<2x64xf32, #tpu.memory_space<hbm>>)
      } else {
      }
      %mul3A_392 = arith.constant 100 : i32
      %mul3A_393 = arith.muli %add3A_375, %mul3A_392 : i32
      %broadcast_in_dim3A_394 = arith.constant 0.000000e+00 : f32
      %broadcast_in_dim3A_395 = vector.broadcast %broadcast_in_dim3A_394 : f32 to vector<16xf32>
      %broadcast_in_dim3A_396 = arith.constant 0.000000e+00 : f32
      %broadcast_in_dim3A_397 = vector.broadcast %broadcast_in_dim3A_396 : f32 to vector<16xf32>
      %broadcast_in_dim3A_398 = arith.constant 0.000000e+00 : f32
      %broadcast_in_dim3A_399 = vector.broadcast %broadcast_in_dim3A_398 : f32 to vector<16xf32>
      %broadcast_in_dim3A_400 = arith.constant 0.000000e+00 : f32
      %broadcast_in_dim3A_401 = vector.broadcast %broadcast_in_dim3A_400 : f32 to vector<16xf32>
      %scan3A_402 = arith.constant 0 : i32
      %scan3A_403 = arith.constant 50 : i32
      %scan3A_404 = arith.addi %scan3A_402, %scan3A_403 : i32
      %scan3A_405 = arith.constant 10 : i32
      %scan3A_406:4 = scf.for %scan3A_648 = %scan3A_402 to %scan3A_404 step %scan3A_405 iter_args(%scan3A_649 = %broadcast_in_dim3A_395, %scan3A_650 = %broadcast_in_dim3A_397, %scan3A_651 = %broadcast_in_dim3A_399, %scan3A_652 = %broadcast_in_dim3A_401) -> (vector<16xf32>, vector<16xf32>, vector<16xf32>, vector<16xf32>)  : i32 {
        %add3A_653 = arith.constant 0 : i32
        %add3A_654 = arith.addi %mul3A_393, %add3A_653 : i32
        %add3A_655 = arith.addi %add3A_654, %scan3A_648 : i32
        %get3A = arith.index_cast %add3A_655 : i32 to index
        %get3A_656 = tpu.vector_load %arg7[%get3A] {strides = array<i32>} : memref<25616xf32, #tpu.memory_space<vmem>>, vector<16xf32>,
        %get3A_657 = vector.shape_cast %get3A_656 : vector<16xf32> to vector<16xf32>
        %slice3A = vector.extract_strided_slice %get3A_657 {offsets = [0], sizes = [1], strides = [1]} : vector<16xf32> to vector<1xf32>
        %squeeze3A = vector.extract %slice3A[0] : f32 from vector<1xf32>
        %broadcast_in_dim3A_658 = vector.broadcast %squeeze3A : f32 to vector<16xf32>
        %add3A_659 = arith.constant 0 : i32
        %add3A_660 = arith.addi %add3A_659, %scan3A_648 : i32
        %get3A_661 = arith.constant 2 : i32
        %get3A_662 = arith.index_cast %get3A_661 : i32 to index
        %get3A_663 = arith.index_cast %add3A_660 : i32 to index
        %get3A_664 = arith.constant 0 : index
        %get3A_665 = tpu.vector_load %arg8[%get3A_662, %get3A_663, %get3A_664] {strides = array<i32>} : memref<4x100x64xf32, #tpu.memory_space<vmem>>, vector<1x1x16xf32>,
        %get3A_666 = vector.shape_cast %get3A_665 : vector<1x1x16xf32> to vector<16xf32>
        %mul3A_667 = arith.mulf %get3A_666, %broadcast_in_dim3A_658 : vector<16xf32>
        %add3A_668 = arith.addf %scan3A_649, %mul3A_667 : vector<16xf32>
        %add3A_669 = arith.constant 0 : i32
        %add3A_670 = arith.addi %add3A_669, %scan3A_648 : i32
        %get3A_671 = arith.constant 2 : i32
        %get3A_672 = arith.index_cast %get3A_671 : i32 to index
        %get3A_673 = arith.index_cast %add3A_670 : i32 to index
        %get3A_674 = arith.constant 16 : index
        %get3A_675 = tpu.vector_load %arg8[%get3A_672, %get3A_673, %get3A_674] {strides = array<i32>} : memref<4x100x64xf32, #tpu.memory_space<vmem>>, vector<1x1x16xf32>,
        %get3A_676 = vector.shape_cast %get3A_675 : vector<1x1x16xf32> to vector<16xf32>
        %mul3A_677 = arith.mulf %get3A_676, %broadcast_in_dim3A_658 : vector<16xf32>
        %add3A_678 = arith.addf %scan3A_650, %mul3A_677 : vector<16xf32>
        %add3A_679 = arith.constant 0 : i32
        %add3A_680 = arith.addi %add3A_679, %scan3A_648 : i32
        %get3A_681 = arith.constant 2 : i32
        %get3A_682 = arith.index_cast %get3A_681 : i32 to index
        %get3A_683 = arith.index_cast %add3A_680 : i32 to index
        %get3A_684 = arith.constant 32 : index
        %get3A_685 = tpu.vector_load %arg8[%get3A_682, %get3A_683, %get3A_684] {strides = array<i32>} : memref<4x100x64xf32, #tpu.memory_space<vmem>>, vector<1x1x16xf32>,
        %get3A_686 = vector.shape_cast %get3A_685 : vector<1x1x16xf32> to vector<16xf32>
        %mul3A_687 = arith.mulf %get3A_686, %broadcast_in_dim3A_658 : vector<16xf32>
        %add3A_688 = arith.addf %scan3A_651, %mul3A_687 : vector<16xf32>
        %add3A_689 = arith.constant 0 : i32
        %add3A_690 = arith.addi %add3A_689, %scan3A_648 : i32
        %get3A_691 = arith.constant 2 : i32
        %get3A_692 = arith.index_cast %get3A_691 : i32 to index
        %get3A_693 = arith.index_cast %add3A_690 : i32 to index
        %get3A_694 = arith.constant 48 : index
        %get3A_695 = tpu.vector_load %arg8[%get3A_692, %get3A_693, %get3A_694] {strides = array<i32>} : memref<4x100x64xf32, #tpu.memory_space<vmem>>, vector<1x1x16xf32>,
        %get3A_696 = vector.shape_cast %get3A_695 : vector<1x1x16xf32> to vector<16xf32>
        %mul3A_697 = arith.mulf %get3A_696, %broadcast_in_dim3A_658 : vector<16xf32>
        %add3A_698 = arith.addf %scan3A_652, %mul3A_697 : vector<16xf32>
        %scan3A_699 = arith.constant 1 : i32
        %scan3A_700 = arith.addi %scan3A_648, %scan3A_699 : i32
        %add3A_701 = arith.constant 0 : i32
        %add3A_702 = arith.addi %mul3A_393, %add3A_701 : i32
        %add3A_703 = arith.addi %add3A_702, %scan3A_700 : i32
        %get3A_704 = arith.index_cast %add3A_703 : i32 to index
        %get3A_705 = tpu.vector_load %arg7[%get3A_704] {strides = array<i32>} : memref<25616xf32, #tpu.memory_space<vmem>>, vector<16xf32>,
        %get3A_706 = vector.shape_cast %get3A_705 : vector<16xf32> to vector<16xf32>
        %slice3A_707 = vector.extract_strided_slice %get3A_706 {offsets = [0], sizes = [1], strides = [1]} : vector<16xf32> to vector<1xf32>
        %squeeze3A_708 = vector.extract %slice3A_707[0] : f32 from vector<1xf32>
        %broadcast_in_dim3A_709 = vector.broadcast %squeeze3A_708 : f32 to vector<16xf32>
        %add3A_710 = arith.constant 0 : i32
        %add3A_711 = arith.addi %add3A_710, %scan3A_700 : i32
        %get3A_712 = arith.constant 2 : i32
        %get3A_713 = arith.index_cast %get3A_712 : i32 to index
        %get3A_714 = arith.index_cast %add3A_711 : i32 to index
        %get3A_715 = arith.constant 0 : index
        %get3A_716 = tpu.vector_load %arg8[%get3A_713, %get3A_714, %get3A_715] {strides = array<i32>} : memref<4x100x64xf32, #tpu.memory_space<vmem>>, vector<1x1x16xf32>,
        %get3A_717 = vector.shape_cast %get3A_716 : vector<1x1x16xf32> to vector<16xf32>
        %mul3A_718 = arith.mulf %get3A_717, %broadcast_in_dim3A_709 : vector<16xf32>
        %add3A_719 = arith.addf %add3A_668, %mul3A_718 : vector<16xf32>
        %add3A_720 = arith.constant 0 : i32
        %add3A_721 = arith.addi %add3A_720, %scan3A_700 : i32
        %get3A_722 = arith.constant 2 : i32
        %get3A_723 = arith.index_cast %get3A_722 : i32 to index
        %get3A_724 = arith.index_cast %add3A_721 : i32 to index
        %get3A_725 = arith.constant 16 : index
        %get3A_726 = tpu.vector_load %arg8[%get3A_723, %get3A_724, %get3A_725] {strides = array<i32>} : memref<4x100x64xf32, #tpu.memory_space<vmem>>, vector<1x1x16xf32>,
        %get3A_727 = vector.shape_cast %get3A_726 : vector<1x1x16xf32> to vector<16xf32>
        %mul3A_728 = arith.mulf %get3A_727, %broadcast_in_dim3A_709 : vector<16xf32>
        %add3A_729 = arith.addf %add3A_678, %mul3A_728 : vector<16xf32>
        %add3A_730 = arith.constant 0 : i32
        %add3A_731 = arith.addi %add3A_730, %scan3A_700 : i32
        %get3A_732 = arith.constant 2 : i32
        %get3A_733 = arith.index_cast %get3A_732 : i32 to index
        %get3A_734 = arith.index_cast %add3A_731 : i32 to index
        %get3A_735 = arith.constant 32 : index
        %get3A_736 = tpu.vector_load %arg8[%get3A_733, %get3A_734, %get3A_735] {strides = array<i32>} : memref<4x100x64xf32, #tpu.memory_space<vmem>>, vector<1x1x16xf32>,
        %get3A_737 = vector.shape_cast %get3A_736 : vector<1x1x16xf32> to vector<16xf32>
        %mul3A_738 = arith.mulf %get3A_737, %broadcast_in_dim3A_709 : vector<16xf32>
        %add3A_739 = arith.addf %add3A_688, %mul3A_738 : vector<16xf32>
        %add3A_740 = arith.constant 0 : i32
        %add3A_741 = arith.addi %add3A_740, %scan3A_700 : i32
        %get3A_742 = arith.constant 2 : i32
        %get3A_743 = arith.index_cast %get3A_742 : i32 to index
        %get3A_744 = arith.index_cast %add3A_741 : i32 to index
        %get3A_745 = arith.constant 48 : index
        %get3A_746 = tpu.vector_load %arg8[%get3A_743, %get3A_744, %get3A_745] {strides = array<i32>} : memref<4x100x64xf32, #tpu.memory_space<vmem>>, vector<1x1x16xf32>,
        %get3A_747 = vector.shape_cast %get3A_746 : vector<1x1x16xf32> to vector<16xf32>
        %mul3A_748 = arith.mulf %get3A_747, %broadcast_in_dim3A_709 : vector<16xf32>
        %add3A_749 = arith.addf %add3A_698, %mul3A_748 : vector<16xf32>
        %scan3A_750 = arith.constant 2 : i32
        %scan3A_751 = arith.addi %scan3A_648, %scan3A_750 : i32
        %add3A_752 = arith.constant 0 : i32
        %add3A_753 = arith.addi %mul3A_393, %add3A_752 : i32
        %add3A_754 = arith.addi %add3A_753, %scan3A_751 : i32
        %get3A_755 = arith.index_cast %add3A_754 : i32 to index
        %get3A_756 = tpu.vector_load %arg7[%get3A_755] {strides = array<i32>} : memref<25616xf32, #tpu.memory_space<vmem>>, vector<16xf32>,
        %get3A_757 = vector.shape_cast %get3A_756 : vector<16xf32> to vector<16xf32>
        %slice3A_758 = vector.extract_strided_slice %get3A_757 {offsets = [0], sizes = [1], strides = [1]} : vector<16xf32> to vector<1xf32>
        %squeeze3A_759 = vector.extract %slice3A_758[0] : f32 from vector<1xf32>
        %broadcast_in_dim3A_760 = vector.broadcast %squeeze3A_759 : f32 to vector<16xf32>
        %add3A_761 = arith.constant 0 : i32
        %add3A_762 = arith.addi %add3A_761, %scan3A_751 : i32
        %get3A_763 = arith.constant 2 : i32
        %get3A_764 = arith.index_cast %get3A_763 : i32 to index
        %get3A_765 = arith.index_cast %add3A_762 : i32 to index
        %get3A_766 = arith.constant 0 : index
        %get3A_767 = tpu.vector_load %arg8[%get3A_764, %get3A_765, %get3A_766] {strides = array<i32>} : memref<4x100x64xf32, #tpu.memory_space<vmem>>, vector<1x1x16xf32>,
        %get3A_768 = vector.shape_cast %get3A_767 : vector<1x1x16xf32> to vector<16xf32>
        %mul3A_769 = arith.mulf %get3A_768, %broadcast_in_dim3A_760 : vector<16xf32>
        %add3A_770 = arith.addf %add3A_719, %mul3A_769 : vector<16xf32>
        %add3A_771 = arith.constant 0 : i32
        %add3A_772 = arith.addi %add3A_771, %scan3A_751 : i32
        %get3A_773 = arith.constant 2 : i32
        %get3A_774 = arith.index_cast %get3A_773 : i32 to index
        %get3A_775 = arith.index_cast %add3A_772 : i32 to index
        %get3A_776 = arith.constant 16 : index
        %get3A_777 = tpu.vector_load %arg8[%get3A_774, %get3A_775, %get3A_776] {strides = array<i32>} : memref<4x100x64xf32, #tpu.memory_space<vmem>>, vector<1x1x16xf32>,
        %get3A_778 = vector.shape_cast %get3A_777 : vector<1x1x16xf32> to vector<16xf32>
        %mul3A_779 = arith.mulf %get3A_778, %broadcast_in_dim3A_760 : vector<16xf32>
        %add3A_780 = arith.addf %add3A_729, %mul3A_779 : vector<16xf32>
        %add3A_781 = arith.constant 0 : i32
        %add3A_782 = arith.addi %add3A_781, %scan3A_751 : i32
        %get3A_783 = arith.constant 2 : i32
        %get3A_784 = arith.index_cast %get3A_783 : i32 to index
        %get3A_785 = arith.index_cast %add3A_782 : i32 to index
        %get3A_786 = arith.constant 32 : index
        %get3A_787 = tpu.vector_load %arg8[%get3A_784, %get3A_785, %get3A_786] {strides = array<i32>} : memref<4x100x64xf32, #tpu.memory_space<vmem>>, vector<1x1x16xf32>,
        %get3A_788 = vector.shape_cast %get3A_787 : vector<1x1x16xf32> to vector<16xf32>
        %mul3A_789 = arith.mulf %get3A_788, %broadcast_in_dim3A_760 : vector<16xf32>
        %add3A_790 = arith.addf %add3A_739, %mul3A_789 : vector<16xf32>
        %add3A_791 = arith.constant 0 : i32
        %add3A_792 = arith.addi %add3A_791, %scan3A_751 : i32
        %get3A_793 = arith.constant 2 : i32
        %get3A_794 = arith.index_cast %get3A_793 : i32 to index
        %get3A_795 = arith.index_cast %add3A_792 : i32 to index
        %get3A_796 = arith.constant 48 : index
        %get3A_797 = tpu.vector_load %arg8[%get3A_794, %get3A_795, %get3A_796] {strides = array<i32>} : memref<4x100x64xf32, #tpu.memory_space<vmem>>, vector<1x1x16xf32>,
        %get3A_798 = vector.shape_cast %get3A_797 : vector<1x1x16xf32> to vector<16xf32>
        %mul3A_799 = arith.mulf %get3A_798, %broadcast_in_dim3A_760 : vector<16xf32>
        %add3A_800 = arith.addf %add3A_749, %mul3A_799 : vector<16xf32>
        %scan3A_801 = arith.constant 3 : i32
        %scan3A_802 = arith.addi %scan3A_648, %scan3A_801 : i32
        %add3A_803 = arith.constant 0 : i32
        %add3A_804 = arith.addi %mul3A_393, %add3A_803 : i32
        %add3A_805 = arith.addi %add3A_804, %scan3A_802 : i32
        %get3A_806 = arith.index_cast %add3A_805 : i32 to index
        %get3A_807 = tpu.vector_load %arg7[%get3A_806] {strides = array<i32>} : memref<25616xf32, #tpu.memory_space<vmem>>, vector<16xf32>,
        %get3A_808 = vector.shape_cast %get3A_807 : vector<16xf32> to vector<16xf32>
        %slice3A_809 = vector.extract_strided_slice %get3A_808 {offsets = [0], sizes = [1], strides = [1]} : vector<16xf32> to vector<1xf32>
        %squeeze3A_810 = vector.extract %slice3A_809[0] : f32 from vector<1xf32>
        %broadcast_in_dim3A_811 = vector.broadcast %squeeze3A_810 : f32 to vector<16xf32>
        %add3A_812 = arith.constant 0 : i32
        %add3A_813 = arith.addi %add3A_812, %scan3A_802 : i32
        %get3A_814 = arith.constant 2 : i32
        %get3A_815 = arith.index_cast %get3A_814 : i32 to index
        %get3A_816 = arith.index_cast %add3A_813 : i32 to index
        %get3A_817 = arith.constant 0 : index
        %get3A_818 = tpu.vector_load %arg8[%get3A_815, %get3A_816, %get3A_817] {strides = array<i32>} : memref<4x100x64xf32, #tpu.memory_space<vmem>>, vector<1x1x16xf32>,
        %get3A_819 = vector.shape_cast %get3A_818 : vector<1x1x16xf32> to vector<16xf32>
        %mul3A_820 = arith.mulf %get3A_819, %broadcast_in_dim3A_811 : vector<16xf32>
        %add3A_821 = arith.addf %add3A_770, %mul3A_820 : vector<16xf32>
        %add3A_822 = arith.constant 0 : i32
        %add3A_823 = arith.addi %add3A_822, %scan3A_802 : i32
        %get3A_824 = arith.constant 2 : i32
        %get3A_825 = arith.index_cast %get3A_824 : i32 to index
        %get3A_826 = arith.index_cast %add3A_823 : i32 to index
        %get3A_827 = arith.constant 16 : index
        %get3A_828 = tpu.vector_load %arg8[%get3A_825, %get3A_826, %get3A_827] {strides = array<i32>} : memref<4x100x64xf32, #tpu.memory_space<vmem>>, vector<1x1x16xf32>,
        %get3A_829 = vector.shape_cast %get3A_828 : vector<1x1x16xf32> to vector<16xf32>
        %mul3A_830 = arith.mulf %get3A_829, %broadcast_in_dim3A_811 : vector<16xf32>
        %add3A_831 = arith.addf %add3A_780, %mul3A_830 : vector<16xf32>
        %add3A_832 = arith.constant 0 : i32
        %add3A_833 = arith.addi %add3A_832, %scan3A_802 : i32
        %get3A_834 = arith.constant 2 : i32
        %get3A_835 = arith.index_cast %get3A_834 : i32 to index
        %get3A_836 = arith.index_cast %add3A_833 : i32 to index
        %get3A_837 = arith.constant 32 : index
        %get3A_838 = tpu.vector_load %arg8[%get3A_835, %get3A_836, %get3A_837] {strides = array<i32>} : memref<4x100x64xf32, #tpu.memory_space<vmem>>, vector<1x1x16xf32>,
        %get3A_839 = vector.shape_cast %get3A_838 : vector<1x1x16xf32> to vector<16xf32>
        %mul3A_840 = arith.mulf %get3A_839, %broadcast_in_dim3A_811 : vector<16xf32>
        %add3A_841 = arith.addf %add3A_790, %mul3A_840 : vector<16xf32>
        %add3A_842 = arith.constant 0 : i32
        %add3A_843 = arith.addi %add3A_842, %scan3A_802 : i32
        %get3A_844 = arith.constant 2 : i32
        %get3A_845 = arith.index_cast %get3A_844 : i32 to index
        %get3A_846 = arith.index_cast %add3A_843 : i32 to index
        %get3A_847 = arith.constant 48 : index
        %get3A_848 = tpu.vector_load %arg8[%get3A_845, %get3A_846, %get3A_847] {strides = array<i32>} : memref<4x100x64xf32, #tpu.memory_space<vmem>>, vector<1x1x16xf32>,
        %get3A_849 = vector.shape_cast %get3A_848 : vector<1x1x16xf32> to vector<16xf32>
        %mul3A_850 = arith.mulf %get3A_849, %broadcast_in_dim3A_811 : vector<16xf32>
        %add3A_851 = arith.addf %add3A_800, %mul3A_850 : vector<16xf32>
        %scan3A_852 = arith.constant 4 : i32
        %scan3A_853 = arith.addi %scan3A_648, %scan3A_852 : i32
        %add3A_854 = arith.constant 0 : i32
        %add3A_855 = arith.addi %mul3A_393, %add3A_854 : i32
        %add3A_856 = arith.addi %add3A_855, %scan3A_853 : i32
        %get3A_857 = arith.index_cast %add3A_856 : i32 to index
        %get3A_858 = tpu.vector_load %arg7[%get3A_857] {strides = array<i32>} : memref<25616xf32, #tpu.memory_space<vmem>>, vector<16xf32>,
        %get3A_859 = vector.shape_cast %get3A_858 : vector<16xf32> to vector<16xf32>
        %slice3A_860 = vector.extract_strided_slice %get3A_859 {offsets = [0], sizes = [1], strides = [1]} : vector<16xf32> to vector<1xf32>
        %squeeze3A_861 = vector.extract %slice3A_860[0] : f32 from vector<1xf32>
        %broadcast_in_dim3A_862 = vector.broadcast %squeeze3A_861 : f32 to vector<16xf32>
        %add3A_863 = arith.constant 0 : i32
        %add3A_864 = arith.addi %add3A_863, %scan3A_853 : i32
        %get3A_865 = arith.constant 2 : i32
        %get3A_866 = arith.index_cast %get3A_865 : i32 to index
        %get3A_867 = arith.index_cast %add3A_864 : i32 to index
        %get3A_868 = arith.constant 0 : index
        %get3A_869 = tpu.vector_load %arg8[%get3A_866, %get3A_867, %get3A_868] {strides = array<i32>} : memref<4x100x64xf32, #tpu.memory_space<vmem>>, vector<1x1x16xf32>,
        %get3A_870 = vector.shape_cast %get3A_869 : vector<1x1x16xf32> to vector<16xf32>
        %mul3A_871 = arith.mulf %get3A_870, %broadcast_in_dim3A_862 : vector<16xf32>
        %add3A_872 = arith.addf %add3A_821, %mul3A_871 : vector<16xf32>
        %add3A_873 = arith.constant 0 : i32
        %add3A_874 = arith.addi %add3A_873, %scan3A_853 : i32
        %get3A_875 = arith.constant 2 : i32
        %get3A_876 = arith.index_cast %get3A_875 : i32 to index
        %get3A_877 = arith.index_cast %add3A_874 : i32 to index
        %get3A_878 = arith.constant 16 : index
        %get3A_879 = tpu.vector_load %arg8[%get3A_876, %get3A_877, %get3A_878] {strides = array<i32>} : memref<4x100x64xf32, #tpu.memory_space<vmem>>, vector<1x1x16xf32>,
        %get3A_880 = vector.shape_cast %get3A_879 : vector<1x1x16xf32> to vector<16xf32>
        %mul3A_881 = arith.mulf %get3A_880, %broadcast_in_dim3A_862 : vector<16xf32>
        %add3A_882 = arith.addf %add3A_831, %mul3A_881 : vector<16xf32>
        %add3A_883 = arith.constant 0 : i32
        %add3A_884 = arith.addi %add3A_883, %scan3A_853 : i32
        %get3A_885 = arith.constant 2 : i32
        %get3A_886 = arith.index_cast %get3A_885 : i32 to index
        %get3A_887 = arith.index_cast %add3A_884 : i32 to index
        %get3A_888 = arith.constant 32 : index
        %get3A_889 = tpu.vector_load %arg8[%get3A_886, %get3A_887, %get3A_888] {strides = array<i32>} : memref<4x100x64xf32, #tpu.memory_space<vmem>>, vector<1x1x16xf32>,
        %get3A_890 = vector.shape_cast %get3A_889 : vector<1x1x16xf32> to vector<16xf32>
        %mul3A_891 = arith.mulf %get3A_890, %broadcast_in_dim3A_862 : vector<16xf32>
        %add3A_892 = arith.addf %add3A_841, %mul3A_891 : vector<16xf32>
        %add3A_893 = arith.constant 0 : i32
        %add3A_894 = arith.addi %add3A_893, %scan3A_853 : i32
        %get3A_895 = arith.constant 2 : i32
        %get3A_896 = arith.index_cast %get3A_895 : i32 to index
        %get3A_897 = arith.index_cast %add3A_894 : i32 to index
        %get3A_898 = arith.constant 48 : index
        %get3A_899 = tpu.vector_load %arg8[%get3A_896, %get3A_897, %get3A_898] {strides = array<i32>} : memref<4x100x64xf32, #tpu.memory_space<vmem>>, vector<1x1x16xf32>,
        %get3A_900 = vector.shape_cast %get3A_899 : vector<1x1x16xf32> to vector<16xf32>
        %mul3A_901 = arith.mulf %get3A_900, %broadcast_in_dim3A_862 : vector<16xf32>
        %add3A_902 = arith.addf %add3A_851, %mul3A_901 : vector<16xf32>
        %scan3A_903 = arith.constant 5 : i32
        %scan3A_904 = arith.addi %scan3A_648, %scan3A_903 : i32
        %add3A_905 = arith.constant 0 : i32
        %add3A_906 = arith.addi %mul3A_393, %add3A_905 : i32
        %add3A_907 = arith.addi %add3A_906, %scan3A_904 : i32
        %get3A_908 = arith.index_cast %add3A_907 : i32 to index
        %get3A_909 = tpu.vector_load %arg7[%get3A_908] {strides = array<i32>} : memref<25616xf32, #tpu.memory_space<vmem>>, vector<16xf32>,
        %get3A_910 = vector.shape_cast %get3A_909 : vector<16xf32> to vector<16xf32>
        %slice3A_911 = vector.extract_strided_slice %get3A_910 {offsets = [0], sizes = [1], strides = [1]} : vector<16xf32> to vector<1xf32>
        %squeeze3A_912 = vector.extract %slice3A_911[0] : f32 from vector<1xf32>
        %broadcast_in_dim3A_913 = vector.broadcast %squeeze3A_912 : f32 to vector<16xf32>
        %add3A_914 = arith.constant 0 : i32
        %add3A_915 = arith.addi %add3A_914, %scan3A_904 : i32
        %get3A_916 = arith.constant 2 : i32
        %get3A_917 = arith.index_cast %get3A_916 : i32 to index
        %get3A_918 = arith.index_cast %add3A_915 : i32 to index
        %get3A_919 = arith.constant 0 : index
        %get3A_920 = tpu.vector_load %arg8[%get3A_917, %get3A_918, %get3A_919] {strides = array<i32>} : memref<4x100x64xf32, #tpu.memory_space<vmem>>, vector<1x1x16xf32>,
        %get3A_921 = vector.shape_cast %get3A_920 : vector<1x1x16xf32> to vector<16xf32>
        %mul3A_922 = arith.mulf %get3A_921, %broadcast_in_dim3A_913 : vector<16xf32>
        %add3A_923 = arith.addf %add3A_872, %mul3A_922 : vector<16xf32>
        %add3A_924 = arith.constant 0 : i32
        %add3A_925 = arith.addi %add3A_924, %scan3A_904 : i32
        %get3A_926 = arith.constant 2 : i32
        %get3A_927 = arith.index_cast %get3A_926 : i32 to index
        %get3A_928 = arith.index_cast %add3A_925 : i32 to index
        %get3A_929 = arith.constant 16 : index
        %get3A_930 = tpu.vector_load %arg8[%get3A_927, %get3A_928, %get3A_929] {strides = array<i32>} : memref<4x100x64xf32, #tpu.memory_space<vmem>>, vector<1x1x16xf32>,
        %get3A_931 = vector.shape_cast %get3A_930 : vector<1x1x16xf32> to vector<16xf32>
        %mul3A_932 = arith.mulf %get3A_931, %broadcast_in_dim3A_913 : vector<16xf32>
        %add3A_933 = arith.addf %add3A_882, %mul3A_932 : vector<16xf32>
        %add3A_934 = arith.constant 0 : i32
        %add3A_935 = arith.addi %add3A_934, %scan3A_904 : i32
        %get3A_936 = arith.constant 2 : i32
        %get3A_937 = arith.index_cast %get3A_936 : i32 to index
        %get3A_938 = arith.index_cast %add3A_935 : i32 to index
        %get3A_939 = arith.constant 32 : index
        %get3A_940 = tpu.vector_load %arg8[%get3A_937, %get3A_938, %get3A_939] {strides = array<i32>} : memref<4x100x64xf32, #tpu.memory_space<vmem>>, vector<1x1x16xf32>,
        %get3A_941 = vector.shape_cast %get3A_940 : vector<1x1x16xf32> to vector<16xf32>
        %mul3A_942 = arith.mulf %get3A_941, %broadcast_in_dim3A_913 : vector<16xf32>
        %add3A_943 = arith.addf %add3A_892, %mul3A_942 : vector<16xf32>
        %add3A_944 = arith.constant 0 : i32
        %add3A_945 = arith.addi %add3A_944, %scan3A_904 : i32
        %get3A_946 = arith.constant 2 : i32
        %get3A_947 = arith.index_cast %get3A_946 : i32 to index
        %get3A_948 = arith.index_cast %add3A_945 : i32 to index
        %get3A_949 = arith.constant 48 : index
        %get3A_950 = tpu.vector_load %arg8[%get3A_947, %get3A_948, %get3A_949] {strides = array<i32>} : memref<4x100x64xf32, #tpu.memory_space<vmem>>, vector<1x1x16xf32>,
        %get3A_951 = vector.shape_cast %get3A_950 : vector<1x1x16xf32> to vector<16xf32>
        %mul3A_952 = arith.mulf %get3A_951, %broadcast_in_dim3A_913 : vector<16xf32>
        %add3A_953 = arith.addf %add3A_902, %mul3A_952 : vector<16xf32>
        %scan3A_954 = arith.constant 6 : i32
        %scan3A_955 = arith.addi %scan3A_648, %scan3A_954 : i32
        %add3A_956 = arith.constant 0 : i32
        %add3A_957 = arith.addi %mul3A_393, %add3A_956 : i32
        %add3A_958 = arith.addi %add3A_957, %scan3A_955 : i32
        %get3A_959 = arith.index_cast %add3A_958 : i32 to index
        %get3A_960 = tpu.vector_load %arg7[%get3A_959] {strides = array<i32>} : memref<25616xf32, #tpu.memory_space<vmem>>, vector<16xf32>,
        %get3A_961 = vector.shape_cast %get3A_960 : vector<16xf32> to vector<16xf32>
        %slice3A_962 = vector.extract_strided_slice %get3A_961 {offsets = [0], sizes = [1], strides = [1]} : vector<16xf32> to vector<1xf32>
        %squeeze3A_963 = vector.extract %slice3A_962[0] : f32 from vector<1xf32>
        %broadcast_in_dim3A_964 = vector.broadcast %squeeze3A_963 : f32 to vector<16xf32>
        %add3A_965 = arith.constant 0 : i32
        %add3A_966 = arith.addi %add3A_965, %scan3A_955 : i32
        %get3A_967 = arith.constant 2 : i32
        %get3A_968 = arith.index_cast %get3A_967 : i32 to index
        %get3A_969 = arith.index_cast %add3A_966 : i32 to index
        %get3A_970 = arith.constant 0 : index
        %get3A_971 = tpu.vector_load %arg8[%get3A_968, %get3A_969, %get3A_970] {strides = array<i32>} : memref<4x100x64xf32, #tpu.memory_space<vmem>>, vector<1x1x16xf32>,
        %get3A_972 = vector.shape_cast %get3A_971 : vector<1x1x16xf32> to vector<16xf32>
        %mul3A_973 = arith.mulf %get3A_972, %broadcast_in_dim3A_964 : vector<16xf32>
        %add3A_974 = arith.addf %add3A_923, %mul3A_973 : vector<16xf32>
        %add3A_975 = arith.constant 0 : i32
        %add3A_976 = arith.addi %add3A_975, %scan3A_955 : i32
        %get3A_977 = arith.constant 2 : i32
        %get3A_978 = arith.index_cast %get3A_977 : i32 to index
        %get3A_979 = arith.index_cast %add3A_976 : i32 to index
        %get3A_980 = arith.constant 16 : index
        %get3A_981 = tpu.vector_load %arg8[%get3A_978, %get3A_979, %get3A_980] {strides = array<i32>} : memref<4x100x64xf32, #tpu.memory_space<vmem>>, vector<1x1x16xf32>,
        %get3A_982 = vector.shape_cast %get3A_981 : vector<1x1x16xf32> to vector<16xf32>
        %mul3A_983 = arith.mulf %get3A_982, %broadcast_in_dim3A_964 : vector<16xf32>
        %add3A_984 = arith.addf %add3A_933, %mul3A_983 : vector<16xf32>
        %add3A_985 = arith.constant 0 : i32
        %add3A_986 = arith.addi %add3A_985, %scan3A_955 : i32
        %get3A_987 = arith.constant 2 : i32
        %get3A_988 = arith.index_cast %get3A_987 : i32 to index
        %get3A_989 = arith.index_cast %add3A_986 : i32 to index
        %get3A_990 = arith.constant 32 : index
        %get3A_991 = tpu.vector_load %arg8[%get3A_988, %get3A_989, %get3A_990] {strides = array<i32>} : memref<4x100x64xf32, #tpu.memory_space<vmem>>, vector<1x1x16xf32>,
        %get3A_992 = vector.shape_cast %get3A_991 : vector<1x1x16xf32> to vector<16xf32>
        %mul3A_993 = arith.mulf %get3A_992, %broadcast_in_dim3A_964 : vector<16xf32>
        %add3A_994 = arith.addf %add3A_943, %mul3A_993 : vector<16xf32>
        %add3A_995 = arith.constant 0 : i32
        %add3A_996 = arith.addi %add3A_995, %scan3A_955 : i32
        %get3A_997 = arith.constant 2 : i32
        %get3A_998 = arith.index_cast %get3A_997 : i32 to index
        %get3A_999 = arith.index_cast %add3A_996 : i32 to index
        %get3A_1000 = arith.constant 48 : index
        %get3A_1001 = tpu.vector_load %arg8[%get3A_998, %get3A_999, %get3A_1000] {strides = array<i32>} : memref<4x100x64xf32, #tpu.memory_space<vmem>>, vector<1x1x16xf32>,
        %get3A_1002 = vector.shape_cast %get3A_1001 : vector<1x1x16xf32> to vector<16xf32>
        %mul3A_1003 = arith.mulf %get3A_1002, %broadcast_in_dim3A_964 : vector<16xf32>
        %add3A_1004 = arith.addf %add3A_953, %mul3A_1003 : vector<16xf32>
        %scan3A_1005 = arith.constant 7 : i32
        %scan3A_1006 = arith.addi %scan3A_648, %scan3A_1005 : i32
        %add3A_1007 = arith.constant 0 : i32
        %add3A_1008 = arith.addi %mul3A_393, %add3A_1007 : i32
        %add3A_1009 = arith.addi %add3A_1008, %scan3A_1006 : i32
        %get3A_1010 = arith.index_cast %add3A_1009 : i32 to index
        %get3A_1011 = tpu.vector_load %arg7[%get3A_1010] {strides = array<i32>} : memref<25616xf32, #tpu.memory_space<vmem>>, vector<16xf32>,
        %get3A_1012 = vector.shape_cast %get3A_1011 : vector<16xf32> to vector<16xf32>
        %slice3A_1013 = vector.extract_strided_slice %get3A_1012 {offsets = [0], sizes = [1], strides = [1]} : vector<16xf32> to vector<1xf32>
        %squeeze3A_1014 = vector.extract %slice3A_1013[0] : f32 from vector<1xf32>
        %broadcast_in_dim3A_1015 = vector.broadcast %squeeze3A_1014 : f32 to vector<16xf32>
        %add3A_1016 = arith.constant 0 : i32
        %add3A_1017 = arith.addi %add3A_1016, %scan3A_1006 : i32
        %get3A_1018 = arith.constant 2 : i32
        %get3A_1019 = arith.index_cast %get3A_1018 : i32 to index
        %get3A_1020 = arith.index_cast %add3A_1017 : i32 to index
        %get3A_1021 = arith.constant 0 : index
        %get3A_1022 = tpu.vector_load %arg8[%get3A_1019, %get3A_1020, %get3A_1021] {strides = array<i32>} : memref<4x100x64xf32, #tpu.memory_space<vmem>>, vector<1x1x16xf32>,
        %get3A_1023 = vector.shape_cast %get3A_1022 : vector<1x1x16xf32> to vector<16xf32>
        %mul3A_1024 = arith.mulf %get3A_1023, %broadcast_in_dim3A_1015 : vector<16xf32>
        %add3A_1025 = arith.addf %add3A_974, %mul3A_1024 : vector<16xf32>
        %add3A_1026 = arith.constant 0 : i32
        %add3A_1027 = arith.addi %add3A_1026, %scan3A_1006 : i32
        %get3A_1028 = arith.constant 2 : i32
        %get3A_1029 = arith.index_cast %get3A_1028 : i32 to index
        %get3A_1030 = arith.index_cast %add3A_1027 : i32 to index
        %get3A_1031 = arith.constant 16 : index
        %get3A_1032 = tpu.vector_load %arg8[%get3A_1029, %get3A_1030, %get3A_1031] {strides = array<i32>} : memref<4x100x64xf32, #tpu.memory_space<vmem>>, vector<1x1x16xf32>,
        %get3A_1033 = vector.shape_cast %get3A_1032 : vector<1x1x16xf32> to vector<16xf32>
        %mul3A_1034 = arith.mulf %get3A_1033, %broadcast_in_dim3A_1015 : vector<16xf32>
        %add3A_1035 = arith.addf %add3A_984, %mul3A_1034 : vector<16xf32>
        %add3A_1036 = arith.constant 0 : i32
        %add3A_1037 = arith.addi %add3A_1036, %scan3A_1006 : i32
        %get3A_1038 = arith.constant 2 : i32
        %get3A_1039 = arith.index_cast %get3A_1038 : i32 to index
        %get3A_1040 = arith.index_cast %add3A_1037 : i32 to index
        %get3A_1041 = arith.constant 32 : index
        %get3A_1042 = tpu.vector_load %arg8[%get3A_1039, %get3A_1040, %get3A_1041] {strides = array<i32>} : memref<4x100x64xf32, #tpu.memory_space<vmem>>, vector<1x1x16xf32>,
        %get3A_1043 = vector.shape_cast %get3A_1042 : vector<1x1x16xf32> to vector<16xf32>
        %mul3A_1044 = arith.mulf %get3A_1043, %broadcast_in_dim3A_1015 : vector<16xf32>
        %add3A_1045 = arith.addf %add3A_994, %mul3A_1044 : vector<16xf32>
        %add3A_1046 = arith.constant 0 : i32
        %add3A_1047 = arith.addi %add3A_1046, %scan3A_1006 : i32
        %get3A_1048 = arith.constant 2 : i32
        %get3A_1049 = arith.index_cast %get3A_1048 : i32 to index
        %get3A_1050 = arith.index_cast %add3A_1047 : i32 to index
        %get3A_1051 = arith.constant 48 : index
        %get3A_1052 = tpu.vector_load %arg8[%get3A_1049, %get3A_1050, %get3A_1051] {strides = array<i32>} : memref<4x100x64xf32, #tpu.memory_space<vmem>>, vector<1x1x16xf32>,
        %get3A_1053 = vector.shape_cast %get3A_1052 : vector<1x1x16xf32> to vector<16xf32>
        %mul3A_1054 = arith.mulf %get3A_1053, %broadcast_in_dim3A_1015 : vector<16xf32>
        %add3A_1055 = arith.addf %add3A_1004, %mul3A_1054 : vector<16xf32>
        %scan3A_1056 = arith.constant 8 : i32
        %scan3A_1057 = arith.addi %scan3A_648, %scan3A_1056 : i32
        %add3A_1058 = arith.constant 0 : i32
        %add3A_1059 = arith.addi %mul3A_393, %add3A_1058 : i32
        %add3A_1060 = arith.addi %add3A_1059, %scan3A_1057 : i32
        %get3A_1061 = arith.index_cast %add3A_1060 : i32 to index
        %get3A_1062 = tpu.vector_load %arg7[%get3A_1061] {strides = array<i32>} : memref<25616xf32, #tpu.memory_space<vmem>>, vector<16xf32>,
        %get3A_1063 = vector.shape_cast %get3A_1062 : vector<16xf32> to vector<16xf32>
        %slice3A_1064 = vector.extract_strided_slice %get3A_1063 {offsets = [0], sizes = [1], strides = [1]} : vector<16xf32> to vector<1xf32>
        %squeeze3A_1065 = vector.extract %slice3A_1064[0] : f32 from vector<1xf32>
        %broadcast_in_dim3A_1066 = vector.broadcast %squeeze3A_1065 : f32 to vector<16xf32>
        %add3A_1067 = arith.constant 0 : i32
        %add3A_1068 = arith.addi %add3A_1067, %scan3A_1057 : i32
        %get3A_1069 = arith.constant 2 : i32
        %get3A_1070 = arith.index_cast %get3A_1069 : i32 to index
        %get3A_1071 = arith.index_cast %add3A_1068 : i32 to index
        %get3A_1072 = arith.constant 0 : index
        %get3A_1073 = tpu.vector_load %arg8[%get3A_1070, %get3A_1071, %get3A_1072] {strides = array<i32>} : memref<4x100x64xf32, #tpu.memory_space<vmem>>, vector<1x1x16xf32>,
        %get3A_1074 = vector.shape_cast %get3A_1073 : vector<1x1x16xf32> to vector<16xf32>
        %mul3A_1075 = arith.mulf %get3A_1074, %broadcast_in_dim3A_1066 : vector<16xf32>
        %add3A_1076 = arith.addf %add3A_1025, %mul3A_1075 : vector<16xf32>
        %add3A_1077 = arith.constant 0 : i32
        %add3A_1078 = arith.addi %add3A_1077, %scan3A_1057 : i32
        %get3A_1079 = arith.constant 2 : i32
        %get3A_1080 = arith.index_cast %get3A_1079 : i32 to index
        %get3A_1081 = arith.index_cast %add3A_1078 : i32 to index
        %get3A_1082 = arith.constant 16 : index
        %get3A_1083 = tpu.vector_load %arg8[%get3A_1080, %get3A_1081, %get3A_1082] {strides = array<i32>} : memref<4x100x64xf32, #tpu.memory_space<vmem>>, vector<1x1x16xf32>,
        %get3A_1084 = vector.shape_cast %get3A_1083 : vector<1x1x16xf32> to vector<16xf32>
        %mul3A_1085 = arith.mulf %get3A_1084, %broadcast_in_dim3A_1066 : vector<16xf32>
        %add3A_1086 = arith.addf %add3A_1035, %mul3A_1085 : vector<16xf32>
        %add3A_1087 = arith.constant 0 : i32
        %add3A_1088 = arith.addi %add3A_1087, %scan3A_1057 : i32
        %get3A_1089 = arith.constant 2 : i32
        %get3A_1090 = arith.index_cast %get3A_1089 : i32 to index
        %get3A_1091 = arith.index_cast %add3A_1088 : i32 to index
        %get3A_1092 = arith.constant 32 : index
        %get3A_1093 = tpu.vector_load %arg8[%get3A_1090, %get3A_1091, %get3A_1092] {strides = array<i32>} : memref<4x100x64xf32, #tpu.memory_space<vmem>>, vector<1x1x16xf32>,
        %get3A_1094 = vector.shape_cast %get3A_1093 : vector<1x1x16xf32> to vector<16xf32>
        %mul3A_1095 = arith.mulf %get3A_1094, %broadcast_in_dim3A_1066 : vector<16xf32>
        %add3A_1096 = arith.addf %add3A_1045, %mul3A_1095 : vector<16xf32>
        %add3A_1097 = arith.constant 0 : i32
        %add3A_1098 = arith.addi %add3A_1097, %scan3A_1057 : i32
        %get3A_1099 = arith.constant 2 : i32
        %get3A_1100 = arith.index_cast %get3A_1099 : i32 to index
        %get3A_1101 = arith.index_cast %add3A_1098 : i32 to index
        %get3A_1102 = arith.constant 48 : index
        %get3A_1103 = tpu.vector_load %arg8[%get3A_1100, %get3A_1101, %get3A_1102] {strides = array<i32>} : memref<4x100x64xf32, #tpu.memory_space<vmem>>, vector<1x1x16xf32>,
        %get3A_1104 = vector.shape_cast %get3A_1103 : vector<1x1x16xf32> to vector<16xf32>
        %mul3A_1105 = arith.mulf %get3A_1104, %broadcast_in_dim3A_1066 : vector<16xf32>
        %add3A_1106 = arith.addf %add3A_1055, %mul3A_1105 : vector<16xf32>
        %scan3A_1107 = arith.constant 9 : i32
        %scan3A_1108 = arith.addi %scan3A_648, %scan3A_1107 : i32
        %add3A_1109 = arith.constant 0 : i32
        %add3A_1110 = arith.addi %mul3A_393, %add3A_1109 : i32
        %add3A_1111 = arith.addi %add3A_1110, %scan3A_1108 : i32
        %get3A_1112 = arith.index_cast %add3A_1111 : i32 to index
        %get3A_1113 = tpu.vector_load %arg7[%get3A_1112] {strides = array<i32>} : memref<25616xf32, #tpu.memory_space<vmem>>, vector<16xf32>,
        %get3A_1114 = vector.shape_cast %get3A_1113 : vector<16xf32> to vector<16xf32>
        %slice3A_1115 = vector.extract_strided_slice %get3A_1114 {offsets = [0], sizes = [1], strides = [1]} : vector<16xf32> to vector<1xf32>
        %squeeze3A_1116 = vector.extract %slice3A_1115[0] : f32 from vector<1xf32>
        %broadcast_in_dim3A_1117 = vector.broadcast %squeeze3A_1116 : f32 to vector<16xf32>
        %add3A_1118 = arith.constant 0 : i32
        %add3A_1119 = arith.addi %add3A_1118, %scan3A_1108 : i32
        %get3A_1120 = arith.constant 2 : i32
        %get3A_1121 = arith.index_cast %get3A_1120 : i32 to index
        %get3A_1122 = arith.index_cast %add3A_1119 : i32 to index
        %get3A_1123 = arith.constant 0 : index
        %get3A_1124 = tpu.vector_load %arg8[%get3A_1121, %get3A_1122, %get3A_1123] {strides = array<i32>} : memref<4x100x64xf32, #tpu.memory_space<vmem>>, vector<1x1x16xf32>,
        %get3A_1125 = vector.shape_cast %get3A_1124 : vector<1x1x16xf32> to vector<16xf32>
        %mul3A_1126 = arith.mulf %get3A_1125, %broadcast_in_dim3A_1117 : vector<16xf32>
        %add3A_1127 = arith.addf %add3A_1076, %mul3A_1126 : vector<16xf32>
        %add3A_1128 = arith.constant 0 : i32
        %add3A_1129 = arith.addi %add3A_1128, %scan3A_1108 : i32
        %get3A_1130 = arith.constant 2 : i32
        %get3A_1131 = arith.index_cast %get3A_1130 : i32 to index
        %get3A_1132 = arith.index_cast %add3A_1129 : i32 to index
        %get3A_1133 = arith.constant 16 : index
        %get3A_1134 = tpu.vector_load %arg8[%get3A_1131, %get3A_1132, %get3A_1133] {strides = array<i32>} : memref<4x100x64xf32, #tpu.memory_space<vmem>>, vector<1x1x16xf32>,
        %get3A_1135 = vector.shape_cast %get3A_1134 : vector<1x1x16xf32> to vector<16xf32>
        %mul3A_1136 = arith.mulf %get3A_1135, %broadcast_in_dim3A_1117 : vector<16xf32>
        %add3A_1137 = arith.addf %add3A_1086, %mul3A_1136 : vector<16xf32>
        %add3A_1138 = arith.constant 0 : i32
        %add3A_1139 = arith.addi %add3A_1138, %scan3A_1108 : i32
        %get3A_1140 = arith.constant 2 : i32
        %get3A_1141 = arith.index_cast %get3A_1140 : i32 to index
        %get3A_1142 = arith.index_cast %add3A_1139 : i32 to index
        %get3A_1143 = arith.constant 32 : index
        %get3A_1144 = tpu.vector_load %arg8[%get3A_1141, %get3A_1142, %get3A_1143] {strides = array<i32>} : memref<4x100x64xf32, #tpu.memory_space<vmem>>, vector<1x1x16xf32>,
        %get3A_1145 = vector.shape_cast %get3A_1144 : vector<1x1x16xf32> to vector<16xf32>
        %mul3A_1146 = arith.mulf %get3A_1145, %broadcast_in_dim3A_1117 : vector<16xf32>
        %add3A_1147 = arith.addf %add3A_1096, %mul3A_1146 : vector<16xf32>
        %add3A_1148 = arith.constant 0 : i32
        %add3A_1149 = arith.addi %add3A_1148, %scan3A_1108 : i32
        %get3A_1150 = arith.constant 2 : i32
        %get3A_1151 = arith.index_cast %get3A_1150 : i32 to index
        %get3A_1152 = arith.index_cast %add3A_1149 : i32 to index
        %get3A_1153 = arith.constant 48 : index
        %get3A_1154 = tpu.vector_load %arg8[%get3A_1151, %get3A_1152, %get3A_1153] {strides = array<i32>} : memref<4x100x64xf32, #tpu.memory_space<vmem>>, vector<1x1x16xf32>,
        %get3A_1155 = vector.shape_cast %get3A_1154 : vector<1x1x16xf32> to vector<16xf32>
        %mul3A_1156 = arith.mulf %get3A_1155, %broadcast_in_dim3A_1117 : vector<16xf32>
        %add3A_1157 = arith.addf %add3A_1106, %mul3A_1156 : vector<16xf32>
        scf.yield %add3A_1127, %add3A_1137, %add3A_1147, %add3A_1157 : vector<16xf32>, vector<16xf32>, vector<16xf32>, vector<16xf32>
      }
      %scan3A_407 = arith.constant 50 : i32
      %swap3A_408 = arith.constant 2 : i32
      %swap3A_409 = arith.constant 0 : i32
      %swap3A_410 = arith.index_cast %swap3A_408 : i32 to index
      %swap3A_411 = arith.index_cast %swap3A_409 : i32 to index
      %swap3A_412 = arith.constant 0 : index
      %swap3A_413 = tpu.vector_load %arg9[%swap3A_410, %swap3A_411, %swap3A_412] {strides = array<i32>} : memref<4x2x64xf32, #tpu.memory_space<vmem>>, vector<1x1x16xf32>,
      %swap3A_414 = vector.shape_cast %swap3A_413 : vector<1x1x16xf32> to vector<16xf32>
      %swap3A_415 = vector.shape_cast %scan3A_406#0 : vector<16xf32> to vector<1x1x16xf32>
      tpu.vector_store %arg9[%swap3A_410, %swap3A_411, %swap3A_412], %swap3A_415 {strides = array<i32>} : memref<4x2x64xf32, #tpu.memory_space<vmem>>, vector<1x1x16xf32>,
      %swap3A_416 = arith.constant 2 : i32
      %swap3A_417 = arith.constant 0 : i32
      %swap3A_418 = arith.index_cast %swap3A_416 : i32 to index
      %swap3A_419 = arith.index_cast %swap3A_417 : i32 to index
      %swap3A_420 = arith.constant 16 : index
      %swap3A_421 = tpu.vector_load %arg9[%swap3A_418, %swap3A_419, %swap3A_420] {strides = array<i32>} : memref<4x2x64xf32, #tpu.memory_space<vmem>>, vector<1x1x16xf32>,
      %swap3A_422 = vector.shape_cast %swap3A_421 : vector<1x1x16xf32> to vector<16xf32>
      %swap3A_423 = vector.shape_cast %scan3A_406#1 : vector<16xf32> to vector<1x1x16xf32>
      tpu.vector_store %arg9[%swap3A_418, %swap3A_419, %swap3A_420], %swap3A_423 {strides = array<i32>} : memref<4x2x64xf32, #tpu.memory_space<vmem>>, vector<1x1x16xf32>,
      %swap3A_424 = arith.constant 2 : i32
      %swap3A_425 = arith.constant 0 : i32
      %swap3A_426 = arith.index_cast %swap3A_424 : i32 to index
      %swap3A_427 = arith.index_cast %swap3A_425 : i32 to index
      %swap3A_428 = arith.constant 32 : index
      %swap3A_429 = tpu.vector_load %arg9[%swap3A_426, %swap3A_427, %swap3A_428] {strides = array<i32>} : memref<4x2x64xf32, #tpu.memory_space<vmem>>, vector<1x1x16xf32>,
      %swap3A_430 = vector.shape_cast %swap3A_429 : vector<1x1x16xf32> to vector<16xf32>
      %swap3A_431 = vector.shape_cast %scan3A_406#2 : vector<16xf32> to vector<1x1x16xf32>
      tpu.vector_store %arg9[%swap3A_426, %swap3A_427, %swap3A_428], %swap3A_431 {strides = array<i32>} : memref<4x2x64xf32, #tpu.memory_space<vmem>>, vector<1x1x16xf32>,
      %swap3A_432 = arith.constant 2 : i32
      %swap3A_433 = arith.constant 0 : i32
      %swap3A_434 = arith.index_cast %swap3A_432 : i32 to index
      %swap3A_435 = arith.index_cast %swap3A_433 : i32 to index
      %swap3A_436 = arith.constant 48 : index
      %swap3A_437 = tpu.vector_load %arg9[%swap3A_434, %swap3A_435, %swap3A_436] {strides = array<i32>} : memref<4x2x64xf32, #tpu.memory_space<vmem>>, vector<1x1x16xf32>,
      %swap3A_438 = vector.shape_cast %swap3A_437 : vector<1x1x16xf32> to vector<16xf32>
      %swap3A_439 = vector.shape_cast %scan3A_406#3 : vector<16xf32> to vector<1x1x16xf32>
      tpu.vector_store %arg9[%swap3A_434, %swap3A_435, %swap3A_436], %swap3A_439 {strides = array<i32>} : memref<4x2x64xf32, #tpu.memory_space<vmem>>, vector<1x1x16xf32>,
      %broadcast_in_dim3A_440 = arith.constant 0.000000e+00 : f32
      %broadcast_in_dim3A_441 = vector.broadcast %broadcast_in_dim3A_440 : f32 to vector<16xf32>
      %broadcast_in_dim3A_442 = arith.constant 0.000000e+00 : f32
      %broadcast_in_dim3A_443 = vector.broadcast %broadcast_in_dim3A_442 : f32 to vector<16xf32>
      %broadcast_in_dim3A_444 = arith.constant 0.000000e+00 : f32
      %broadcast_in_dim3A_445 = vector.broadcast %broadcast_in_dim3A_444 : f32 to vector<16xf32>
      %broadcast_in_dim3A_446 = arith.constant 0.000000e+00 : f32
      %broadcast_in_dim3A_447 = vector.broadcast %broadcast_in_dim3A_446 : f32 to vector<16xf32>
      %scan3A_448 = arith.constant 0 : i32
      %scan3A_449 = arith.constant 50 : i32
      %scan3A_450 = arith.addi %scan3A_448, %scan3A_449 : i32
      %scan3A_451 = arith.constant 10 : i32
      %scan3A_452:4 = scf.for %scan3A_648 = %scan3A_448 to %scan3A_450 step %scan3A_451 iter_args(%scan3A_649 = %broadcast_in_dim3A_441, %scan3A_650 = %broadcast_in_dim3A_443, %scan3A_651 = %broadcast_in_dim3A_445, %scan3A_652 = %broadcast_in_dim3A_447) -> (vector<16xf32>, vector<16xf32>, vector<16xf32>, vector<16xf32>)  : i32 {
        %add3A_653 = arith.constant 50 : i32
        %add3A_654 = arith.addi %mul3A_393, %add3A_653 : i32
        %add3A_655 = arith.addi %add3A_654, %scan3A_648 : i32
        %get3A = arith.index_cast %add3A_655 : i32 to index
        %get3A_656 = tpu.vector_load %arg7[%get3A] {strides = array<i32>} : memref<25616xf32, #tpu.memory_space<vmem>>, vector<16xf32>,
        %get3A_657 = vector.shape_cast %get3A_656 : vector<16xf32> to vector<16xf32>
        %slice3A = vector.extract_strided_slice %get3A_657 {offsets = [0], sizes = [1], strides = [1]} : vector<16xf32> to vector<1xf32>
        %squeeze3A = vector.extract %slice3A[0] : f32 from vector<1xf32>
        %broadcast_in_dim3A_658 = vector.broadcast %squeeze3A : f32 to vector<16xf32>
        %add3A_659 = arith.constant 50 : i32
        %add3A_660 = arith.addi %add3A_659, %scan3A_648 : i32
        %get3A_661 = arith.constant 2 : i32
        %get3A_662 = arith.index_cast %get3A_661 : i32 to index
        %get3A_663 = arith.index_cast %add3A_660 : i32 to index
        %get3A_664 = arith.constant 0 : index
        %get3A_665 = tpu.vector_load %arg8[%get3A_662, %get3A_663, %get3A_664] {strides = array<i32>} : memref<4x100x64xf32, #tpu.memory_space<vmem>>, vector<1x1x16xf32>,
        %get3A_666 = vector.shape_cast %get3A_665 : vector<1x1x16xf32> to vector<16xf32>
        %mul3A_667 = arith.mulf %get3A_666, %broadcast_in_dim3A_658 : vector<16xf32>
        %add3A_668 = arith.addf %scan3A_649, %mul3A_667 : vector<16xf32>
        %add3A_669 = arith.constant 50 : i32
        %add3A_670 = arith.addi %add3A_669, %scan3A_648 : i32
        %get3A_671 = arith.constant 2 : i32
        %get3A_672 = arith.index_cast %get3A_671 : i32 to index
        %get3A_673 = arith.index_cast %add3A_670 : i32 to index
        %get3A_674 = arith.constant 16 : index
        %get3A_675 = tpu.vector_load %arg8[%get3A_672, %get3A_673, %get3A_674] {strides = array<i32>} : memref<4x100x64xf32, #tpu.memory_space<vmem>>, vector<1x1x16xf32>,
        %get3A_676 = vector.shape_cast %get3A_675 : vector<1x1x16xf32> to vector<16xf32>
        %mul3A_677 = arith.mulf %get3A_676, %broadcast_in_dim3A_658 : vector<16xf32>
        %add3A_678 = arith.addf %scan3A_650, %mul3A_677 : vector<16xf32>
        %add3A_679 = arith.constant 50 : i32
        %add3A_680 = arith.addi %add3A_679, %scan3A_648 : i32
        %get3A_681 = arith.constant 2 : i32
        %get3A_682 = arith.index_cast %get3A_681 : i32 to index
        %get3A_683 = arith.index_cast %add3A_680 : i32 to index
        %get3A_684 = arith.constant 32 : index
        %get3A_685 = tpu.vector_load %arg8[%get3A_682, %get3A_683, %get3A_684] {strides = array<i32>} : memref<4x100x64xf32, #tpu.memory_space<vmem>>, vector<1x1x16xf32>,
        %get3A_686 = vector.shape_cast %get3A_685 : vector<1x1x16xf32> to vector<16xf32>
        %mul3A_687 = arith.mulf %get3A_686, %broadcast_in_dim3A_658 : vector<16xf32>
        %add3A_688 = arith.addf %scan3A_651, %mul3A_687 : vector<16xf32>
        %add3A_689 = arith.constant 50 : i32
        %add3A_690 = arith.addi %add3A_689, %scan3A_648 : i32
        %get3A_691 = arith.constant 2 : i32
        %get3A_692 = arith.index_cast %get3A_691 : i32 to index
        %get3A_693 = arith.index_cast %add3A_690 : i32 to index
        %get3A_694 = arith.constant 48 : index
        %get3A_695 = tpu.vector_load %arg8[%get3A_692, %get3A_693, %get3A_694] {strides = array<i32>} : memref<4x100x64xf32, #tpu.memory_space<vmem>>, vector<1x1x16xf32>,
        %get3A_696 = vector.shape_cast %get3A_695 : vector<1x1x16xf32> to vector<16xf32>
        %mul3A_697 = arith.mulf %get3A_696, %broadcast_in_dim3A_658 : vector<16xf32>
        %add3A_698 = arith.addf %scan3A_652, %mul3A_697 : vector<16xf32>
        %scan3A_699 = arith.constant 1 : i32
        %scan3A_700 = arith.addi %scan3A_648, %scan3A_699 : i32
        %add3A_701 = arith.constant 50 : i32
        %add3A_702 = arith.addi %mul3A_393, %add3A_701 : i32
        %add3A_703 = arith.addi %add3A_702, %scan3A_700 : i32
        %get3A_704 = arith.index_cast %add3A_703 : i32 to index
        %get3A_705 = tpu.vector_load %arg7[%get3A_704] {strides = array<i32>} : memref<25616xf32, #tpu.memory_space<vmem>>, vector<16xf32>,
        %get3A_706 = vector.shape_cast %get3A_705 : vector<16xf32> to vector<16xf32>
        %slice3A_707 = vector.extract_strided_slice %get3A_706 {offsets = [0], sizes = [1], strides = [1]} : vector<16xf32> to vector<1xf32>
        %squeeze3A_708 = vector.extract %slice3A_707[0] : f32 from vector<1xf32>
        %broadcast_in_dim3A_709 = vector.broadcast %squeeze3A_708 : f32 to vector<16xf32>
        %add3A_710 = arith.constant 50 : i32
        %add3A_711 = arith.addi %add3A_710, %scan3A_700 : i32
        %get3A_712 = arith.constant 2 : i32
        %get3A_713 = arith.index_cast %get3A_712 : i32 to index
        %get3A_714 = arith.index_cast %add3A_711 : i32 to index
        %get3A_715 = arith.constant 0 : index
        %get3A_716 = tpu.vector_load %arg8[%get3A_713, %get3A_714, %get3A_715] {strides = array<i32>} : memref<4x100x64xf32, #tpu.memory_space<vmem>>, vector<1x1x16xf32>,
        %get3A_717 = vector.shape_cast %get3A_716 : vector<1x1x16xf32> to vector<16xf32>
        %mul3A_718 = arith.mulf %get3A_717, %broadcast_in_dim3A_709 : vector<16xf32>
        %add3A_719 = arith.addf %add3A_668, %mul3A_718 : vector<16xf32>
        %add3A_720 = arith.constant 50 : i32
        %add3A_721 = arith.addi %add3A_720, %scan3A_700 : i32
        %get3A_722 = arith.constant 2 : i32
        %get3A_723 = arith.index_cast %get3A_722 : i32 to index
        %get3A_724 = arith.index_cast %add3A_721 : i32 to index
        %get3A_725 = arith.constant 16 : index
        %get3A_726 = tpu.vector_load %arg8[%get3A_723, %get3A_724, %get3A_725] {strides = array<i32>} : memref<4x100x64xf32, #tpu.memory_space<vmem>>, vector<1x1x16xf32>,
        %get3A_727 = vector.shape_cast %get3A_726 : vector<1x1x16xf32> to vector<16xf32>
        %mul3A_728 = arith.mulf %get3A_727, %broadcast_in_dim3A_709 : vector<16xf32>
        %add3A_729 = arith.addf %add3A_678, %mul3A_728 : vector<16xf32>
        %add3A_730 = arith.constant 50 : i32
        %add3A_731 = arith.addi %add3A_730, %scan3A_700 : i32
        %get3A_732 = arith.constant 2 : i32
        %get3A_733 = arith.index_cast %get3A_732 : i32 to index
        %get3A_734 = arith.index_cast %add3A_731 : i32 to index
        %get3A_735 = arith.constant 32 : index
        %get3A_736 = tpu.vector_load %arg8[%get3A_733, %get3A_734, %get3A_735] {strides = array<i32>} : memref<4x100x64xf32, #tpu.memory_space<vmem>>, vector<1x1x16xf32>,
        %get3A_737 = vector.shape_cast %get3A_736 : vector<1x1x16xf32> to vector<16xf32>
        %mul3A_738 = arith.mulf %get3A_737, %broadcast_in_dim3A_709 : vector<16xf32>
        %add3A_739 = arith.addf %add3A_688, %mul3A_738 : vector<16xf32>
        %add3A_740 = arith.constant 50 : i32
        %add3A_741 = arith.addi %add3A_740, %scan3A_700 : i32
        %get3A_742 = arith.constant 2 : i32
        %get3A_743 = arith.index_cast %get3A_742 : i32 to index
        %get3A_744 = arith.index_cast %add3A_741 : i32 to index
        %get3A_745 = arith.constant 48 : index
        %get3A_746 = tpu.vector_load %arg8[%get3A_743, %get3A_744, %get3A_745] {strides = array<i32>} : memref<4x100x64xf32, #tpu.memory_space<vmem>>, vector<1x1x16xf32>,
        %get3A_747 = vector.shape_cast %get3A_746 : vector<1x1x16xf32> to vector<16xf32>
        %mul3A_748 = arith.mulf %get3A_747, %broadcast_in_dim3A_709 : vector<16xf32>
        %add3A_749 = arith.addf %add3A_698, %mul3A_748 : vector<16xf32>
        %scan3A_750 = arith.constant 2 : i32
        %scan3A_751 = arith.addi %scan3A_648, %scan3A_750 : i32
        %add3A_752 = arith.constant 50 : i32
        %add3A_753 = arith.addi %mul3A_393, %add3A_752 : i32
        %add3A_754 = arith.addi %add3A_753, %scan3A_751 : i32
        %get3A_755 = arith.index_cast %add3A_754 : i32 to index
        %get3A_756 = tpu.vector_load %arg7[%get3A_755] {strides = array<i32>} : memref<25616xf32, #tpu.memory_space<vmem>>, vector<16xf32>,
        %get3A_757 = vector.shape_cast %get3A_756 : vector<16xf32> to vector<16xf32>
        %slice3A_758 = vector.extract_strided_slice %get3A_757 {offsets = [0], sizes = [1], strides = [1]} : vector<16xf32> to vector<1xf32>
        %squeeze3A_759 = vector.extract %slice3A_758[0] : f32 from vector<1xf32>
        %broadcast_in_dim3A_760 = vector.broadcast %squeeze3A_759 : f32 to vector<16xf32>
        %add3A_761 = arith.constant 50 : i32
        %add3A_762 = arith.addi %add3A_761, %scan3A_751 : i32
        %get3A_763 = arith.constant 2 : i32
        %get3A_764 = arith.index_cast %get3A_763 : i32 to index
        %get3A_765 = arith.index_cast %add3A_762 : i32 to index
        %get3A_766 = arith.constant 0 : index
        %get3A_767 = tpu.vector_load %arg8[%get3A_764, %get3A_765, %get3A_766] {strides = array<i32>} : memref<4x100x64xf32, #tpu.memory_space<vmem>>, vector<1x1x16xf32>,
        %get3A_768 = vector.shape_cast %get3A_767 : vector<1x1x16xf32> to vector<16xf32>
        %mul3A_769 = arith.mulf %get3A_768, %broadcast_in_dim3A_760 : vector<16xf32>
        %add3A_770 = arith.addf %add3A_719, %mul3A_769 : vector<16xf32>
        %add3A_771 = arith.constant 50 : i32
        %add3A_772 = arith.addi %add3A_771, %scan3A_751 : i32
        %get3A_773 = arith.constant 2 : i32
        %get3A_774 = arith.index_cast %get3A_773 : i32 to index
        %get3A_775 = arith.index_cast %add3A_772 : i32 to index
        %get3A_776 = arith.constant 16 : index
        %get3A_777 = tpu.vector_load %arg8[%get3A_774, %get3A_775, %get3A_776] {strides = array<i32>} : memref<4x100x64xf32, #tpu.memory_space<vmem>>, vector<1x1x16xf32>,
        %get3A_778 = vector.shape_cast %get3A_777 : vector<1x1x16xf32> to vector<16xf32>
        %mul3A_779 = arith.mulf %get3A_778, %broadcast_in_dim3A_760 : vector<16xf32>
        %add3A_780 = arith.addf %add3A_729, %mul3A_779 : vector<16xf32>
        %add3A_781 = arith.constant 50 : i32
        %add3A_782 = arith.addi %add3A_781, %scan3A_751 : i32
        %get3A_783 = arith.constant 2 : i32
        %get3A_784 = arith.index_cast %get3A_783 : i32 to index
        %get3A_785 = arith.index_cast %add3A_782 : i32 to index
        %get3A_786 = arith.constant 32 : index
        %get3A_787 = tpu.vector_load %arg8[%get3A_784, %get3A_785, %get3A_786] {strides = array<i32>} : memref<4x100x64xf32, #tpu.memory_space<vmem>>, vector<1x1x16xf32>,
        %get3A_788 = vector.shape_cast %get3A_787 : vector<1x1x16xf32> to vector<16xf32>
        %mul3A_789 = arith.mulf %get3A_788, %broadcast_in_dim3A_760 : vector<16xf32>
        %add3A_790 = arith.addf %add3A_739, %mul3A_789 : vector<16xf32>
        %add3A_791 = arith.constant 50 : i32
        %add3A_792 = arith.addi %add3A_791, %scan3A_751 : i32
        %get3A_793 = arith.constant 2 : i32
        %get3A_794 = arith.index_cast %get3A_793 : i32 to index
        %get3A_795 = arith.index_cast %add3A_792 : i32 to index
        %get3A_796 = arith.constant 48 : index
        %get3A_797 = tpu.vector_load %arg8[%get3A_794, %get3A_795, %get3A_796] {strides = array<i32>} : memref<4x100x64xf32, #tpu.memory_space<vmem>>, vector<1x1x16xf32>,
        %get3A_798 = vector.shape_cast %get3A_797 : vector<1x1x16xf32> to vector<16xf32>
        %mul3A_799 = arith.mulf %get3A_798, %broadcast_in_dim3A_760 : vector<16xf32>
        %add3A_800 = arith.addf %add3A_749, %mul3A_799 : vector<16xf32>
        %scan3A_801 = arith.constant 3 : i32
        %scan3A_802 = arith.addi %scan3A_648, %scan3A_801 : i32
        %add3A_803 = arith.constant 50 : i32
        %add3A_804 = arith.addi %mul3A_393, %add3A_803 : i32
        %add3A_805 = arith.addi %add3A_804, %scan3A_802 : i32
        %get3A_806 = arith.index_cast %add3A_805 : i32 to index
        %get3A_807 = tpu.vector_load %arg7[%get3A_806] {strides = array<i32>} : memref<25616xf32, #tpu.memory_space<vmem>>, vector<16xf32>,
        %get3A_808 = vector.shape_cast %get3A_807 : vector<16xf32> to vector<16xf32>
        %slice3A_809 = vector.extract_strided_slice %get3A_808 {offsets = [0], sizes = [1], strides = [1]} : vector<16xf32> to vector<1xf32>
        %squeeze3A_810 = vector.extract %slice3A_809[0] : f32 from vector<1xf32>
        %broadcast_in_dim3A_811 = vector.broadcast %squeeze3A_810 : f32 to vector<16xf32>
        %add3A_812 = arith.constant 50 : i32
        %add3A_813 = arith.addi %add3A_812, %scan3A_802 : i32
        %get3A_814 = arith.constant 2 : i32
        %get3A_815 = arith.index_cast %get3A_814 : i32 to index
        %get3A_816 = arith.index_cast %add3A_813 : i32 to index
        %get3A_817 = arith.constant 0 : index
        %get3A_818 = tpu.vector_load %arg8[%get3A_815, %get3A_816, %get3A_817] {strides = array<i32>} : memref<4x100x64xf32, #tpu.memory_space<vmem>>, vector<1x1x16xf32>,
        %get3A_819 = vector.shape_cast %get3A_818 : vector<1x1x16xf32> to vector<16xf32>
        %mul3A_820 = arith.mulf %get3A_819, %broadcast_in_dim3A_811 : vector<16xf32>
        %add3A_821 = arith.addf %add3A_770, %mul3A_820 : vector<16xf32>
        %add3A_822 = arith.constant 50 : i32
        %add3A_823 = arith.addi %add3A_822, %scan3A_802 : i32
        %get3A_824 = arith.constant 2 : i32
        %get3A_825 = arith.index_cast %get3A_824 : i32 to index
        %get3A_826 = arith.index_cast %add3A_823 : i32 to index
        %get3A_827 = arith.constant 16 : index
        %get3A_828 = tpu.vector_load %arg8[%get3A_825, %get3A_826, %get3A_827] {strides = array<i32>} : memref<4x100x64xf32, #tpu.memory_space<vmem>>, vector<1x1x16xf32>,
        %get3A_829 = vector.shape_cast %get3A_828 : vector<1x1x16xf32> to vector<16xf32>
        %mul3A_830 = arith.mulf %get3A_829, %broadcast_in_dim3A_811 : vector<16xf32>
        %add3A_831 = arith.addf %add3A_780, %mul3A_830 : vector<16xf32>
        %add3A_832 = arith.constant 50 : i32
        %add3A_833 = arith.addi %add3A_832, %scan3A_802 : i32
        %get3A_834 = arith.constant 2 : i32
        %get3A_835 = arith.index_cast %get3A_834 : i32 to index
        %get3A_836 = arith.index_cast %add3A_833 : i32 to index
        %get3A_837 = arith.constant 32 : index
        %get3A_838 = tpu.vector_load %arg8[%get3A_835, %get3A_836, %get3A_837] {strides = array<i32>} : memref<4x100x64xf32, #tpu.memory_space<vmem>>, vector<1x1x16xf32>,
        %get3A_839 = vector.shape_cast %get3A_838 : vector<1x1x16xf32> to vector<16xf32>
        %mul3A_840 = arith.mulf %get3A_839, %broadcast_in_dim3A_811 : vector<16xf32>
        %add3A_841 = arith.addf %add3A_790, %mul3A_840 : vector<16xf32>
        %add3A_842 = arith.constant 50 : i32
        %add3A_843 = arith.addi %add3A_842, %scan3A_802 : i32
        %get3A_844 = arith.constant 2 : i32
        %get3A_845 = arith.index_cast %get3A_844 : i32 to index
        %get3A_846 = arith.index_cast %add3A_843 : i32 to index
        %get3A_847 = arith.constant 48 : index
        %get3A_848 = tpu.vector_load %arg8[%get3A_845, %get3A_846, %get3A_847] {strides = array<i32>} : memref<4x100x64xf32, #tpu.memory_space<vmem>>, vector<1x1x16xf32>,
        %get3A_849 = vector.shape_cast %get3A_848 : vector<1x1x16xf32> to vector<16xf32>
        %mul3A_850 = arith.mulf %get3A_849, %broadcast_in_dim3A_811 : vector<16xf32>
        %add3A_851 = arith.addf %add3A_800, %mul3A_850 : vector<16xf32>
        %scan3A_852 = arith.constant 4 : i32
        %scan3A_853 = arith.addi %scan3A_648, %scan3A_852 : i32
        %add3A_854 = arith.constant 50 : i32
        %add3A_855 = arith.addi %mul3A_393, %add3A_854 : i32
        %add3A_856 = arith.addi %add3A_855, %scan3A_853 : i32
        %get3A_857 = arith.index_cast %add3A_856 : i32 to index
        %get3A_858 = tpu.vector_load %arg7[%get3A_857] {strides = array<i32>} : memref<25616xf32, #tpu.memory_space<vmem>>, vector<16xf32>,
        %get3A_859 = vector.shape_cast %get3A_858 : vector<16xf32> to vector<16xf32>
        %slice3A_860 = vector.extract_strided_slice %get3A_859 {offsets = [0], sizes = [1], strides = [1]} : vector<16xf32> to vector<1xf32>
        %squeeze3A_861 = vector.extract %slice3A_860[0] : f32 from vector<1xf32>
        %broadcast_in_dim3A_862 = vector.broadcast %squeeze3A_861 : f32 to vector<16xf32>
        %add3A_863 = arith.constant 50 : i32
        %add3A_864 = arith.addi %add3A_863, %scan3A_853 : i32
        %get3A_865 = arith.constant 2 : i32
        %get3A_866 = arith.index_cast %get3A_865 : i32 to index
        %get3A_867 = arith.index_cast %add3A_864 : i32 to index
        %get3A_868 = arith.constant 0 : index
        %get3A_869 = tpu.vector_load %arg8[%get3A_866, %get3A_867, %get3A_868] {strides = array<i32>} : memref<4x100x64xf32, #tpu.memory_space<vmem>>, vector<1x1x16xf32>,
        %get3A_870 = vector.shape_cast %get3A_869 : vector<1x1x16xf32> to vector<16xf32>
        %mul3A_871 = arith.mulf %get3A_870, %broadcast_in_dim3A_862 : vector<16xf32>
        %add3A_872 = arith.addf %add3A_821, %mul3A_871 : vector<16xf32>
        %add3A_873 = arith.constant 50 : i32
        %add3A_874 = arith.addi %add3A_873, %scan3A_853 : i32
        %get3A_875 = arith.constant 2 : i32
        %get3A_876 = arith.index_cast %get3A_875 : i32 to index
        %get3A_877 = arith.index_cast %add3A_874 : i32 to index
        %get3A_878 = arith.constant 16 : index
        %get3A_879 = tpu.vector_load %arg8[%get3A_876, %get3A_877, %get3A_878] {strides = array<i32>} : memref<4x100x64xf32, #tpu.memory_space<vmem>>, vector<1x1x16xf32>,
        %get3A_880 = vector.shape_cast %get3A_879 : vector<1x1x16xf32> to vector<16xf32>
        %mul3A_881 = arith.mulf %get3A_880, %broadcast_in_dim3A_862 : vector<16xf32>
        %add3A_882 = arith.addf %add3A_831, %mul3A_881 : vector<16xf32>
        %add3A_883 = arith.constant 50 : i32
        %add3A_884 = arith.addi %add3A_883, %scan3A_853 : i32
        %get3A_885 = arith.constant 2 : i32
        %get3A_886 = arith.index_cast %get3A_885 : i32 to index
        %get3A_887 = arith.index_cast %add3A_884 : i32 to index
        %get3A_888 = arith.constant 32 : index
        %get3A_889 = tpu.vector_load %arg8[%get3A_886, %get3A_887, %get3A_888] {strides = array<i32>} : memref<4x100x64xf32, #tpu.memory_space<vmem>>, vector<1x1x16xf32>,
        %get3A_890 = vector.shape_cast %get3A_889 : vector<1x1x16xf32> to vector<16xf32>
        %mul3A_891 = arith.mulf %get3A_890, %broadcast_in_dim3A_862 : vector<16xf32>
        %add3A_892 = arith.addf %add3A_841, %mul3A_891 : vector<16xf32>
        %add3A_893 = arith.constant 50 : i32
        %add3A_894 = arith.addi %add3A_893, %scan3A_853 : i32
        %get3A_895 = arith.constant 2 : i32
        %get3A_896 = arith.index_cast %get3A_895 : i32 to index
        %get3A_897 = arith.index_cast %add3A_894 : i32 to index
        %get3A_898 = arith.constant 48 : index
        %get3A_899 = tpu.vector_load %arg8[%get3A_896, %get3A_897, %get3A_898] {strides = array<i32>} : memref<4x100x64xf32, #tpu.memory_space<vmem>>, vector<1x1x16xf32>,
        %get3A_900 = vector.shape_cast %get3A_899 : vector<1x1x16xf32> to vector<16xf32>
        %mul3A_901 = arith.mulf %get3A_900, %broadcast_in_dim3A_862 : vector<16xf32>
        %add3A_902 = arith.addf %add3A_851, %mul3A_901 : vector<16xf32>
        %scan3A_903 = arith.constant 5 : i32
        %scan3A_904 = arith.addi %scan3A_648, %scan3A_903 : i32
        %add3A_905 = arith.constant 50 : i32
        %add3A_906 = arith.addi %mul3A_393, %add3A_905 : i32
        %add3A_907 = arith.addi %add3A_906, %scan3A_904 : i32
        %get3A_908 = arith.index_cast %add3A_907 : i32 to index
        %get3A_909 = tpu.vector_load %arg7[%get3A_908] {strides = array<i32>} : memref<25616xf32, #tpu.memory_space<vmem>>, vector<16xf32>,
        %get3A_910 = vector.shape_cast %get3A_909 : vector<16xf32> to vector<16xf32>
        %slice3A_911 = vector.extract_strided_slice %get3A_910 {offsets = [0], sizes = [1], strides = [1]} : vector<16xf32> to vector<1xf32>
        %squeeze3A_912 = vector.extract %slice3A_911[0] : f32 from vector<1xf32>
        %broadcast_in_dim3A_913 = vector.broadcast %squeeze3A_912 : f32 to vector<16xf32>
        %add3A_914 = arith.constant 50 : i32
        %add3A_915 = arith.addi %add3A_914, %scan3A_904 : i32
        %get3A_916 = arith.constant 2 : i32
        %get3A_917 = arith.index_cast %get3A_916 : i32 to index
        %get3A_918 = arith.index_cast %add3A_915 : i32 to index
        %get3A_919 = arith.constant 0 : index
        %get3A_920 = tpu.vector_load %arg8[%get3A_917, %get3A_918, %get3A_919] {strides = array<i32>} : memref<4x100x64xf32, #tpu.memory_space<vmem>>, vector<1x1x16xf32>,
        %get3A_921 = vector.shape_cast %get3A_920 : vector<1x1x16xf32> to vector<16xf32>
        %mul3A_922 = arith.mulf %get3A_921, %broadcast_in_dim3A_913 : vector<16xf32>
        %add3A_923 = arith.addf %add3A_872, %mul3A_922 : vector<16xf32>
        %add3A_924 = arith.constant 50 : i32
        %add3A_925 = arith.addi %add3A_924, %scan3A_904 : i32
        %get3A_926 = arith.constant 2 : i32
        %get3A_927 = arith.index_cast %get3A_926 : i32 to index
        %get3A_928 = arith.index_cast %add3A_925 : i32 to index
        %get3A_929 = arith.constant 16 : index
        %get3A_930 = tpu.vector_load %arg8[%get3A_927, %get3A_928, %get3A_929] {strides = array<i32>} : memref<4x100x64xf32, #tpu.memory_space<vmem>>, vector<1x1x16xf32>,
        %get3A_931 = vector.shape_cast %get3A_930 : vector<1x1x16xf32> to vector<16xf32>
        %mul3A_932 = arith.mulf %get3A_931, %broadcast_in_dim3A_913 : vector<16xf32>
        %add3A_933 = arith.addf %add3A_882, %mul3A_932 : vector<16xf32>
        %add3A_934 = arith.constant 50 : i32
        %add3A_935 = arith.addi %add3A_934, %scan3A_904 : i32
        %get3A_936 = arith.constant 2 : i32
        %get3A_937 = arith.index_cast %get3A_936 : i32 to index
        %get3A_938 = arith.index_cast %add3A_935 : i32 to index
        %get3A_939 = arith.constant 32 : index
        %get3A_940 = tpu.vector_load %arg8[%get3A_937, %get3A_938, %get3A_939] {strides = array<i32>} : memref<4x100x64xf32, #tpu.memory_space<vmem>>, vector<1x1x16xf32>,
        %get3A_941 = vector.shape_cast %get3A_940 : vector<1x1x16xf32> to vector<16xf32>
        %mul3A_942 = arith.mulf %get3A_941, %broadcast_in_dim3A_913 : vector<16xf32>
        %add3A_943 = arith.addf %add3A_892, %mul3A_942 : vector<16xf32>
        %add3A_944 = arith.constant 50 : i32
        %add3A_945 = arith.addi %add3A_944, %scan3A_904 : i32
        %get3A_946 = arith.constant 2 : i32
        %get3A_947 = arith.index_cast %get3A_946 : i32 to index
        %get3A_948 = arith.index_cast %add3A_945 : i32 to index
        %get3A_949 = arith.constant 48 : index
        %get3A_950 = tpu.vector_load %arg8[%get3A_947, %get3A_948, %get3A_949] {strides = array<i32>} : memref<4x100x64xf32, #tpu.memory_space<vmem>>, vector<1x1x16xf32>,
        %get3A_951 = vector.shape_cast %get3A_950 : vector<1x1x16xf32> to vector<16xf32>
        %mul3A_952 = arith.mulf %get3A_951, %broadcast_in_dim3A_913 : vector<16xf32>
        %add3A_953 = arith.addf %add3A_902, %mul3A_952 : vector<16xf32>
        %scan3A_954 = arith.constant 6 : i32
        %scan3A_955 = arith.addi %scan3A_648, %scan3A_954 : i32
        %add3A_956 = arith.constant 50 : i32
        %add3A_957 = arith.addi %mul3A_393, %add3A_956 : i32
        %add3A_958 = arith.addi %add3A_957, %scan3A_955 : i32
        %get3A_959 = arith.index_cast %add3A_958 : i32 to index
        %get3A_960 = tpu.vector_load %arg7[%get3A_959] {strides = array<i32>} : memref<25616xf32, #tpu.memory_space<vmem>>, vector<16xf32>,
        %get3A_961 = vector.shape_cast %get3A_960 : vector<16xf32> to vector<16xf32>
        %slice3A_962 = vector.extract_strided_slice %get3A_961 {offsets = [0], sizes = [1], strides = [1]} : vector<16xf32> to vector<1xf32>
        %squeeze3A_963 = vector.extract %slice3A_962[0] : f32 from vector<1xf32>
        %broadcast_in_dim3A_964 = vector.broadcast %squeeze3A_963 : f32 to vector<16xf32>
        %add3A_965 = arith.constant 50 : i32
        %add3A_966 = arith.addi %add3A_965, %scan3A_955 : i32
        %get3A_967 = arith.constant 2 : i32
        %get3A_968 = arith.index_cast %get3A_967 : i32 to index
        %get3A_969 = arith.index_cast %add3A_966 : i32 to index
        %get3A_970 = arith.constant 0 : index
        %get3A_971 = tpu.vector_load %arg8[%get3A_968, %get3A_969, %get3A_970] {strides = array<i32>} : memref<4x100x64xf32, #tpu.memory_space<vmem>>, vector<1x1x16xf32>,
        %get3A_972 = vector.shape_cast %get3A_971 : vector<1x1x16xf32> to vector<16xf32>
        %mul3A_973 = arith.mulf %get3A_972, %broadcast_in_dim3A_964 : vector<16xf32>
        %add3A_974 = arith.addf %add3A_923, %mul3A_973 : vector<16xf32>
        %add3A_975 = arith.constant 50 : i32
        %add3A_976 = arith.addi %add3A_975, %scan3A_955 : i32
        %get3A_977 = arith.constant 2 : i32
        %get3A_978 = arith.index_cast %get3A_977 : i32 to index
        %get3A_979 = arith.index_cast %add3A_976 : i32 to index
        %get3A_980 = arith.constant 16 : index
        %get3A_981 = tpu.vector_load %arg8[%get3A_978, %get3A_979, %get3A_980] {strides = array<i32>} : memref<4x100x64xf32, #tpu.memory_space<vmem>>, vector<1x1x16xf32>,
        %get3A_982 = vector.shape_cast %get3A_981 : vector<1x1x16xf32> to vector<16xf32>
        %mul3A_983 = arith.mulf %get3A_982, %broadcast_in_dim3A_964 : vector<16xf32>
        %add3A_984 = arith.addf %add3A_933, %mul3A_983 : vector<16xf32>
        %add3A_985 = arith.constant 50 : i32
        %add3A_986 = arith.addi %add3A_985, %scan3A_955 : i32
        %get3A_987 = arith.constant 2 : i32
        %get3A_988 = arith.index_cast %get3A_987 : i32 to index
        %get3A_989 = arith.index_cast %add3A_986 : i32 to index
        %get3A_990 = arith.constant 32 : index
        %get3A_991 = tpu.vector_load %arg8[%get3A_988, %get3A_989, %get3A_990] {strides = array<i32>} : memref<4x100x64xf32, #tpu.memory_space<vmem>>, vector<1x1x16xf32>,
        %get3A_992 = vector.shape_cast %get3A_991 : vector<1x1x16xf32> to vector<16xf32>
        %mul3A_993 = arith.mulf %get3A_992, %broadcast_in_dim3A_964 : vector<16xf32>
        %add3A_994 = arith.addf %add3A_943, %mul3A_993 : vector<16xf32>
        %add3A_995 = arith.constant 50 : i32
        %add3A_996 = arith.addi %add3A_995, %scan3A_955 : i32
        %get3A_997 = arith.constant 2 : i32
        %get3A_998 = arith.index_cast %get3A_997 : i32 to index
        %get3A_999 = arith.index_cast %add3A_996 : i32 to index
        %get3A_1000 = arith.constant 48 : index
        %get3A_1001 = tpu.vector_load %arg8[%get3A_998, %get3A_999, %get3A_1000] {strides = array<i32>} : memref<4x100x64xf32, #tpu.memory_space<vmem>>, vector<1x1x16xf32>,
        %get3A_1002 = vector.shape_cast %get3A_1001 : vector<1x1x16xf32> to vector<16xf32>
        %mul3A_1003 = arith.mulf %get3A_1002, %broadcast_in_dim3A_964 : vector<16xf32>
        %add3A_1004 = arith.addf %add3A_953, %mul3A_1003 : vector<16xf32>
        %scan3A_1005 = arith.constant 7 : i32
        %scan3A_1006 = arith.addi %scan3A_648, %scan3A_1005 : i32
        %add3A_1007 = arith.constant 50 : i32
        %add3A_1008 = arith.addi %mul3A_393, %add3A_1007 : i32
        %add3A_1009 = arith.addi %add3A_1008, %scan3A_1006 : i32
        %get3A_1010 = arith.index_cast %add3A_1009 : i32 to index
        %get3A_1011 = tpu.vector_load %arg7[%get3A_1010] {strides = array<i32>} : memref<25616xf32, #tpu.memory_space<vmem>>, vector<16xf32>,
        %get3A_1012 = vector.shape_cast %get3A_1011 : vector<16xf32> to vector<16xf32>
        %slice3A_1013 = vector.extract_strided_slice %get3A_1012 {offsets = [0], sizes = [1], strides = [1]} : vector<16xf32> to vector<1xf32>
        %squeeze3A_1014 = vector.extract %slice3A_1013[0] : f32 from vector<1xf32>
        %broadcast_in_dim3A_1015 = vector.broadcast %squeeze3A_1014 : f32 to vector<16xf32>
        %add3A_1016 = arith.constant 50 : i32
        %add3A_1017 = arith.addi %add3A_1016, %scan3A_1006 : i32
        %get3A_1018 = arith.constant 2 : i32
        %get3A_1019 = arith.index_cast %get3A_1018 : i32 to index
        %get3A_1020 = arith.index_cast %add3A_1017 : i32 to index
        %get3A_1021 = arith.constant 0 : index
        %get3A_1022 = tpu.vector_load %arg8[%get3A_1019, %get3A_1020, %get3A_1021] {strides = array<i32>} : memref<4x100x64xf32, #tpu.memory_space<vmem>>, vector<1x1x16xf32>,
        %get3A_1023 = vector.shape_cast %get3A_1022 : vector<1x1x16xf32> to vector<16xf32>
        %mul3A_1024 = arith.mulf %get3A_1023, %broadcast_in_dim3A_1015 : vector<16xf32>
        %add3A_1025 = arith.addf %add3A_974, %mul3A_1024 : vector<16xf32>
        %add3A_1026 = arith.constant 50 : i32
        %add3A_1027 = arith.addi %add3A_1026, %scan3A_1006 : i32
        %get3A_1028 = arith.constant 2 : i32
        %get3A_1029 = arith.index_cast %get3A_1028 : i32 to index
        %get3A_1030 = arith.index_cast %add3A_1027 : i32 to index
        %get3A_1031 = arith.constant 16 : index
        %get3A_1032 = tpu.vector_load %arg8[%get3A_1029, %get3A_1030, %get3A_1031] {strides = array<i32>} : memref<4x100x64xf32, #tpu.memory_space<vmem>>, vector<1x1x16xf32>,
        %get3A_1033 = vector.shape_cast %get3A_1032 : vector<1x1x16xf32> to vector<16xf32>
        %mul3A_1034 = arith.mulf %get3A_1033, %broadcast_in_dim3A_1015 : vector<16xf32>
        %add3A_1035 = arith.addf %add3A_984, %mul3A_1034 : vector<16xf32>
        %add3A_1036 = arith.constant 50 : i32
        %add3A_1037 = arith.addi %add3A_1036, %scan3A_1006 : i32
        %get3A_1038 = arith.constant 2 : i32
        %get3A_1039 = arith.index_cast %get3A_1038 : i32 to index
        %get3A_1040 = arith.index_cast %add3A_1037 : i32 to index
        %get3A_1041 = arith.constant 32 : index
        %get3A_1042 = tpu.vector_load %arg8[%get3A_1039, %get3A_1040, %get3A_1041] {strides = array<i32>} : memref<4x100x64xf32, #tpu.memory_space<vmem>>, vector<1x1x16xf32>,
        %get3A_1043 = vector.shape_cast %get3A_1042 : vector<1x1x16xf32> to vector<16xf32>
        %mul3A_1044 = arith.mulf %get3A_1043, %broadcast_in_dim3A_1015 : vector<16xf32>
        %add3A_1045 = arith.addf %add3A_994, %mul3A_1044 : vector<16xf32>
        %add3A_1046 = arith.constant 50 : i32
        %add3A_1047 = arith.addi %add3A_1046, %scan3A_1006 : i32
        %get3A_1048 = arith.constant 2 : i32
        %get3A_1049 = arith.index_cast %get3A_1048 : i32 to index
        %get3A_1050 = arith.index_cast %add3A_1047 : i32 to index
        %get3A_1051 = arith.constant 48 : index
        %get3A_1052 = tpu.vector_load %arg8[%get3A_1049, %get3A_1050, %get3A_1051] {strides = array<i32>} : memref<4x100x64xf32, #tpu.memory_space<vmem>>, vector<1x1x16xf32>,
        %get3A_1053 = vector.shape_cast %get3A_1052 : vector<1x1x16xf32> to vector<16xf32>
        %mul3A_1054 = arith.mulf %get3A_1053, %broadcast_in_dim3A_1015 : vector<16xf32>
        %add3A_1055 = arith.addf %add3A_1004, %mul3A_1054 : vector<16xf32>
        %scan3A_1056 = arith.constant 8 : i32
        %scan3A_1057 = arith.addi %scan3A_648, %scan3A_1056 : i32
        %add3A_1058 = arith.constant 50 : i32
        %add3A_1059 = arith.addi %mul3A_393, %add3A_1058 : i32
        %add3A_1060 = arith.addi %add3A_1059, %scan3A_1057 : i32
        %get3A_1061 = arith.index_cast %add3A_1060 : i32 to index
        %get3A_1062 = tpu.vector_load %arg7[%get3A_1061] {strides = array<i32>} : memref<25616xf32, #tpu.memory_space<vmem>>, vector<16xf32>,
        %get3A_1063 = vector.shape_cast %get3A_1062 : vector<16xf32> to vector<16xf32>
        %slice3A_1064 = vector.extract_strided_slice %get3A_1063 {offsets = [0], sizes = [1], strides = [1]} : vector<16xf32> to vector<1xf32>
        %squeeze3A_1065 = vector.extract %slice3A_1064[0] : f32 from vector<1xf32>
        %broadcast_in_dim3A_1066 = vector.broadcast %squeeze3A_1065 : f32 to vector<16xf32>
        %add3A_1067 = arith.constant 50 : i32
        %add3A_1068 = arith.addi %add3A_1067, %scan3A_1057 : i32
        %get3A_1069 = arith.constant 2 : i32
        %get3A_1070 = arith.index_cast %get3A_1069 : i32 to index
        %get3A_1071 = arith.index_cast %add3A_1068 : i32 to index
        %get3A_1072 = arith.constant 0 : index
        %get3A_1073 = tpu.vector_load %arg8[%get3A_1070, %get3A_1071, %get3A_1072] {strides = array<i32>} : memref<4x100x64xf32, #tpu.memory_space<vmem>>, vector<1x1x16xf32>,
        %get3A_1074 = vector.shape_cast %get3A_1073 : vector<1x1x16xf32> to vector<16xf32>
        %mul3A_1075 = arith.mulf %get3A_1074, %broadcast_in_dim3A_1066 : vector<16xf32>
        %add3A_1076 = arith.addf %add3A_1025, %mul3A_1075 : vector<16xf32>
        %add3A_1077 = arith.constant 50 : i32
        %add3A_1078 = arith.addi %add3A_1077, %scan3A_1057 : i32
        %get3A_1079 = arith.constant 2 : i32
        %get3A_1080 = arith.index_cast %get3A_1079 : i32 to index
        %get3A_1081 = arith.index_cast %add3A_1078 : i32 to index
        %get3A_1082 = arith.constant 16 : index
        %get3A_1083 = tpu.vector_load %arg8[%get3A_1080, %get3A_1081, %get3A_1082] {strides = array<i32>} : memref<4x100x64xf32, #tpu.memory_space<vmem>>, vector<1x1x16xf32>,
        %get3A_1084 = vector.shape_cast %get3A_1083 : vector<1x1x16xf32> to vector<16xf32>
        %mul3A_1085 = arith.mulf %get3A_1084, %broadcast_in_dim3A_1066 : vector<16xf32>
        %add3A_1086 = arith.addf %add3A_1035, %mul3A_1085 : vector<16xf32>
        %add3A_1087 = arith.constant 50 : i32
        %add3A_1088 = arith.addi %add3A_1087, %scan3A_1057 : i32
        %get3A_1089 = arith.constant 2 : i32
        %get3A_1090 = arith.index_cast %get3A_1089 : i32 to index
        %get3A_1091 = arith.index_cast %add3A_1088 : i32 to index
        %get3A_1092 = arith.constant 32 : index
        %get3A_1093 = tpu.vector_load %arg8[%get3A_1090, %get3A_1091, %get3A_1092] {strides = array<i32>} : memref<4x100x64xf32, #tpu.memory_space<vmem>>, vector<1x1x16xf32>,
        %get3A_1094 = vector.shape_cast %get3A_1093 : vector<1x1x16xf32> to vector<16xf32>
        %mul3A_1095 = arith.mulf %get3A_1094, %broadcast_in_dim3A_1066 : vector<16xf32>
        %add3A_1096 = arith.addf %add3A_1045, %mul3A_1095 : vector<16xf32>
        %add3A_1097 = arith.constant 50 : i32
        %add3A_1098 = arith.addi %add3A_1097, %scan3A_1057 : i32
        %get3A_1099 = arith.constant 2 : i32
        %get3A_1100 = arith.index_cast %get3A_1099 : i32 to index
        %get3A_1101 = arith.index_cast %add3A_1098 : i32 to index
        %get3A_1102 = arith.constant 48 : index
        %get3A_1103 = tpu.vector_load %arg8[%get3A_1100, %get3A_1101, %get3A_1102] {strides = array<i32>} : memref<4x100x64xf32, #tpu.memory_space<vmem>>, vector<1x1x16xf32>,
        %get3A_1104 = vector.shape_cast %get3A_1103 : vector<1x1x16xf32> to vector<16xf32>
        %mul3A_1105 = arith.mulf %get3A_1104, %broadcast_in_dim3A_1066 : vector<16xf32>
        %add3A_1106 = arith.addf %add3A_1055, %mul3A_1105 : vector<16xf32>
        %scan3A_1107 = arith.constant 9 : i32
        %scan3A_1108 = arith.addi %scan3A_648, %scan3A_1107 : i32
        %add3A_1109 = arith.constant 50 : i32
        %add3A_1110 = arith.addi %mul3A_393, %add3A_1109 : i32
        %add3A_1111 = arith.addi %add3A_1110, %scan3A_1108 : i32
        %get3A_1112 = arith.index_cast %add3A_1111 : i32 to index
        %get3A_1113 = tpu.vector_load %arg7[%get3A_1112] {strides = array<i32>} : memref<25616xf32, #tpu.memory_space<vmem>>, vector<16xf32>,
        %get3A_1114 = vector.shape_cast %get3A_1113 : vector<16xf32> to vector<16xf32>
        %slice3A_1115 = vector.extract_strided_slice %get3A_1114 {offsets = [0], sizes = [1], strides = [1]} : vector<16xf32> to vector<1xf32>
        %squeeze3A_1116 = vector.extract %slice3A_1115[0] : f32 from vector<1xf32>
        %broadcast_in_dim3A_1117 = vector.broadcast %squeeze3A_1116 : f32 to vector<16xf32>
        %add3A_1118 = arith.constant 50 : i32
        %add3A_1119 = arith.addi %add3A_1118, %scan3A_1108 : i32
        %get3A_1120 = arith.constant 2 : i32
        %get3A_1121 = arith.index_cast %get3A_1120 : i32 to index
        %get3A_1122 = arith.index_cast %add3A_1119 : i32 to index
        %get3A_1123 = arith.constant 0 : index
        %get3A_1124 = tpu.vector_load %arg8[%get3A_1121, %get3A_1122, %get3A_1123] {strides = array<i32>} : memref<4x100x64xf32, #tpu.memory_space<vmem>>, vector<1x1x16xf32>,
        %get3A_1125 = vector.shape_cast %get3A_1124 : vector<1x1x16xf32> to vector<16xf32>
        %mul3A_1126 = arith.mulf %get3A_1125, %broadcast_in_dim3A_1117 : vector<16xf32>
        %add3A_1127 = arith.addf %add3A_1076, %mul3A_1126 : vector<16xf32>
        %add3A_1128 = arith.constant 50 : i32
        %add3A_1129 = arith.addi %add3A_1128, %scan3A_1108 : i32
        %get3A_1130 = arith.constant 2 : i32
        %get3A_1131 = arith.index_cast %get3A_1130 : i32 to index
        %get3A_1132 = arith.index_cast %add3A_1129 : i32 to index
        %get3A_1133 = arith.constant 16 : index
        %get3A_1134 = tpu.vector_load %arg8[%get3A_1131, %get3A_1132, %get3A_1133] {strides = array<i32>} : memref<4x100x64xf32, #tpu.memory_space<vmem>>, vector<1x1x16xf32>,
        %get3A_1135 = vector.shape_cast %get3A_1134 : vector<1x1x16xf32> to vector<16xf32>
        %mul3A_1136 = arith.mulf %get3A_1135, %broadcast_in_dim3A_1117 : vector<16xf32>
        %add3A_1137 = arith.addf %add3A_1086, %mul3A_1136 : vector<16xf32>
        %add3A_1138 = arith.constant 50 : i32
        %add3A_1139 = arith.addi %add3A_1138, %scan3A_1108 : i32
        %get3A_1140 = arith.constant 2 : i32
        %get3A_1141 = arith.index_cast %get3A_1140 : i32 to index
        %get3A_1142 = arith.index_cast %add3A_1139 : i32 to index
        %get3A_1143 = arith.constant 32 : index
        %get3A_1144 = tpu.vector_load %arg8[%get3A_1141, %get3A_1142, %get3A_1143] {strides = array<i32>} : memref<4x100x64xf32, #tpu.memory_space<vmem>>, vector<1x1x16xf32>,
        %get3A_1145 = vector.shape_cast %get3A_1144 : vector<1x1x16xf32> to vector<16xf32>
        %mul3A_1146 = arith.mulf %get3A_1145, %broadcast_in_dim3A_1117 : vector<16xf32>
        %add3A_1147 = arith.addf %add3A_1096, %mul3A_1146 : vector<16xf32>
        %add3A_1148 = arith.constant 50 : i32
        %add3A_1149 = arith.addi %add3A_1148, %scan3A_1108 : i32
        %get3A_1150 = arith.constant 2 : i32
        %get3A_1151 = arith.index_cast %get3A_1150 : i32 to index
        %get3A_1152 = arith.index_cast %add3A_1149 : i32 to index
        %get3A_1153 = arith.constant 48 : index
        %get3A_1154 = tpu.vector_load %arg8[%get3A_1151, %get3A_1152, %get3A_1153] {strides = array<i32>} : memref<4x100x64xf32, #tpu.memory_space<vmem>>, vector<1x1x16xf32>,
        %get3A_1155 = vector.shape_cast %get3A_1154 : vector<1x1x16xf32> to vector<16xf32>
        %mul3A_1156 = arith.mulf %get3A_1155, %broadcast_in_dim3A_1117 : vector<16xf32>
        %add3A_1157 = arith.addf %add3A_1106, %mul3A_1156 : vector<16xf32>
        scf.yield %add3A_1127, %add3A_1137, %add3A_1147, %add3A_1157 : vector<16xf32>, vector<16xf32>, vector<16xf32>, vector<16xf32>
      }
      %scan3A_453 = arith.constant 50 : i32
      %swap3A_454 = arith.constant 2 : i32
      %swap3A_455 = arith.constant 1 : i32
      %swap3A_456 = arith.index_cast %swap3A_454 : i32 to index
      %swap3A_457 = arith.index_cast %swap3A_455 : i32 to index
      %swap3A_458 = arith.constant 0 : index
      %swap3A_459 = tpu.vector_load %arg9[%swap3A_456, %swap3A_457, %swap3A_458] {strides = array<i32>} : memref<4x2x64xf32, #tpu.memory_space<vmem>>, vector<1x1x16xf32>,
      %swap3A_460 = vector.shape_cast %swap3A_459 : vector<1x1x16xf32> to vector<16xf32>
      %swap3A_461 = vector.shape_cast %scan3A_452#0 : vector<16xf32> to vector<1x1x16xf32>
      tpu.vector_store %arg9[%swap3A_456, %swap3A_457, %swap3A_458], %swap3A_461 {strides = array<i32>} : memref<4x2x64xf32, #tpu.memory_space<vmem>>, vector<1x1x16xf32>,
      %swap3A_462 = arith.constant 2 : i32
      %swap3A_463 = arith.constant 1 : i32
      %swap3A_464 = arith.index_cast %swap3A_462 : i32 to index
      %swap3A_465 = arith.index_cast %swap3A_463 : i32 to index
      %swap3A_466 = arith.constant 16 : index
      %swap3A_467 = tpu.vector_load %arg9[%swap3A_464, %swap3A_465, %swap3A_466] {strides = array<i32>} : memref<4x2x64xf32, #tpu.memory_space<vmem>>, vector<1x1x16xf32>,
      %swap3A_468 = vector.shape_cast %swap3A_467 : vector<1x1x16xf32> to vector<16xf32>
      %swap3A_469 = vector.shape_cast %scan3A_452#1 : vector<16xf32> to vector<1x1x16xf32>
      tpu.vector_store %arg9[%swap3A_464, %swap3A_465, %swap3A_466], %swap3A_469 {strides = array<i32>} : memref<4x2x64xf32, #tpu.memory_space<vmem>>, vector<1x1x16xf32>,
      %swap3A_470 = arith.constant 2 : i32
      %swap3A_471 = arith.constant 1 : i32
      %swap3A_472 = arith.index_cast %swap3A_470 : i32 to index
      %swap3A_473 = arith.index_cast %swap3A_471 : i32 to index
      %swap3A_474 = arith.constant 32 : index
      %swap3A_475 = tpu.vector_load %arg9[%swap3A_472, %swap3A_473, %swap3A_474] {strides = array<i32>} : memref<4x2x64xf32, #tpu.memory_space<vmem>>, vector<1x1x16xf32>,
      %swap3A_476 = vector.shape_cast %swap3A_475 : vector<1x1x16xf32> to vector<16xf32>
      %swap3A_477 = vector.shape_cast %scan3A_452#2 : vector<16xf32> to vector<1x1x16xf32>
      tpu.vector_store %arg9[%swap3A_472, %swap3A_473, %swap3A_474], %swap3A_477 {strides = array<i32>} : memref<4x2x64xf32, #tpu.memory_space<vmem>>, vector<1x1x16xf32>,
      %swap3A_478 = arith.constant 2 : i32
      %swap3A_479 = arith.constant 1 : i32
      %swap3A_480 = arith.index_cast %swap3A_478 : i32 to index
      %swap3A_481 = arith.index_cast %swap3A_479 : i32 to index
      %swap3A_482 = arith.constant 48 : index
      %swap3A_483 = tpu.vector_load %arg9[%swap3A_480, %swap3A_481, %swap3A_482] {strides = array<i32>} : memref<4x2x64xf32, #tpu.memory_space<vmem>>, vector<1x1x16xf32>,
      %swap3A_484 = vector.shape_cast %swap3A_483 : vector<1x1x16xf32> to vector<16xf32>
      %swap3A_485 = vector.shape_cast %scan3A_452#3 : vector<16xf32> to vector<1x1x16xf32>
      tpu.vector_store %arg9[%swap3A_480, %swap3A_481, %swap3A_482], %swap3A_485 {strides = array<i32>} : memref<4x2x64xf32, #tpu.memory_space<vmem>>, vector<1x1x16xf32>,
      %add3A_486 = arith.addi %mul3A_2, %add3A_375 : i32
      %mul3A_487 = arith.constant 2 : i32
      %mul3A_488 = arith.muli %add3A_486, %mul3A_487 : i32
      %dma_start3A_489 = arith.constant 2 : i32
      %dma_start3A_490 = arith.constant 0 : i32
      %dma_start3A_491 = arith.constant 0 : i32
      %dma_start3A_492 = tpu.memref_slice %arg9[%dma_start3A_489, %dma_start3A_490, %dma_start3A_491] : memref<4x2x64xf32, #tpu.memory_space<vmem>> -> memref<1x2x64xf32, #tpu.memory_space<vmem>>
      %dma_start3A_493 = tpu.memref_squeeze %dma_start3A_492 : memref<1x2x64xf32, #tpu.memory_space<vmem>> -> memref<2x64xf32, #tpu.memory_space<vmem>>
      %dma_start3A_494 = arith.constant 0 : i32
      %dma_start3A_495 = tpu.memref_slice %arg5[%mul3A_488, %dma_start3A_494] : memref<16384x64xf32, #tpu.memory_space<hbm>> -> memref<2x64xf32, #tpu.memory_space<hbm>>
      %dma_start3A_496 = arith.constant 0 : i32
      %dma_start3A_497 = tpu.memref_slice %arg5[%mul3A_488, %dma_start3A_496] : memref<16384x64xf32, #tpu.memory_space<hbm>> -> memref<2x64xf32, #tpu.memory_space<hbm>>
      %dma_start3A_498 = arith.constant 0 : i32
      %dma_start3A_499 = arith.constant 0 : i32
      %dma_start3A_500 = tpu.memref_slice %arg9[%dma_start3A_489, %dma_start3A_498, %dma_start3A_499] : memref<4x2x64xf32, #tpu.memory_space<vmem>> -> memref<1x2x64xf32, #tpu.memory_space<vmem>>
      %dma_start3A_501 = tpu.memref_squeeze %dma_start3A_500 : memref<1x2x64xf32, #tpu.memory_space<vmem>> -> memref<2x64xf32, #tpu.memory_space<vmem>>
      tpu.enqueue_dma source(%dma_start3A_501 : memref<2x64xf32, #tpu.memory_space<vmem>>) target(%dma_start3A_497 : memref<2x64xf32, #tpu.memory_space<hbm>>) target_semaphore(%arg16 : memref<!tpu.dma_semaphore, #tpu.memory_space<semaphore_mem>>)
      %add3A_502 = arith.constant 4 : i32
      %add3A_503 = arith.addi %add3A_375, %add3A_502 : i32
      %sub3A_504 = arith.constant 1 : i32
      %sub3A_505 = arith.subi %add3A_503, %sub3A_504 : i32
      %lt3A_506 = arith.constant 256 : i32
      %lt3A_507 = arith.cmpi slt, %sub3A_505, %lt3A_506 : i32
      %convert_element_type3A_508 = arith.extui %lt3A_507 : i1 to i32
      %cond3A_509 = arith.constant 0 : i32
      %cond3A_510 = arith.cmpi ne, %convert_element_type3A_508, %cond3A_509 : i32
      scf.if %cond3A_510 {
        %add3A_648 = arith.constant 4 : i32
        %add3A_649 = arith.addi %add3A_375, %add3A_648 : i32
        %sub3A_650 = arith.constant 1 : i32
        %sub3A_651 = arith.subi %add3A_649, %sub3A_650 : i32
        %dma_start3A_652 = arith.constant 1 : i32
        %dma_start3A_653 = arith.constant 0 : i32
        %dma_start3A_654 = arith.constant 0 : i32
        %dma_start3A_655 = tpu.memref_slice %arg8[%dma_start3A_652, %dma_start3A_653, %dma_start3A_654] : memref<4x100x64xf32, #tpu.memory_space<vmem>> -> memref<1x100x64xf32, #tpu.memory_space<vmem>>
        %dma_start3A_656 = tpu.memref_squeeze %dma_start3A_655 : memref<1x100x64xf32, #tpu.memory_space<vmem>> -> memref<100x64xf32, #tpu.memory_space<vmem>>
        %dma_start3A_657 = arith.constant 0 : i32
        %dma_start3A_658 = tpu.memref_slice %arg6[%sub3A_651, %dma_start3A_657] : memref<256x100xi32, #tpu.memory_space<vmem>> -> memref<1x100xi32, #tpu.memory_space<vmem>>
        %dma_start3A_659 = tpu.memref_squeeze %dma_start3A_658 : memref<1x100xi32, #tpu.memory_space<vmem>> -> memref<100xi32, #tpu.memory_space<vmem>>
        %dma_start3A_660 = arith.constant 0 : i32
        %dma_start3A_661 = arith.constant 0 : i32
        %dma_start3A_662 = tpu.memref_slice %arg4[%dma_start3A_660, %dma_start3A_661] : memref<1000000x64xf32, #tpu.memory_space<hbm>> -> memref<1000000x64xf32, #tpu.memory_space<hbm>>
        tpu.enqueue_indirect_dma source(%dma_start3A_662 : memref<1000000x64xf32, #tpu.memory_space<hbm>>) target(%dma_start3A_656 : memref<100x64xf32, #tpu.memory_space<vmem>>) offsets(%dma_start3A_659 : memref<100xi32, #tpu.memory_space<vmem>>) semaphore(%arg11 : memref<!tpu.dma_semaphore, #tpu.memory_space<semaphore_mem>>)
      } else {
      }
      %add3A_511 = arith.constant 3 : i32
      %add3A_512 = arith.addi %mul3A_106, %add3A_511 : i32
      %dma_wait3A_513 = arith.constant 3 : i32
      %dma_wait3A_514 = arith.constant 0 : i32
      %dma_wait3A_515 = arith.constant 0 : i32
      %dma_wait3A_516 = tpu.memref_slice %arg8[%dma_wait3A_513, %dma_wait3A_514, %dma_wait3A_515] : memref<4x100x64xf32, #tpu.memory_space<vmem>> -> memref<1x100x64xf32, #tpu.memory_space<vmem>>
      %dma_wait3A_517 = tpu.memref_squeeze %dma_wait3A_516 : memref<1x100x64xf32, #tpu.memory_space<vmem>> -> memref<100x64xf32, #tpu.memory_space<vmem>>
      %dma_wait3A_518 = arith.constant 0 : i32
      %dma_wait3A_519 = tpu.memref_slice %arg6[%add3A_512, %dma_wait3A_518] : memref<256x100xi32, #tpu.memory_space<vmem>> -> memref<1x100xi32, #tpu.memory_space<vmem>>
      %dma_wait3A_520 = tpu.memref_squeeze %dma_wait3A_519 : memref<1x100xi32, #tpu.memory_space<vmem>> -> memref<100xi32, #tpu.memory_space<vmem>>
      %dma_wait3A_521 = arith.constant 0 : i32
      %dma_wait3A_522 = arith.constant 0 : i32
      %dma_wait3A_523 = tpu.memref_slice %arg4[%dma_wait3A_521, %dma_wait3A_522] : memref<1000000x64xf32, #tpu.memory_space<hbm>> -> memref<1000000x64xf32, #tpu.memory_space<hbm>>
      tpu.wait_indirect_dma semaphore(%arg13 : memref<!tpu.dma_semaphore, #tpu.memory_space<semaphore_mem>>) src(%dma_wait3A_523 : memref<1000000x64xf32, #tpu.memory_space<hbm>>) dst(%dma_wait3A_517 : memref<100x64xf32, #tpu.memory_space<vmem>>)
      %gt3A_524 = arith.constant 0 : i32
      %gt3A_525 = arith.cmpi sgt, %scan3A_104, %gt3A_524 : i32
      %convert_element_type3A_526 = arith.extui %gt3A_525 : i1 to i32
      %cond3A_527 = arith.constant 0 : i32
      %cond3A_528 = arith.cmpi ne, %convert_element_type3A_526, %cond3A_527 : i32
      scf.if %cond3A_528 {
        %dma_wait3A_648 = arith.constant 3 : i32
        %dma_wait3A_649 = arith.constant 0 : i32
        %dma_wait3A_650 = arith.constant 0 : i32
        %dma_wait3A_651 = tpu.memref_slice %arg9[%dma_wait3A_648, %dma_wait3A_649, %dma_wait3A_650] : memref<4x2x64xf32, #tpu.memory_space<vmem>> -> memref<1x2x64xf32, #tpu.memory_space<vmem>>
        %dma_wait3A_652 = tpu.memref_squeeze %dma_wait3A_651 : memref<1x2x64xf32, #tpu.memory_space<vmem>> -> memref<2x64xf32, #tpu.memory_space<vmem>>
        %dma_wait3A_653 = arith.constant 0 : i32
        %dma_wait3A_654 = arith.constant 0 : i32
        %dma_wait3A_655 = tpu.memref_slice %arg5[%dma_wait3A_653, %dma_wait3A_654] : memref<16384x64xf32, #tpu.memory_space<hbm>> -> memref<2x64xf32, #tpu.memory_space<hbm>>
        %dma_wait3A_656 = arith.constant 0 : i32
        %dma_wait3A_657 = arith.constant 0 : i32
        %dma_wait3A_658 = tpu.memref_slice %arg5[%dma_wait3A_656, %dma_wait3A_657] : memref<16384x64xf32, #tpu.memory_space<hbm>> -> memref<2x64xf32, #tpu.memory_space<hbm>>
        %dma_wait3A_659 = arith.constant 0 : i32
        %dma_wait3A_660 = arith.constant 0 : i32
        %dma_wait3A_661 = tpu.memref_slice %arg9[%dma_wait3A_648, %dma_wait3A_659, %dma_wait3A_660] : memref<4x2x64xf32, #tpu.memory_space<vmem>> -> memref<1x2x64xf32, #tpu.memory_space<vmem>>
        %dma_wait3A_662 = tpu.memref_squeeze %dma_wait3A_661 : memref<1x2x64xf32, #tpu.memory_space<vmem>> -> memref<2x64xf32, #tpu.memory_space<vmem>>
        tpu.wait_dma2 semaphore(%arg17 : memref<!tpu.dma_semaphore, #tpu.memory_space<semaphore_mem>>) src(%dma_wait3A_662 : memref<2x64xf32, #tpu.memory_space<vmem>>) dst(%dma_wait3A_658 : memref<2x64xf32, #tpu.memory_space<hbm>>)
      } else {
      }
      %mul3A_529 = arith.constant 100 : i32
      %mul3A_530 = arith.muli %add3A_512, %mul3A_529 : i32
      %broadcast_in_dim3A_531 = arith.constant 0.000000e+00 : f32
      %broadcast_in_dim3A_532 = vector.broadcast %broadcast_in_dim3A_531 : f32 to vector<16xf32>
      %broadcast_in_dim3A_533 = arith.constant 0.000000e+00 : f32
      %broadcast_in_dim3A_534 = vector.broadcast %broadcast_in_dim3A_533 : f32 to vector<16xf32>
      %broadcast_in_dim3A_535 = arith.constant 0.000000e+00 : f32
      %broadcast_in_dim3A_536 = vector.broadcast %broadcast_in_dim3A_535 : f32 to vector<16xf32>
      %broadcast_in_dim3A_537 = arith.constant 0.000000e+00 : f32
      %broadcast_in_dim3A_538 = vector.broadcast %broadcast_in_dim3A_537 : f32 to vector<16xf32>
      %scan3A_539 = arith.constant 0 : i32
      %scan3A_540 = arith.constant 50 : i32
      %scan3A_541 = arith.addi %scan3A_539, %scan3A_540 : i32
      %scan3A_542 = arith.constant 10 : i32
      %scan3A_543:4 = scf.for %scan3A_648 = %scan3A_539 to %scan3A_541 step %scan3A_542 iter_args(%scan3A_649 = %broadcast_in_dim3A_532, %scan3A_650 = %broadcast_in_dim3A_534, %scan3A_651 = %broadcast_in_dim3A_536, %scan3A_652 = %broadcast_in_dim3A_538) -> (vector<16xf32>, vector<16xf32>, vector<16xf32>, vector<16xf32>)  : i32 {
        %add3A_653 = arith.constant 0 : i32
        %add3A_654 = arith.addi %mul3A_530, %add3A_653 : i32
        %add3A_655 = arith.addi %add3A_654, %scan3A_648 : i32
        %get3A = arith.index_cast %add3A_655 : i32 to index
        %get3A_656 = tpu.vector_load %arg7[%get3A] {strides = array<i32>} : memref<25616xf32, #tpu.memory_space<vmem>>, vector<16xf32>,
        %get3A_657 = vector.shape_cast %get3A_656 : vector<16xf32> to vector<16xf32>
        %slice3A = vector.extract_strided_slice %get3A_657 {offsets = [0], sizes = [1], strides = [1]} : vector<16xf32> to vector<1xf32>
        %squeeze3A = vector.extract %slice3A[0] : f32 from vector<1xf32>
        %broadcast_in_dim3A_658 = vector.broadcast %squeeze3A : f32 to vector<16xf32>
        %add3A_659 = arith.constant 0 : i32
        %add3A_660 = arith.addi %add3A_659, %scan3A_648 : i32
        %get3A_661 = arith.constant 3 : i32
        %get3A_662 = arith.index_cast %get3A_661 : i32 to index
        %get3A_663 = arith.index_cast %add3A_660 : i32 to index
        %get3A_664 = arith.constant 0 : index
        %get3A_665 = tpu.vector_load %arg8[%get3A_662, %get3A_663, %get3A_664] {strides = array<i32>} : memref<4x100x64xf32, #tpu.memory_space<vmem>>, vector<1x1x16xf32>,
        %get3A_666 = vector.shape_cast %get3A_665 : vector<1x1x16xf32> to vector<16xf32>
        %mul3A_667 = arith.mulf %get3A_666, %broadcast_in_dim3A_658 : vector<16xf32>
        %add3A_668 = arith.addf %scan3A_649, %mul3A_667 : vector<16xf32>
        %add3A_669 = arith.constant 0 : i32
        %add3A_670 = arith.addi %add3A_669, %scan3A_648 : i32
        %get3A_671 = arith.constant 3 : i32
        %get3A_672 = arith.index_cast %get3A_671 : i32 to index
        %get3A_673 = arith.index_cast %add3A_670 : i32 to index
        %get3A_674 = arith.constant 16 : index
        %get3A_675 = tpu.vector_load %arg8[%get3A_672, %get3A_673, %get3A_674] {strides = array<i32>} : memref<4x100x64xf32, #tpu.memory_space<vmem>>, vector<1x1x16xf32>,
        %get3A_676 = vector.shape_cast %get3A_675 : vector<1x1x16xf32> to vector<16xf32>
        %mul3A_677 = arith.mulf %get3A_676, %broadcast_in_dim3A_658 : vector<16xf32>
        %add3A_678 = arith.addf %scan3A_650, %mul3A_677 : vector<16xf32>
        %add3A_679 = arith.constant 0 : i32
        %add3A_680 = arith.addi %add3A_679, %scan3A_648 : i32
        %get3A_681 = arith.constant 3 : i32
        %get3A_682 = arith.index_cast %get3A_681 : i32 to index
        %get3A_683 = arith.index_cast %add3A_680 : i32 to index
        %get3A_684 = arith.constant 32 : index
        %get3A_685 = tpu.vector_load %arg8[%get3A_682, %get3A_683, %get3A_684] {strides = array<i32>} : memref<4x100x64xf32, #tpu.memory_space<vmem>>, vector<1x1x16xf32>,
        %get3A_686 = vector.shape_cast %get3A_685 : vector<1x1x16xf32> to vector<16xf32>
        %mul3A_687 = arith.mulf %get3A_686, %broadcast_in_dim3A_658 : vector<16xf32>
        %add3A_688 = arith.addf %scan3A_651, %mul3A_687 : vector<16xf32>
        %add3A_689 = arith.constant 0 : i32
        %add3A_690 = arith.addi %add3A_689, %scan3A_648 : i32
        %get3A_691 = arith.constant 3 : i32
        %get3A_692 = arith.index_cast %get3A_691 : i32 to index
        %get3A_693 = arith.index_cast %add3A_690 : i32 to index
        %get3A_694 = arith.constant 48 : index
        %get3A_695 = tpu.vector_load %arg8[%get3A_692, %get3A_693, %get3A_694] {strides = array<i32>} : memref<4x100x64xf32, #tpu.memory_space<vmem>>, vector<1x1x16xf32>,
        %get3A_696 = vector.shape_cast %get3A_695 : vector<1x1x16xf32> to vector<16xf32>
        %mul3A_697 = arith.mulf %get3A_696, %broadcast_in_dim3A_658 : vector<16xf32>
        %add3A_698 = arith.addf %scan3A_652, %mul3A_697 : vector<16xf32>
        %scan3A_699 = arith.constant 1 : i32
        %scan3A_700 = arith.addi %scan3A_648, %scan3A_699 : i32
        %add3A_701 = arith.constant 0 : i32
        %add3A_702 = arith.addi %mul3A_530, %add3A_701 : i32
        %add3A_703 = arith.addi %add3A_702, %scan3A_700 : i32
        %get3A_704 = arith.index_cast %add3A_703 : i32 to index
        %get3A_705 = tpu.vector_load %arg7[%get3A_704] {strides = array<i32>} : memref<25616xf32, #tpu.memory_space<vmem>>, vector<16xf32>,
        %get3A_706 = vector.shape_cast %get3A_705 : vector<16xf32> to vector<16xf32>
        %slice3A_707 = vector.extract_strided_slice %get3A_706 {offsets = [0], sizes = [1], strides = [1]} : vector<16xf32> to vector<1xf32>
        %squeeze3A_708 = vector.extract %slice3A_707[0] : f32 from vector<1xf32>
        %broadcast_in_dim3A_709 = vector.broadcast %squeeze3A_708 : f32 to vector<16xf32>
        %add3A_710 = arith.constant 0 : i32
        %add3A_711 = arith.addi %add3A_710, %scan3A_700 : i32
        %get3A_712 = arith.constant 3 : i32
        %get3A_713 = arith.index_cast %get3A_712 : i32 to index
        %get3A_714 = arith.index_cast %add3A_711 : i32 to index
        %get3A_715 = arith.constant 0 : index
        %get3A_716 = tpu.vector_load %arg8[%get3A_713, %get3A_714, %get3A_715] {strides = array<i32>} : memref<4x100x64xf32, #tpu.memory_space<vmem>>, vector<1x1x16xf32>,
        %get3A_717 = vector.shape_cast %get3A_716 : vector<1x1x16xf32> to vector<16xf32>
        %mul3A_718 = arith.mulf %get3A_717, %broadcast_in_dim3A_709 : vector<16xf32>
        %add3A_719 = arith.addf %add3A_668, %mul3A_718 : vector<16xf32>
        %add3A_720 = arith.constant 0 : i32
        %add3A_721 = arith.addi %add3A_720, %scan3A_700 : i32
        %get3A_722 = arith.constant 3 : i32
        %get3A_723 = arith.index_cast %get3A_722 : i32 to index
        %get3A_724 = arith.index_cast %add3A_721 : i32 to index
        %get3A_725 = arith.constant 16 : index
        %get3A_726 = tpu.vector_load %arg8[%get3A_723, %get3A_724, %get3A_725] {strides = array<i32>} : memref<4x100x64xf32, #tpu.memory_space<vmem>>, vector<1x1x16xf32>,
        %get3A_727 = vector.shape_cast %get3A_726 : vector<1x1x16xf32> to vector<16xf32>
        %mul3A_728 = arith.mulf %get3A_727, %broadcast_in_dim3A_709 : vector<16xf32>
        %add3A_729 = arith.addf %add3A_678, %mul3A_728 : vector<16xf32>
        %add3A_730 = arith.constant 0 : i32
        %add3A_731 = arith.addi %add3A_730, %scan3A_700 : i32
        %get3A_732 = arith.constant 3 : i32
        %get3A_733 = arith.index_cast %get3A_732 : i32 to index
        %get3A_734 = arith.index_cast %add3A_731 : i32 to index
        %get3A_735 = arith.constant 32 : index
        %get3A_736 = tpu.vector_load %arg8[%get3A_733, %get3A_734, %get3A_735] {strides = array<i32>} : memref<4x100x64xf32, #tpu.memory_space<vmem>>, vector<1x1x16xf32>,
        %get3A_737 = vector.shape_cast %get3A_736 : vector<1x1x16xf32> to vector<16xf32>
        %mul3A_738 = arith.mulf %get3A_737, %broadcast_in_dim3A_709 : vector<16xf32>
        %add3A_739 = arith.addf %add3A_688, %mul3A_738 : vector<16xf32>
        %add3A_740 = arith.constant 0 : i32
        %add3A_741 = arith.addi %add3A_740, %scan3A_700 : i32
        %get3A_742 = arith.constant 3 : i32
        %get3A_743 = arith.index_cast %get3A_742 : i32 to index
        %get3A_744 = arith.index_cast %add3A_741 : i32 to index
        %get3A_745 = arith.constant 48 : index
        %get3A_746 = tpu.vector_load %arg8[%get3A_743, %get3A_744, %get3A_745] {strides = array<i32>} : memref<4x100x64xf32, #tpu.memory_space<vmem>>, vector<1x1x16xf32>,
        %get3A_747 = vector.shape_cast %get3A_746 : vector<1x1x16xf32> to vector<16xf32>
        %mul3A_748 = arith.mulf %get3A_747, %broadcast_in_dim3A_709 : vector<16xf32>
        %add3A_749 = arith.addf %add3A_698, %mul3A_748 : vector<16xf32>
        %scan3A_750 = arith.constant 2 : i32
        %scan3A_751 = arith.addi %scan3A_648, %scan3A_750 : i32
        %add3A_752 = arith.constant 0 : i32
        %add3A_753 = arith.addi %mul3A_530, %add3A_752 : i32
        %add3A_754 = arith.addi %add3A_753, %scan3A_751 : i32
        %get3A_755 = arith.index_cast %add3A_754 : i32 to index
        %get3A_756 = tpu.vector_load %arg7[%get3A_755] {strides = array<i32>} : memref<25616xf32, #tpu.memory_space<vmem>>, vector<16xf32>,
        %get3A_757 = vector.shape_cast %get3A_756 : vector<16xf32> to vector<16xf32>
        %slice3A_758 = vector.extract_strided_slice %get3A_757 {offsets = [0], sizes = [1], strides = [1]} : vector<16xf32> to vector<1xf32>
        %squeeze3A_759 = vector.extract %slice3A_758[0] : f32 from vector<1xf32>
        %broadcast_in_dim3A_760 = vector.broadcast %squeeze3A_759 : f32 to vector<16xf32>
        %add3A_761 = arith.constant 0 : i32
        %add3A_762 = arith.addi %add3A_761, %scan3A_751 : i32
        %get3A_763 = arith.constant 3 : i32
        %get3A_764 = arith.index_cast %get3A_763 : i32 to index
        %get3A_765 = arith.index_cast %add3A_762 : i32 to index
        %get3A_766 = arith.constant 0 : index
        %get3A_767 = tpu.vector_load %arg8[%get3A_764, %get3A_765, %get3A_766] {strides = array<i32>} : memref<4x100x64xf32, #tpu.memory_space<vmem>>, vector<1x1x16xf32>,
        %get3A_768 = vector.shape_cast %get3A_767 : vector<1x1x16xf32> to vector<16xf32>
        %mul3A_769 = arith.mulf %get3A_768, %broadcast_in_dim3A_760 : vector<16xf32>
        %add3A_770 = arith.addf %add3A_719, %mul3A_769 : vector<16xf32>
        %add3A_771 = arith.constant 0 : i32
        %add3A_772 = arith.addi %add3A_771, %scan3A_751 : i32
        %get3A_773 = arith.constant 3 : i32
        %get3A_774 = arith.index_cast %get3A_773 : i32 to index
        %get3A_775 = arith.index_cast %add3A_772 : i32 to index
        %get3A_776 = arith.constant 16 : index
        %get3A_777 = tpu.vector_load %arg8[%get3A_774, %get3A_775, %get3A_776] {strides = array<i32>} : memref<4x100x64xf32, #tpu.memory_space<vmem>>, vector<1x1x16xf32>,
        %get3A_778 = vector.shape_cast %get3A_777 : vector<1x1x16xf32> to vector<16xf32>
        %mul3A_779 = arith.mulf %get3A_778, %broadcast_in_dim3A_760 : vector<16xf32>
        %add3A_780 = arith.addf %add3A_729, %mul3A_779 : vector<16xf32>
        %add3A_781 = arith.constant 0 : i32
        %add3A_782 = arith.addi %add3A_781, %scan3A_751 : i32
        %get3A_783 = arith.constant 3 : i32
        %get3A_784 = arith.index_cast %get3A_783 : i32 to index
        %get3A_785 = arith.index_cast %add3A_782 : i32 to index
        %get3A_786 = arith.constant 32 : index
        %get3A_787 = tpu.vector_load %arg8[%get3A_784, %get3A_785, %get3A_786] {strides = array<i32>} : memref<4x100x64xf32, #tpu.memory_space<vmem>>, vector<1x1x16xf32>,
        %get3A_788 = vector.shape_cast %get3A_787 : vector<1x1x16xf32> to vector<16xf32>
        %mul3A_789 = arith.mulf %get3A_788, %broadcast_in_dim3A_760 : vector<16xf32>
        %add3A_790 = arith.addf %add3A_739, %mul3A_789 : vector<16xf32>
        %add3A_791 = arith.constant 0 : i32
        %add3A_792 = arith.addi %add3A_791, %scan3A_751 : i32
        %get3A_793 = arith.constant 3 : i32
        %get3A_794 = arith.index_cast %get3A_793 : i32 to index
        %get3A_795 = arith.index_cast %add3A_792 : i32 to index
        %get3A_796 = arith.constant 48 : index
        %get3A_797 = tpu.vector_load %arg8[%get3A_794, %get3A_795, %get3A_796] {strides = array<i32>} : memref<4x100x64xf32, #tpu.memory_space<vmem>>, vector<1x1x16xf32>,
        %get3A_798 = vector.shape_cast %get3A_797 : vector<1x1x16xf32> to vector<16xf32>
        %mul3A_799 = arith.mulf %get3A_798, %broadcast_in_dim3A_760 : vector<16xf32>
        %add3A_800 = arith.addf %add3A_749, %mul3A_799 : vector<16xf32>
        %scan3A_801 = arith.constant 3 : i32
        %scan3A_802 = arith.addi %scan3A_648, %scan3A_801 : i32
        %add3A_803 = arith.constant 0 : i32
        %add3A_804 = arith.addi %mul3A_530, %add3A_803 : i32
        %add3A_805 = arith.addi %add3A_804, %scan3A_802 : i32
        %get3A_806 = arith.index_cast %add3A_805 : i32 to index
        %get3A_807 = tpu.vector_load %arg7[%get3A_806] {strides = array<i32>} : memref<25616xf32, #tpu.memory_space<vmem>>, vector<16xf32>,
        %get3A_808 = vector.shape_cast %get3A_807 : vector<16xf32> to vector<16xf32>
        %slice3A_809 = vector.extract_strided_slice %get3A_808 {offsets = [0], sizes = [1], strides = [1]} : vector<16xf32> to vector<1xf32>
        %squeeze3A_810 = vector.extract %slice3A_809[0] : f32 from vector<1xf32>
        %broadcast_in_dim3A_811 = vector.broadcast %squeeze3A_810 : f32 to vector<16xf32>
        %add3A_812 = arith.constant 0 : i32
        %add3A_813 = arith.addi %add3A_812, %scan3A_802 : i32
        %get3A_814 = arith.constant 3 : i32
        %get3A_815 = arith.index_cast %get3A_814 : i32 to index
        %get3A_816 = arith.index_cast %add3A_813 : i32 to index
        %get3A_817 = arith.constant 0 : index
        %get3A_818 = tpu.vector_load %arg8[%get3A_815, %get3A_816, %get3A_817] {strides = array<i32>} : memref<4x100x64xf32, #tpu.memory_space<vmem>>, vector<1x1x16xf32>,
        %get3A_819 = vector.shape_cast %get3A_818 : vector<1x1x16xf32> to vector<16xf32>
        %mul3A_820 = arith.mulf %get3A_819, %broadcast_in_dim3A_811 : vector<16xf32>
        %add3A_821 = arith.addf %add3A_770, %mul3A_820 : vector<16xf32>
        %add3A_822 = arith.constant 0 : i32
        %add3A_823 = arith.addi %add3A_822, %scan3A_802 : i32
        %get3A_824 = arith.constant 3 : i32
        %get3A_825 = arith.index_cast %get3A_824 : i32 to index
        %get3A_826 = arith.index_cast %add3A_823 : i32 to index
        %get3A_827 = arith.constant 16 : index
        %get3A_828 = tpu.vector_load %arg8[%get3A_825, %get3A_826, %get3A_827] {strides = array<i32>} : memref<4x100x64xf32, #tpu.memory_space<vmem>>, vector<1x1x16xf32>,
        %get3A_829 = vector.shape_cast %get3A_828 : vector<1x1x16xf32> to vector<16xf32>
        %mul3A_830 = arith.mulf %get3A_829, %broadcast_in_dim3A_811 : vector<16xf32>
        %add3A_831 = arith.addf %add3A_780, %mul3A_830 : vector<16xf32>
        %add3A_832 = arith.constant 0 : i32
        %add3A_833 = arith.addi %add3A_832, %scan3A_802 : i32
        %get3A_834 = arith.constant 3 : i32
        %get3A_835 = arith.index_cast %get3A_834 : i32 to index
        %get3A_836 = arith.index_cast %add3A_833 : i32 to index
        %get3A_837 = arith.constant 32 : index
        %get3A_838 = tpu.vector_load %arg8[%get3A_835, %get3A_836, %get3A_837] {strides = array<i32>} : memref<4x100x64xf32, #tpu.memory_space<vmem>>, vector<1x1x16xf32>,
        %get3A_839 = vector.shape_cast %get3A_838 : vector<1x1x16xf32> to vector<16xf32>
        %mul3A_840 = arith.mulf %get3A_839, %broadcast_in_dim3A_811 : vector<16xf32>
        %add3A_841 = arith.addf %add3A_790, %mul3A_840 : vector<16xf32>
        %add3A_842 = arith.constant 0 : i32
        %add3A_843 = arith.addi %add3A_842, %scan3A_802 : i32
        %get3A_844 = arith.constant 3 : i32
        %get3A_845 = arith.index_cast %get3A_844 : i32 to index
        %get3A_846 = arith.index_cast %add3A_843 : i32 to index
        %get3A_847 = arith.constant 48 : index
        %get3A_848 = tpu.vector_load %arg8[%get3A_845, %get3A_846, %get3A_847] {strides = array<i32>} : memref<4x100x64xf32, #tpu.memory_space<vmem>>, vector<1x1x16xf32>,
        %get3A_849 = vector.shape_cast %get3A_848 : vector<1x1x16xf32> to vector<16xf32>
        %mul3A_850 = arith.mulf %get3A_849, %broadcast_in_dim3A_811 : vector<16xf32>
        %add3A_851 = arith.addf %add3A_800, %mul3A_850 : vector<16xf32>
        %scan3A_852 = arith.constant 4 : i32
        %scan3A_853 = arith.addi %scan3A_648, %scan3A_852 : i32
        %add3A_854 = arith.constant 0 : i32
        %add3A_855 = arith.addi %mul3A_530, %add3A_854 : i32
        %add3A_856 = arith.addi %add3A_855, %scan3A_853 : i32
        %get3A_857 = arith.index_cast %add3A_856 : i32 to index
        %get3A_858 = tpu.vector_load %arg7[%get3A_857] {strides = array<i32>} : memref<25616xf32, #tpu.memory_space<vmem>>, vector<16xf32>,
        %get3A_859 = vector.shape_cast %get3A_858 : vector<16xf32> to vector<16xf32>
        %slice3A_860 = vector.extract_strided_slice %get3A_859 {offsets = [0], sizes = [1], strides = [1]} : vector<16xf32> to vector<1xf32>
        %squeeze3A_861 = vector.extract %slice3A_860[0] : f32 from vector<1xf32>
        %broadcast_in_dim3A_862 = vector.broadcast %squeeze3A_861 : f32 to vector<16xf32>
        %add3A_863 = arith.constant 0 : i32
        %add3A_864 = arith.addi %add3A_863, %scan3A_853 : i32
        %get3A_865 = arith.constant 3 : i32
        %get3A_866 = arith.index_cast %get3A_865 : i32 to index
        %get3A_867 = arith.index_cast %add3A_864 : i32 to index
        %get3A_868 = arith.constant 0 : index
        %get3A_869 = tpu.vector_load %arg8[%get3A_866, %get3A_867, %get3A_868] {strides = array<i32>} : memref<4x100x64xf32, #tpu.memory_space<vmem>>, vector<1x1x16xf32>,
        %get3A_870 = vector.shape_cast %get3A_869 : vector<1x1x16xf32> to vector<16xf32>
        %mul3A_871 = arith.mulf %get3A_870, %broadcast_in_dim3A_862 : vector<16xf32>
        %add3A_872 = arith.addf %add3A_821, %mul3A_871 : vector<16xf32>
        %add3A_873 = arith.constant 0 : i32
        %add3A_874 = arith.addi %add3A_873, %scan3A_853 : i32
        %get3A_875 = arith.constant 3 : i32
        %get3A_876 = arith.index_cast %get3A_875 : i32 to index
        %get3A_877 = arith.index_cast %add3A_874 : i32 to index
        %get3A_878 = arith.constant 16 : index
        %get3A_879 = tpu.vector_load %arg8[%get3A_876, %get3A_877, %get3A_878] {strides = array<i32>} : memref<4x100x64xf32, #tpu.memory_space<vmem>>, vector<1x1x16xf32>,
        %get3A_880 = vector.shape_cast %get3A_879 : vector<1x1x16xf32> to vector<16xf32>
        %mul3A_881 = arith.mulf %get3A_880, %broadcast_in_dim3A_862 : vector<16xf32>
        %add3A_882 = arith.addf %add3A_831, %mul3A_881 : vector<16xf32>
        %add3A_883 = arith.constant 0 : i32
        %add3A_884 = arith.addi %add3A_883, %scan3A_853 : i32
        %get3A_885 = arith.constant 3 : i32
        %get3A_886 = arith.index_cast %get3A_885 : i32 to index
        %get3A_887 = arith.index_cast %add3A_884 : i32 to index
        %get3A_888 = arith.constant 32 : index
        %get3A_889 = tpu.vector_load %arg8[%get3A_886, %get3A_887, %get3A_888] {strides = array<i32>} : memref<4x100x64xf32, #tpu.memory_space<vmem>>, vector<1x1x16xf32>,
        %get3A_890 = vector.shape_cast %get3A_889 : vector<1x1x16xf32> to vector<16xf32>
        %mul3A_891 = arith.mulf %get3A_890, %broadcast_in_dim3A_862 : vector<16xf32>
        %add3A_892 = arith.addf %add3A_841, %mul3A_891 : vector<16xf32>
        %add3A_893 = arith.constant 0 : i32
        %add3A_894 = arith.addi %add3A_893, %scan3A_853 : i32
        %get3A_895 = arith.constant 3 : i32
        %get3A_896 = arith.index_cast %get3A_895 : i32 to index
        %get3A_897 = arith.index_cast %add3A_894 : i32 to index
        %get3A_898 = arith.constant 48 : index
        %get3A_899 = tpu.vector_load %arg8[%get3A_896, %get3A_897, %get3A_898] {strides = array<i32>} : memref<4x100x64xf32, #tpu.memory_space<vmem>>, vector<1x1x16xf32>,
        %get3A_900 = vector.shape_cast %get3A_899 : vector<1x1x16xf32> to vector<16xf32>
        %mul3A_901 = arith.mulf %get3A_900, %broadcast_in_dim3A_862 : vector<16xf32>
        %add3A_902 = arith.addf %add3A_851, %mul3A_901 : vector<16xf32>
        %scan3A_903 = arith.constant 5 : i32
        %scan3A_904 = arith.addi %scan3A_648, %scan3A_903 : i32
        %add3A_905 = arith.constant 0 : i32
        %add3A_906 = arith.addi %mul3A_530, %add3A_905 : i32
        %add3A_907 = arith.addi %add3A_906, %scan3A_904 : i32
        %get3A_908 = arith.index_cast %add3A_907 : i32 to index
        %get3A_909 = tpu.vector_load %arg7[%get3A_908] {strides = array<i32>} : memref<25616xf32, #tpu.memory_space<vmem>>, vector<16xf32>,
        %get3A_910 = vector.shape_cast %get3A_909 : vector<16xf32> to vector<16xf32>
        %slice3A_911 = vector.extract_strided_slice %get3A_910 {offsets = [0], sizes = [1], strides = [1]} : vector<16xf32> to vector<1xf32>
        %squeeze3A_912 = vector.extract %slice3A_911[0] : f32 from vector<1xf32>
        %broadcast_in_dim3A_913 = vector.broadcast %squeeze3A_912 : f32 to vector<16xf32>
        %add3A_914 = arith.constant 0 : i32
        %add3A_915 = arith.addi %add3A_914, %scan3A_904 : i32
        %get3A_916 = arith.constant 3 : i32
        %get3A_917 = arith.index_cast %get3A_916 : i32 to index
        %get3A_918 = arith.index_cast %add3A_915 : i32 to index
        %get3A_919 = arith.constant 0 : index
        %get3A_920 = tpu.vector_load %arg8[%get3A_917, %get3A_918, %get3A_919] {strides = array<i32>} : memref<4x100x64xf32, #tpu.memory_space<vmem>>, vector<1x1x16xf32>,
        %get3A_921 = vector.shape_cast %get3A_920 : vector<1x1x16xf32> to vector<16xf32>
        %mul3A_922 = arith.mulf %get3A_921, %broadcast_in_dim3A_913 : vector<16xf32>
        %add3A_923 = arith.addf %add3A_872, %mul3A_922 : vector<16xf32>
        %add3A_924 = arith.constant 0 : i32
        %add3A_925 = arith.addi %add3A_924, %scan3A_904 : i32
        %get3A_926 = arith.constant 3 : i32
        %get3A_927 = arith.index_cast %get3A_926 : i32 to index
        %get3A_928 = arith.index_cast %add3A_925 : i32 to index
        %get3A_929 = arith.constant 16 : index
        %get3A_930 = tpu.vector_load %arg8[%get3A_927, %get3A_928, %get3A_929] {strides = array<i32>} : memref<4x100x64xf32, #tpu.memory_space<vmem>>, vector<1x1x16xf32>,
        %get3A_931 = vector.shape_cast %get3A_930 : vector<1x1x16xf32> to vector<16xf32>
        %mul3A_932 = arith.mulf %get3A_931, %broadcast_in_dim3A_913 : vector<16xf32>
        %add3A_933 = arith.addf %add3A_882, %mul3A_932 : vector<16xf32>
        %add3A_934 = arith.constant 0 : i32
        %add3A_935 = arith.addi %add3A_934, %scan3A_904 : i32
        %get3A_936 = arith.constant 3 : i32
        %get3A_937 = arith.index_cast %get3A_936 : i32 to index
        %get3A_938 = arith.index_cast %add3A_935 : i32 to index
        %get3A_939 = arith.constant 32 : index
        %get3A_940 = tpu.vector_load %arg8[%get3A_937, %get3A_938, %get3A_939] {strides = array<i32>} : memref<4x100x64xf32, #tpu.memory_space<vmem>>, vector<1x1x16xf32>,
        %get3A_941 = vector.shape_cast %get3A_940 : vector<1x1x16xf32> to vector<16xf32>
        %mul3A_942 = arith.mulf %get3A_941, %broadcast_in_dim3A_913 : vector<16xf32>
        %add3A_943 = arith.addf %add3A_892, %mul3A_942 : vector<16xf32>
        %add3A_944 = arith.constant 0 : i32
        %add3A_945 = arith.addi %add3A_944, %scan3A_904 : i32
        %get3A_946 = arith.constant 3 : i32
        %get3A_947 = arith.index_cast %get3A_946 : i32 to index
        %get3A_948 = arith.index_cast %add3A_945 : i32 to index
        %get3A_949 = arith.constant 48 : index
        %get3A_950 = tpu.vector_load %arg8[%get3A_947, %get3A_948, %get3A_949] {strides = array<i32>} : memref<4x100x64xf32, #tpu.memory_space<vmem>>, vector<1x1x16xf32>,
        %get3A_951 = vector.shape_cast %get3A_950 : vector<1x1x16xf32> to vector<16xf32>
        %mul3A_952 = arith.mulf %get3A_951, %broadcast_in_dim3A_913 : vector<16xf32>
        %add3A_953 = arith.addf %add3A_902, %mul3A_952 : vector<16xf32>
        %scan3A_954 = arith.constant 6 : i32
        %scan3A_955 = arith.addi %scan3A_648, %scan3A_954 : i32
        %add3A_956 = arith.constant 0 : i32
        %add3A_957 = arith.addi %mul3A_530, %add3A_956 : i32
        %add3A_958 = arith.addi %add3A_957, %scan3A_955 : i32
        %get3A_959 = arith.index_cast %add3A_958 : i32 to index
        %get3A_960 = tpu.vector_load %arg7[%get3A_959] {strides = array<i32>} : memref<25616xf32, #tpu.memory_space<vmem>>, vector<16xf32>,
        %get3A_961 = vector.shape_cast %get3A_960 : vector<16xf32> to vector<16xf32>
        %slice3A_962 = vector.extract_strided_slice %get3A_961 {offsets = [0], sizes = [1], strides = [1]} : vector<16xf32> to vector<1xf32>
        %squeeze3A_963 = vector.extract %slice3A_962[0] : f32 from vector<1xf32>
        %broadcast_in_dim3A_964 = vector.broadcast %squeeze3A_963 : f32 to vector<16xf32>
        %add3A_965 = arith.constant 0 : i32
        %add3A_966 = arith.addi %add3A_965, %scan3A_955 : i32
        %get3A_967 = arith.constant 3 : i32
        %get3A_968 = arith.index_cast %get3A_967 : i32 to index
        %get3A_969 = arith.index_cast %add3A_966 : i32 to index
        %get3A_970 = arith.constant 0 : index
        %get3A_971 = tpu.vector_load %arg8[%get3A_968, %get3A_969, %get3A_970] {strides = array<i32>} : memref<4x100x64xf32, #tpu.memory_space<vmem>>, vector<1x1x16xf32>,
        %get3A_972 = vector.shape_cast %get3A_971 : vector<1x1x16xf32> to vector<16xf32>
        %mul3A_973 = arith.mulf %get3A_972, %broadcast_in_dim3A_964 : vector<16xf32>
        %add3A_974 = arith.addf %add3A_923, %mul3A_973 : vector<16xf32>
        %add3A_975 = arith.constant 0 : i32
        %add3A_976 = arith.addi %add3A_975, %scan3A_955 : i32
        %get3A_977 = arith.constant 3 : i32
        %get3A_978 = arith.index_cast %get3A_977 : i32 to index
        %get3A_979 = arith.index_cast %add3A_976 : i32 to index
        %get3A_980 = arith.constant 16 : index
        %get3A_981 = tpu.vector_load %arg8[%get3A_978, %get3A_979, %get3A_980] {strides = array<i32>} : memref<4x100x64xf32, #tpu.memory_space<vmem>>, vector<1x1x16xf32>,
        %get3A_982 = vector.shape_cast %get3A_981 : vector<1x1x16xf32> to vector<16xf32>
        %mul3A_983 = arith.mulf %get3A_982, %broadcast_in_dim3A_964 : vector<16xf32>
        %add3A_984 = arith.addf %add3A_933, %mul3A_983 : vector<16xf32>
        %add3A_985 = arith.constant 0 : i32
        %add3A_986 = arith.addi %add3A_985, %scan3A_955 : i32
        %get3A_987 = arith.constant 3 : i32
        %get3A_988 = arith.index_cast %get3A_987 : i32 to index
        %get3A_989 = arith.index_cast %add3A_986 : i32 to index
        %get3A_990 = arith.constant 32 : index
        %get3A_991 = tpu.vector_load %arg8[%get3A_988, %get3A_989, %get3A_990] {strides = array<i32>} : memref<4x100x64xf32, #tpu.memory_space<vmem>>, vector<1x1x16xf32>,
        %get3A_992 = vector.shape_cast %get3A_991 : vector<1x1x16xf32> to vector<16xf32>
        %mul3A_993 = arith.mulf %get3A_992, %broadcast_in_dim3A_964 : vector<16xf32>
        %add3A_994 = arith.addf %add3A_943, %mul3A_993 : vector<16xf32>
        %add3A_995 = arith.constant 0 : i32
        %add3A_996 = arith.addi %add3A_995, %scan3A_955 : i32
        %get3A_997 = arith.constant 3 : i32
        %get3A_998 = arith.index_cast %get3A_997 : i32 to index
        %get3A_999 = arith.index_cast %add3A_996 : i32 to index
        %get3A_1000 = arith.constant 48 : index
        %get3A_1001 = tpu.vector_load %arg8[%get3A_998, %get3A_999, %get3A_1000] {strides = array<i32>} : memref<4x100x64xf32, #tpu.memory_space<vmem>>, vector<1x1x16xf32>,
        %get3A_1002 = vector.shape_cast %get3A_1001 : vector<1x1x16xf32> to vector<16xf32>
        %mul3A_1003 = arith.mulf %get3A_1002, %broadcast_in_dim3A_964 : vector<16xf32>
        %add3A_1004 = arith.addf %add3A_953, %mul3A_1003 : vector<16xf32>
        %scan3A_1005 = arith.constant 7 : i32
        %scan3A_1006 = arith.addi %scan3A_648, %scan3A_1005 : i32
        %add3A_1007 = arith.constant 0 : i32
        %add3A_1008 = arith.addi %mul3A_530, %add3A_1007 : i32
        %add3A_1009 = arith.addi %add3A_1008, %scan3A_1006 : i32
        %get3A_1010 = arith.index_cast %add3A_1009 : i32 to index
        %get3A_1011 = tpu.vector_load %arg7[%get3A_1010] {strides = array<i32>} : memref<25616xf32, #tpu.memory_space<vmem>>, vector<16xf32>,
        %get3A_1012 = vector.shape_cast %get3A_1011 : vector<16xf32> to vector<16xf32>
        %slice3A_1013 = vector.extract_strided_slice %get3A_1012 {offsets = [0], sizes = [1], strides = [1]} : vector<16xf32> to vector<1xf32>
        %squeeze3A_1014 = vector.extract %slice3A_1013[0] : f32 from vector<1xf32>
        %broadcast_in_dim3A_1015 = vector.broadcast %squeeze3A_1014 : f32 to vector<16xf32>
        %add3A_1016 = arith.constant 0 : i32
        %add3A_1017 = arith.addi %add3A_1016, %scan3A_1006 : i32
        %get3A_1018 = arith.constant 3 : i32
        %get3A_1019 = arith.index_cast %get3A_1018 : i32 to index
        %get3A_1020 = arith.index_cast %add3A_1017 : i32 to index
        %get3A_1021 = arith.constant 0 : index
        %get3A_1022 = tpu.vector_load %arg8[%get3A_1019, %get3A_1020, %get3A_1021] {strides = array<i32>} : memref<4x100x64xf32, #tpu.memory_space<vmem>>, vector<1x1x16xf32>,
        %get3A_1023 = vector.shape_cast %get3A_1022 : vector<1x1x16xf32> to vector<16xf32>
        %mul3A_1024 = arith.mulf %get3A_1023, %broadcast_in_dim3A_1015 : vector<16xf32>
        %add3A_1025 = arith.addf %add3A_974, %mul3A_1024 : vector<16xf32>
        %add3A_1026 = arith.constant 0 : i32
        %add3A_1027 = arith.addi %add3A_1026, %scan3A_1006 : i32
        %get3A_1028 = arith.constant 3 : i32
        %get3A_1029 = arith.index_cast %get3A_1028 : i32 to index
        %get3A_1030 = arith.index_cast %add3A_1027 : i32 to index
        %get3A_1031 = arith.constant 16 : index
        %get3A_1032 = tpu.vector_load %arg8[%get3A_1029, %get3A_1030, %get3A_1031] {strides = array<i32>} : memref<4x100x64xf32, #tpu.memory_space<vmem>>, vector<1x1x16xf32>,
        %get3A_1033 = vector.shape_cast %get3A_1032 : vector<1x1x16xf32> to vector<16xf32>
        %mul3A_1034 = arith.mulf %get3A_1033, %broadcast_in_dim3A_1015 : vector<16xf32>
        %add3A_1035 = arith.addf %add3A_984, %mul3A_1034 : vector<16xf32>
        %add3A_1036 = arith.constant 0 : i32
        %add3A_1037 = arith.addi %add3A_1036, %scan3A_1006 : i32
        %get3A_1038 = arith.constant 3 : i32
        %get3A_1039 = arith.index_cast %get3A_1038 : i32 to index
        %get3A_1040 = arith.index_cast %add3A_1037 : i32 to index
        %get3A_1041 = arith.constant 32 : index
        %get3A_1042 = tpu.vector_load %arg8[%get3A_1039, %get3A_1040, %get3A_1041] {strides = array<i32>} : memref<4x100x64xf32, #tpu.memory_space<vmem>>, vector<1x1x16xf32>,
        %get3A_1043 = vector.shape_cast %get3A_1042 : vector<1x1x16xf32> to vector<16xf32>
        %mul3A_1044 = arith.mulf %get3A_1043, %broadcast_in_dim3A_1015 : vector<16xf32>
        %add3A_1045 = arith.addf %add3A_994, %mul3A_1044 : vector<16xf32>
        %add3A_1046 = arith.constant 0 : i32
        %add3A_1047 = arith.addi %add3A_1046, %scan3A_1006 : i32
        %get3A_1048 = arith.constant 3 : i32
        %get3A_1049 = arith.index_cast %get3A_1048 : i32 to index
        %get3A_1050 = arith.index_cast %add3A_1047 : i32 to index
        %get3A_1051 = arith.constant 48 : index
        %get3A_1052 = tpu.vector_load %arg8[%get3A_1049, %get3A_1050, %get3A_1051] {strides = array<i32>} : memref<4x100x64xf32, #tpu.memory_space<vmem>>, vector<1x1x16xf32>,
        %get3A_1053 = vector.shape_cast %get3A_1052 : vector<1x1x16xf32> to vector<16xf32>
        %mul3A_1054 = arith.mulf %get3A_1053, %broadcast_in_dim3A_1015 : vector<16xf32>
        %add3A_1055 = arith.addf %add3A_1004, %mul3A_1054 : vector<16xf32>
        %scan3A_1056 = arith.constant 8 : i32
        %scan3A_1057 = arith.addi %scan3A_648, %scan3A_1056 : i32
        %add3A_1058 = arith.constant 0 : i32
        %add3A_1059 = arith.addi %mul3A_530, %add3A_1058 : i32
        %add3A_1060 = arith.addi %add3A_1059, %scan3A_1057 : i32
        %get3A_1061 = arith.index_cast %add3A_1060 : i32 to index
        %get3A_1062 = tpu.vector_load %arg7[%get3A_1061] {strides = array<i32>} : memref<25616xf32, #tpu.memory_space<vmem>>, vector<16xf32>,
        %get3A_1063 = vector.shape_cast %get3A_1062 : vector<16xf32> to vector<16xf32>
        %slice3A_1064 = vector.extract_strided_slice %get3A_1063 {offsets = [0], sizes = [1], strides = [1]} : vector<16xf32> to vector<1xf32>
        %squeeze3A_1065 = vector.extract %slice3A_1064[0] : f32 from vector<1xf32>
        %broadcast_in_dim3A_1066 = vector.broadcast %squeeze3A_1065 : f32 to vector<16xf32>
        %add3A_1067 = arith.constant 0 : i32
        %add3A_1068 = arith.addi %add3A_1067, %scan3A_1057 : i32
        %get3A_1069 = arith.constant 3 : i32
        %get3A_1070 = arith.index_cast %get3A_1069 : i32 to index
        %get3A_1071 = arith.index_cast %add3A_1068 : i32 to index
        %get3A_1072 = arith.constant 0 : index
        %get3A_1073 = tpu.vector_load %arg8[%get3A_1070, %get3A_1071, %get3A_1072] {strides = array<i32>} : memref<4x100x64xf32, #tpu.memory_space<vmem>>, vector<1x1x16xf32>,
        %get3A_1074 = vector.shape_cast %get3A_1073 : vector<1x1x16xf32> to vector<16xf32>
        %mul3A_1075 = arith.mulf %get3A_1074, %broadcast_in_dim3A_1066 : vector<16xf32>
        %add3A_1076 = arith.addf %add3A_1025, %mul3A_1075 : vector<16xf32>
        %add3A_1077 = arith.constant 0 : i32
        %add3A_1078 = arith.addi %add3A_1077, %scan3A_1057 : i32
        %get3A_1079 = arith.constant 3 : i32
        %get3A_1080 = arith.index_cast %get3A_1079 : i32 to index
        %get3A_1081 = arith.index_cast %add3A_1078 : i32 to index
        %get3A_1082 = arith.constant 16 : index
        %get3A_1083 = tpu.vector_load %arg8[%get3A_1080, %get3A_1081, %get3A_1082] {strides = array<i32>} : memref<4x100x64xf32, #tpu.memory_space<vmem>>, vector<1x1x16xf32>,
        %get3A_1084 = vector.shape_cast %get3A_1083 : vector<1x1x16xf32> to vector<16xf32>
        %mul3A_1085 = arith.mulf %get3A_1084, %broadcast_in_dim3A_1066 : vector<16xf32>
        %add3A_1086 = arith.addf %add3A_1035, %mul3A_1085 : vector<16xf32>
        %add3A_1087 = arith.constant 0 : i32
        %add3A_1088 = arith.addi %add3A_1087, %scan3A_1057 : i32
        %get3A_1089 = arith.constant 3 : i32
        %get3A_1090 = arith.index_cast %get3A_1089 : i32 to index
        %get3A_1091 = arith.index_cast %add3A_1088 : i32 to index
        %get3A_1092 = arith.constant 32 : index
        %get3A_1093 = tpu.vector_load %arg8[%get3A_1090, %get3A_1091, %get3A_1092] {strides = array<i32>} : memref<4x100x64xf32, #tpu.memory_space<vmem>>, vector<1x1x16xf32>,
        %get3A_1094 = vector.shape_cast %get3A_1093 : vector<1x1x16xf32> to vector<16xf32>
        %mul3A_1095 = arith.mulf %get3A_1094, %broadcast_in_dim3A_1066 : vector<16xf32>
        %add3A_1096 = arith.addf %add3A_1045, %mul3A_1095 : vector<16xf32>
        %add3A_1097 = arith.constant 0 : i32
        %add3A_1098 = arith.addi %add3A_1097, %scan3A_1057 : i32
        %get3A_1099 = arith.constant 3 : i32
        %get3A_1100 = arith.index_cast %get3A_1099 : i32 to index
        %get3A_1101 = arith.index_cast %add3A_1098 : i32 to index
        %get3A_1102 = arith.constant 48 : index
        %get3A_1103 = tpu.vector_load %arg8[%get3A_1100, %get3A_1101, %get3A_1102] {strides = array<i32>} : memref<4x100x64xf32, #tpu.memory_space<vmem>>, vector<1x1x16xf32>,
        %get3A_1104 = vector.shape_cast %get3A_1103 : vector<1x1x16xf32> to vector<16xf32>
        %mul3A_1105 = arith.mulf %get3A_1104, %broadcast_in_dim3A_1066 : vector<16xf32>
        %add3A_1106 = arith.addf %add3A_1055, %mul3A_1105 : vector<16xf32>
        %scan3A_1107 = arith.constant 9 : i32
        %scan3A_1108 = arith.addi %scan3A_648, %scan3A_1107 : i32
        %add3A_1109 = arith.constant 0 : i32
        %add3A_1110 = arith.addi %mul3A_530, %add3A_1109 : i32
        %add3A_1111 = arith.addi %add3A_1110, %scan3A_1108 : i32
        %get3A_1112 = arith.index_cast %add3A_1111 : i32 to index
        %get3A_1113 = tpu.vector_load %arg7[%get3A_1112] {strides = array<i32>} : memref<25616xf32, #tpu.memory_space<vmem>>, vector<16xf32>,
        %get3A_1114 = vector.shape_cast %get3A_1113 : vector<16xf32> to vector<16xf32>
        %slice3A_1115 = vector.extract_strided_slice %get3A_1114 {offsets = [0], sizes = [1], strides = [1]} : vector<16xf32> to vector<1xf32>
        %squeeze3A_1116 = vector.extract %slice3A_1115[0] : f32 from vector<1xf32>
        %broadcast_in_dim3A_1117 = vector.broadcast %squeeze3A_1116 : f32 to vector<16xf32>
        %add3A_1118 = arith.constant 0 : i32
        %add3A_1119 = arith.addi %add3A_1118, %scan3A_1108 : i32
        %get3A_1120 = arith.constant 3 : i32
        %get3A_1121 = arith.index_cast %get3A_1120 : i32 to index
        %get3A_1122 = arith.index_cast %add3A_1119 : i32 to index
        %get3A_1123 = arith.constant 0 : index
        %get3A_1124 = tpu.vector_load %arg8[%get3A_1121, %get3A_1122, %get3A_1123] {strides = array<i32>} : memref<4x100x64xf32, #tpu.memory_space<vmem>>, vector<1x1x16xf32>,
        %get3A_1125 = vector.shape_cast %get3A_1124 : vector<1x1x16xf32> to vector<16xf32>
        %mul3A_1126 = arith.mulf %get3A_1125, %broadcast_in_dim3A_1117 : vector<16xf32>
        %add3A_1127 = arith.addf %add3A_1076, %mul3A_1126 : vector<16xf32>
        %add3A_1128 = arith.constant 0 : i32
        %add3A_1129 = arith.addi %add3A_1128, %scan3A_1108 : i32
        %get3A_1130 = arith.constant 3 : i32
        %get3A_1131 = arith.index_cast %get3A_1130 : i32 to index
        %get3A_1132 = arith.index_cast %add3A_1129 : i32 to index
        %get3A_1133 = arith.constant 16 : index
        %get3A_1134 = tpu.vector_load %arg8[%get3A_1131, %get3A_1132, %get3A_1133] {strides = array<i32>} : memref<4x100x64xf32, #tpu.memory_space<vmem>>, vector<1x1x16xf32>,
        %get3A_1135 = vector.shape_cast %get3A_1134 : vector<1x1x16xf32> to vector<16xf32>
        %mul3A_1136 = arith.mulf %get3A_1135, %broadcast_in_dim3A_1117 : vector<16xf32>
        %add3A_1137 = arith.addf %add3A_1086, %mul3A_1136 : vector<16xf32>
        %add3A_1138 = arith.constant 0 : i32
        %add3A_1139 = arith.addi %add3A_1138, %scan3A_1108 : i32
        %get3A_1140 = arith.constant 3 : i32
        %get3A_1141 = arith.index_cast %get3A_1140 : i32 to index
        %get3A_1142 = arith.index_cast %add3A_1139 : i32 to index
        %get3A_1143 = arith.constant 32 : index
        %get3A_1144 = tpu.vector_load %arg8[%get3A_1141, %get3A_1142, %get3A_1143] {strides = array<i32>} : memref<4x100x64xf32, #tpu.memory_space<vmem>>, vector<1x1x16xf32>,
        %get3A_1145 = vector.shape_cast %get3A_1144 : vector<1x1x16xf32> to vector<16xf32>
        %mul3A_1146 = arith.mulf %get3A_1145, %broadcast_in_dim3A_1117 : vector<16xf32>
        %add3A_1147 = arith.addf %add3A_1096, %mul3A_1146 : vector<16xf32>
        %add3A_1148 = arith.constant 0 : i32
        %add3A_1149 = arith.addi %add3A_1148, %scan3A_1108 : i32
        %get3A_1150 = arith.constant 3 : i32
        %get3A_1151 = arith.index_cast %get3A_1150 : i32 to index
        %get3A_1152 = arith.index_cast %add3A_1149 : i32 to index
        %get3A_1153 = arith.constant 48 : index
        %get3A_1154 = tpu.vector_load %arg8[%get3A_1151, %get3A_1152, %get3A_1153] {strides = array<i32>} : memref<4x100x64xf32, #tpu.memory_space<vmem>>, vector<1x1x16xf32>,
        %get3A_1155 = vector.shape_cast %get3A_1154 : vector<1x1x16xf32> to vector<16xf32>
        %mul3A_1156 = arith.mulf %get3A_1155, %broadcast_in_dim3A_1117 : vector<16xf32>
        %add3A_1157 = arith.addf %add3A_1106, %mul3A_1156 : vector<16xf32>
        scf.yield %add3A_1127, %add3A_1137, %add3A_1147, %add3A_1157 : vector<16xf32>, vector<16xf32>, vector<16xf32>, vector<16xf32>
      }
      %scan3A_544 = arith.constant 50 : i32
      %swap3A_545 = arith.constant 3 : i32
      %swap3A_546 = arith.constant 0 : i32
      %swap3A_547 = arith.index_cast %swap3A_545 : i32 to index
      %swap3A_548 = arith.index_cast %swap3A_546 : i32 to index
      %swap3A_549 = arith.constant 0 : index
      %swap3A_550 = tpu.vector_load %arg9[%swap3A_547, %swap3A_548, %swap3A_549] {strides = array<i32>} : memref<4x2x64xf32, #tpu.memory_space<vmem>>, vector<1x1x16xf32>,
      %swap3A_551 = vector.shape_cast %swap3A_550 : vector<1x1x16xf32> to vector<16xf32>
      %swap3A_552 = vector.shape_cast %scan3A_543#0 : vector<16xf32> to vector<1x1x16xf32>
      tpu.vector_store %arg9[%swap3A_547, %swap3A_548, %swap3A_549], %swap3A_552 {strides = array<i32>} : memref<4x2x64xf32, #tpu.memory_space<vmem>>, vector<1x1x16xf32>,
      %swap3A_553 = arith.constant 3 : i32
      %swap3A_554 = arith.constant 0 : i32
      %swap3A_555 = arith.index_cast %swap3A_553 : i32 to index
      %swap3A_556 = arith.index_cast %swap3A_554 : i32 to index
      %swap3A_557 = arith.constant 16 : index
      %swap3A_558 = tpu.vector_load %arg9[%swap3A_555, %swap3A_556, %swap3A_557] {strides = array<i32>} : memref<4x2x64xf32, #tpu.memory_space<vmem>>, vector<1x1x16xf32>,
      %swap3A_559 = vector.shape_cast %swap3A_558 : vector<1x1x16xf32> to vector<16xf32>
      %swap3A_560 = vector.shape_cast %scan3A_543#1 : vector<16xf32> to vector<1x1x16xf32>
      tpu.vector_store %arg9[%swap3A_555, %swap3A_556, %swap3A_557], %swap3A_560 {strides = array<i32>} : memref<4x2x64xf32, #tpu.memory_space<vmem>>, vector<1x1x16xf32>,
      %swap3A_561 = arith.constant 3 : i32
      %swap3A_562 = arith.constant 0 : i32
      %swap3A_563 = arith.index_cast %swap3A_561 : i32 to index
      %swap3A_564 = arith.index_cast %swap3A_562 : i32 to index
      %swap3A_565 = arith.constant 32 : index
      %swap3A_566 = tpu.vector_load %arg9[%swap3A_563, %swap3A_564, %swap3A_565] {strides = array<i32>} : memref<4x2x64xf32, #tpu.memory_space<vmem>>, vector<1x1x16xf32>,
      %swap3A_567 = vector.shape_cast %swap3A_566 : vector<1x1x16xf32> to vector<16xf32>
      %swap3A_568 = vector.shape_cast %scan3A_543#2 : vector<16xf32> to vector<1x1x16xf32>
      tpu.vector_store %arg9[%swap3A_563, %swap3A_564, %swap3A_565], %swap3A_568 {strides = array<i32>} : memref<4x2x64xf32, #tpu.memory_space<vmem>>, vector<1x1x16xf32>,
      %swap3A_569 = arith.constant 3 : i32
      %swap3A_570 = arith.constant 0 : i32
      %swap3A_571 = arith.index_cast %swap3A_569 : i32 to index
      %swap3A_572 = arith.index_cast %swap3A_570 : i32 to index
      %swap3A_573 = arith.constant 48 : index
      %swap3A_574 = tpu.vector_load %arg9[%swap3A_571, %swap3A_572, %swap3A_573] {strides = array<i32>} : memref<4x2x64xf32, #tpu.memory_space<vmem>>, vector<1x1x16xf32>,
      %swap3A_575 = vector.shape_cast %swap3A_574 : vector<1x1x16xf32> to vector<16xf32>
      %swap3A_576 = vector.shape_cast %scan3A_543#3 : vector<16xf32> to vector<1x1x16xf32>
      tpu.vector_store %arg9[%swap3A_571, %swap3A_572, %swap3A_573], %swap3A_576 {strides = array<i32>} : memref<4x2x64xf32, #tpu.memory_space<vmem>>, vector<1x1x16xf32>,
      %broadcast_in_dim3A_577 = arith.constant 0.000000e+00 : f32
      %broadcast_in_dim3A_578 = vector.broadcast %broadcast_in_dim3A_577 : f32 to vector<16xf32>
      %broadcast_in_dim3A_579 = arith.constant 0.000000e+00 : f32
      %broadcast_in_dim3A_580 = vector.broadcast %broadcast_in_dim3A_579 : f32 to vector<16xf32>
      %broadcast_in_dim3A_581 = arith.constant 0.000000e+00 : f32
      %broadcast_in_dim3A_582 = vector.broadcast %broadcast_in_dim3A_581 : f32 to vector<16xf32>
      %broadcast_in_dim3A_583 = arith.constant 0.000000e+00 : f32
      %broadcast_in_dim3A_584 = vector.broadcast %broadcast_in_dim3A_583 : f32 to vector<16xf32>
      %scan3A_585 = arith.constant 0 : i32
      %scan3A_586 = arith.constant 50 : i32
      %scan3A_587 = arith.addi %scan3A_585, %scan3A_586 : i32
      %scan3A_588 = arith.constant 10 : i32
      %scan3A_589:4 = scf.for %scan3A_648 = %scan3A_585 to %scan3A_587 step %scan3A_588 iter_args(%scan3A_649 = %broadcast_in_dim3A_578, %scan3A_650 = %broadcast_in_dim3A_580, %scan3A_651 = %broadcast_in_dim3A_582, %scan3A_652 = %broadcast_in_dim3A_584) -> (vector<16xf32>, vector<16xf32>, vector<16xf32>, vector<16xf32>)  : i32 {
        %add3A_653 = arith.constant 50 : i32
        %add3A_654 = arith.addi %mul3A_530, %add3A_653 : i32
        %add3A_655 = arith.addi %add3A_654, %scan3A_648 : i32
        %get3A = arith.index_cast %add3A_655 : i32 to index
        %get3A_656 = tpu.vector_load %arg7[%get3A] {strides = array<i32>} : memref<25616xf32, #tpu.memory_space<vmem>>, vector<16xf32>,
        %get3A_657 = vector.shape_cast %get3A_656 : vector<16xf32> to vector<16xf32>
        %slice3A = vector.extract_strided_slice %get3A_657 {offsets = [0], sizes = [1], strides = [1]} : vector<16xf32> to vector<1xf32>
        %squeeze3A = vector.extract %slice3A[0] : f32 from vector<1xf32>
        %broadcast_in_dim3A_658 = vector.broadcast %squeeze3A : f32 to vector<16xf32>
        %add3A_659 = arith.constant 50 : i32
        %add3A_660 = arith.addi %add3A_659, %scan3A_648 : i32
        %get3A_661 = arith.constant 3 : i32
        %get3A_662 = arith.index_cast %get3A_661 : i32 to index
        %get3A_663 = arith.index_cast %add3A_660 : i32 to index
        %get3A_664 = arith.constant 0 : index
        %get3A_665 = tpu.vector_load %arg8[%get3A_662, %get3A_663, %get3A_664] {strides = array<i32>} : memref<4x100x64xf32, #tpu.memory_space<vmem>>, vector<1x1x16xf32>,
        %get3A_666 = vector.shape_cast %get3A_665 : vector<1x1x16xf32> to vector<16xf32>
        %mul3A_667 = arith.mulf %get3A_666, %broadcast_in_dim3A_658 : vector<16xf32>
        %add3A_668 = arith.addf %scan3A_649, %mul3A_667 : vector<16xf32>
        %add3A_669 = arith.constant 50 : i32
        %add3A_670 = arith.addi %add3A_669, %scan3A_648 : i32
        %get3A_671 = arith.constant 3 : i32
        %get3A_672 = arith.index_cast %get3A_671 : i32 to index
        %get3A_673 = arith.index_cast %add3A_670 : i32 to index
        %get3A_674 = arith.constant 16 : index
        %get3A_675 = tpu.vector_load %arg8[%get3A_672, %get3A_673, %get3A_674] {strides = array<i32>} : memref<4x100x64xf32, #tpu.memory_space<vmem>>, vector<1x1x16xf32>,
        %get3A_676 = vector.shape_cast %get3A_675 : vector<1x1x16xf32> to vector<16xf32>
        %mul3A_677 = arith.mulf %get3A_676, %broadcast_in_dim3A_658 : vector<16xf32>
        %add3A_678 = arith.addf %scan3A_650, %mul3A_677 : vector<16xf32>
        %add3A_679 = arith.constant 50 : i32
        %add3A_680 = arith.addi %add3A_679, %scan3A_648 : i32
        %get3A_681 = arith.constant 3 : i32
        %get3A_682 = arith.index_cast %get3A_681 : i32 to index
        %get3A_683 = arith.index_cast %add3A_680 : i32 to index
        %get3A_684 = arith.constant 32 : index
        %get3A_685 = tpu.vector_load %arg8[%get3A_682, %get3A_683, %get3A_684] {strides = array<i32>} : memref<4x100x64xf32, #tpu.memory_space<vmem>>, vector<1x1x16xf32>,
        %get3A_686 = vector.shape_cast %get3A_685 : vector<1x1x16xf32> to vector<16xf32>
        %mul3A_687 = arith.mulf %get3A_686, %broadcast_in_dim3A_658 : vector<16xf32>
        %add3A_688 = arith.addf %scan3A_651, %mul3A_687 : vector<16xf32>
        %add3A_689 = arith.constant 50 : i32
        %add3A_690 = arith.addi %add3A_689, %scan3A_648 : i32
        %get3A_691 = arith.constant 3 : i32
        %get3A_692 = arith.index_cast %get3A_691 : i32 to index
        %get3A_693 = arith.index_cast %add3A_690 : i32 to index
        %get3A_694 = arith.constant 48 : index
        %get3A_695 = tpu.vector_load %arg8[%get3A_692, %get3A_693, %get3A_694] {strides = array<i32>} : memref<4x100x64xf32, #tpu.memory_space<vmem>>, vector<1x1x16xf32>,
        %get3A_696 = vector.shape_cast %get3A_695 : vector<1x1x16xf32> to vector<16xf32>
        %mul3A_697 = arith.mulf %get3A_696, %broadcast_in_dim3A_658 : vector<16xf32>
        %add3A_698 = arith.addf %scan3A_652, %mul3A_697 : vector<16xf32>
        %scan3A_699 = arith.constant 1 : i32
        %scan3A_700 = arith.addi %scan3A_648, %scan3A_699 : i32
        %add3A_701 = arith.constant 50 : i32
        %add3A_702 = arith.addi %mul3A_530, %add3A_701 : i32
        %add3A_703 = arith.addi %add3A_702, %scan3A_700 : i32
        %get3A_704 = arith.index_cast %add3A_703 : i32 to index
        %get3A_705 = tpu.vector_load %arg7[%get3A_704] {strides = array<i32>} : memref<25616xf32, #tpu.memory_space<vmem>>, vector<16xf32>,
        %get3A_706 = vector.shape_cast %get3A_705 : vector<16xf32> to vector<16xf32>
        %slice3A_707 = vector.extract_strided_slice %get3A_706 {offsets = [0], sizes = [1], strides = [1]} : vector<16xf32> to vector<1xf32>
        %squeeze3A_708 = vector.extract %slice3A_707[0] : f32 from vector<1xf32>
        %broadcast_in_dim3A_709 = vector.broadcast %squeeze3A_708 : f32 to vector<16xf32>
        %add3A_710 = arith.constant 50 : i32
        %add3A_711 = arith.addi %add3A_710, %scan3A_700 : i32
        %get3A_712 = arith.constant 3 : i32
        %get3A_713 = arith.index_cast %get3A_712 : i32 to index
        %get3A_714 = arith.index_cast %add3A_711 : i32 to index
        %get3A_715 = arith.constant 0 : index
        %get3A_716 = tpu.vector_load %arg8[%get3A_713, %get3A_714, %get3A_715] {strides = array<i32>} : memref<4x100x64xf32, #tpu.memory_space<vmem>>, vector<1x1x16xf32>,
        %get3A_717 = vector.shape_cast %get3A_716 : vector<1x1x16xf32> to vector<16xf32>
        %mul3A_718 = arith.mulf %get3A_717, %broadcast_in_dim3A_709 : vector<16xf32>
        %add3A_719 = arith.addf %add3A_668, %mul3A_718 : vector<16xf32>
        %add3A_720 = arith.constant 50 : i32
        %add3A_721 = arith.addi %add3A_720, %scan3A_700 : i32
        %get3A_722 = arith.constant 3 : i32
        %get3A_723 = arith.index_cast %get3A_722 : i32 to index
        %get3A_724 = arith.index_cast %add3A_721 : i32 to index
        %get3A_725 = arith.constant 16 : index
        %get3A_726 = tpu.vector_load %arg8[%get3A_723, %get3A_724, %get3A_725] {strides = array<i32>} : memref<4x100x64xf32, #tpu.memory_space<vmem>>, vector<1x1x16xf32>,
        %get3A_727 = vector.shape_cast %get3A_726 : vector<1x1x16xf32> to vector<16xf32>
        %mul3A_728 = arith.mulf %get3A_727, %broadcast_in_dim3A_709 : vector<16xf32>
        %add3A_729 = arith.addf %add3A_678, %mul3A_728 : vector<16xf32>
        %add3A_730 = arith.constant 50 : i32
        %add3A_731 = arith.addi %add3A_730, %scan3A_700 : i32
        %get3A_732 = arith.constant 3 : i32
        %get3A_733 = arith.index_cast %get3A_732 : i32 to index
        %get3A_734 = arith.index_cast %add3A_731 : i32 to index
        %get3A_735 = arith.constant 32 : index
        %get3A_736 = tpu.vector_load %arg8[%get3A_733, %get3A_734, %get3A_735] {strides = array<i32>} : memref<4x100x64xf32, #tpu.memory_space<vmem>>, vector<1x1x16xf32>,
        %get3A_737 = vector.shape_cast %get3A_736 : vector<1x1x16xf32> to vector<16xf32>
        %mul3A_738 = arith.mulf %get3A_737, %broadcast_in_dim3A_709 : vector<16xf32>
        %add3A_739 = arith.addf %add3A_688, %mul3A_738 : vector<16xf32>
        %add3A_740 = arith.constant 50 : i32
        %add3A_741 = arith.addi %add3A_740, %scan3A_700 : i32
        %get3A_742 = arith.constant 3 : i32
        %get3A_743 = arith.index_cast %get3A_742 : i32 to index
        %get3A_744 = arith.index_cast %add3A_741 : i32 to index
        %get3A_745 = arith.constant 48 : index
        %get3A_746 = tpu.vector_load %arg8[%get3A_743, %get3A_744, %get3A_745] {strides = array<i32>} : memref<4x100x64xf32, #tpu.memory_space<vmem>>, vector<1x1x16xf32>,
        %get3A_747 = vector.shape_cast %get3A_746 : vector<1x1x16xf32> to vector<16xf32>
        %mul3A_748 = arith.mulf %get3A_747, %broadcast_in_dim3A_709 : vector<16xf32>
        %add3A_749 = arith.addf %add3A_698, %mul3A_748 : vector<16xf32>
        %scan3A_750 = arith.constant 2 : i32
        %scan3A_751 = arith.addi %scan3A_648, %scan3A_750 : i32
        %add3A_752 = arith.constant 50 : i32
        %add3A_753 = arith.addi %mul3A_530, %add3A_752 : i32
        %add3A_754 = arith.addi %add3A_753, %scan3A_751 : i32
        %get3A_755 = arith.index_cast %add3A_754 : i32 to index
        %get3A_756 = tpu.vector_load %arg7[%get3A_755] {strides = array<i32>} : memref<25616xf32, #tpu.memory_space<vmem>>, vector<16xf32>,
        %get3A_757 = vector.shape_cast %get3A_756 : vector<16xf32> to vector<16xf32>
        %slice3A_758 = vector.extract_strided_slice %get3A_757 {offsets = [0], sizes = [1], strides = [1]} : vector<16xf32> to vector<1xf32>
        %squeeze3A_759 = vector.extract %slice3A_758[0] : f32 from vector<1xf32>
        %broadcast_in_dim3A_760 = vector.broadcast %squeeze3A_759 : f32 to vector<16xf32>
        %add3A_761 = arith.constant 50 : i32
        %add3A_762 = arith.addi %add3A_761, %scan3A_751 : i32
        %get3A_763 = arith.constant 3 : i32
        %get3A_764 = arith.index_cast %get3A_763 : i32 to index
        %get3A_765 = arith.index_cast %add3A_762 : i32 to index
        %get3A_766 = arith.constant 0 : index
        %get3A_767 = tpu.vector_load %arg8[%get3A_764, %get3A_765, %get3A_766] {strides = array<i32>} : memref<4x100x64xf32, #tpu.memory_space<vmem>>, vector<1x1x16xf32>,
        %get3A_768 = vector.shape_cast %get3A_767 : vector<1x1x16xf32> to vector<16xf32>
        %mul3A_769 = arith.mulf %get3A_768, %broadcast_in_dim3A_760 : vector<16xf32>
        %add3A_770 = arith.addf %add3A_719, %mul3A_769 : vector<16xf32>
        %add3A_771 = arith.constant 50 : i32
        %add3A_772 = arith.addi %add3A_771, %scan3A_751 : i32
        %get3A_773 = arith.constant 3 : i32
        %get3A_774 = arith.index_cast %get3A_773 : i32 to index
        %get3A_775 = arith.index_cast %add3A_772 : i32 to index
        %get3A_776 = arith.constant 16 : index
        %get3A_777 = tpu.vector_load %arg8[%get3A_774, %get3A_775, %get3A_776] {strides = array<i32>} : memref<4x100x64xf32, #tpu.memory_space<vmem>>, vector<1x1x16xf32>,
        %get3A_778 = vector.shape_cast %get3A_777 : vector<1x1x16xf32> to vector<16xf32>
        %mul3A_779 = arith.mulf %get3A_778, %broadcast_in_dim3A_760 : vector<16xf32>
        %add3A_780 = arith.addf %add3A_729, %mul3A_779 : vector<16xf32>
        %add3A_781 = arith.constant 50 : i32
        %add3A_782 = arith.addi %add3A_781, %scan3A_751 : i32
        %get3A_783 = arith.constant 3 : i32
        %get3A_784 = arith.index_cast %get3A_783 : i32 to index
        %get3A_785 = arith.index_cast %add3A_782 : i32 to index
        %get3A_786 = arith.constant 32 : index
        %get3A_787 = tpu.vector_load %arg8[%get3A_784, %get3A_785, %get3A_786] {strides = array<i32>} : memref<4x100x64xf32, #tpu.memory_space<vmem>>, vector<1x1x16xf32>,
        %get3A_788 = vector.shape_cast %get3A_787 : vector<1x1x16xf32> to vector<16xf32>
        %mul3A_789 = arith.mulf %get3A_788, %broadcast_in_dim3A_760 : vector<16xf32>
        %add3A_790 = arith.addf %add3A_739, %mul3A_789 : vector<16xf32>
        %add3A_791 = arith.constant 50 : i32
        %add3A_792 = arith.addi %add3A_791, %scan3A_751 : i32
        %get3A_793 = arith.constant 3 : i32
        %get3A_794 = arith.index_cast %get3A_793 : i32 to index
        %get3A_795 = arith.index_cast %add3A_792 : i32 to index
        %get3A_796 = arith.constant 48 : index
        %get3A_797 = tpu.vector_load %arg8[%get3A_794, %get3A_795, %get3A_796] {strides = array<i32>} : memref<4x100x64xf32, #tpu.memory_space<vmem>>, vector<1x1x16xf32>,
        %get3A_798 = vector.shape_cast %get3A_797 : vector<1x1x16xf32> to vector<16xf32>
        %mul3A_799 = arith.mulf %get3A_798, %broadcast_in_dim3A_760 : vector<16xf32>
        %add3A_800 = arith.addf %add3A_749, %mul3A_799 : vector<16xf32>
        %scan3A_801 = arith.constant 3 : i32
        %scan3A_802 = arith.addi %scan3A_648, %scan3A_801 : i32
        %add3A_803 = arith.constant 50 : i32
        %add3A_804 = arith.addi %mul3A_530, %add3A_803 : i32
        %add3A_805 = arith.addi %add3A_804, %scan3A_802 : i32
        %get3A_806 = arith.index_cast %add3A_805 : i32 to index
        %get3A_807 = tpu.vector_load %arg7[%get3A_806] {strides = array<i32>} : memref<25616xf32, #tpu.memory_space<vmem>>, vector<16xf32>,
        %get3A_808 = vector.shape_cast %get3A_807 : vector<16xf32> to vector<16xf32>
        %slice3A_809 = vector.extract_strided_slice %get3A_808 {offsets = [0], sizes = [1], strides = [1]} : vector<16xf32> to vector<1xf32>
        %squeeze3A_810 = vector.extract %slice3A_809[0] : f32 from vector<1xf32>
        %broadcast_in_dim3A_811 = vector.broadcast %squeeze3A_810 : f32 to vector<16xf32>
        %add3A_812 = arith.constant 50 : i32
        %add3A_813 = arith.addi %add3A_812, %scan3A_802 : i32
        %get3A_814 = arith.constant 3 : i32
        %get3A_815 = arith.index_cast %get3A_814 : i32 to index
        %get3A_816 = arith.index_cast %add3A_813 : i32 to index
        %get3A_817 = arith.constant 0 : index
        %get3A_818 = tpu.vector_load %arg8[%get3A_815, %get3A_816, %get3A_817] {strides = array<i32>} : memref<4x100x64xf32, #tpu.memory_space<vmem>>, vector<1x1x16xf32>,
        %get3A_819 = vector.shape_cast %get3A_818 : vector<1x1x16xf32> to vector<16xf32>
        %mul3A_820 = arith.mulf %get3A_819, %broadcast_in_dim3A_811 : vector<16xf32>
        %add3A_821 = arith.addf %add3A_770, %mul3A_820 : vector<16xf32>
        %add3A_822 = arith.constant 50 : i32
        %add3A_823 = arith.addi %add3A_822, %scan3A_802 : i32
        %get3A_824 = arith.constant 3 : i32
        %get3A_825 = arith.index_cast %get3A_824 : i32 to index
        %get3A_826 = arith.index_cast %add3A_823 : i32 to index
        %get3A_827 = arith.constant 16 : index
        %get3A_828 = tpu.vector_load %arg8[%get3A_825, %get3A_826, %get3A_827] {strides = array<i32>} : memref<4x100x64xf32, #tpu.memory_space<vmem>>, vector<1x1x16xf32>,
        %get3A_829 = vector.shape_cast %get3A_828 : vector<1x1x16xf32> to vector<16xf32>
        %mul3A_830 = arith.mulf %get3A_829, %broadcast_in_dim3A_811 : vector<16xf32>
        %add3A_831 = arith.addf %add3A_780, %mul3A_830 : vector<16xf32>
        %add3A_832 = arith.constant 50 : i32
        %add3A_833 = arith.addi %add3A_832, %scan3A_802 : i32
        %get3A_834 = arith.constant 3 : i32
        %get3A_835 = arith.index_cast %get3A_834 : i32 to index
        %get3A_836 = arith.index_cast %add3A_833 : i32 to index
        %get3A_837 = arith.constant 32 : index
        %get3A_838 = tpu.vector_load %arg8[%get3A_835, %get3A_836, %get3A_837] {strides = array<i32>} : memref<4x100x64xf32, #tpu.memory_space<vmem>>, vector<1x1x16xf32>,
        %get3A_839 = vector.shape_cast %get3A_838 : vector<1x1x16xf32> to vector<16xf32>
        %mul3A_840 = arith.mulf %get3A_839, %broadcast_in_dim3A_811 : vector<16xf32>
        %add3A_841 = arith.addf %add3A_790, %mul3A_840 : vector<16xf32>
        %add3A_842 = arith.constant 50 : i32
        %add3A_843 = arith.addi %add3A_842, %scan3A_802 : i32
        %get3A_844 = arith.constant 3 : i32
        %get3A_845 = arith.index_cast %get3A_844 : i32 to index
        %get3A_846 = arith.index_cast %add3A_843 : i32 to index
        %get3A_847 = arith.constant 48 : index
        %get3A_848 = tpu.vector_load %arg8[%get3A_845, %get3A_846, %get3A_847] {strides = array<i32>} : memref<4x100x64xf32, #tpu.memory_space<vmem>>, vector<1x1x16xf32>,
        %get3A_849 = vector.shape_cast %get3A_848 : vector<1x1x16xf32> to vector<16xf32>
        %mul3A_850 = arith.mulf %get3A_849, %broadcast_in_dim3A_811 : vector<16xf32>
        %add3A_851 = arith.addf %add3A_800, %mul3A_850 : vector<16xf32>
        %scan3A_852 = arith.constant 4 : i32
        %scan3A_853 = arith.addi %scan3A_648, %scan3A_852 : i32
        %add3A_854 = arith.constant 50 : i32
        %add3A_855 = arith.addi %mul3A_530, %add3A_854 : i32
        %add3A_856 = arith.addi %add3A_855, %scan3A_853 : i32
        %get3A_857 = arith.index_cast %add3A_856 : i32 to index
        %get3A_858 = tpu.vector_load %arg7[%get3A_857] {strides = array<i32>} : memref<25616xf32, #tpu.memory_space<vmem>>, vector<16xf32>,
        %get3A_859 = vector.shape_cast %get3A_858 : vector<16xf32> to vector<16xf32>
        %slice3A_860 = vector.extract_strided_slice %get3A_859 {offsets = [0], sizes = [1], strides = [1]} : vector<16xf32> to vector<1xf32>
        %squeeze3A_861 = vector.extract %slice3A_860[0] : f32 from vector<1xf32>
        %broadcast_in_dim3A_862 = vector.broadcast %squeeze3A_861 : f32 to vector<16xf32>
        %add3A_863 = arith.constant 50 : i32
        %add3A_864 = arith.addi %add3A_863, %scan3A_853 : i32
        %get3A_865 = arith.constant 3 : i32
        %get3A_866 = arith.index_cast %get3A_865 : i32 to index
        %get3A_867 = arith.index_cast %add3A_864 : i32 to index
        %get3A_868 = arith.constant 0 : index
        %get3A_869 = tpu.vector_load %arg8[%get3A_866, %get3A_867, %get3A_868] {strides = array<i32>} : memref<4x100x64xf32, #tpu.memory_space<vmem>>, vector<1x1x16xf32>,
        %get3A_870 = vector.shape_cast %get3A_869 : vector<1x1x16xf32> to vector<16xf32>
        %mul3A_871 = arith.mulf %get3A_870, %broadcast_in_dim3A_862 : vector<16xf32>
        %add3A_872 = arith.addf %add3A_821, %mul3A_871 : vector<16xf32>
        %add3A_873 = arith.constant 50 : i32
        %add3A_874 = arith.addi %add3A_873, %scan3A_853 : i32
        %get3A_875 = arith.constant 3 : i32
        %get3A_876 = arith.index_cast %get3A_875 : i32 to index
        %get3A_877 = arith.index_cast %add3A_874 : i32 to index
        %get3A_878 = arith.constant 16 : index
        %get3A_879 = tpu.vector_load %arg8[%get3A_876, %get3A_877, %get3A_878] {strides = array<i32>} : memref<4x100x64xf32, #tpu.memory_space<vmem>>, vector<1x1x16xf32>,
        %get3A_880 = vector.shape_cast %get3A_879 : vector<1x1x16xf32> to vector<16xf32>
        %mul3A_881 = arith.mulf %get3A_880, %broadcast_in_dim3A_862 : vector<16xf32>
        %add3A_882 = arith.addf %add3A_831, %mul3A_881 : vector<16xf32>
        %add3A_883 = arith.constant 50 : i32
        %add3A_884 = arith.addi %add3A_883, %scan3A_853 : i32
        %get3A_885 = arith.constant 3 : i32
        %get3A_886 = arith.index_cast %get3A_885 : i32 to index
        %get3A_887 = arith.index_cast %add3A_884 : i32 to index
        %get3A_888 = arith.constant 32 : index
        %get3A_889 = tpu.vector_load %arg8[%get3A_886, %get3A_887, %get3A_888] {strides = array<i32>} : memref<4x100x64xf32, #tpu.memory_space<vmem>>, vector<1x1x16xf32>,
        %get3A_890 = vector.shape_cast %get3A_889 : vector<1x1x16xf32> to vector<16xf32>
        %mul3A_891 = arith.mulf %get3A_890, %broadcast_in_dim3A_862 : vector<16xf32>
        %add3A_892 = arith.addf %add3A_841, %mul3A_891 : vector<16xf32>
        %add3A_893 = arith.constant 50 : i32
        %add3A_894 = arith.addi %add3A_893, %scan3A_853 : i32
        %get3A_895 = arith.constant 3 : i32
        %get3A_896 = arith.index_cast %get3A_895 : i32 to index
        %get3A_897 = arith.index_cast %add3A_894 : i32 to index
        %get3A_898 = arith.constant 48 : index
        %get3A_899 = tpu.vector_load %arg8[%get3A_896, %get3A_897, %get3A_898] {strides = array<i32>} : memref<4x100x64xf32, #tpu.memory_space<vmem>>, vector<1x1x16xf32>,
        %get3A_900 = vector.shape_cast %get3A_899 : vector<1x1x16xf32> to vector<16xf32>
        %mul3A_901 = arith.mulf %get3A_900, %broadcast_in_dim3A_862 : vector<16xf32>
        %add3A_902 = arith.addf %add3A_851, %mul3A_901 : vector<16xf32>
        %scan3A_903 = arith.constant 5 : i32
        %scan3A_904 = arith.addi %scan3A_648, %scan3A_903 : i32
        %add3A_905 = arith.constant 50 : i32
        %add3A_906 = arith.addi %mul3A_530, %add3A_905 : i32
        %add3A_907 = arith.addi %add3A_906, %scan3A_904 : i32
        %get3A_908 = arith.index_cast %add3A_907 : i32 to index
        %get3A_909 = tpu.vector_load %arg7[%get3A_908] {strides = array<i32>} : memref<25616xf32, #tpu.memory_space<vmem>>, vector<16xf32>,
        %get3A_910 = vector.shape_cast %get3A_909 : vector<16xf32> to vector<16xf32>
        %slice3A_911 = vector.extract_strided_slice %get3A_910 {offsets = [0], sizes = [1], strides = [1]} : vector<16xf32> to vector<1xf32>
        %squeeze3A_912 = vector.extract %slice3A_911[0] : f32 from vector<1xf32>
        %broadcast_in_dim3A_913 = vector.broadcast %squeeze3A_912 : f32 to vector<16xf32>
        %add3A_914 = arith.constant 50 : i32
        %add3A_915 = arith.addi %add3A_914, %scan3A_904 : i32
        %get3A_916 = arith.constant 3 : i32
        %get3A_917 = arith.index_cast %get3A_916 : i32 to index
        %get3A_918 = arith.index_cast %add3A_915 : i32 to index
        %get3A_919 = arith.constant 0 : index
        %get3A_920 = tpu.vector_load %arg8[%get3A_917, %get3A_918, %get3A_919] {strides = array<i32>} : memref<4x100x64xf32, #tpu.memory_space<vmem>>, vector<1x1x16xf32>,
        %get3A_921 = vector.shape_cast %get3A_920 : vector<1x1x16xf32> to vector<16xf32>
        %mul3A_922 = arith.mulf %get3A_921, %broadcast_in_dim3A_913 : vector<16xf32>
        %add3A_923 = arith.addf %add3A_872, %mul3A_922 : vector<16xf32>
        %add3A_924 = arith.constant 50 : i32
        %add3A_925 = arith.addi %add3A_924, %scan3A_904 : i32
        %get3A_926 = arith.constant 3 : i32
        %get3A_927 = arith.index_cast %get3A_926 : i32 to index
        %get3A_928 = arith.index_cast %add3A_925 : i32 to index
        %get3A_929 = arith.constant 16 : index
        %get3A_930 = tpu.vector_load %arg8[%get3A_927, %get3A_928, %get3A_929] {strides = array<i32>} : memref<4x100x64xf32, #tpu.memory_space<vmem>>, vector<1x1x16xf32>,
        %get3A_931 = vector.shape_cast %get3A_930 : vector<1x1x16xf32> to vector<16xf32>
        %mul3A_932 = arith.mulf %get3A_931, %broadcast_in_dim3A_913 : vector<16xf32>
        %add3A_933 = arith.addf %add3A_882, %mul3A_932 : vector<16xf32>
        %add3A_934 = arith.constant 50 : i32
        %add3A_935 = arith.addi %add3A_934, %scan3A_904 : i32
        %get3A_936 = arith.constant 3 : i32
        %get3A_937 = arith.index_cast %get3A_936 : i32 to index
        %get3A_938 = arith.index_cast %add3A_935 : i32 to index
        %get3A_939 = arith.constant 32 : index
        %get3A_940 = tpu.vector_load %arg8[%get3A_937, %get3A_938, %get3A_939] {strides = array<i32>} : memref<4x100x64xf32, #tpu.memory_space<vmem>>, vector<1x1x16xf32>,
        %get3A_941 = vector.shape_cast %get3A_940 : vector<1x1x16xf32> to vector<16xf32>
        %mul3A_942 = arith.mulf %get3A_941, %broadcast_in_dim3A_913 : vector<16xf32>
        %add3A_943 = arith.addf %add3A_892, %mul3A_942 : vector<16xf32>
        %add3A_944 = arith.constant 50 : i32
        %add3A_945 = arith.addi %add3A_944, %scan3A_904 : i32
        %get3A_946 = arith.constant 3 : i32
        %get3A_947 = arith.index_cast %get3A_946 : i32 to index
        %get3A_948 = arith.index_cast %add3A_945 : i32 to index
        %get3A_949 = arith.constant 48 : index
        %get3A_950 = tpu.vector_load %arg8[%get3A_947, %get3A_948, %get3A_949] {strides = array<i32>} : memref<4x100x64xf32, #tpu.memory_space<vmem>>, vector<1x1x16xf32>,
        %get3A_951 = vector.shape_cast %get3A_950 : vector<1x1x16xf32> to vector<16xf32>
        %mul3A_952 = arith.mulf %get3A_951, %broadcast_in_dim3A_913 : vector<16xf32>
        %add3A_953 = arith.addf %add3A_902, %mul3A_952 : vector<16xf32>
        %scan3A_954 = arith.constant 6 : i32
        %scan3A_955 = arith.addi %scan3A_648, %scan3A_954 : i32
        %add3A_956 = arith.constant 50 : i32
        %add3A_957 = arith.addi %mul3A_530, %add3A_956 : i32
        %add3A_958 = arith.addi %add3A_957, %scan3A_955 : i32
        %get3A_959 = arith.index_cast %add3A_958 : i32 to index
        %get3A_960 = tpu.vector_load %arg7[%get3A_959] {strides = array<i32>} : memref<25616xf32, #tpu.memory_space<vmem>>, vector<16xf32>,
        %get3A_961 = vector.shape_cast %get3A_960 : vector<16xf32> to vector<16xf32>
        %slice3A_962 = vector.extract_strided_slice %get3A_961 {offsets = [0], sizes = [1], strides = [1]} : vector<16xf32> to vector<1xf32>
        %squeeze3A_963 = vector.extract %slice3A_962[0] : f32 from vector<1xf32>
        %broadcast_in_dim3A_964 = vector.broadcast %squeeze3A_963 : f32 to vector<16xf32>
        %add3A_965 = arith.constant 50 : i32
        %add3A_966 = arith.addi %add3A_965, %scan3A_955 : i32
        %get3A_967 = arith.constant 3 : i32
        %get3A_968 = arith.index_cast %get3A_967 : i32 to index
        %get3A_969 = arith.index_cast %add3A_966 : i32 to index
        %get3A_970 = arith.constant 0 : index
        %get3A_971 = tpu.vector_load %arg8[%get3A_968, %get3A_969, %get3A_970] {strides = array<i32>} : memref<4x100x64xf32, #tpu.memory_space<vmem>>, vector<1x1x16xf32>,
        %get3A_972 = vector.shape_cast %get3A_971 : vector<1x1x16xf32> to vector<16xf32>
        %mul3A_973 = arith.mulf %get3A_972, %broadcast_in_dim3A_964 : vector<16xf32>
        %add3A_974 = arith.addf %add3A_923, %mul3A_973 : vector<16xf32>
        %add3A_975 = arith.constant 50 : i32
        %add3A_976 = arith.addi %add3A_975, %scan3A_955 : i32
        %get3A_977 = arith.constant 3 : i32
        %get3A_978 = arith.index_cast %get3A_977 : i32 to index
        %get3A_979 = arith.index_cast %add3A_976 : i32 to index
        %get3A_980 = arith.constant 16 : index
        %get3A_981 = tpu.vector_load %arg8[%get3A_978, %get3A_979, %get3A_980] {strides = array<i32>} : memref<4x100x64xf32, #tpu.memory_space<vmem>>, vector<1x1x16xf32>,
        %get3A_982 = vector.shape_cast %get3A_981 : vector<1x1x16xf32> to vector<16xf32>
        %mul3A_983 = arith.mulf %get3A_982, %broadcast_in_dim3A_964 : vector<16xf32>
        %add3A_984 = arith.addf %add3A_933, %mul3A_983 : vector<16xf32>
        %add3A_985 = arith.constant 50 : i32
        %add3A_986 = arith.addi %add3A_985, %scan3A_955 : i32
        %get3A_987 = arith.constant 3 : i32
        %get3A_988 = arith.index_cast %get3A_987 : i32 to index
        %get3A_989 = arith.index_cast %add3A_986 : i32 to index
        %get3A_990 = arith.constant 32 : index
        %get3A_991 = tpu.vector_load %arg8[%get3A_988, %get3A_989, %get3A_990] {strides = array<i32>} : memref<4x100x64xf32, #tpu.memory_space<vmem>>, vector<1x1x16xf32>,
        %get3A_992 = vector.shape_cast %get3A_991 : vector<1x1x16xf32> to vector<16xf32>
        %mul3A_993 = arith.mulf %get3A_992, %broadcast_in_dim3A_964 : vector<16xf32>
        %add3A_994 = arith.addf %add3A_943, %mul3A_993 : vector<16xf32>
        %add3A_995 = arith.constant 50 : i32
        %add3A_996 = arith.addi %add3A_995, %scan3A_955 : i32
        %get3A_997 = arith.constant 3 : i32
        %get3A_998 = arith.index_cast %get3A_997 : i32 to index
        %get3A_999 = arith.index_cast %add3A_996 : i32 to index
        %get3A_1000 = arith.constant 48 : index
        %get3A_1001 = tpu.vector_load %arg8[%get3A_998, %get3A_999, %get3A_1000] {strides = array<i32>} : memref<4x100x64xf32, #tpu.memory_space<vmem>>, vector<1x1x16xf32>,
        %get3A_1002 = vector.shape_cast %get3A_1001 : vector<1x1x16xf32> to vector<16xf32>
        %mul3A_1003 = arith.mulf %get3A_1002, %broadcast_in_dim3A_964 : vector<16xf32>
        %add3A_1004 = arith.addf %add3A_953, %mul3A_1003 : vector<16xf32>
        %scan3A_1005 = arith.constant 7 : i32
        %scan3A_1006 = arith.addi %scan3A_648, %scan3A_1005 : i32
        %add3A_1007 = arith.constant 50 : i32
        %add3A_1008 = arith.addi %mul3A_530, %add3A_1007 : i32
        %add3A_1009 = arith.addi %add3A_1008, %scan3A_1006 : i32
        %get3A_1010 = arith.index_cast %add3A_1009 : i32 to index
        %get3A_1011 = tpu.vector_load %arg7[%get3A_1010] {strides = array<i32>} : memref<25616xf32, #tpu.memory_space<vmem>>, vector<16xf32>,
        %get3A_1012 = vector.shape_cast %get3A_1011 : vector<16xf32> to vector<16xf32>
        %slice3A_1013 = vector.extract_strided_slice %get3A_1012 {offsets = [0], sizes = [1], strides = [1]} : vector<16xf32> to vector<1xf32>
        %squeeze3A_1014 = vector.extract %slice3A_1013[0] : f32 from vector<1xf32>
        %broadcast_in_dim3A_1015 = vector.broadcast %squeeze3A_1014 : f32 to vector<16xf32>
        %add3A_1016 = arith.constant 50 : i32
        %add3A_1017 = arith.addi %add3A_1016, %scan3A_1006 : i32
        %get3A_1018 = arith.constant 3 : i32
        %get3A_1019 = arith.index_cast %get3A_1018 : i32 to index
        %get3A_1020 = arith.index_cast %add3A_1017 : i32 to index
        %get3A_1021 = arith.constant 0 : index
        %get3A_1022 = tpu.vector_load %arg8[%get3A_1019, %get3A_1020, %get3A_1021] {strides = array<i32>} : memref<4x100x64xf32, #tpu.memory_space<vmem>>, vector<1x1x16xf32>,
        %get3A_1023 = vector.shape_cast %get3A_1022 : vector<1x1x16xf32> to vector<16xf32>
        %mul3A_1024 = arith.mulf %get3A_1023, %broadcast_in_dim3A_1015 : vector<16xf32>
        %add3A_1025 = arith.addf %add3A_974, %mul3A_1024 : vector<16xf32>
        %add3A_1026 = arith.constant 50 : i32
        %add3A_1027 = arith.addi %add3A_1026, %scan3A_1006 : i32
        %get3A_1028 = arith.constant 3 : i32
        %get3A_1029 = arith.index_cast %get3A_1028 : i32 to index
        %get3A_1030 = arith.index_cast %add3A_1027 : i32 to index
        %get3A_1031 = arith.constant 16 : index
        %get3A_1032 = tpu.vector_load %arg8[%get3A_1029, %get3A_1030, %get3A_1031] {strides = array<i32>} : memref<4x100x64xf32, #tpu.memory_space<vmem>>, vector<1x1x16xf32>,
        %get3A_1033 = vector.shape_cast %get3A_1032 : vector<1x1x16xf32> to vector<16xf32>
        %mul3A_1034 = arith.mulf %get3A_1033, %broadcast_in_dim3A_1015 : vector<16xf32>
        %add3A_1035 = arith.addf %add3A_984, %mul3A_1034 : vector<16xf32>
        %add3A_1036 = arith.constant 50 : i32
        %add3A_1037 = arith.addi %add3A_1036, %scan3A_1006 : i32
        %get3A_1038 = arith.constant 3 : i32
        %get3A_1039 = arith.index_cast %get3A_1038 : i32 to index
        %get3A_1040 = arith.index_cast %add3A_1037 : i32 to index
        %get3A_1041 = arith.constant 32 : index
        %get3A_1042 = tpu.vector_load %arg8[%get3A_1039, %get3A_1040, %get3A_1041] {strides = array<i32>} : memref<4x100x64xf32, #tpu.memory_space<vmem>>, vector<1x1x16xf32>,
        %get3A_1043 = vector.shape_cast %get3A_1042 : vector<1x1x16xf32> to vector<16xf32>
        %mul3A_1044 = arith.mulf %get3A_1043, %broadcast_in_dim3A_1015 : vector<16xf32>
        %add3A_1045 = arith.addf %add3A_994, %mul3A_1044 : vector<16xf32>
        %add3A_1046 = arith.constant 50 : i32
        %add3A_1047 = arith.addi %add3A_1046, %scan3A_1006 : i32
        %get3A_1048 = arith.constant 3 : i32
        %get3A_1049 = arith.index_cast %get3A_1048 : i32 to index
        %get3A_1050 = arith.index_cast %add3A_1047 : i32 to index
        %get3A_1051 = arith.constant 48 : index
        %get3A_1052 = tpu.vector_load %arg8[%get3A_1049, %get3A_1050, %get3A_1051] {strides = array<i32>} : memref<4x100x64xf32, #tpu.memory_space<vmem>>, vector<1x1x16xf32>,
        %get3A_1053 = vector.shape_cast %get3A_1052 : vector<1x1x16xf32> to vector<16xf32>
        %mul3A_1054 = arith.mulf %get3A_1053, %broadcast_in_dim3A_1015 : vector<16xf32>
        %add3A_1055 = arith.addf %add3A_1004, %mul3A_1054 : vector<16xf32>
        %scan3A_1056 = arith.constant 8 : i32
        %scan3A_1057 = arith.addi %scan3A_648, %scan3A_1056 : i32
        %add3A_1058 = arith.constant 50 : i32
        %add3A_1059 = arith.addi %mul3A_530, %add3A_1058 : i32
        %add3A_1060 = arith.addi %add3A_1059, %scan3A_1057 : i32
        %get3A_1061 = arith.index_cast %add3A_1060 : i32 to index
        %get3A_1062 = tpu.vector_load %arg7[%get3A_1061] {strides = array<i32>} : memref<25616xf32, #tpu.memory_space<vmem>>, vector<16xf32>,
        %get3A_1063 = vector.shape_cast %get3A_1062 : vector<16xf32> to vector<16xf32>
        %slice3A_1064 = vector.extract_strided_slice %get3A_1063 {offsets = [0], sizes = [1], strides = [1]} : vector<16xf32> to vector<1xf32>
        %squeeze3A_1065 = vector.extract %slice3A_1064[0] : f32 from vector<1xf32>
        %broadcast_in_dim3A_1066 = vector.broadcast %squeeze3A_1065 : f32 to vector<16xf32>
        %add3A_1067 = arith.constant 50 : i32
        %add3A_1068 = arith.addi %add3A_1067, %scan3A_1057 : i32
        %get3A_1069 = arith.constant 3 : i32
        %get3A_1070 = arith.index_cast %get3A_1069 : i32 to index
        %get3A_1071 = arith.index_cast %add3A_1068 : i32 to index
        %get3A_1072 = arith.constant 0 : index
        %get3A_1073 = tpu.vector_load %arg8[%get3A_1070, %get3A_1071, %get3A_1072] {strides = array<i32>} : memref<4x100x64xf32, #tpu.memory_space<vmem>>, vector<1x1x16xf32>,
        %get3A_1074 = vector.shape_cast %get3A_1073 : vector<1x1x16xf32> to vector<16xf32>
        %mul3A_1075 = arith.mulf %get3A_1074, %broadcast_in_dim3A_1066 : vector<16xf32>
        %add3A_1076 = arith.addf %add3A_1025, %mul3A_1075 : vector<16xf32>
        %add3A_1077 = arith.constant 50 : i32
        %add3A_1078 = arith.addi %add3A_1077, %scan3A_1057 : i32
        %get3A_1079 = arith.constant 3 : i32
        %get3A_1080 = arith.index_cast %get3A_1079 : i32 to index
        %get3A_1081 = arith.index_cast %add3A_1078 : i32 to index
        %get3A_1082 = arith.constant 16 : index
        %get3A_1083 = tpu.vector_load %arg8[%get3A_1080, %get3A_1081, %get3A_1082] {strides = array<i32>} : memref<4x100x64xf32, #tpu.memory_space<vmem>>, vector<1x1x16xf32>,
        %get3A_1084 = vector.shape_cast %get3A_1083 : vector<1x1x16xf32> to vector<16xf32>
        %mul3A_1085 = arith.mulf %get3A_1084, %broadcast_in_dim3A_1066 : vector<16xf32>
        %add3A_1086 = arith.addf %add3A_1035, %mul3A_1085 : vector<16xf32>
        %add3A_1087 = arith.constant 50 : i32
        %add3A_1088 = arith.addi %add3A_1087, %scan3A_1057 : i32
        %get3A_1089 = arith.constant 3 : i32
        %get3A_1090 = arith.index_cast %get3A_1089 : i32 to index
        %get3A_1091 = arith.index_cast %add3A_1088 : i32 to index
        %get3A_1092 = arith.constant 32 : index
        %get3A_1093 = tpu.vector_load %arg8[%get3A_1090, %get3A_1091, %get3A_1092] {strides = array<i32>} : memref<4x100x64xf32, #tpu.memory_space<vmem>>, vector<1x1x16xf32>,
        %get3A_1094 = vector.shape_cast %get3A_1093 : vector<1x1x16xf32> to vector<16xf32>
        %mul3A_1095 = arith.mulf %get3A_1094, %broadcast_in_dim3A_1066 : vector<16xf32>
        %add3A_1096 = arith.addf %add3A_1045, %mul3A_1095 : vector<16xf32>
        %add3A_1097 = arith.constant 50 : i32
        %add3A_1098 = arith.addi %add3A_1097, %scan3A_1057 : i32
        %get3A_1099 = arith.constant 3 : i32
        %get3A_1100 = arith.index_cast %get3A_1099 : i32 to index
        %get3A_1101 = arith.index_cast %add3A_1098 : i32 to index
        %get3A_1102 = arith.constant 48 : index
        %get3A_1103 = tpu.vector_load %arg8[%get3A_1100, %get3A_1101, %get3A_1102] {strides = array<i32>} : memref<4x100x64xf32, #tpu.memory_space<vmem>>, vector<1x1x16xf32>,
        %get3A_1104 = vector.shape_cast %get3A_1103 : vector<1x1x16xf32> to vector<16xf32>
        %mul3A_1105 = arith.mulf %get3A_1104, %broadcast_in_dim3A_1066 : vector<16xf32>
        %add3A_1106 = arith.addf %add3A_1055, %mul3A_1105 : vector<16xf32>
        %scan3A_1107 = arith.constant 9 : i32
        %scan3A_1108 = arith.addi %scan3A_648, %scan3A_1107 : i32
        %add3A_1109 = arith.constant 50 : i32
        %add3A_1110 = arith.addi %mul3A_530, %add3A_1109 : i32
        %add3A_1111 = arith.addi %add3A_1110, %scan3A_1108 : i32
        %get3A_1112 = arith.index_cast %add3A_1111 : i32 to index
        %get3A_1113 = tpu.vector_load %arg7[%get3A_1112] {strides = array<i32>} : memref<25616xf32, #tpu.memory_space<vmem>>, vector<16xf32>,
        %get3A_1114 = vector.shape_cast %get3A_1113 : vector<16xf32> to vector<16xf32>
        %slice3A_1115 = vector.extract_strided_slice %get3A_1114 {offsets = [0], sizes = [1], strides = [1]} : vector<16xf32> to vector<1xf32>
        %squeeze3A_1116 = vector.extract %slice3A_1115[0] : f32 from vector<1xf32>
        %broadcast_in_dim3A_1117 = vector.broadcast %squeeze3A_1116 : f32 to vector<16xf32>
        %add3A_1118 = arith.constant 50 : i32
        %add3A_1119 = arith.addi %add3A_1118, %scan3A_1108 : i32
        %get3A_1120 = arith.constant 3 : i32
        %get3A_1121 = arith.index_cast %get3A_1120 : i32 to index
        %get3A_1122 = arith.index_cast %add3A_1119 : i32 to index
        %get3A_1123 = arith.constant 0 : index
        %get3A_1124 = tpu.vector_load %arg8[%get3A_1121, %get3A_1122, %get3A_1123] {strides = array<i32>} : memref<4x100x64xf32, #tpu.memory_space<vmem>>, vector<1x1x16xf32>,
        %get3A_1125 = vector.shape_cast %get3A_1124 : vector<1x1x16xf32> to vector<16xf32>
        %mul3A_1126 = arith.mulf %get3A_1125, %broadcast_in_dim3A_1117 : vector<16xf32>
        %add3A_1127 = arith.addf %add3A_1076, %mul3A_1126 : vector<16xf32>
        %add3A_1128 = arith.constant 50 : i32
        %add3A_1129 = arith.addi %add3A_1128, %scan3A_1108 : i32
        %get3A_1130 = arith.constant 3 : i32
        %get3A_1131 = arith.index_cast %get3A_1130 : i32 to index
        %get3A_1132 = arith.index_cast %add3A_1129 : i32 to index
        %get3A_1133 = arith.constant 16 : index
        %get3A_1134 = tpu.vector_load %arg8[%get3A_1131, %get3A_1132, %get3A_1133] {strides = array<i32>} : memref<4x100x64xf32, #tpu.memory_space<vmem>>, vector<1x1x16xf32>,
        %get3A_1135 = vector.shape_cast %get3A_1134 : vector<1x1x16xf32> to vector<16xf32>
        %mul3A_1136 = arith.mulf %get3A_1135, %broadcast_in_dim3A_1117 : vector<16xf32>
        %add3A_1137 = arith.addf %add3A_1086, %mul3A_1136 : vector<16xf32>
        %add3A_1138 = arith.constant 50 : i32
        %add3A_1139 = arith.addi %add3A_1138, %scan3A_1108 : i32
        %get3A_1140 = arith.constant 3 : i32
        %get3A_1141 = arith.index_cast %get3A_1140 : i32 to index
        %get3A_1142 = arith.index_cast %add3A_1139 : i32 to index
        %get3A_1143 = arith.constant 32 : index
        %get3A_1144 = tpu.vector_load %arg8[%get3A_1141, %get3A_1142, %get3A_1143] {strides = array<i32>} : memref<4x100x64xf32, #tpu.memory_space<vmem>>, vector<1x1x16xf32>,
        %get3A_1145 = vector.shape_cast %get3A_1144 : vector<1x1x16xf32> to vector<16xf32>
        %mul3A_1146 = arith.mulf %get3A_1145, %broadcast_in_dim3A_1117 : vector<16xf32>
        %add3A_1147 = arith.addf %add3A_1096, %mul3A_1146 : vector<16xf32>
        %add3A_1148 = arith.constant 50 : i32
        %add3A_1149 = arith.addi %add3A_1148, %scan3A_1108 : i32
        %get3A_1150 = arith.constant 3 : i32
        %get3A_1151 = arith.index_cast %get3A_1150 : i32 to index
        %get3A_1152 = arith.index_cast %add3A_1149 : i32 to index
        %get3A_1153 = arith.constant 48 : index
        %get3A_1154 = tpu.vector_load %arg8[%get3A_1151, %get3A_1152, %get3A_1153] {strides = array<i32>} : memref<4x100x64xf32, #tpu.memory_space<vmem>>, vector<1x1x16xf32>,
        %get3A_1155 = vector.shape_cast %get3A_1154 : vector<1x1x16xf32> to vector<16xf32>
        %mul3A_1156 = arith.mulf %get3A_1155, %broadcast_in_dim3A_1117 : vector<16xf32>
        %add3A_1157 = arith.addf %add3A_1106, %mul3A_1156 : vector<16xf32>
        scf.yield %add3A_1127, %add3A_1137, %add3A_1147, %add3A_1157 : vector<16xf32>, vector<16xf32>, vector<16xf32>, vector<16xf32>
      }
      %scan3A_590 = arith.constant 50 : i32
      %swap3A_591 = arith.constant 3 : i32
      %swap3A_592 = arith.constant 1 : i32
      %swap3A_593 = arith.index_cast %swap3A_591 : i32 to index
      %swap3A_594 = arith.index_cast %swap3A_592 : i32 to index
      %swap3A_595 = arith.constant 0 : index
      %swap3A_596 = tpu.vector_load %arg9[%swap3A_593, %swap3A_594, %swap3A_595] {strides = array<i32>} : memref<4x2x64xf32, #tpu.memory_space<vmem>>, vector<1x1x16xf32>,
      %swap3A_597 = vector.shape_cast %swap3A_596 : vector<1x1x16xf32> to vector<16xf32>
      %swap3A_598 = vector.shape_cast %scan3A_589#0 : vector<16xf32> to vector<1x1x16xf32>
      tpu.vector_store %arg9[%swap3A_593, %swap3A_594, %swap3A_595], %swap3A_598 {strides = array<i32>} : memref<4x2x64xf32, #tpu.memory_space<vmem>>, vector<1x1x16xf32>,
      %swap3A_599 = arith.constant 3 : i32
      %swap3A_600 = arith.constant 1 : i32
      %swap3A_601 = arith.index_cast %swap3A_599 : i32 to index
      %swap3A_602 = arith.index_cast %swap3A_600 : i32 to index
      %swap3A_603 = arith.constant 16 : index
      %swap3A_604 = tpu.vector_load %arg9[%swap3A_601, %swap3A_602, %swap3A_603] {strides = array<i32>} : memref<4x2x64xf32, #tpu.memory_space<vmem>>, vector<1x1x16xf32>,
      %swap3A_605 = vector.shape_cast %swap3A_604 : vector<1x1x16xf32> to vector<16xf32>
      %swap3A_606 = vector.shape_cast %scan3A_589#1 : vector<16xf32> to vector<1x1x16xf32>
      tpu.vector_store %arg9[%swap3A_601, %swap3A_602, %swap3A_603], %swap3A_606 {strides = array<i32>} : memref<4x2x64xf32, #tpu.memory_space<vmem>>, vector<1x1x16xf32>,
      %swap3A_607 = arith.constant 3 : i32
      %swap3A_608 = arith.constant 1 : i32
      %swap3A_609 = arith.index_cast %swap3A_607 : i32 to index
      %swap3A_610 = arith.index_cast %swap3A_608 : i32 to index
      %swap3A_611 = arith.constant 32 : index
      %swap3A_612 = tpu.vector_load %arg9[%swap3A_609, %swap3A_610, %swap3A_611] {strides = array<i32>} : memref<4x2x64xf32, #tpu.memory_space<vmem>>, vector<1x1x16xf32>,
      %swap3A_613 = vector.shape_cast %swap3A_612 : vector<1x1x16xf32> to vector<16xf32>
      %swap3A_614 = vector.shape_cast %scan3A_589#2 : vector<16xf32> to vector<1x1x16xf32>
      tpu.vector_store %arg9[%swap3A_609, %swap3A_610, %swap3A_611], %swap3A_614 {strides = array<i32>} : memref<4x2x64xf32, #tpu.memory_space<vmem>>, vector<1x1x16xf32>,
      %swap3A_615 = arith.constant 3 : i32
      %swap3A_616 = arith.constant 1 : i32
      %swap3A_617 = arith.index_cast %swap3A_615 : i32 to index
      %swap3A_618 = arith.index_cast %swap3A_616 : i32 to index
      %swap3A_619 = arith.constant 48 : index
      %swap3A_620 = tpu.vector_load %arg9[%swap3A_617, %swap3A_618, %swap3A_619] {strides = array<i32>} : memref<4x2x64xf32, #tpu.memory_space<vmem>>, vector<1x1x16xf32>,
      %swap3A_621 = vector.shape_cast %swap3A_620 : vector<1x1x16xf32> to vector<16xf32>
      %swap3A_622 = vector.shape_cast %scan3A_589#3 : vector<16xf32> to vector<1x1x16xf32>
      tpu.vector_store %arg9[%swap3A_617, %swap3A_618, %swap3A_619], %swap3A_622 {strides = array<i32>} : memref<4x2x64xf32, #tpu.memory_space<vmem>>, vector<1x1x16xf32>,
      %add3A_623 = arith.addi %mul3A_2, %add3A_512 : i32
      %mul3A_624 = arith.constant 2 : i32
      %mul3A_625 = arith.muli %add3A_623, %mul3A_624 : i32
      %dma_start3A_626 = arith.constant 3 : i32
      %dma_start3A_627 = arith.constant 0 : i32
      %dma_start3A_628 = arith.constant 0 : i32
      %dma_start3A_629 = tpu.memref_slice %arg9[%dma_start3A_626, %dma_start3A_627, %dma_start3A_628] : memref<4x2x64xf32, #tpu.memory_space<vmem>> -> memref<1x2x64xf32, #tpu.memory_space<vmem>>
      %dma_start3A_630 = tpu.memref_squeeze %dma_start3A_629 : memref<1x2x64xf32, #tpu.memory_space<vmem>> -> memref<2x64xf32, #tpu.memory_space<vmem>>
      %dma_start3A_631 = arith.constant 0 : i32
      %dma_start3A_632 = tpu.memref_slice %arg5[%mul3A_625, %dma_start3A_631] : memref<16384x64xf32, #tpu.memory_space<hbm>> -> memref<2x64xf32, #tpu.memory_space<hbm>>
      %dma_start3A_633 = arith.constant 0 : i32
      %dma_start3A_634 = tpu.memref_slice %arg5[%mul3A_625, %dma_start3A_633] : memref<16384x64xf32, #tpu.memory_space<hbm>> -> memref<2x64xf32, #tpu.memory_space<hbm>>
      %dma_start3A_635 = arith.constant 0 : i32
      %dma_start3A_636 = arith.constant 0 : i32
      %dma_start3A_637 = tpu.memref_slice %arg9[%dma_start3A_626, %dma_start3A_635, %dma_start3A_636] : memref<4x2x64xf32, #tpu.memory_space<vmem>> -> memref<1x2x64xf32, #tpu.memory_space<vmem>>
      %dma_start3A_638 = tpu.memref_squeeze %dma_start3A_637 : memref<1x2x64xf32, #tpu.memory_space<vmem>> -> memref<2x64xf32, #tpu.memory_space<vmem>>
      tpu.enqueue_dma source(%dma_start3A_638 : memref<2x64xf32, #tpu.memory_space<vmem>>) target(%dma_start3A_634 : memref<2x64xf32, #tpu.memory_space<hbm>>) target_semaphore(%arg17 : memref<!tpu.dma_semaphore, #tpu.memory_space<semaphore_mem>>)
      %add3A_639 = arith.constant 4 : i32
      %add3A_640 = arith.addi %add3A_512, %add3A_639 : i32
      %sub3A_641 = arith.constant 1 : i32
      %sub3A_642 = arith.subi %add3A_640, %sub3A_641 : i32
      %lt3A_643 = arith.constant 256 : i32
      %lt3A_644 = arith.cmpi slt, %sub3A_642, %lt3A_643 : i32
      %convert_element_type3A_645 = arith.extui %lt3A_644 : i1 to i32
      %cond3A_646 = arith.constant 0 : i32
      %cond3A_647 = arith.cmpi ne, %convert_element_type3A_645, %cond3A_646 : i32
      scf.if %cond3A_647 {
        %add3A_648 = arith.constant 4 : i32
        %add3A_649 = arith.addi %add3A_512, %add3A_648 : i32
        %sub3A_650 = arith.constant 1 : i32
        %sub3A_651 = arith.subi %add3A_649, %sub3A_650 : i32
        %dma_start3A_652 = arith.constant 2 : i32
        %dma_start3A_653 = arith.constant 0 : i32
        %dma_start3A_654 = arith.constant 0 : i32
        %dma_start3A_655 = tpu.memref_slice %arg8[%dma_start3A_652, %dma_start3A_653, %dma_start3A_654] : memref<4x100x64xf32, #tpu.memory_space<vmem>> -> memref<1x100x64xf32, #tpu.memory_space<vmem>>
        %dma_start3A_656 = tpu.memref_squeeze %dma_start3A_655 : memref<1x100x64xf32, #tpu.memory_space<vmem>> -> memref<100x64xf32, #tpu.memory_space<vmem>>
        %dma_start3A_657 = arith.constant 0 : i32
        %dma_start3A_658 = tpu.memref_slice %arg6[%sub3A_651, %dma_start3A_657] : memref<256x100xi32, #tpu.memory_space<vmem>> -> memref<1x100xi32, #tpu.memory_space<vmem>>
        %dma_start3A_659 = tpu.memref_squeeze %dma_start3A_658 : memref<1x100xi32, #tpu.memory_space<vmem>> -> memref<100xi32, #tpu.memory_space<vmem>>
        %dma_start3A_660 = arith.constant 0 : i32
        %dma_start3A_661 = arith.constant 0 : i32
        %dma_start3A_662 = tpu.memref_slice %arg4[%dma_start3A_660, %dma_start3A_661] : memref<1000000x64xf32, #tpu.memory_space<hbm>> -> memref<1000000x64xf32, #tpu.memory_space<hbm>>
        tpu.enqueue_indirect_dma source(%dma_start3A_662 : memref<1000000x64xf32, #tpu.memory_space<hbm>>) target(%dma_start3A_656 : memref<100x64xf32, #tpu.memory_space<vmem>>) offsets(%dma_start3A_659 : memref<100xi32, #tpu.memory_space<vmem>>) semaphore(%arg12 : memref<!tpu.dma_semaphore, #tpu.memory_space<semaphore_mem>>)
      } else {
      }
    }
    %scan3A_44 = arith.constant 64 : i32
    %dma_wait3A = arith.constant 0 : i32
    %dma_wait3A_45 = arith.constant 0 : i32
    %dma_wait3A_46 = arith.constant 0 : i32
    %dma_wait3A_47 = tpu.memref_slice %arg9[%dma_wait3A, %dma_wait3A_45, %dma_wait3A_46] : memref<4x2x64xf32, #tpu.memory_space<vmem>> -> memref<1x2x64xf32, #tpu.memory_space<vmem>>
    %dma_wait3A_48 = tpu.memref_squeeze %dma_wait3A_47 : memref<1x2x64xf32, #tpu.memory_space<vmem>> -> memref<2x64xf32, #tpu.memory_space<vmem>>
    %dma_wait3A_49 = arith.constant 0 : i32
    %dma_wait3A_50 = arith.constant 0 : i32
    %dma_wait3A_51 = tpu.memref_slice %arg5[%dma_wait3A_49, %dma_wait3A_50] : memref<16384x64xf32, #tpu.memory_space<hbm>> -> memref<2x64xf32, #tpu.memory_space<hbm>>
    %dma_wait3A_52 = arith.constant 0 : i32
    %dma_wait3A_53 = arith.constant 0 : i32
    %dma_wait3A_54 = tpu.memref_slice %arg5[%dma_wait3A_52, %dma_wait3A_53] : memref<16384x64xf32, #tpu.memory_space<hbm>> -> memref<2x64xf32, #tpu.memory_space<hbm>>
    %dma_wait3A_55 = arith.constant 0 : i32
    %dma_wait3A_56 = arith.constant 0 : i32
    %dma_wait3A_57 = tpu.memref_slice %arg9[%dma_wait3A, %dma_wait3A_55, %dma_wait3A_56] : memref<4x2x64xf32, #tpu.memory_space<vmem>> -> memref<1x2x64xf32, #tpu.memory_space<vmem>>
    %dma_wait3A_58 = tpu.memref_squeeze %dma_wait3A_57 : memref<1x2x64xf32, #tpu.memory_space<vmem>> -> memref<2x64xf32, #tpu.memory_space<vmem>>
    tpu.wait_dma2 semaphore(%arg14 : memref<!tpu.dma_semaphore, #tpu.memory_space<semaphore_mem>>) src(%dma_wait3A_58 : memref<2x64xf32, #tpu.memory_space<vmem>>) dst(%dma_wait3A_54 : memref<2x64xf32, #tpu.memory_space<hbm>>)
    %dma_wait3A_59 = arith.constant 1 : i32
    %dma_wait3A_60 = arith.constant 0 : i32
    %dma_wait3A_61 = arith.constant 0 : i32
    %dma_wait3A_62 = tpu.memref_slice %arg9[%dma_wait3A_59, %dma_wait3A_60, %dma_wait3A_61] : memref<4x2x64xf32, #tpu.memory_space<vmem>> -> memref<1x2x64xf32, #tpu.memory_space<vmem>>
    %dma_wait3A_63 = tpu.memref_squeeze %dma_wait3A_62 : memref<1x2x64xf32, #tpu.memory_space<vmem>> -> memref<2x64xf32, #tpu.memory_space<vmem>>
    %dma_wait3A_64 = arith.constant 0 : i32
    %dma_wait3A_65 = arith.constant 0 : i32
    %dma_wait3A_66 = tpu.memref_slice %arg5[%dma_wait3A_64, %dma_wait3A_65] : memref<16384x64xf32, #tpu.memory_space<hbm>> -> memref<2x64xf32, #tpu.memory_space<hbm>>
    %dma_wait3A_67 = arith.constant 0 : i32
    %dma_wait3A_68 = arith.constant 0 : i32
    %dma_wait3A_69 = tpu.memref_slice %arg5[%dma_wait3A_67, %dma_wait3A_68] : memref<16384x64xf32, #tpu.memory_space<hbm>> -> memref<2x64xf32, #tpu.memory_space<hbm>>
    %dma_wait3A_70 = arith.constant 0 : i32
    %dma_wait3A_71 = arith.constant 0 : i32
    %dma_wait3A_72 = tpu.memref_slice %arg9[%dma_wait3A_59, %dma_wait3A_70, %dma_wait3A_71] : memref<4x2x64xf32, #tpu.memory_space<vmem>> -> memref<1x2x64xf32, #tpu.memory_space<vmem>>
    %dma_wait3A_73 = tpu.memref_squeeze %dma_wait3A_72 : memref<1x2x64xf32, #tpu.memory_space<vmem>> -> memref<2x64xf32, #tpu.memory_space<vmem>>
    tpu.wait_dma2 semaphore(%arg15 : memref<!tpu.dma_semaphore, #tpu.memory_space<semaphore_mem>>) src(%dma_wait3A_73 : memref<2x64xf32, #tpu.memory_space<vmem>>) dst(%dma_wait3A_69 : memref<2x64xf32, #tpu.memory_space<hbm>>)
    %dma_wait3A_74 = arith.constant 2 : i32
    %dma_wait3A_75 = arith.constant 0 : i32
    %dma_wait3A_76 = arith.constant 0 : i32
    %dma_wait3A_77 = tpu.memref_slice %arg9[%dma_wait3A_74, %dma_wait3A_75, %dma_wait3A_76] : memref<4x2x64xf32, #tpu.memory_space<vmem>> -> memref<1x2x64xf32, #tpu.memory_space<vmem>>
    %dma_wait3A_78 = tpu.memref_squeeze %dma_wait3A_77 : memref<1x2x64xf32, #tpu.memory_space<vmem>> -> memref<2x64xf32, #tpu.memory_space<vmem>>
    %dma_wait3A_79 = arith.constant 0 : i32
    %dma_wait3A_80 = arith.constant 0 : i32
    %dma_wait3A_81 = tpu.memref_slice %arg5[%dma_wait3A_79, %dma_wait3A_80] : memref<16384x64xf32, #tpu.memory_space<hbm>> -> memref<2x64xf32, #tpu.memory_space<hbm>>
    %dma_wait3A_82 = arith.constant 0 : i32
    %dma_wait3A_83 = arith.constant 0 : i32
    %dma_wait3A_84 = tpu.memref_slice %arg5[%dma_wait3A_82, %dma_wait3A_83] : memref<16384x64xf32, #tpu.memory_space<hbm>> -> memref<2x64xf32, #tpu.memory_space<hbm>>
    %dma_wait3A_85 = arith.constant 0 : i32
    %dma_wait3A_86 = arith.constant 0 : i32
    %dma_wait3A_87 = tpu.memref_slice %arg9[%dma_wait3A_74, %dma_wait3A_85, %dma_wait3A_86] : memref<4x2x64xf32, #tpu.memory_space<vmem>> -> memref<1x2x64xf32, #tpu.memory_space<vmem>>
    %dma_wait3A_88 = tpu.memref_squeeze %dma_wait3A_87 : memref<1x2x64xf32, #tpu.memory_space<vmem>> -> memref<2x64xf32, #tpu.memory_space<vmem>>
    tpu.wait_dma2 semaphore(%arg16 : memref<!tpu.dma_semaphore, #tpu.memory_space<semaphore_mem>>) src(%dma_wait3A_88 : memref<2x64xf32, #tpu.memory_space<vmem>>) dst(%dma_wait3A_84 : memref<2x64xf32, #tpu.memory_space<hbm>>)
    %dma_wait3A_89 = arith.constant 3 : i32
    %dma_wait3A_90 = arith.constant 0 : i32
    %dma_wait3A_91 = arith.constant 0 : i32
    %dma_wait3A_92 = tpu.memref_slice %arg9[%dma_wait3A_89, %dma_wait3A_90, %dma_wait3A_91] : memref<4x2x64xf32, #tpu.memory_space<vmem>> -> memref<1x2x64xf32, #tpu.memory_space<vmem>>
    %dma_wait3A_93 = tpu.memref_squeeze %dma_wait3A_92 : memref<1x2x64xf32, #tpu.memory_space<vmem>> -> memref<2x64xf32, #tpu.memory_space<vmem>>
    %dma_wait3A_94 = arith.constant 0 : i32
    %dma_wait3A_95 = arith.constant 0 : i32
    %dma_wait3A_96 = tpu.memref_slice %arg5[%dma_wait3A_94, %dma_wait3A_95] : memref<16384x64xf32, #tpu.memory_space<hbm>> -> memref<2x64xf32, #tpu.memory_space<hbm>>
    %dma_wait3A_97 = arith.constant 0 : i32
    %dma_wait3A_98 = arith.constant 0 : i32
    %dma_wait3A_99 = tpu.memref_slice %arg5[%dma_wait3A_97, %dma_wait3A_98] : memref<16384x64xf32, #tpu.memory_space<hbm>> -> memref<2x64xf32, #tpu.memory_space<hbm>>
    %dma_wait3A_100 = arith.constant 0 : i32
    %dma_wait3A_101 = arith.constant 0 : i32
    %dma_wait3A_102 = tpu.memref_slice %arg9[%dma_wait3A_89, %dma_wait3A_100, %dma_wait3A_101] : memref<4x2x64xf32, #tpu.memory_space<vmem>> -> memref<1x2x64xf32, #tpu.memory_space<vmem>>
    %dma_wait3A_103 = tpu.memref_squeeze %dma_wait3A_102 : memref<1x2x64xf32, #tpu.memory_space<vmem>> -> memref<2x64xf32, #tpu.memory_space<vmem>>
    tpu.wait_dma2 semaphore(%arg17 : memref<!tpu.dma_semaphore, #tpu.memory_space<semaphore_mem>>) src(%dma_wait3A_103 : memref<2x64xf32, #tpu.memory_space<vmem>>) dst(%dma_wait3A_99 : memref<2x64xf32, #tpu.memory_space<hbm>>)
    return
  }
}

</mosaic_0001>

<sc_bundles>
// kernel: kernel.3.cloned.1.call-start
scs
__scs_entry_jumppad:
0x0: {  	(pc) =	sbr.rel $0x88, $3  }
0x1: {  	(tag) =	ssettag $0x0;
	lr =	simm.s32 $0x1  }
0x2: {  	[smem:$0x3F9E] =	sst lr;
	_ =	strace $0xD0000000  }
0x3: {  	_ = 	snop  }
0x4: {  	_ = 	snop  }
0x5: {  	_ = 	snop  }
0x6: {  	_ = 	snop  }
0x7: {  	_ = 	snop  }
__scs_overlays_trampoline_lowered:
0x8: {  	[smem:$0x3FAD] =	sst s0  }
0x9: {  	[smem:$0x3FAE] =	sst s1  }
0xa: {  	[smem:$0x3FAF] =	sst s2  }
0xb: {  	[smem:$0x3FB0] =	sst s3  }
0xc: {  	[smem:$0x3FB1] =	sst s4  }
0xd: {  	[smem:$0x3FB2] =	sst s5  }
0xe: {  	[smem:$0x3FB3] =	sst s6  }
0xf: {  	[smem:$0x3FB4] =	sst s7  }
0x10: {  	[smem:$0x3FB5] =	sst s8  }
0x11: {  	[smem:$0x3FB6] =	sst s9;
	s0 =	simm.s32 @!p0 $0x0  }
0x12: {  	s1 =	sld [smem:$0x3F9C];
	s0 =	simm.s32 @p0 $0x1  }
0x13: {  	[smem:$0x3FB7] =	sst s0;
	s0 =	simm.s32 @!p1 $0x0  }
0x14: {  	s2 =	sld [smem:$0x3F9B];
	s0 =	simm.s32 @p1 $0x1  }
0x15: {  	[smem:$0x3FB8] =	sst s0;
	s0 =	simm.s32 @!p2 $0x0  }
0x16: {  	s3 =	sld [smem:$0x3FDB];
	s0 =	simm.s32 @p2 $0x1  }
0x17: {  	s4 =	simm.s32 $0x1BF5;
	[smem:$0x3FBA] =	sst s0  }
0x18: {  	s0 =	sld [smem:$0x3F9D];
	_ =	swait.ge [sflag:s4], $0x0  }
0x19: {  	s7 =	sld [smem:$0x3F9E]  }
0x1a: {  	s8 =	sadd.s32 $0xFFFFE003, lr  }
0x1b: {  	s9 =	sadd.s32 $0xFFFFFEF7, lr;
	s5 =	simm.s32 $0xFFFFFFFF;
	p2 =	slt.u32 s8, $0xFFFFF086  }
0x1c: {  	p1 =	slt.u32 s9, $0xF7A;
	s5 =	simm.s32 @!p2 $0x0  }
0x1d: {  	s5 =	simm.s32 @p1 $0x1;
	p0 =	seq.s32 s7, s2  }
0x1e: {  	s7 =	smul.u32 @!p0 $0xF7A, s2;
	p2 =	seq.s32 @!p0 s5, $0x0  }
0x1f: {  	s9 =	smul.u32 $0xF7A, s1;
	s8 =	simm.s32 @!p0 $0x1BF5;
	p2 =	por !p2, p0  }
0x20: {  	[sflag:s8] =	ssyncset.s32 @!p0 $0xFFFFF086;
	s6 =	sadd.s32 @!p0 s3, s7;
	s7 =	simm.s32 @!p0 $0x108  }
0x21: {  	s3 =	sadd.s32 s3, s9;
	s6 =	sadd.s32 @!p0 $0x88, s6;
	s7 =	simm.s32 @p2 $0x1082  }
0x22: {  	[simem:s7], [sflag:s8] =	dma.local @!p0 [hbm:s6], $0xF7A  }
0x23: {  	s9 =	sor.u32 $0xD0000000, s2;
	s6 =	simm.s32 $0x108;
	_ =	swait.ge @!p0 [sflag:s8], $0x0  }
0x24: {  	s3 =	sadd.s32 $0x88, s3;
	s6 =	simm.s32 @!p1 $0x1082;
	[sflag:s4] =	ssyncset.s32 $0xFFFFF086  }
0x25: {  	[simem:s6], [sflag:s4] =	dma.local [hbm:s3], $0xF7A  }
0x26: {  	[smem:$0x3F9E] =	sst s1;
	(tag) =	ssettag s2;
	_ =	strace s9  }
0x27: {  	s1 =	sld [smem:$0x3FAE]  }
0x28: {  	s2 =	sld [smem:$0x3FAF]  }
0x29: {  	s4 =	sld [smem:$0x3FB1]  }
0x2a: {  	p0 =	seq.s32 s5, $0x0;
	s5 =	sld [smem:$0x3FB2]  }
0x2b: {  	s6 =	sld [smem:$0x3FB3]  }
0x2c: {  	s7 =	sld [smem:$0x3FB4]  }
0x2d: {  	s3 =	simm.s32 $0x108;
	s8 =	sld [smem:$0x3FB5]  }
0x2e: {  	s3 =	simm.s32 @!p0 $0x1082;
	s9 =	sld [smem:$0x3FB6]  }
0x2f: {  	lr =	sadd.s32 s0, s3;
	s0 =	sld [smem:$0x3FAD]  }
0x30: {  	s3 =	sld [smem:$0x3FB0]  }
0x31: {  	[smem:$0x3FB9] =	sst s10  }
0x32: {  	s10 =	sld [smem:$0x3FB7];
	_ =	sdelay $0x3  }
0x33: {  	p0 =	seq.s32 s10, $0x1;
	s10 =	sld [smem:$0x3FB9];
	_ =	sdelay $0x3  }
0x34: {  	[smem:$0x3FB9] =	sst s10  }
0x35: {  	s10 =	sld [smem:$0x3FB8];
	_ =	sdelay $0x3  }
0x36: {  	p1 =	seq.s32 s10, $0x1;
	s10 =	sld [smem:$0x3FB9];
	_ =	sdelay $0x3  }
0x37: {  	[smem:$0x3FB9] =	sst s10  }
0x38: {  	s10 =	sld [smem:$0x3FBA]  }
0x39: {  	_ = 	snop;
	(pc) =	sbr.ind lr, $3  }
0x3a: {  	_ = 	snop  }
0x3b: {  	_ = 	snop  }
0x3c: {  	p2 =	seq.s32 s10, $0x1;
	s10 =	sld [smem:$0x3FB9]  }
0x3d: {  	_ =	shalt  }
0x3e: {  	_ =	shalt  }
0x3f: {  	_ =	shalt  }
0x40: {  	_ =	shalt  }
0x41: {  	_ =	shalt  }
0x42: {  	_ =	shalt  }
0x43: {  	_ =	shalt  }
0x44: {  	_ =	shalt  }
0x45: {  	_ =	shalt  }
0x46: {  	_ =	shalt  }
0x47: {  	_ =	shalt  }
0x48: {  	_ =	shalt  }
0x49: {  	_ =	shalt  }
0x4a: {  	_ =	shalt  }
0x4b: {  	_ =	shalt  }
0x4c: {  	_ =	shalt  }
0x4d: {  	_ =	shalt  }
0x4e: {  	_ =	shalt  }
0x4f: {  	_ =	shalt  }
0x50: {  	_ =	shalt  }
0x51: {  	_ =	shalt  }
0x52: {  	_ =	shalt  }
0x53: {  	_ =	shalt  }
0x54: {  	_ =	shalt  }
0x55: {  	_ =	shalt  }
0x56: {  	_ =	shalt  }
0x57: {  	_ =	shalt  }
0x58: {  	_ =	shalt  }
0x59: {  	_ =	shalt  }
0x5a: {  	_ =	shalt  }
0x5b: {  	_ =	shalt  }
0x5c: {  	_ =	shalt  }
0x5d: {  	_ =	shalt  }
0x5e: {  	_ =	shalt  }
0x5f: {  	_ =	shalt  }
0x60: {  	_ =	shalt  }
0x61: {  	_ =	shalt  }
0x62: {  	_ =	shalt  }
0x63: {  	_ =	shalt  }
0x64: {  	_ =	shalt  }
0x65: {  	_ =	shalt  }
0x66: {  	_ =	shalt  }
0x67: {  	_ =	shalt  }
0x68: {  	_ =	shalt  }
0x69: {  	_ =	shalt  }
0x6a: {  	_ =	shalt  }
0x6b: {  	_ =	shalt  }
0x6c: {  	_ =	shalt  }
0x6d: {  	_ =	shalt  }
0x6e: {  	_ =	shalt  }
0x6f: {  	_ =	shalt  }
0x70: {  	_ =	shalt  }
0x71: {  	_ =	shalt  }
0x72: {  	_ =	shalt  }
0x73: {  	_ =	shalt  }
0x74: {  	_ =	shalt  }
0x75: {  	_ =	shalt  }
0x76: {  	_ =	shalt  }
0x77: {  	_ =	shalt  }
0x78: {  	_ =	shalt  }
0x79: {  	_ =	shalt  }
0x7a: {  	_ =	shalt  }
0x7b: {  	_ =	shalt  }
0x7c: {  	_ =	shalt  }
0x7d: {  	_ =	shalt  }
0x7e: {  	_ =	shalt  }
0x7f: {  	_ =	shalt  }
0x80: {  	_ =	shalt  }
0x81: {  	_ =	shalt  }
0x82: {  	_ =	shalt  }
0x83: {  	_ =	shalt  }
0x84: {  	_ =	shalt  }
0x85: {  	_ =	shalt  }
0x86: {  	_ =	shalt  }
0x87: {  	_ =	shalt  }
.Lfunc_end0:
.L_simem_size_0:
called_computation_lowered:
.L_overlay_start_0:
0x88: {  	s2 =	sld [smem:$0x3FD9]  }
0x89: {  	s3 =	sld [smem:$0x3FFE];
	_ =	sdelay $0x1  }
0x8a: {  	s1 =	srdreg.scid  }
0x8b: {  	s0 =	sand.u32 $0x1, s1  }
0x8c: {  	s17 =	sshll.u32 s0, $0xA;
	s2 =	sadd.s32 s3, s2  }
0x8d: {  	s2 =	sadd.s32 s2, s17  }
0x8e: {  	[smem:$0x3FC5] =	sst s2  }
0x8f: {  	_ = 	snop  }
0x90: {  	s2 =	sld [smem:$0x3FC8]  }
0x91: {  	s18 =	sld [smem:$0x3FD0];
	(tm) =	ssettm $0x1  }
0x92: {  	s4 =	sld [smem:$0x3FFB];
	_ =	sdelay $0x3  }
0x93: {  	_ =	strace s4  }
0x94: {  	s4 =	sld [smem:$0x3FFC];
	_ =	sdelay $0x3  }
0x95: {  	_ =	strace s4  }
0x96: {  	s4 =	sld [smem:$0x3FFD];
	_ =	sdelay $0x3  }
0x97: {  	_ =	strace s4  }
0x98: {  	_ =	strace $0x8FFFFFFF  }
0x99: {  	s19 =	sld [smem:$0x3FDB];
	_ =	sdelay $0x1  }
0x9a: {  	s5 =	simm.s32 $_scs_section_size  }
0x9b: {  	s6 =	simm.s32 $_size__tile_overlayer_lowered;
	s7 =	simm.s32 $_tile_overlayer_lowered  }
0x9c: {  	s22 =	simm.s32 $0x1BFF;
	s21 =	sshll.u32 s7, $0x1;
	s4 =	sadd.s32 s5, s19  }
0x9d: {  	s8 =	simm.s32 $0x0;
	s20 =	sshll.u32 s6, $0x1;
	s6 =	sadd.s32 s21, s4  }
0x9e: {  	[timem:s8], [sflag:s22] =	dma.local [hbm:s6], s20  }
0x9f: {  	_ =	swait.ge [sflag:s22], s20  }
0xa0: {  	s5 =	ssub.s32 $0x0, s20;
	[sflag:s22] =	ssyncset.done $0x0  }
0xa1: {  	[sflag:s22] =	ssyncadd.s32 s5;
	_ =	sdelay $0x1  }
0xa2: {  	s23 =	simm.s32 $0x1B8B  }
0xa3: {  	_ =	swait.ge [sflag:s23], $0x1  }
0xa4: {  	[sflag:s23] =	ssyncset.done $0x0  }
0xa5: {  	s25 =	simm.s32 $0x1B8E;
	s24 =	sld [smem:$0x3FFE];
	[sflag:s23] =	ssyncadd.s32 $0xFFFFFFFF  }
0xa6: {  	s26 =	simm.s32 $execute0_lowered;
	[smem:$0x3FD2] =	sst s25  }
0xa7: {  	s6 =	sshll.u32 s26, $0x1;
	_ =	strace $0x80000046;
	[dreg:$0x1] =	wrdreg $0xFFFFFFFF  }
0xa8: {  	s28 =	simm.s32 $_size_execute0_lowered;
	s4 =	sadd.s32 s4, s6;
	[dreg:$0x0] =	wrdreg $0x0  }
0xa9: {  	s6 =	sshll.u32 s28, $0x1;
	[dreg:$0x2] =	wrdreg s4  }
0xaa: {  	[dreg:$0x3] =	wrdreg s6  }
0xab: {  	[dreg:$0x4] =	wrdreg $0xC0  }
0xac: {  	_ =	task [dreg:s8], $0x5FFFF  }
0xad: {  	[dreg:$0x1] =	wrdreg $0xFFFFFFFF  }
0xae: {  	[dreg:$0x0] =	wrdreg $0x60  }
0xaf: {  	[dreg:$0x2] =	wrdreg s24  }
0xb0: {  	[dreg:$0x3] =	wrdreg s2  }
0xb1: {  	[dreg:$0x4] =	wrdreg s18  }
0xb2: {  	[dreg:$0x5] =	wrdreg $0x9  }
0xb3: {  	_ =	task.clear_ibuf [dreg:s8], $0x6FFFF;
	_ =	strace $0x90000046  }
0xb4: {  	s29 =	simm.s32 $0x9;
	_ =	strace $0x80000048  }
0xb5: {  	_ =	swait.ge [sflag:s29], $0x1  }
0xb6: {  	[sflag:s29] =	ssyncadd.s32 $0xFFFFFFFF  }
0xb7: {  	_ =	strace $0x90000048  }
0xb8: {  	_ =	sfence  }
0xb9: {  	s30 =	sld [smem:$0x0];
	_ =	sdelay $0x2  }
0xba: {  	s31 =	sshll.u32 s1, $0xD;
	s1 =	sshrl.u32 s1, $0x2  }
0xbb: {  	s3 =	sand.u32 $0x4000, s31;
	s1 =	sadd.s32 s1, s30  }
0xbc: {  	s0 =	sor.u32 s3, s0;
	s1 =	sshll.u32 s1, $0x11  }
0xbd: {  	s0 =	sor.u32 s1, s0  }
0xbe: {  	s0 =	sadd.s32 $0x8F2B, s0  }
0xbf: {  	[sflag:s0] =	ssyncadd.remote.s32 $0x1  }
0xc0: {  	_ =	sfence.sel $0xFFFF  }
0xc1: {  	[dreg:$0x0] =	wrdreg $0xFFFFFFFF;
	(pc) =	sbr.abs _section_cstart, $3  }
0xc2: {  	[dreg:$0x1] =	wrdreg $0xFFFFFFFF  }
0xc3: {  	_ =	task.clear_ibuf [dreg:s8], $0x2FFFF;
	_ =	strace $0x9FFFFFFF  }
0xc4: {  	(tm) =	ssettm $0x7FFFFFFF  }
0xc5: {  	_ =	shalt  }
tec
execute0_lowered:
.L_overlay_start_1:
0x0: {  	(tag) =	ssettag $0x1  }
0x1: {  	s0 =	rddreg [dreg:$0x0]  }
0x2: {  	s1 =	srdreg.scid;
	s2 =	stileid.u32  }
0x3: {  	s6 =	rddreg [dreg:$0x1];
	s11 =	simm.s32 $0x64;
	s17 =	simm.s32 $0x1  }
0x4: {  	s20 =	simm.s32 $0x2;
	s1 =	sand.u32 $0x1, s1;
	s3 =	sshll.u32 s2, $0x1  }
0x5: {  	s22 =	simm.s32 $0x3;
	s24 =	simm.s32 $0x4;
	s5 =	sor.u32 s1, s3  }
0x6: {  	s2 =	rddreg [dreg:$0x2];
	s3 =	simm.s32 $0x0;
	s4 =	smul.u32 $0xD00, s5  }
0x7: {  	s1 =	ssub.s32 $0x2, s1;
	[smem:$0x7FF] =	sst s3;
	s8 =	smul.u32 $0xC80, s5  }
.Ltmp0:
0x8: {  	s29 =	sshrl.u32 s1, $0x1;
	_ =	strace $0x80000047;
	(pc) =	sbr.rel .LBB2_1-.Ltmp0, $4  }
0x9: {  	s7 =	sadd.s32 s4, s0;
	s4 =	sadd.s32 $0xF42A00, s0;
	s31 =	sadd.s32 s6, s8  }
0xa: {  	s0 =	ssub.s32 s1, s29;
	s30 =	sadd.s32 $0x600, s7;
	[dreg:$0x5] =	wrdreg s31  }
0xb: {  	s25 =	simm.s32 $0x8;
	s0 =	smax.u32 s0, $0x1;
	[dreg:$0x4] =	wrdreg s30  }
0xc: {  	s5 =	sshll.u32 s5, $0x8;
	s1 =	simm.s32 $0x0;
	[dreg:$0x6] =	wrdreg s0  }
.LBB2_24:
0xd: {  	s0 =	simm.s32 $0x5  }
0xe: {  	_ =	swait.ge [sflag:s0], $0x80  }
0xf: {  	[sflag:s0] =	ssyncset.done $0x0  }
0x10: {  	s29 =	simm.s32 $0x6;
	[sflag:s0] =	ssyncadd.s32 $0xFFFFFF80  }
0x11: {  	_ =	swait.ge [sflag:s29], $0x80  }
0x12: {  	[sflag:s29] =	ssyncset.done $0x0  }
0x13: {  	s30 =	simm.s32 $0x7;
	[sflag:s29] =	ssyncadd.s32 $0xFFFFFF80  }
0x14: {  	_ =	swait.ge [sflag:s30], $0x80  }
0x15: {  	[sflag:s30] =	ssyncset.done $0x0  }
0x16: {  	[sflag:s30] =	ssyncadd.s32 $0xFFFFFF80  }
0x17: {  	_ =	swait.ge [sflag:s25], $0x80  }
0x18: {  	s1 =	rddreg [dreg:$0x7]  }
0x19: {  	s31 =	rddreg [dreg:$0x6];
	s1 =	sadd.s32 $0x1, s1  }
0x1a: {  	p0 =	sne.s32 s1, s31  }
.Ltmp1:
0x1b: {  	_ = 	snop;
	(pc) =	sbr.rel @!p0 .LBB2_25-.Ltmp1, $3  }
0x1c: {  	_ =	sdelay $0x1  }
0x1d: {  	[sflag:s25] =	ssyncset.done $0x0  }
0x1e: {  	[sflag:s25] =	ssyncadd.s32 $0xFFFFFF80  }
.LBB2_1:
0x1f: {  	[dreg:$0x7] =	wrdreg s1  }
0x20: {  	s0 =	rddreg [dreg:$0x4];
	s19 =	simm.s32 $0x9  }
0x21: {  	[tilespmem:s3], [sflag:$0x9] =	stream.linear.gather [hbm4b:s0+s3], $0x6800, $0x38;
	[tilespmem:$0x13210] =	vst v63  }
0x22: {  	s6 =	simm.s32 $0x6800;
	_ =	swait.ge [sflag:s19], $0x6800  }
0x23: {  	s23 =	simm.s32 $0xCC10;
	s26 =	simm.s32 $0x68;
	[sflag:s19] =	ssyncset.done $0x0  }
0x24: {  	s29 =	simm.s32 $0xE510;
	s21 =	rddreg [dreg:$0x5];
	[sflag:s19] =	ssyncadd.s32 $0xFFFF9800  }
0x25: {  	[tilespmem:s6], [sflag:$0x9] =	stream.linear.gather [hbm4b:s21+s3], $0x6400, $0x38;
	[tilespmem:$0x13210] =	vst v63  }
0x26: {  	s30 =	simm.s32 $0xD0;
	s31 =	simm.s32 $0xFE10;
	_ =	swait.ge [sflag:s19], $0x6400  }
0x27: {  	s1 =	simm.s32 $0x6805;
	s16 =	simm.s32 $0x686D;
	[sflag:s19] =	ssyncset.done $0x0  }
0x28: {  	s12 =	simm.s32 $0x689F;
	s14 =	simm.s32 $0x68D1;
	[sflag:s19] =	ssyncadd.s32 $0xFFFF9C00  }
0x29: {  	[tilespmem:s23], [sflag:$0x1] =	stream.indirect.gather [hbm4b:s4+s11], $0x40, s3, s11, $0xb8;
	[tilespmem:$0x13210] =	vst v63  }
0x2a: {  	s15 =	simm.s32 $0x6903;
	s7 =	simm.s32 $0x6967;
	s8 =	simm.s32 $0x0  }
0x2b: {  	[tilespmem:s29], [sflag:$0x2] =	stream.indirect.gather [hbm4b:s4+s11], $0x40, s26, s11, $0xb8;
	[tilespmem:$0x13210] =	vst v63  }
0x2c: {  	s28 =	simm.s32 $0x0;
	s0 =	simm.s32 $0x683B;
	s6 =	simm.s32 $0x6935  }
0x2d: {  	[tilespmem:s31], [sflag:$0x3] =	stream.indirect.gather [hbm4b:s4+s11], $0x40, s30, s11, $0xb8;
	[tilespmem:$0x13210] =	vst v63  }
.LBB2_2:
0x2e: {  	_ =	swait.ge [sflag:s17], $0x1900  }
0x2f: {  	p0 =	seq.s32 s28, $0x0;
	[sflag:s17] =	ssyncset.done $0x0  }
0x30: {  	s9 =	simm.s32 @!p0 $0x5;
	[sflag:s17] =	ssyncadd.s32 $0xFFFFE700  }
0x31: {  	_ =	swait.ge @!p0 [sflag:s9], $0x80  }
0x32: {  	[sflag:s9] =	ssyncset.done @!p0 $0x0  }
0x33: {  	s10 =	simm.s32 $0xCD50;
	[sflag:s9] =	ssyncadd.s32 @!p0 $0xFFFFFF80  }
0x34: {  	v1 =	vld [tilespmem:s10+$0x100]  }
0x35: {  	v3 =	vld [tilespmem:s10+$0x110]  }
0x36: {  	v0 =	vld.msk [tilespmem:s1+$0x4 ss:$0x0], $0xffff  }
0x37: {  	v4 =	vld [tilespmem:s10+$0x80]  }
0x38: {  	v5 =	vld [tilespmem:s10+$0x90]  }
0x39: {  	v6 =	vld [tilespmem:s10+$0xA0]  }
0x3a: {  	v7 =	vld [tilespmem:s10+$0xB0]  }
0x3b: {  	v8 =	vld.msk [tilespmem:s1+$0x2 ss:$0x0], $0xffff  }
0x3c: {  	v9 =	vld [tilespmem:s10+$0x40]  }
0x3d: {  	v10 =	vld [tilespmem:s10+$0x0]  }
0x3e: {  	v11 =	vld [tilespmem:s10+$0x10]  }
0x3f: {  	v12 =	vld [tilespmem:s10+$0x20]  }
0x40: {  	v13 =	vld [tilespmem:s10+$0x30]  }
0x41: {  	v14 =	vld.msk [tilespmem:s1+$0x0 ss:$0x0], $0xffff  }
0x42: {  	v15 =	vld [tilespmem:s10+$0xFFFFFFC0]  }
0x43: {  	v16 =	vld [tilespmem:s10+$0xFFFFFF80]  }
0x44: {  	v17 =	vld [tilespmem:s10+$0xFFFFFF90]  }
0x45: {  	v18 =	vld [tilespmem:s10+$0xFFFFFFA0]  }
0x46: {  	v19 =	vld [tilespmem:s10+$0xFFFFFFB0]  }
0x47: {  	v20 =	vld.msk [tilespmem:s1+$0xFFFFFFFE ss:$0x0], $0xffff  }
0x48: {  	v21 =	vld [tilespmem:s10+$0xFFFFFF40]  }
0x49: {  	v22 =	vld [tilespmem:s10+$0xFFFFFF00]  }
0x4a: {  	v23 =	vld [tilespmem:s10+$0xFFFFFF10]  }
0x4b: {  	v24 =	vld [tilespmem:s10+$0xFFFFFF20]  }
0x4c: {  	v25 =	vld [tilespmem:s10+$0xFFFFFF30]  }
0x4d: {  	v26 =	vld.msk [tilespmem:s1+$0xFFFFFFFC ss:$0x0], $0xffff  }
0x4e: {  	s18 =	sadd.s32 $0xFFFFFFF6, s8;
	v27 =	vld [tilespmem:s10+$0xFFFFFEC0];
	v2 =	vmul.f32 v0, v1;
	v1 =	vmul.f32 v3, v0  }
0x4f: {  	s13 =	sadd.s32 $0xA, s18;
	s9 =	simm.s32 $0x0;
	v28 =	vld [tilespmem:s10+$0xFFFFFED0];
	v4 =	vmul.f32 v8, v4;
	v3 =	vmul.f32 v5, v8  }
0x50: {  	s19 =	sand.u32 $0xFFF8, s13;
	s13 =	sand.u32 $0x6, s9;
	v29 =	vld [tilespmem:s10+$0xFFFFFEE0];
	v6 =	vmul.f32 v6, v8;
	v5 =	vmul.f32 v7, v8  }
0x51: {  	s29 =	simm.s32 $0x2;
	s30 =	sadd.s32 $0xC, s18;
	v54 =	vld [tilespmem:s10+$0xFFFFFF60];
	s19 =	sor.u32 s13, s19;
	v30 =	vmul.f32 v14, v10;
	v11 =	vmul.f32 v11, v14  }
0x52: {  	s29 =	sand.u32 $0x6, s29;
	s21 =	sand.u32 $0xFFF8, s30;
	v7 =	vld.msk [tilespmem:s19+$0x6800 ss:$0x0], $0xffff;
	v12 =	vmul.f32 v12, v14;
	v13 =	vmul.f32 v13, v14  }
0x53: {  	v8 =	vld [tilespmem:s10+$0xFFFFFEF0];
	s19 =	sor.u32 s29, s21;
	v14 =	vmul.f32 v20, v16;
	v16 =	vmul.f32 v17, v20  }
0x54: {  	v18 =	vmul.f32 v18, v20;
	v19 =	vmul.f32 v19, v20;
	v10 =	vld.msk [tilespmem:s19+$0x6800 ss:$0x0], $0xffff  }
0x55: {  	s23 =	simm.s32 $0x4;
	v17 =	vld [tilespmem:s10+$0xFFFFFF50];
	s29 =	sadd.s32 $0xE, s18;
	v20 =	vmul.f32 v26, v22;
	v53 =	vmul.f32 v23, v26  }
0x56: {  	v55 =	vld [tilespmem:s10+$0xFFFFFF70];
	v24 =	vmul.f32 v24, v26;
	v25 =	vmul.f32 v25, v26;
	s29 =	sand.u32 $0xFFF8, s29;
	s19 =	sand.u32 $0x6, s23  }
0x57: {  	v33 =	vld [tilespmem:s10+$0xFFFFFFE0];
	s19 =	sor.u32 s19, s29;
	v27 =	vmul.f32 v7, v27;
	v28 =	vmul.f32 v28, v7  }
0x58: {  	v32 =	vimm.f32 $0.0e+00;
	v31 =	vld.msk [tilespmem:s19+$0x6800 ss:$0x0], $0xffff;
	v29 =	vmul.f32 v29, v7;
	v7 =	vmul.f32 v8, v7  }
0x59: {  	s26 =	simm.s32 $0x6;
	s29 =	sadd.s32 $0x10, s18;
	v8 =	vld [tilespmem:s10+$0xFFFFFFD0];
	v21 =	vmul.f32 v10, v21;
	v27 =	vadd.f32 v27, v32;
	v28 =	vadd.f32 v28, v32  }
0x5a: {  	v56 =	vld [tilespmem:s10+$0xFFFFFFF0];
	s29 =	sand.u32 $0xFFF8, s29;
	s19 =	sand.u32 $0x6, s26;
	v17 =	vmul.f32 v17, v10;
	v29 =	vadd.f32 v29, v32;
	v7 =	vadd.f32 v7, v32  }
0x5b: {  	v58 =	vld [tilespmem:s10+$0x50];
	s19 =	sor.u32 s19, s29;
	v23 =	vmul.f32 v54, v10;
	v20 =	vadd.f32 v20, v27;
	v22 =	vadd.f32 v53, v28  }
0x5c: {  	v57 =	vld.msk [tilespmem:s19+$0x6800 ss:$0x0], $0xffff;
	v10 =	vmul.f32 v55, v10;
	v24 =	vadd.f32 v24, v29;
	v7 =	vadd.f32 v25, v7  }
0x5d: {  	v59 =	vld [tilespmem:s10+$0x60];
	s18 =	sadd.s32 $0x12, s18;
	v15 =	vmul.f32 v31, v15;
	v20 =	vadd.f32 v21, v20;
	v17 =	vadd.f32 v17, v22  }
0x5e: {  	v61 =	vld [tilespmem:s10+$0x70];
	s18 =	sand.u32 $0xFFF8, s18;
	v60 =	vadd.f32 v23, v24;
	v7 =	vadd.f32 v10, v7;
	v10 =	vmul.f32 v8, v31  }
0x5f: {  	v62 =	vld [tilespmem:s10+$0xC0];
	s13 =	sor.u32 s13, s18;
	v14 =	vadd.f32 v14, v20;
	v16 =	vadd.f32 v16, v17;
	v17 =	vmul.f32 v33, v31  }
0x60: {  	v8 =	vld.msk [tilespmem:s13+$0x6800 ss:$0x0], $0xffff;
	v18 =	vadd.f32 v18, v60;
	v19 =	vadd.f32 v19, v7;
	v20 =	vmul.f32 v56, v31  }
0x61: {  	v63 =	vmul.f32 v57, v9;
	v7 =	vld [tilespmem:s10+$0xD0];
	v14 =	vadd.f32 v15, v14;
	v15 =	vadd.f32 v10, v16  }
0x62: {  	v16 =	vadd.f32 v17, v18;
	v17 =	vadd.f32 v20, v19;
	v18 =	vmul.f32 v58, v57;
	v10 =	vld [tilespmem:s10+$0xE0]  }
0x63: {  	v9 =	vld [tilespmem:s10+$0xF0];
	v19 =	vadd.f32 v30, v14;
	v20 =	vadd.f32 v11, v15;
	v14 =	vmul.f32 v59, v57  }
0x64: {  	v16 =	vadd.f32 v12, v16;
	v15 =	vadd.f32 v13, v17;
	v17 =	vmul.f32 v61, v57;
	v11 =	vld [tilespmem:s10+$0x120]  }
0x65: {  	s31 =	smov.u32 s1;
	s30 =	sshll.u32 s28, $0x2;
	s29 =	simm.s32 $0xCFD0;
	v13 =	vmul.f32 v8, v62;
	v12 =	vld [tilespmem:s10+$0x130];
	v19 =	vadd.f32 v63, v19;
	v18 =	vadd.f32 v18, v20  }
.LBB2_3:
0x66: {  	v20 =	vld [tilespmem:s29+$0x100];
	v14 =	vadd.f32 v14, v16;
	v15 =	vadd.f32 v17, v15;
	v7 =	vmul.f32 v7, v8;
	s10 =	smov.u32 s9  }
0x67: {  	s31 =	sadd.s32 $0xA, s31;
	v16 =	vld [tilespmem:s29+$0x110];
	v4 =	vadd.f32 v4, v19;
	v3 =	vadd.f32 v3, v18;
	v10 =	vmul.f32 v10, v8  }
0x68: {  	v17 =	vld.msk [tilespmem:s31+$0x4 ss:$0x0], $0xffff;
	v6 =	vadd.f32 v6, v14;
	v5 =	vadd.f32 v5, v15;
	v8 =	vmul.f32 v9, v8  }
0x69: {  	v9 =	vld [tilespmem:s29+$0x80];
	v4 =	vadd.f32 v13, v4;
	v3 =	vadd.f32 v7, v3;
	v7 =	vmul.f32 v11, v0  }
0x6a: {  	v11 =	vld [tilespmem:s29+$0x90];
	v6 =	vadd.f32 v10, v6;
	v5 =	vadd.f32 v8, v5;
	v0 =	vmul.f32 v12, v0  }
0x6b: {  	v8 =	vld [tilespmem:s29+$0xA0];
	v10 =	vadd.f32 v2, v4;
	v12 =	vadd.f32 v1, v3  }
0x6c: {  	v13 =	vld [tilespmem:s29+$0xB0];
	v14 =	vadd.f32 v7, v6;
	v15 =	vadd.f32 v0, v5  }
0x6d: {  	v5 =	vld.msk [tilespmem:s31+$0x2 ss:$0x0], $0xffff  }
0x6e: {  	v7 =	vld [tilespmem:s29+$0x40];
	v0 =	vmov v17  }
0x6f: {  	v17 =	vld [tilespmem:s29+$0x0]  }
0x70: {  	v18 =	vld [tilespmem:s29+$0x10]  }
0x71: {  	v19 =	vld [tilespmem:s29+$0x20]  }
0x72: {  	v21 =	vld [tilespmem:s29+$0x30]  }
0x73: {  	v22 =	vld.msk [tilespmem:s31+$0x0 ss:$0x0], $0xffff  }
0x74: {  	v23 =	vld [tilespmem:s29+$0xFFFFFFC0]  }
0x75: {  	v24 =	vld [tilespmem:s29+$0xFFFFFF80]  }
0x76: {  	v25 =	vld [tilespmem:s29+$0xFFFFFF90]  }
0x77: {  	v26 =	vld [tilespmem:s29+$0xFFFFFFA0]  }
0x78: {  	v27 =	vld [tilespmem:s29+$0xFFFFFFB0]  }
0x79: {  	v28 =	vld.msk [tilespmem:s31+$0xFFFFFFFE ss:$0x0], $0xffff  }
0x7a: {  	v29 =	vld [tilespmem:s29+$0xFFFFFF40]  }
0x7b: {  	v30 =	vld [tilespmem:s29+$0xFFFFFF00]  }
0x7c: {  	v31 =	vld [tilespmem:s29+$0xFFFFFF10]  }
0x7d: {  	v32 =	vld [tilespmem:s29+$0xFFFFFF20]  }
0x7e: {  	v33 =	vld [tilespmem:s29+$0xFFFFFF30]  }
0x7f: {  	s18 =	sadd.s32 s9, s8;
	v34 =	vld.msk [tilespmem:s31+$0xFFFFFFFC ss:$0x0], $0xffff  }
0x80: {  	s9 =	sadd.s32 $0xA, s9;
	s13 =	sadd.s32 $0xA, s18;
	v2 =	vmul.f32 v0, v20;
	v1 =	vmul.f32 v16, v0;
	v35 =	vld [tilespmem:s29+$0xFFFFFEC0]  }
0x81: {  	p1 =	slt.u32 s9, $0x28;
	s19 =	sand.u32 $0xFFF8, s13;
	s13 =	sand.u32 $0x6, s9;
	v4 =	vmul.f32 v5, v9;
	v3 =	vmul.f32 v11, v5;
	v16 =	vld [tilespmem:s29+$0xFFFFFED0]  }
0x82: {  	s21 =	sadd.s32 $0xC, s10;
	s23 =	sadd.s32 $0xC, s18;
	s19 =	sor.u32 s13, s19;
	v6 =	vmul.f32 v8, v5;
	v5 =	vmul.f32 v13, v5;
	v9 =	vld [tilespmem:s29+$0xFFFFFEE0]  }
0x83: {  	s21 =	sand.u32 $0x6, s21;
	v11 =	vmul.f32 v22, v17;
	v13 =	vmul.f32 v18, v22;
	v8 =	vld.msk [tilespmem:s19+$0x6800 ss:$0x0], $0xffff;
	s19 =	sand.u32 $0xFFF8, s23  }
0x84: {  	v18 =	vmul.f32 v19, v22;
	v19 =	vmul.f32 v21, v22;
	v17 =	vld [tilespmem:s29+$0xFFFFFEF0];
	s19 =	sor.u32 s21, s19  }
0x85: {  	v21 =	vmul.f32 v28, v24;
	v22 =	vmul.f32 v25, v28;
	v20 =	vld.msk [tilespmem:s19+$0x6800 ss:$0x0], $0xffff  }
0x86: {  	v25 =	vmul.f32 v26, v28;
	v26 =	vmul.f32 v27, v28;
	s21 =	sadd.s32 $0xE, s18;
	s19 =	sadd.s32 $0xE, s10;
	v24 =	vld [tilespmem:s29+$0xFFFFFF50]  }
0x87: {  	v27 =	vmul.f32 v34, v30;
	v28 =	vmul.f32 v31, v34;
	s21 =	sand.u32 $0xFFF8, s21;
	s19 =	sand.u32 $0x6, s19;
	v30 =	vld [tilespmem:s29+$0xFFFFFF60]  }
0x88: {  	v31 =	vmul.f32 v32, v34;
	v32 =	vmul.f32 v33, v34;
	s19 =	sor.u32 s19, s21;
	v33 =	vld [tilespmem:s29+$0xFFFFFF70]  }
0x89: {  	v34 =	vmul.f32 v8, v35;
	v16 =	vmul.f32 v16, v8;
	v35 =	vld.msk [tilespmem:s19+$0x6800 ss:$0x0], $0xffff  }
0x8a: {  	s10 =	sadd.s32 $0x10, s10;
	v9 =	vmul.f32 v9, v8;
	v8 =	vmul.f32 v17, v8;
	s19 =	sadd.s32 $0x10, s18;
	v17 =	vld [tilespmem:s29+$0xFFFFFFD0]  }
0x8b: {  	s10 =	sand.u32 $0x6, s10;
	v10 =	vadd.f32 v34, v10;
	v12 =	vadd.f32 v16, v12;
	v16 =	vmul.f32 v20, v29;
	s19 =	sand.u32 $0xFFF8, s19;
	v29 =	vld [tilespmem:s29+$0xFFFFFFE0]  }
0x8c: {  	v9 =	vadd.f32 v9, v14;
	v8 =	vadd.f32 v8, v15;
	v14 =	vmul.f32 v24, v20;
	s10 =	sor.u32 s10, s19;
	v15 =	vld [tilespmem:s29+$0xFFFFFFF0]  }
0x8d: {  	v10 =	vadd.f32 v27, v10;
	v12 =	vadd.f32 v28, v12;
	v24 =	vmul.f32 v30, v20;
	v27 =	vld.msk [tilespmem:s10+$0x6800 ss:$0x0], $0xffff  }
0x8e: {  	v9 =	vadd.f32 v31, v9;
	v8 =	vadd.f32 v32, v8;
	v20 =	vmul.f32 v33, v20;
	s10 =	sadd.s32 $0x12, s18;
	v28 =	vld [tilespmem:s29+$0x50]  }
0x8f: {  	v10 =	vadd.f32 v16, v10;
	v12 =	vadd.f32 v14, v12;
	v14 =	vmul.f32 v35, v23;
	s10 =	sand.u32 $0xFFF8, s10;
	v16 =	vld [tilespmem:s29+$0x60]  }
0x90: {  	v9 =	vadd.f32 v24, v9;
	v20 =	vadd.f32 v20, v8;
	v17 =	vmul.f32 v17, v35;
	s10 =	sor.u32 s13, s10;
	v23 =	vld [tilespmem:s29+$0x70]  }
0x91: {  	v10 =	vadd.f32 v21, v10;
	v12 =	vadd.f32 v22, v12;
	v21 =	vmul.f32 v29, v35;
	v8 =	vld.msk [tilespmem:s10+$0x6800 ss:$0x0], $0xffff  }
0x92: {  	v9 =	vadd.f32 v25, v9;
	v20 =	vadd.f32 v26, v20;
	v15 =	vmul.f32 v15, v35;
	v22 =	vld [tilespmem:s29+$0xC0]  }
.Ltmp2:
0x93: {  	v14 =	vadd.f32 v14, v10;
	v12 =	vadd.f32 v17, v12;
	v24 =	vmul.f32 v27, v7;
	v7 =	vld [tilespmem:s29+$0xD0];
	(pc) =	sbr.rel @p1 .LBB2_3-.Ltmp2, $4  }
0x94: {  	v17 =	vadd.f32 v21, v9;
	v15 =	vadd.f32 v15, v20;
	v20 =	vmul.f32 v28, v27;
	v10 =	vld [tilespmem:s29+$0xE0]  }
0x95: {  	v21 =	vadd.f32 v11, v14;
	v12 =	vadd.f32 v13, v12;
	v14 =	vmul.f32 v16, v27;
	v9 =	vld [tilespmem:s29+$0xF0]  }
0x96: {  	v16 =	vadd.f32 v18, v17;
	v15 =	vadd.f32 v19, v15;
	v17 =	vmul.f32 v23, v27;
	v11 =	vld [tilespmem:s29+$0x120]  }
0x97: {  	v19 =	vadd.f32 v24, v21;
	v18 =	vadd.f32 v20, v12;
	v13 =	vmul.f32 v8, v22;
	v12 =	vld [tilespmem:s29+$0x130];
	s29 =	sadd.s32 $0x280, s29  }
0x98: {  	_ = 	snop  }
0x99: {  	v14 =	vadd.f32 v14, v16;
	v4 =	vadd.f32 v4, v19  }
0x9a: {  	v15 =	vadd.f32 v17, v15;
	v7 =	vmul.f32 v7, v8;
	v3 =	vadd.f32 v3, v18  }
0x9b: {  	v10 =	vmul.f32 v10, v8;
	v6 =	vadd.f32 v6, v14;
	v4 =	vadd.f32 v13, v4  }
0x9c: {  	v5 =	vadd.f32 v5, v15;
	v8 =	vmul.f32 v9, v8;
	v3 =	vadd.f32 v7, v3  }
0x9d: {  	v7 =	vmul.f32 v11, v0;
	v6 =	vadd.f32 v10, v6;
	v2 =	vadd.f32 v2, v4  }
0x9e: {  	v0 =	vmul.f32 v12, v0;
	v4 =	vadd.f32 v8, v5;
	v1 =	vadd.f32 v1, v3  }
0x9f: {  	v3 =	vadd.f32 v7, v6;
	[tilespmem:$0x13010] =	vst v2  }
0xa0: {  	v0 =	vadd.f32 v0, v4;
	[tilespmem:$0x13020] =	vst v1  }
0xa1: {  	[tilespmem:$0x13030] =	vst v3  }
0xa2: {  	s10 =	simm.s32 $0xDB00;
	[tilespmem:$0x13040] =	vst v0  }
0xa3: {  	v3 =	vld [tilespmem:s10+$0xFFFFFFD0]  }
0xa4: {  	v5 =	vld [tilespmem:s10+$0xFFFFFFE0]  }
0xa5: {  	v0 =	vld.msk [tilespmem:s0+$0x0 ss:$0x0], $0xffff  }
0xa6: {  	v6 =	vld [tilespmem:s10+$0xFFFFFF90]  }
0xa7: {  	v7 =	vld [tilespmem:s10+$0xFFFFFFA0]  }
0xa8: {  	v1 =	vld.msk [tilespmem:s0+$0xFFFFFFFF ss:$0x0], $0xffff  }
0xa9: {  	v8 =	vld [tilespmem:s10+$0xFFFFFF50]  }
0xaa: {  	v9 =	vld [tilespmem:s10+$0xFFFFFF60]  }
0xab: {  	v2 =	vld.msk [tilespmem:s0+$0xFFFFFFFE ss:$0x0], $0xffff  }
0xac: {  	v10 =	vld [tilespmem:s10+$0xFFFFFF10]  }
0xad: {  	v11 =	vld [tilespmem:s10+$0xFFFFFF20]  }
0xae: {  	v13 =	vld.msk [tilespmem:s0+$0xFFFFFFFD ss:$0x0], $0xffff  }
0xaf: {  	v12 =	vld [tilespmem:s10+$0xFFFFFED0]  }
0xb0: {  	v14 =	vld [tilespmem:s10+$0xFFFFFEE0]  }
0xb1: {  	v15 =	vld.msk [tilespmem:s0+$0xFFFFFFFC ss:$0x0], $0xffff  }
0xb2: {  	v16 =	vld [tilespmem:s10+$0xFFFFFE90]  }
0xb3: {  	v17 =	vld [tilespmem:s10+$0xFFFFFEA0]  }
0xb4: {  	v18 =	vld.msk [tilespmem:s0+$0xFFFFFFFB ss:$0x0], $0xffff  }
0xb5: {  	v19 =	vld [tilespmem:s10+$0xFFFFFE50]  }
0xb6: {  	v20 =	vld [tilespmem:s10+$0xFFFFFE60]  }
0xb7: {  	v21 =	vld.msk [tilespmem:s0+$0xFFFFFFFA ss:$0x0], $0xffff  }
0xb8: {  	v22 =	vld [tilespmem:s10+$0xFFFFFE10]  }
0xb9: {  	v23 =	vld [tilespmem:s10+$0xFFFFFE20]  }
0xba: {  	v24 =	vld.msk [tilespmem:s0+$0xFFFFFFF9 ss:$0x0], $0xffff  }
0xbb: {  	v25 =	vld [tilespmem:s10+$0xFFFFFDD0]  }
0xbc: {  	v26 =	vld [tilespmem:s10+$0xFFFFFDE0]  }
0xbd: {  	v27 =	vld.msk [tilespmem:s0+$0xFFFFFFF8 ss:$0x0], $0xffff;
	v4 =	vmul.f32 v0, v3;
	v3 =	vmul.f32 v5, v0  }
0xbe: {  	v28 =	vld [tilespmem:s10+$0xFFFFFD90];
	v6 =	vmul.f32 v1, v6;
	v5 =	vmul.f32 v7, v1  }
0xbf: {  	v29 =	vld [tilespmem:s10+$0xFFFFFDA0];
	v8 =	vmul.f32 v2, v8;
	v7 =	vmul.f32 v9, v2  }
0xc0: {  	v9 =	vld.msk [tilespmem:s0+$0xFFFFFFF7 ss:$0x0], $0xffff;
	v30 =	vmul.f32 v13, v10;
	v31 =	vmul.f32 v11, v13  }
0xc1: {  	v10 =	vld [tilespmem:s10+$0xFFFFFDB0];
	v11 =	vmul.f32 v15, v12;
	v14 =	vmul.f32 v14, v15  }
0xc2: {  	v12 =	vld [tilespmem:s10+$0xFFFFFDC0];
	v16 =	vmul.f32 v18, v16;
	v17 =	vmul.f32 v17, v18  }
0xc3: {  	v32 =	vld [tilespmem:s10+$0xFFFFFDF0];
	v19 =	vmul.f32 v21, v19;
	v20 =	vmul.f32 v20, v21  }
0xc4: {  	v33 =	vld [tilespmem:s10+$0xFFFFFE00];
	v22 =	vmul.f32 v24, v22;
	v23 =	vmul.f32 v23, v24  }
0xc5: {  	v34 =	vld [tilespmem:s10+$0xFFFFFE30];
	v25 =	vmul.f32 v27, v25;
	v26 =	vmul.f32 v26, v27  }
0xc6: {  	v35 =	vld [tilespmem:s10+$0xFFFFFE40];
	v28 =	vmul.f32 v9, v28;
	v29 =	vmul.f32 v29, v9  }
0xc7: {  	v36 =	vimm.f32 $0.0e+00;
	v10 =	vmul.f32 v10, v9;
	v9 =	vmul.f32 v12, v9;
	v12 =	vld [tilespmem:s10+$0xFFFFFE70]  }
0xc8: {  	v37 =	vld [tilespmem:s10+$0xFFFFFE80];
	v32 =	vmul.f32 v32, v27;
	v28 =	vadd.f32 v28, v36;
	v29 =	vadd.f32 v29, v36  }
0xc9: {  	v57 =	vld [tilespmem:s10+$0xFFFFFEB0];
	v27 =	vmul.f32 v33, v27;
	v10 =	vadd.f32 v10, v36;
	v9 =	vadd.f32 v9, v36  }
0xca: {  	v59 =	vld [tilespmem:s10+$0xFFFFFEC0];
	v58 =	vmul.f32 v34, v24;
	v25 =	vadd.f32 v25, v28;
	v26 =	vadd.f32 v26, v29  }
0xcb: {  	v60 =	vld [tilespmem:s10+$0xFFFFFEF0];
	v24 =	vmul.f32 v35, v24;
	v10 =	vadd.f32 v32, v10;
	v9 =	vadd.f32 v27, v9  }
0xcc: {  	v61 =	vld [tilespmem:s10+$0xFFFFFF00];
	v12 =	vmul.f32 v12, v21;
	v22 =	vadd.f32 v22, v25;
	v23 =	vadd.f32 v23, v26  }
0xcd: {  	v62 =	vld [tilespmem:s10+$0xFFFFFF30];
	v21 =	vmul.f32 v37, v21;
	v10 =	vadd.f32 v58, v10;
	v9 =	vadd.f32 v24, v9  }
0xce: {  	v19 =	vadd.f32 v19, v22;
	v20 =	vadd.f32 v20, v23;
	v22 =	vmul.f32 v57, v18;
	v23 =	vld [tilespmem:s10+$0xFFFFFF40]  }
0xcf: {  	v12 =	vadd.f32 v12, v10;
	v9 =	vadd.f32 v21, v9;
	v18 =	vmul.f32 v59, v18;
	v21 =	vld [tilespmem:s10+$0xFFFFFF70]  }
0xd0: {  	v10 =	vld [tilespmem:s10+$0xFFFFFF80];
	v16 =	vadd.f32 v16, v19;
	v17 =	vadd.f32 v17, v20;
	v19 =	vmul.f32 v60, v15  }
0xd1: {  	v20 =	vadd.f32 v22, v12;
	v9 =	vadd.f32 v18, v9;
	v15 =	vmul.f32 v61, v15;
	v12 =	vld [tilespmem:s10+$0xFFFFFFB0]  }
0xd2: {  	v22 =	vadd.f32 v11, v16;
	v63 =	vadd.f32 v14, v17;
	v14 =	vmul.f32 v62, v13;
	v11 =	vld [tilespmem:s10+$0xFFFFFFC0]  }
0xd3: {  	v17 =	vadd.f32 v19, v20;
	v16 =	vadd.f32 v15, v9;
	v9 =	vld [tilespmem:s10+$0xFFFFFFF0];
	v18 =	vmul.f32 v23, v13  }
0xd4: {  	s9 =	simm.s32 $0x0;
	s13 =	simm.s32 $0xDD80;
	s29 =	smov.u32 s0;
	v15 =	vmul.f32 v21, v2;
	v13 =	vld [tilespmem:s10+$0x0];
	v20 =	vadd.f32 v30, v22;
	v19 =	vadd.f32 v31, v63  }
.LBB2_5:
0xd5: {  	v21 =	vld [tilespmem:s13+$0xFFFFFFD0];
	v14 =	vadd.f32 v14, v17;
	v16 =	vadd.f32 v18, v16;
	v2 =	vmul.f32 v10, v2  }
0xd6: {  	s29 =	sadd.s32 $0xA, s29;
	v10 =	vld [tilespmem:s13+$0xFFFFFFE0];
	v8 =	vadd.f32 v8, v20;
	v7 =	vadd.f32 v7, v19;
	v12 =	vmul.f32 v12, v1  }
0xd7: {  	v17 =	vld.msk [tilespmem:s29+$0x0 ss:$0x0], $0xffff;
	v14 =	vadd.f32 v15, v14;
	v2 =	vadd.f32 v2, v16;
	v1 =	vmul.f32 v11, v1  }
0xd8: {  	v11 =	vld [tilespmem:s13+$0xFFFFFF90];
	v6 =	vadd.f32 v6, v8;
	v5 =	vadd.f32 v5, v7;
	v7 =	vmul.f32 v9, v0  }
0xd9: {  	v8 =	vld [tilespmem:s13+$0xFFFFFFA0];
	v9 =	vadd.f32 v12, v14;
	v2 =	vadd.f32 v1, v2;
	v0 =	vmul.f32 v13, v0  }
0xda: {  	v1 =	vld.msk [tilespmem:s29+$0xFFFFFFFF ss:$0x0], $0xffff;
	v12 =	vadd.f32 v4, v6;
	v13 =	vadd.f32 v3, v5  }
0xdb: {  	v14 =	vld [tilespmem:s13+$0xFFFFFF50];
	v15 =	vadd.f32 v7, v9;
	v16 =	vadd.f32 v0, v2  }
0xdc: {  	v7 =	vld [tilespmem:s13+$0xFFFFFF60]  }
0xdd: {  	v2 =	vld.msk [tilespmem:s29+$0xFFFFFFFE ss:$0x0], $0xffff;
	v0 =	vmov v17  }
0xde: {  	v17 =	vld [tilespmem:s13+$0xFFFFFF10]  }
0xdf: {  	v18 =	vld [tilespmem:s13+$0xFFFFFF20]  }
0xe0: {  	v9 =	vld.msk [tilespmem:s29+$0xFFFFFFFD ss:$0x0], $0xffff  }
0xe1: {  	v19 =	vld [tilespmem:s13+$0xFFFFFED0]  }
0xe2: {  	v20 =	vld [tilespmem:s13+$0xFFFFFEE0]  }
0xe3: {  	v22 =	vld.msk [tilespmem:s29+$0xFFFFFFFC ss:$0x0], $0xffff  }
0xe4: {  	v23 =	vld [tilespmem:s13+$0xFFFFFE90]  }
0xe5: {  	v24 =	vld [tilespmem:s13+$0xFFFFFEA0]  }
0xe6: {  	v25 =	vld.msk [tilespmem:s29+$0xFFFFFFFB ss:$0x0], $0xffff  }
0xe7: {  	v26 =	vld [tilespmem:s13+$0xFFFFFE50]  }
0xe8: {  	v27 =	vld [tilespmem:s13+$0xFFFFFE60]  }
0xe9: {  	v28 =	vld.msk [tilespmem:s29+$0xFFFFFFFA ss:$0x0], $0xffff  }
0xea: {  	v29 =	vld [tilespmem:s13+$0xFFFFFE10]  }
0xeb: {  	v30 =	vld [tilespmem:s13+$0xFFFFFE20]  }
0xec: {  	v31 =	vld.msk [tilespmem:s29+$0xFFFFFFF9 ss:$0x0], $0xffff  }
0xed: {  	v32 =	vld [tilespmem:s13+$0xFFFFFDD0]  }
0xee: {  	v33 =	vld [tilespmem:s13+$0xFFFFFDE0]  }
0xef: {  	v4 =	vmul.f32 v0, v21;
	v3 =	vmul.f32 v10, v0;
	v34 =	vld.msk [tilespmem:s29+$0xFFFFFFF8 ss:$0x0], $0xffff  }
0xf0: {  	v6 =	vmul.f32 v1, v11;
	v5 =	vmul.f32 v8, v1;
	v10 =	vld [tilespmem:s13+$0xFFFFFD90]  }
0xf1: {  	v8 =	vmul.f32 v2, v14;
	v7 =	vmul.f32 v7, v2;
	v11 =	vld [tilespmem:s13+$0xFFFFFDA0]  }
0xf2: {  	v21 =	vmul.f32 v9, v17;
	v35 =	vmul.f32 v18, v9;
	v14 =	vld.msk [tilespmem:s29+$0xFFFFFFF7 ss:$0x0], $0xffff  }
0xf3: {  	s9 =	sadd.s32 $0xA, s9;
	v18 =	vmul.f32 v22, v19;
	v19 =	vmul.f32 v20, v22;
	v17 =	vld [tilespmem:s13+$0xFFFFFDB0]  }
0xf4: {  	p1 =	slt.u32 s9, $0x28;
	v23 =	vmul.f32 v25, v23;
	v24 =	vmul.f32 v24, v25;
	v20 =	vld [tilespmem:s13+$0xFFFFFDC0]  }
0xf5: {  	v26 =	vmul.f32 v28, v26;
	v27 =	vmul.f32 v27, v28;
	v36 =	vld [tilespmem:s13+$0xFFFFFDF0]  }
0xf6: {  	v29 =	vmul.f32 v31, v29;
	v30 =	vmul.f32 v30, v31;
	v37 =	vld [tilespmem:s13+$0xFFFFFE00]  }
0xf7: {  	v32 =	vmul.f32 v34, v32;
	v33 =	vmul.f32 v33, v34;
	v38 =	vld [tilespmem:s13+$0xFFFFFE30]  }
0xf8: {  	v10 =	vmul.f32 v14, v10;
	v11 =	vmul.f32 v11, v14;
	v39 =	vld [tilespmem:s13+$0xFFFFFE40]  }
0xf9: {  	v17 =	vmul.f32 v17, v14;
	v14 =	vmul.f32 v20, v14;
	v20 =	vld [tilespmem:s13+$0xFFFFFE70]  }
0xfa: {  	v10 =	vadd.f32 v10, v12;
	v11 =	vadd.f32 v11, v13;
	v12 =	vmul.f32 v36, v34;
	v13 =	vld [tilespmem:s13+$0xFFFFFE80]  }
0xfb: {  	v15 =	vadd.f32 v17, v15;
	v14 =	vadd.f32 v14, v16;
	v16 =	vmul.f32 v37, v34;
	v17 =	vld [tilespmem:s13+$0xFFFFFEB0]  }
0xfc: {  	v10 =	vadd.f32 v32, v10;
	v11 =	vadd.f32 v33, v11;
	v32 =	vmul.f32 v38, v31;
	v33 =	vld [tilespmem:s13+$0xFFFFFEC0]  }
0xfd: {  	v12 =	vadd.f32 v12, v15;
	v14 =	vadd.f32 v16, v14;
	v15 =	vmul.f32 v39, v31;
	v16 =	vld [tilespmem:s13+$0xFFFFFEF0]  }
0xfe: {  	v10 =	vadd.f32 v29, v10;
	v11 =	vadd.f32 v30, v11;
	v20 =	vmul.f32 v20, v28;
	v29 =	vld [tilespmem:s13+$0xFFFFFF00]  }
0xff: {  	v12 =	vadd.f32 v32, v12;
	v14 =	vadd.f32 v15, v14;
	v13 =	vmul.f32 v13, v28;
	v15 =	vld [tilespmem:s13+$0xFFFFFF30]  }
0x100: {  	v10 =	vadd.f32 v26, v10;
	v11 =	vadd.f32 v27, v11;
	v17 =	vmul.f32 v17, v25;
	v26 =	vld [tilespmem:s13+$0xFFFFFF40]  }
0x101: {  	v12 =	vadd.f32 v20, v12;
	v13 =	vadd.f32 v13, v14;
	v14 =	vmul.f32 v33, v25;
	v25 =	vld [tilespmem:s13+$0xFFFFFF70]  }
.Ltmp3:
0x102: {  	v20 =	vadd.f32 v23, v10;
	v11 =	vadd.f32 v24, v11;
	v16 =	vmul.f32 v16, v22;
	v10 =	vld [tilespmem:s13+$0xFFFFFF80];
	(pc) =	sbr.rel @p1 .LBB2_5-.Ltmp3, $4  }
0x103: {  	v17 =	vadd.f32 v17, v12;
	v13 =	vadd.f32 v14, v13;
	v22 =	vmul.f32 v29, v22;
	v12 =	vld [tilespmem:s13+$0xFFFFFFB0]  }
0x104: {  	v20 =	vadd.f32 v18, v20;
	v19 =	vadd.f32 v19, v11;
	v14 =	vmul.f32 v15, v9;
	v11 =	vld [tilespmem:s13+$0xFFFFFFC0]  }
0x105: {  	v17 =	vadd.f32 v16, v17;
	v16 =	vadd.f32 v22, v13;
	v18 =	vmul.f32 v26, v9;
	v9 =	vld [tilespmem:s13+$0xFFFFFFF0]  }
0x106: {  	v20 =	vadd.f32 v21, v20;
	v19 =	vadd.f32 v35, v19;
	v15 =	vmul.f32 v25, v2;
	v13 =	vld [tilespmem:s13+$0x0];
	s13 =	sadd.s32 $0x280, s13  }
0x107: {  	_ = 	snop  }
0x108: {  	v14 =	vadd.f32 v14, v17;
	v8 =	vadd.f32 v8, v20  }
0x109: {  	v16 =	vadd.f32 v18, v16;
	v2 =	vmul.f32 v10, v2;
	v7 =	vadd.f32 v7, v19  }
0x10a: {  	v10 =	vmul.f32 v12, v1;
	v12 =	vadd.f32 v15, v14;
	v6 =	vadd.f32 v6, v8  }
0x10b: {  	v2 =	vadd.f32 v2, v16;
	v1 =	vmul.f32 v11, v1;
	v5 =	vadd.f32 v5, v7  }
0x10c: {  	v7 =	vmul.f32 v9, v0;
	v8 =	vadd.f32 v10, v12;
	v4 =	vadd.f32 v4, v6  }
0x10d: {  	v1 =	vadd.f32 v1, v2;
	v0 =	vmul.f32 v13, v0;
	v2 =	vadd.f32 v3, v5  }
0x10e: {  	v3 =	vadd.f32 v7, v8;
	[tilespmem:$0x13050] =	vst v4  }
0x10f: {  	s9 =	sadd.s32 s5, s30;
	v0 =	vadd.f32 v0, v1;
	[tilespmem:$0x13060] =	vst v2  }
0x110: {  	s29 =	sor.u32 $0x3, s30;
	s9 =	sshll.u32 s9, $0x4;
	[tilespmem:$0x13070] =	vst v3  }
0x111: {  	s13 =	simm.s32 $0x13010;
	s10 =	smul.u32 $0x1A0, s29;
	s9 =	sadd.s32 s2, s9;
	[tilespmem:$0x13080] =	vst v0  }
0x112: {  	[hbm4b:s9+s3] =	stream.linear.scatter [tilespmem:s13], [sflag:$0x5], $0x80, $0x38;
	[tilespmem:$0x13210] =	vst v63  }
0x113: {  	s23 =	simm.s32 $0x11710;
	s21 =	sshra.s32 s10, $0x2  }
0x114: {  	[tilespmem:s23], [sflag:$0x4] =	stream.indirect.gather [hbm4b:s4+s11], $0x40, s21, s11, $0xb8;
	[tilespmem:$0x13210] =	vst v63  }
0x115: {  	_ =	swait.ge [sflag:s20], $0x1900  }
0x116: {  	[sflag:s20] =	ssyncset.done $0x0  }
0x117: {  	s9 =	simm.s32 @!p0 $0x6;
	[sflag:s20] =	ssyncadd.s32 $0xFFFFE700  }
0x118: {  	_ =	swait.ge @!p0 [sflag:s9], $0x80  }
0x119: {  	[sflag:s9] =	ssyncset.done @!p0 $0x0  }
0x11a: {  	s26 =	simm.s32 $0xE780;
	[sflag:s9] =	ssyncadd.s32 @!p0 $0xFFFFFF80  }
0x11b: {  	v3 =	vld [tilespmem:s26+$0xFFFFFFD0]  }
0x11c: {  	v5 =	vld [tilespmem:s26+$0xFFFFFFE0]  }
0x11d: {  	v0 =	vld.msk [tilespmem:s16+$0x0 ss:$0x0], $0xffff  }
0x11e: {  	v6 =	vld [tilespmem:s26+$0xFFFFFF90]  }
0x11f: {  	v7 =	vld [tilespmem:s26+$0xFFFFFFA0]  }
0x120: {  	v1 =	vld.msk [tilespmem:s16+$0xFFFFFFFF ss:$0x0], $0xffff  }
0x121: {  	v8 =	vld [tilespmem:s26+$0xFFFFFF50]  }
0x122: {  	v9 =	vld [tilespmem:s26+$0xFFFFFF60]  }
0x123: {  	v2 =	vld.msk [tilespmem:s16+$0xFFFFFFFE ss:$0x0], $0xffff  }
0x124: {  	v10 =	vld [tilespmem:s26+$0xFFFFFF10]  }
0x125: {  	v11 =	vld [tilespmem:s26+$0xFFFFFF20]  }
0x126: {  	v13 =	vld.msk [tilespmem:s16+$0xFFFFFFFD ss:$0x0], $0xffff  }
0x127: {  	v12 =	vld [tilespmem:s26+$0xFFFFFED0]  }
0x128: {  	v14 =	vld [tilespmem:s26+$0xFFFFFEE0]  }
0x129: {  	v15 =	vld.msk [tilespmem:s16+$0xFFFFFFFC ss:$0x0], $0xffff  }
0x12a: {  	v16 =	vld [tilespmem:s26+$0xFFFFFE90]  }
0x12b: {  	v17 =	vld [tilespmem:s26+$0xFFFFFEA0]  }
0x12c: {  	v18 =	vld.msk [tilespmem:s16+$0xFFFFFFFB ss:$0x0], $0xffff  }
0x12d: {  	v19 =	vld [tilespmem:s26+$0xFFFFFE50]  }
0x12e: {  	v20 =	vld [tilespmem:s26+$0xFFFFFE60]  }
0x12f: {  	v21 =	vld.msk [tilespmem:s16+$0xFFFFFFFA ss:$0x0], $0xffff  }
0x130: {  	v22 =	vld [tilespmem:s26+$0xFFFFFE10]  }
0x131: {  	v23 =	vld [tilespmem:s26+$0xFFFFFE20]  }
0x132: {  	v24 =	vld.msk [tilespmem:s16+$0xFFFFFFF9 ss:$0x0], $0xffff  }
0x133: {  	v25 =	vld [tilespmem:s26+$0xFFFFFDD0]  }
0x134: {  	v26 =	vld [tilespmem:s26+$0xFFFFFDE0]  }
0x135: {  	v27 =	vld.msk [tilespmem:s16+$0xFFFFFFF8 ss:$0x0], $0xffff;
	v4 =	vmul.f32 v0, v3;
	v3 =	vmul.f32 v5, v0  }
0x136: {  	v28 =	vld [tilespmem:s26+$0xFFFFFD90];
	v6 =	vmul.f32 v1, v6;
	v5 =	vmul.f32 v7, v1  }
0x137: {  	v29 =	vld [tilespmem:s26+$0xFFFFFDA0];
	v8 =	vmul.f32 v2, v8;
	v7 =	vmul.f32 v9, v2  }
0x138: {  	v9 =	vld.msk [tilespmem:s16+$0xFFFFFFF7 ss:$0x0], $0xffff;
	v30 =	vmul.f32 v13, v10;
	v31 =	vmul.f32 v11, v13  }
0x139: {  	v10 =	vld [tilespmem:s26+$0xFFFFFDB0];
	v11 =	vmul.f32 v15, v12;
	v14 =	vmul.f32 v14, v15  }
0x13a: {  	v12 =	vld [tilespmem:s26+$0xFFFFFDC0];
	v16 =	vmul.f32 v18, v16;
	v17 =	vmul.f32 v17, v18  }
0x13b: {  	v32 =	vld [tilespmem:s26+$0xFFFFFDF0];
	v19 =	vmul.f32 v21, v19;
	v20 =	vmul.f32 v20, v21  }
0x13c: {  	v33 =	vld [tilespmem:s26+$0xFFFFFE00];
	v22 =	vmul.f32 v24, v22;
	v23 =	vmul.f32 v23, v24  }
0x13d: {  	v34 =	vld [tilespmem:s26+$0xFFFFFE30];
	v25 =	vmul.f32 v27, v25;
	v26 =	vmul.f32 v26, v27  }
0x13e: {  	v35 =	vld [tilespmem:s26+$0xFFFFFE40];
	v28 =	vmul.f32 v9, v28;
	v29 =	vmul.f32 v29, v9  }
0x13f: {  	v36 =	vimm.f32 $0.0e+00;
	v10 =	vmul.f32 v10, v9;
	v9 =	vmul.f32 v12, v9;
	v12 =	vld [tilespmem:s26+$0xFFFFFE70]  }
0x140: {  	v37 =	vld [tilespmem:s26+$0xFFFFFE80];
	v32 =	vmul.f32 v32, v27;
	v28 =	vadd.f32 v28, v36;
	v29 =	vadd.f32 v29, v36  }
0x141: {  	v57 =	vld [tilespmem:s26+$0xFFFFFEB0];
	v27 =	vmul.f32 v33, v27;
	v10 =	vadd.f32 v10, v36;
	v9 =	vadd.f32 v9, v36  }
0x142: {  	v59 =	vld [tilespmem:s26+$0xFFFFFEC0];
	v58 =	vmul.f32 v34, v24;
	v25 =	vadd.f32 v25, v28;
	v26 =	vadd.f32 v26, v29  }
0x143: {  	v60 =	vld [tilespmem:s26+$0xFFFFFEF0];
	v24 =	vmul.f32 v35, v24;
	v10 =	vadd.f32 v32, v10;
	v9 =	vadd.f32 v27, v9  }
0x144: {  	v61 =	vld [tilespmem:s26+$0xFFFFFF00];
	v12 =	vmul.f32 v12, v21;
	v22 =	vadd.f32 v22, v25;
	v23 =	vadd.f32 v23, v26  }
0x145: {  	v62 =	vld [tilespmem:s26+$0xFFFFFF30];
	v21 =	vmul.f32 v37, v21;
	v10 =	vadd.f32 v58, v10;
	v9 =	vadd.f32 v24, v9  }
0x146: {  	v19 =	vadd.f32 v19, v22;
	v20 =	vadd.f32 v20, v23;
	v22 =	vmul.f32 v57, v18;
	v23 =	vld [tilespmem:s26+$0xFFFFFF40]  }
0x147: {  	v12 =	vadd.f32 v12, v10;
	v9 =	vadd.f32 v21, v9;
	v18 =	vmul.f32 v59, v18;
	v21 =	vld [tilespmem:s26+$0xFFFFFF70]  }
0x148: {  	v10 =	vld [tilespmem:s26+$0xFFFFFF80];
	v16 =	vadd.f32 v16, v19;
	v17 =	vadd.f32 v17, v20;
	v19 =	vmul.f32 v60, v15  }
0x149: {  	v20 =	vadd.f32 v22, v12;
	v9 =	vadd.f32 v18, v9;
	v15 =	vmul.f32 v61, v15;
	v12 =	vld [tilespmem:s26+$0xFFFFFFB0]  }
0x14a: {  	v22 =	vadd.f32 v11, v16;
	v63 =	vadd.f32 v14, v17;
	v14 =	vmul.f32 v62, v13;
	v11 =	vld [tilespmem:s26+$0xFFFFFFC0]  }
0x14b: {  	s31 =	simm.s32 $0xEA00;
	v17 =	vadd.f32 v19, v20;
	v16 =	vadd.f32 v15, v9;
	v9 =	vld [tilespmem:s26+$0xFFFFFFF0];
	v18 =	vmul.f32 v23, v13  }
0x14c: {  	s10 =	smov.u32 s16;
	s13 =	simm.s32 $0x0;
	s9 =	sor.u32 $0x1, s30;
	v15 =	vmul.f32 v21, v2;
	v13 =	vld [tilespmem:s26+$0x0];
	v20 =	vadd.f32 v30, v22;
	v19 =	vadd.f32 v31, v63  }
.LBB2_7:
0x14d: {  	v21 =	vld [tilespmem:s31+$0xFFFFFFD0];
	v14 =	vadd.f32 v14, v17;
	v16 =	vadd.f32 v18, v16;
	v2 =	vmul.f32 v10, v2  }
0x14e: {  	s10 =	sadd.s32 $0xA, s10;
	v10 =	vld [tilespmem:s31+$0xFFFFFFE0];
	v8 =	vadd.f32 v8, v20;
	v7 =	vadd.f32 v7, v19;
	v12 =	vmul.f32 v12, v1  }
0x14f: {  	v17 =	vld.msk [tilespmem:s10+$0x0 ss:$0x0], $0xffff;
	v14 =	vadd.f32 v15, v14;
	v2 =	vadd.f32 v2, v16;
	v1 =	vmul.f32 v11, v1  }
0x150: {  	v11 =	vld [tilespmem:s31+$0xFFFFFF90];
	v6 =	vadd.f32 v6, v8;
	v5 =	vadd.f32 v5, v7;
	v7 =	vmul.f32 v9, v0  }
0x151: {  	v8 =	vld [tilespmem:s31+$0xFFFFFFA0];
	v9 =	vadd.f32 v12, v14;
	v2 =	vadd.f32 v1, v2;
	v0 =	vmul.f32 v13, v0  }
0x152: {  	v1 =	vld.msk [tilespmem:s10+$0xFFFFFFFF ss:$0x0], $0xffff;
	v12 =	vadd.f32 v4, v6;
	v13 =	vadd.f32 v3, v5  }
0x153: {  	v14 =	vld [tilespmem:s31+$0xFFFFFF50];
	v15 =	vadd.f32 v7, v9;
	v16 =	vadd.f32 v0, v2  }
0x154: {  	v7 =	vld [tilespmem:s31+$0xFFFFFF60]  }
0x155: {  	v2 =	vld.msk [tilespmem:s10+$0xFFFFFFFE ss:$0x0], $0xffff;
	v0 =	vmov v17  }
0x156: {  	v17 =	vld [tilespmem:s31+$0xFFFFFF10]  }
0x157: {  	v18 =	vld [tilespmem:s31+$0xFFFFFF20]  }
0x158: {  	v9 =	vld.msk [tilespmem:s10+$0xFFFFFFFD ss:$0x0], $0xffff  }
0x159: {  	v19 =	vld [tilespmem:s31+$0xFFFFFED0]  }
0x15a: {  	v20 =	vld [tilespmem:s31+$0xFFFFFEE0]  }
0x15b: {  	v22 =	vld.msk [tilespmem:s10+$0xFFFFFFFC ss:$0x0], $0xffff  }
0x15c: {  	v23 =	vld [tilespmem:s31+$0xFFFFFE90]  }
0x15d: {  	v24 =	vld [tilespmem:s31+$0xFFFFFEA0]  }
0x15e: {  	v25 =	vld.msk [tilespmem:s10+$0xFFFFFFFB ss:$0x0], $0xffff  }
0x15f: {  	v26 =	vld [tilespmem:s31+$0xFFFFFE50]  }
0x160: {  	v27 =	vld [tilespmem:s31+$0xFFFFFE60]  }
0x161: {  	v28 =	vld.msk [tilespmem:s10+$0xFFFFFFFA ss:$0x0], $0xffff  }
0x162: {  	v29 =	vld [tilespmem:s31+$0xFFFFFE10]  }
0x163: {  	v30 =	vld [tilespmem:s31+$0xFFFFFE20]  }
0x164: {  	v31 =	vld.msk [tilespmem:s10+$0xFFFFFFF9 ss:$0x0], $0xffff  }
0x165: {  	v32 =	vld [tilespmem:s31+$0xFFFFFDD0]  }
0x166: {  	v33 =	vld [tilespmem:s31+$0xFFFFFDE0]  }
0x167: {  	v4 =	vmul.f32 v0, v21;
	v3 =	vmul.f32 v10, v0;
	v34 =	vld.msk [tilespmem:s10+$0xFFFFFFF8 ss:$0x0], $0xffff  }
0x168: {  	v6 =	vmul.f32 v1, v11;
	v5 =	vmul.f32 v8, v1;
	v10 =	vld [tilespmem:s31+$0xFFFFFD90]  }
0x169: {  	v8 =	vmul.f32 v2, v14;
	v7 =	vmul.f32 v7, v2;
	v11 =	vld [tilespmem:s31+$0xFFFFFDA0]  }
0x16a: {  	v21 =	vmul.f32 v9, v17;
	v35 =	vmul.f32 v18, v9;
	v14 =	vld.msk [tilespmem:s10+$0xFFFFFFF7 ss:$0x0], $0xffff  }
0x16b: {  	s13 =	sadd.s32 $0xA, s13;
	v18 =	vmul.f32 v22, v19;
	v19 =	vmul.f32 v20, v22;
	v17 =	vld [tilespmem:s31+$0xFFFFFDB0]  }
0x16c: {  	p1 =	slt.u32 s13, $0x28;
	v23 =	vmul.f32 v25, v23;
	v24 =	vmul.f32 v24, v25;
	v20 =	vld [tilespmem:s31+$0xFFFFFDC0]  }
0x16d: {  	v26 =	vmul.f32 v28, v26;
	v27 =	vmul.f32 v27, v28;
	v36 =	vld [tilespmem:s31+$0xFFFFFDF0]  }
0x16e: {  	v29 =	vmul.f32 v31, v29;
	v30 =	vmul.f32 v30, v31;
	v37 =	vld [tilespmem:s31+$0xFFFFFE00]  }
0x16f: {  	v32 =	vmul.f32 v34, v32;
	v33 =	vmul.f32 v33, v34;
	v38 =	vld [tilespmem:s31+$0xFFFFFE30]  }
0x170: {  	v10 =	vmul.f32 v14, v10;
	v11 =	vmul.f32 v11, v14;
	v39 =	vld [tilespmem:s31+$0xFFFFFE40]  }
0x171: {  	v17 =	vmul.f32 v17, v14;
	v14 =	vmul.f32 v20, v14;
	v20 =	vld [tilespmem:s31+$0xFFFFFE70]  }
0x172: {  	v10 =	vadd.f32 v10, v12;
	v11 =	vadd.f32 v11, v13;
	v12 =	vmul.f32 v36, v34;
	v13 =	vld [tilespmem:s31+$0xFFFFFE80]  }
0x173: {  	v15 =	vadd.f32 v17, v15;
	v14 =	vadd.f32 v14, v16;
	v16 =	vmul.f32 v37, v34;
	v17 =	vld [tilespmem:s31+$0xFFFFFEB0]  }
0x174: {  	v10 =	vadd.f32 v32, v10;
	v11 =	vadd.f32 v33, v11;
	v32 =	vmul.f32 v38, v31;
	v33 =	vld [tilespmem:s31+$0xFFFFFEC0]  }
0x175: {  	v12 =	vadd.f32 v12, v15;
	v14 =	vadd.f32 v16, v14;
	v15 =	vmul.f32 v39, v31;
	v16 =	vld [tilespmem:s31+$0xFFFFFEF0]  }
0x176: {  	v10 =	vadd.f32 v29, v10;
	v11 =	vadd.f32 v30, v11;
	v20 =	vmul.f32 v20, v28;
	v29 =	vld [tilespmem:s31+$0xFFFFFF00]  }
0x177: {  	v12 =	vadd.f32 v32, v12;
	v14 =	vadd.f32 v15, v14;
	v13 =	vmul.f32 v13, v28;
	v15 =	vld [tilespmem:s31+$0xFFFFFF30]  }
0x178: {  	v10 =	vadd.f32 v26, v10;
	v11 =	vadd.f32 v27, v11;
	v17 =	vmul.f32 v17, v25;
	v26 =	vld [tilespmem:s31+$0xFFFFFF40]  }
0x179: {  	v12 =	vadd.f32 v20, v12;
	v13 =	vadd.f32 v13, v14;
	v14 =	vmul.f32 v33, v25;
	v25 =	vld [tilespmem:s31+$0xFFFFFF70]  }
.Ltmp4:
0x17a: {  	v20 =	vadd.f32 v23, v10;
	v11 =	vadd.f32 v24, v11;
	v16 =	vmul.f32 v16, v22;
	v10 =	vld [tilespmem:s31+$0xFFFFFF80];
	(pc) =	sbr.rel @p1 .LBB2_7-.Ltmp4, $4  }
0x17b: {  	v17 =	vadd.f32 v17, v12;
	v13 =	vadd.f32 v14, v13;
	v22 =	vmul.f32 v29, v22;
	v12 =	vld [tilespmem:s31+$0xFFFFFFB0]  }
0x17c: {  	v20 =	vadd.f32 v18, v20;
	v19 =	vadd.f32 v19, v11;
	v14 =	vmul.f32 v15, v9;
	v11 =	vld [tilespmem:s31+$0xFFFFFFC0]  }
0x17d: {  	v17 =	vadd.f32 v16, v17;
	v16 =	vadd.f32 v22, v13;
	v18 =	vmul.f32 v26, v9;
	v9 =	vld [tilespmem:s31+$0xFFFFFFF0]  }
0x17e: {  	v20 =	vadd.f32 v21, v20;
	v19 =	vadd.f32 v35, v19;
	v15 =	vmul.f32 v25, v2;
	v13 =	vld [tilespmem:s31+$0x0];
	s31 =	sadd.s32 $0x280, s31  }
0x17f: {  	_ = 	snop  }
0x180: {  	v14 =	vadd.f32 v14, v17;
	v8 =	vadd.f32 v8, v20  }
0x181: {  	v16 =	vadd.f32 v18, v16;
	v2 =	vmul.f32 v10, v2;
	v7 =	vadd.f32 v7, v19  }
0x182: {  	v10 =	vmul.f32 v12, v1;
	v12 =	vadd.f32 v15, v14;
	v6 =	vadd.f32 v6, v8  }
0x183: {  	v2 =	vadd.f32 v2, v16;
	v1 =	vmul.f32 v11, v1;
	v5 =	vadd.f32 v5, v7  }
0x184: {  	v7 =	vmul.f32 v9, v0;
	v8 =	vadd.f32 v10, v12;
	v4 =	vadd.f32 v4, v6  }
0x185: {  	v1 =	vadd.f32 v1, v2;
	v0 =	vmul.f32 v13, v0;
	v2 =	vadd.f32 v3, v5  }
0x186: {  	v3 =	vadd.f32 v7, v8;
	[tilespmem:$0x13090] =	vst v4  }
0x187: {  	v0 =	vadd.f32 v0, v1;
	[tilespmem:$0x130A0] =	vst v2  }
0x188: {  	[tilespmem:$0x130B0] =	vst v3  }
0x189: {  	s10 =	simm.s32 $0xF400;
	[tilespmem:$0x130C0] =	vst v0  }
0x18a: {  	v3 =	vld [tilespmem:s10+$0xFFFFFFD0]  }
0x18b: {  	v5 =	vld [tilespmem:s10+$0xFFFFFFE0]  }
0x18c: {  	v0 =	vld.msk [tilespmem:s12+$0x0 ss:$0x0], $0xffff  }
0x18d: {  	v6 =	vld [tilespmem:s10+$0xFFFFFF90]  }
0x18e: {  	v7 =	vld [tilespmem:s10+$0xFFFFFFA0]  }
0x18f: {  	v1 =	vld.msk [tilespmem:s12+$0xFFFFFFFF ss:$0x0], $0xffff  }
0x190: {  	v8 =	vld [tilespmem:s10+$0xFFFFFF50]  }
0x191: {  	v9 =	vld [tilespmem:s10+$0xFFFFFF60]  }
0x192: {  	v2 =	vld.msk [tilespmem:s12+$0xFFFFFFFE ss:$0x0], $0xffff  }
0x193: {  	v10 =	vld [tilespmem:s10+$0xFFFFFF10]  }
0x194: {  	v11 =	vld [tilespmem:s10+$0xFFFFFF20]  }
0x195: {  	v13 =	vld.msk [tilespmem:s12+$0xFFFFFFFD ss:$0x0], $0xffff  }
0x196: {  	v12 =	vld [tilespmem:s10+$0xFFFFFED0]  }
0x197: {  	v14 =	vld [tilespmem:s10+$0xFFFFFEE0]  }
0x198: {  	v15 =	vld.msk [tilespmem:s12+$0xFFFFFFFC ss:$0x0], $0xffff  }
0x199: {  	v16 =	vld [tilespmem:s10+$0xFFFFFE90]  }
0x19a: {  	v17 =	vld [tilespmem:s10+$0xFFFFFEA0]  }
0x19b: {  	v18 =	vld.msk [tilespmem:s12+$0xFFFFFFFB ss:$0x0], $0xffff  }
0x19c: {  	v19 =	vld [tilespmem:s10+$0xFFFFFE50]  }
0x19d: {  	v20 =	vld [tilespmem:s10+$0xFFFFFE60]  }
0x19e: {  	v21 =	vld.msk [tilespmem:s12+$0xFFFFFFFA ss:$0x0], $0xffff  }
0x19f: {  	v22 =	vld [tilespmem:s10+$0xFFFFFE10]  }
0x1a0: {  	v23 =	vld [tilespmem:s10+$0xFFFFFE20]  }
0x1a1: {  	v24 =	vld.msk [tilespmem:s12+$0xFFFFFFF9 ss:$0x0], $0xffff  }
0x1a2: {  	v25 =	vld [tilespmem:s10+$0xFFFFFDD0]  }
0x1a3: {  	v26 =	vld [tilespmem:s10+$0xFFFFFDE0]  }
0x1a4: {  	v27 =	vld.msk [tilespmem:s12+$0xFFFFFFF8 ss:$0x0], $0xffff;
	v4 =	vmul.f32 v0, v3;
	v3 =	vmul.f32 v5, v0  }
0x1a5: {  	v28 =	vld [tilespmem:s10+$0xFFFFFD90];
	v6 =	vmul.f32 v1, v6;
	v5 =	vmul.f32 v7, v1  }
0x1a6: {  	v29 =	vld [tilespmem:s10+$0xFFFFFDA0];
	v8 =	vmul.f32 v2, v8;
	v7 =	vmul.f32 v9, v2  }
0x1a7: {  	v9 =	vld.msk [tilespmem:s12+$0xFFFFFFF7 ss:$0x0], $0xffff;
	v30 =	vmul.f32 v13, v10;
	v31 =	vmul.f32 v11, v13  }
0x1a8: {  	v10 =	vld [tilespmem:s10+$0xFFFFFDB0];
	v11 =	vmul.f32 v15, v12;
	v14 =	vmul.f32 v14, v15  }
0x1a9: {  	v12 =	vld [tilespmem:s10+$0xFFFFFDC0];
	v16 =	vmul.f32 v18, v16;
	v17 =	vmul.f32 v17, v18  }
0x1aa: {  	v32 =	vld [tilespmem:s10+$0xFFFFFDF0];
	v19 =	vmul.f32 v21, v19;
	v20 =	vmul.f32 v20, v21  }
0x1ab: {  	v33 =	vld [tilespmem:s10+$0xFFFFFE00];
	v22 =	vmul.f32 v24, v22;
	v23 =	vmul.f32 v23, v24  }
0x1ac: {  	v34 =	vld [tilespmem:s10+$0xFFFFFE30];
	v25 =	vmul.f32 v27, v25;
	v26 =	vmul.f32 v26, v27  }
0x1ad: {  	v35 =	vld [tilespmem:s10+$0xFFFFFE40];
	v28 =	vmul.f32 v9, v28;
	v29 =	vmul.f32 v29, v9  }
0x1ae: {  	v36 =	vimm.f32 $0.0e+00;
	v10 =	vmul.f32 v10, v9;
	v9 =	vmul.f32 v12, v9;
	v12 =	vld [tilespmem:s10+$0xFFFFFE70]  }
0x1af: {  	v37 =	vld [tilespmem:s10+$0xFFFFFE80];
	v32 =	vmul.f32 v32, v27;
	v28 =	vadd.f32 v28, v36;
	v29 =	vadd.f32 v29, v36  }
0x1b0: {  	v57 =	vld [tilespmem:s10+$0xFFFFFEB0];
	v27 =	vmul.f32 v33, v27;
	v10 =	vadd.f32 v10, v36;
	v9 =	vadd.f32 v9, v36  }
0x1b1: {  	v59 =	vld [tilespmem:s10+$0xFFFFFEC0];
	v58 =	vmul.f32 v34, v24;
	v25 =	vadd.f32 v25, v28;
	v26 =	vadd.f32 v26, v29  }
0x1b2: {  	v60 =	vld [tilespmem:s10+$0xFFFFFEF0];
	v24 =	vmul.f32 v35, v24;
	v10 =	vadd.f32 v32, v10;
	v9 =	vadd.f32 v27, v9  }
0x1b3: {  	v61 =	vld [tilespmem:s10+$0xFFFFFF00];
	v12 =	vmul.f32 v12, v21;
	v22 =	vadd.f32 v22, v25;
	v23 =	vadd.f32 v23, v26  }
0x1b4: {  	v62 =	vld [tilespmem:s10+$0xFFFFFF30];
	v21 =	vmul.f32 v37, v21;
	v10 =	vadd.f32 v58, v10;
	v9 =	vadd.f32 v24, v9  }
0x1b5: {  	v19 =	vadd.f32 v19, v22;
	v20 =	vadd.f32 v20, v23;
	v22 =	vmul.f32 v57, v18;
	v23 =	vld [tilespmem:s10+$0xFFFFFF40]  }
0x1b6: {  	v12 =	vadd.f32 v12, v10;
	v9 =	vadd.f32 v21, v9;
	v18 =	vmul.f32 v59, v18;
	v21 =	vld [tilespmem:s10+$0xFFFFFF70]  }
0x1b7: {  	v10 =	vld [tilespmem:s10+$0xFFFFFF80];
	v16 =	vadd.f32 v16, v19;
	v17 =	vadd.f32 v17, v20;
	v19 =	vmul.f32 v60, v15  }
0x1b8: {  	v20 =	vadd.f32 v22, v12;
	v9 =	vadd.f32 v18, v9;
	v15 =	vmul.f32 v61, v15;
	v12 =	vld [tilespmem:s10+$0xFFFFFFB0]  }
0x1b9: {  	v22 =	vadd.f32 v11, v16;
	v63 =	vadd.f32 v14, v17;
	v14 =	vmul.f32 v62, v13;
	v11 =	vld [tilespmem:s10+$0xFFFFFFC0]  }
0x1ba: {  	v17 =	vadd.f32 v19, v20;
	v16 =	vadd.f32 v15, v9;
	v9 =	vld [tilespmem:s10+$0xFFFFFFF0];
	v18 =	vmul.f32 v23, v13  }
0x1bb: {  	s13 =	simm.s32 $0x0;
	s31 =	simm.s32 $0xF680;
	v15 =	vmul.f32 v21, v2;
	v13 =	vld [tilespmem:s10+$0x0];
	s10 =	smov.u32 s12;
	v20 =	vadd.f32 v30, v22;
	v19 =	vadd.f32 v31, v63  }
.LBB2_9:
0x1bc: {  	v21 =	vld [tilespmem:s31+$0xFFFFFFD0];
	v14 =	vadd.f32 v14, v17;
	v16 =	vadd.f32 v18, v16;
	v2 =	vmul.f32 v10, v2  }
0x1bd: {  	s10 =	sadd.s32 $0xA, s10;
	v10 =	vld [tilespmem:s31+$0xFFFFFFE0];
	v8 =	vadd.f32 v8, v20;
	v7 =	vadd.f32 v7, v19;
	v12 =	vmul.f32 v12, v1  }
0x1be: {  	v17 =	vld.msk [tilespmem:s10+$0x0 ss:$0x0], $0xffff;
	v14 =	vadd.f32 v15, v14;
	v2 =	vadd.f32 v2, v16;
	v1 =	vmul.f32 v11, v1  }
0x1bf: {  	v11 =	vld [tilespmem:s31+$0xFFFFFF90];
	v6 =	vadd.f32 v6, v8;
	v5 =	vadd.f32 v5, v7;
	v7 =	vmul.f32 v9, v0  }
0x1c0: {  	v8 =	vld [tilespmem:s31+$0xFFFFFFA0];
	v9 =	vadd.f32 v12, v14;
	v2 =	vadd.f32 v1, v2;
	v0 =	vmul.f32 v13, v0  }
0x1c1: {  	v1 =	vld.msk [tilespmem:s10+$0xFFFFFFFF ss:$0x0], $0xffff;
	v12 =	vadd.f32 v4, v6;
	v13 =	vadd.f32 v3, v5  }
0x1c2: {  	v14 =	vld [tilespmem:s31+$0xFFFFFF50];
	v15 =	vadd.f32 v7, v9;
	v16 =	vadd.f32 v0, v2  }
0x1c3: {  	v7 =	vld [tilespmem:s31+$0xFFFFFF60]  }
0x1c4: {  	v2 =	vld.msk [tilespmem:s10+$0xFFFFFFFE ss:$0x0], $0xffff;
	v0 =	vmov v17  }
0x1c5: {  	v17 =	vld [tilespmem:s31+$0xFFFFFF10]  }
0x1c6: {  	v18 =	vld [tilespmem:s31+$0xFFFFFF20]  }
0x1c7: {  	v9 =	vld.msk [tilespmem:s10+$0xFFFFFFFD ss:$0x0], $0xffff  }
0x1c8: {  	v19 =	vld [tilespmem:s31+$0xFFFFFED0]  }
0x1c9: {  	v20 =	vld [tilespmem:s31+$0xFFFFFEE0]  }
0x1ca: {  	v22 =	vld.msk [tilespmem:s10+$0xFFFFFFFC ss:$0x0], $0xffff  }
0x1cb: {  	v23 =	vld [tilespmem:s31+$0xFFFFFE90]  }
0x1cc: {  	v24 =	vld [tilespmem:s31+$0xFFFFFEA0]  }
0x1cd: {  	v25 =	vld.msk [tilespmem:s10+$0xFFFFFFFB ss:$0x0], $0xffff  }
0x1ce: {  	v26 =	vld [tilespmem:s31+$0xFFFFFE50]  }
0x1cf: {  	v27 =	vld [tilespmem:s31+$0xFFFFFE60]  }
0x1d0: {  	v28 =	vld.msk [tilespmem:s10+$0xFFFFFFFA ss:$0x0], $0xffff  }
0x1d1: {  	v29 =	vld [tilespmem:s31+$0xFFFFFE10]  }
0x1d2: {  	v30 =	vld [tilespmem:s31+$0xFFFFFE20]  }
0x1d3: {  	v31 =	vld.msk [tilespmem:s10+$0xFFFFFFF9 ss:$0x0], $0xffff  }
0x1d4: {  	v32 =	vld [tilespmem:s31+$0xFFFFFDD0]  }
0x1d5: {  	v33 =	vld [tilespmem:s31+$0xFFFFFDE0]  }
0x1d6: {  	v4 =	vmul.f32 v0, v21;
	v3 =	vmul.f32 v10, v0;
	v34 =	vld.msk [tilespmem:s10+$0xFFFFFFF8 ss:$0x0], $0xffff  }
0x1d7: {  	v6 =	vmul.f32 v1, v11;
	v5 =	vmul.f32 v8, v1;
	v10 =	vld [tilespmem:s31+$0xFFFFFD90]  }
0x1d8: {  	v8 =	vmul.f32 v2, v14;
	v7 =	vmul.f32 v7, v2;
	v11 =	vld [tilespmem:s31+$0xFFFFFDA0]  }
0x1d9: {  	v21 =	vmul.f32 v9, v17;
	v35 =	vmul.f32 v18, v9;
	v14 =	vld.msk [tilespmem:s10+$0xFFFFFFF7 ss:$0x0], $0xffff  }
0x1da: {  	s13 =	sadd.s32 $0xA, s13;
	v18 =	vmul.f32 v22, v19;
	v19 =	vmul.f32 v20, v22;
	v17 =	vld [tilespmem:s31+$0xFFFFFDB0]  }
0x1db: {  	p1 =	slt.u32 s13, $0x28;
	v23 =	vmul.f32 v25, v23;
	v24 =	vmul.f32 v24, v25;
	v20 =	vld [tilespmem:s31+$0xFFFFFDC0]  }
0x1dc: {  	v26 =	vmul.f32 v28, v26;
	v27 =	vmul.f32 v27, v28;
	v36 =	vld [tilespmem:s31+$0xFFFFFDF0]  }
0x1dd: {  	v29 =	vmul.f32 v31, v29;
	v30 =	vmul.f32 v30, v31;
	v37 =	vld [tilespmem:s31+$0xFFFFFE00]  }
0x1de: {  	v32 =	vmul.f32 v34, v32;
	v33 =	vmul.f32 v33, v34;
	v38 =	vld [tilespmem:s31+$0xFFFFFE30]  }
0x1df: {  	v10 =	vmul.f32 v14, v10;
	v11 =	vmul.f32 v11, v14;
	v39 =	vld [tilespmem:s31+$0xFFFFFE40]  }
0x1e0: {  	v17 =	vmul.f32 v17, v14;
	v14 =	vmul.f32 v20, v14;
	v20 =	vld [tilespmem:s31+$0xFFFFFE70]  }
0x1e1: {  	v10 =	vadd.f32 v10, v12;
	v11 =	vadd.f32 v11, v13;
	v12 =	vmul.f32 v36, v34;
	v13 =	vld [tilespmem:s31+$0xFFFFFE80]  }
0x1e2: {  	v15 =	vadd.f32 v17, v15;
	v14 =	vadd.f32 v14, v16;
	v16 =	vmul.f32 v37, v34;
	v17 =	vld [tilespmem:s31+$0xFFFFFEB0]  }
0x1e3: {  	v10 =	vadd.f32 v32, v10;
	v11 =	vadd.f32 v33, v11;
	v32 =	vmul.f32 v38, v31;
	v33 =	vld [tilespmem:s31+$0xFFFFFEC0]  }
0x1e4: {  	v12 =	vadd.f32 v12, v15;
	v14 =	vadd.f32 v16, v14;
	v15 =	vmul.f32 v39, v31;
	v16 =	vld [tilespmem:s31+$0xFFFFFEF0]  }
0x1e5: {  	v10 =	vadd.f32 v29, v10;
	v11 =	vadd.f32 v30, v11;
	v20 =	vmul.f32 v20, v28;
	v29 =	vld [tilespmem:s31+$0xFFFFFF00]  }
0x1e6: {  	v12 =	vadd.f32 v32, v12;
	v14 =	vadd.f32 v15, v14;
	v13 =	vmul.f32 v13, v28;
	v15 =	vld [tilespmem:s31+$0xFFFFFF30]  }
0x1e7: {  	v10 =	vadd.f32 v26, v10;
	v11 =	vadd.f32 v27, v11;
	v17 =	vmul.f32 v17, v25;
	v26 =	vld [tilespmem:s31+$0xFFFFFF40]  }
0x1e8: {  	v12 =	vadd.f32 v20, v12;
	v13 =	vadd.f32 v13, v14;
	v14 =	vmul.f32 v33, v25;
	v25 =	vld [tilespmem:s31+$0xFFFFFF70]  }
.Ltmp5:
0x1e9: {  	v20 =	vadd.f32 v23, v10;
	v11 =	vadd.f32 v24, v11;
	v16 =	vmul.f32 v16, v22;
	v10 =	vld [tilespmem:s31+$0xFFFFFF80];
	(pc) =	sbr.rel @p1 .LBB2_9-.Ltmp5, $4  }
0x1ea: {  	v17 =	vadd.f32 v17, v12;
	v13 =	vadd.f32 v14, v13;
	v22 =	vmul.f32 v29, v22;
	v12 =	vld [tilespmem:s31+$0xFFFFFFB0]  }
0x1eb: {  	v20 =	vadd.f32 v18, v20;
	v19 =	vadd.f32 v19, v11;
	v14 =	vmul.f32 v15, v9;
	v11 =	vld [tilespmem:s31+$0xFFFFFFC0]  }
0x1ec: {  	v17 =	vadd.f32 v16, v17;
	v16 =	vadd.f32 v22, v13;
	v18 =	vmul.f32 v26, v9;
	v9 =	vld [tilespmem:s31+$0xFFFFFFF0]  }
0x1ed: {  	v20 =	vadd.f32 v21, v20;
	v19 =	vadd.f32 v35, v19;
	v15 =	vmul.f32 v25, v2;
	v13 =	vld [tilespmem:s31+$0x0];
	s31 =	sadd.s32 $0x280, s31  }
0x1ee: {  	_ = 	snop  }
0x1ef: {  	v14 =	vadd.f32 v14, v17;
	v8 =	vadd.f32 v8, v20  }
0x1f0: {  	v16 =	vadd.f32 v18, v16;
	v2 =	vmul.f32 v10, v2;
	v7 =	vadd.f32 v7, v19  }
0x1f1: {  	v10 =	vmul.f32 v12, v1;
	v12 =	vadd.f32 v15, v14;
	v6 =	vadd.f32 v6, v8  }
0x1f2: {  	v2 =	vadd.f32 v2, v16;
	v1 =	vmul.f32 v11, v1;
	v5 =	vadd.f32 v5, v7  }
0x1f3: {  	v7 =	vmul.f32 v9, v0;
	v8 =	vadd.f32 v10, v12;
	v4 =	vadd.f32 v4, v6  }
0x1f4: {  	v1 =	vadd.f32 v1, v2;
	v0 =	vmul.f32 v13, v0;
	v2 =	vadd.f32 v3, v5  }
0x1f5: {  	s9 =	sadd.s32 s5, s9;
	v3 =	vadd.f32 v7, v8;
	[tilespmem:$0x130D0] =	vst v4  }
0x1f6: {  	s9 =	sshll.u32 s9, $0x4;
	v0 =	vadd.f32 v0, v1;
	[tilespmem:$0x130E0] =	vst v2  }
0x1f7: {  	p1 =	seq.s32 s28, $0x3F;
	s9 =	sand.u32 $0x1FFFFFD0, s9;
	[tilespmem:$0x130F0] =	vst v3  }
0x1f8: {  	s13 =	simm.s32 $0x13090;
	s10 =	smul.u32 @!p1 $0x680, s28;
	s9 =	sadd.s32 s2, s9;
	[tilespmem:$0x13100] =	vst v0  }
0x1f9: {  	[hbm4b:s9+s3] =	stream.linear.scatter [tilespmem:s13], [sflag:$0x6], $0x80, $0x38;
	[tilespmem:$0x13210] =	vst v63  }
0x1fa: {  	s9 =	sshra.s32 @!p1 s10, $0x2  }
0x1fb: {  	s10 =	simm.s32 @!p1 $0x64;
	s13 =	simm.s32 @!p1 $0xCC10;
	s9 =	sadd.s32 @!p1 $0x1A0, s9  }
0x1fc: {  	[tilespmem:s13], [sflag:$0x1] =	stream.indirect.gather @!p1 [hbm4b:s4+s10], $0x40, s9, s10, $0xb8;
	[tilespmem:$0x13210] =	vst v63  }
0x1fd: {  	_ =	swait.ge [sflag:s22], $0x1900  }
0x1fe: {  	[sflag:s22] =	ssyncset.done $0x0  }
0x1ff: {  	s9 =	simm.s32 @!p0 $0x7;
	[sflag:s22] =	ssyncadd.s32 $0xFFFFE700  }
0x200: {  	_ =	swait.ge @!p0 [sflag:s9], $0x80  }
0x201: {  	[sflag:s9] =	ssyncset.done @!p0 $0x0  }
0x202: {  	s10 =	simm.s32 $0x10080;
	[sflag:s9] =	ssyncadd.s32 @!p0 $0xFFFFFF80  }
0x203: {  	v1 =	vld [tilespmem:s10+$0xFFFFFFD0]  }
0x204: {  	v3 =	vld [tilespmem:s10+$0xFFFFFFE0]  }
0x205: {  	v0 =	vld.msk [tilespmem:s14+$0x0 ss:$0x0], $0xffff  }
0x206: {  	v4 =	vld [tilespmem:s10+$0xFFFFFF50]  }
0x207: {  	v5 =	vld [tilespmem:s10+$0xFFFFFF60]  }
0x208: {  	v6 =	vld [tilespmem:s10+$0xFFFFFF70]  }
0x209: {  	v7 =	vld [tilespmem:s10+$0xFFFFFF80]  }
0x20a: {  	v8 =	vld.msk [tilespmem:s14+$0xFFFFFFFE ss:$0x0], $0xffff  }
0x20b: {  	v9 =	vld [tilespmem:s10+$0xFFFFFF10]  }
0x20c: {  	v10 =	vld [tilespmem:s10+$0xFFFFFED0]  }
0x20d: {  	v11 =	vld [tilespmem:s10+$0xFFFFFEE0]  }
0x20e: {  	v12 =	vld [tilespmem:s10+$0xFFFFFEF0]  }
0x20f: {  	v13 =	vld [tilespmem:s10+$0xFFFFFF00]  }
0x210: {  	v14 =	vld.msk [tilespmem:s14+$0xFFFFFFFC ss:$0x0], $0xffff  }
0x211: {  	v15 =	vld [tilespmem:s10+$0xFFFFFE90]  }
0x212: {  	v16 =	vld [tilespmem:s10+$0xFFFFFE50]  }
0x213: {  	v17 =	vld [tilespmem:s10+$0xFFFFFE60]  }
0x214: {  	v18 =	vld [tilespmem:s10+$0xFFFFFE70]  }
0x215: {  	v19 =	vld [tilespmem:s10+$0xFFFFFE80]  }
0x216: {  	v20 =	vld.msk [tilespmem:s14+$0xFFFFFFFA ss:$0x0], $0xffff  }
0x217: {  	v21 =	vld [tilespmem:s10+$0xFFFFFE10]  }
0x218: {  	v22 =	vld [tilespmem:s10+$0xFFFFFDD0]  }
0x219: {  	v23 =	vld [tilespmem:s10+$0xFFFFFDE0]  }
0x21a: {  	v24 =	vld [tilespmem:s10+$0xFFFFFDF0]  }
0x21b: {  	v25 =	vld [tilespmem:s10+$0xFFFFFE00]  }
0x21c: {  	v26 =	vld.msk [tilespmem:s14+$0xFFFFFFF8 ss:$0x0], $0xffff  }
0x21d: {  	s18 =	sadd.s32 $0xFFFFFFF6, s8;
	v27 =	vld [tilespmem:s10+$0xFFFFFD90];
	v2 =	vmul.f32 v0, v1;
	v1 =	vmul.f32 v3, v0  }
0x21e: {  	s23 =	sadd.s32 $0xD2, s18;
	s9 =	simm.s32 $0x0;
	v28 =	vld [tilespmem:s10+$0xFFFFFDA0];
	v4 =	vmul.f32 v8, v4;
	v3 =	vmul.f32 v5, v8  }
0x21f: {  	s19 =	sand.u32 $0xFFF8, s23;
	s13 =	sand.u32 $0x6, s9;
	v29 =	vld [tilespmem:s10+$0xFFFFFDB0];
	v6 =	vmul.f32 v6, v8;
	v5 =	vmul.f32 v7, v8  }
0x220: {  	s21 =	simm.s32 $0x2;
	s23 =	sadd.s32 $0xD4, s18;
	v54 =	vld [tilespmem:s10+$0xFFFFFE30];
	s19 =	sor.u32 s13, s19;
	v30 =	vmul.f32 v14, v10;
	v11 =	vmul.f32 v11, v14  }
0x221: {  	s21 =	sand.u32 $0x6, s21;
	s26 =	sand.u32 $0xFFF8, s23;
	v7 =	vld.msk [tilespmem:s19+$0x6800 ss:$0x0], $0xffff;
	v12 =	vmul.f32 v12, v14;
	v13 =	vmul.f32 v13, v14  }
0x222: {  	v8 =	vld [tilespmem:s10+$0xFFFFFDC0];
	s19 =	sor.u32 s21, s26;
	v14 =	vmul.f32 v20, v16;
	v16 =	vmul.f32 v17, v20  }
0x223: {  	v18 =	vmul.f32 v18, v20;
	v19 =	vmul.f32 v19, v20;
	v10 =	vld.msk [tilespmem:s19+$0x6800 ss:$0x0], $0xffff  }
0x224: {  	s23 =	simm.s32 $0x4;
	v17 =	vld [tilespmem:s10+$0xFFFFFE20];
	s26 =	sadd.s32 $0xD6, s18;
	v20 =	vmul.f32 v26, v22;
	v53 =	vmul.f32 v23, v26  }
0x225: {  	v55 =	vld [tilespmem:s10+$0xFFFFFE40];
	v24 =	vmul.f32 v24, v26;
	v25 =	vmul.f32 v25, v26;
	s21 =	sand.u32 $0xFFF8, s26;
	s19 =	sand.u32 $0x6, s23  }
0x226: {  	v33 =	vld [tilespmem:s10+$0xFFFFFEB0];
	s19 =	sor.u32 s19, s21;
	v27 =	vmul.f32 v7, v27;
	v28 =	vmul.f32 v28, v7  }
0x227: {  	v32 =	vimm.f32 $0.0e+00;
	v31 =	vld.msk [tilespmem:s19+$0x6800 ss:$0x0], $0xffff;
	v29 =	vmul.f32 v29, v7;
	v7 =	vmul.f32 v8, v7  }
0x228: {  	s23 =	simm.s32 $0x6;
	s26 =	sadd.s32 $0xD8, s18;
	v8 =	vld [tilespmem:s10+$0xFFFFFEA0];
	v21 =	vmul.f32 v10, v21;
	v27 =	vadd.f32 v27, v32;
	v28 =	vadd.f32 v28, v32  }
0x229: {  	v56 =	vld [tilespmem:s10+$0xFFFFFEC0];
	s21 =	sand.u32 $0xFFF8, s26;
	s19 =	sand.u32 $0x6, s23;
	v17 =	vmul.f32 v17, v10;
	v29 =	vadd.f32 v29, v32;
	v7 =	vadd.f32 v7, v32  }
0x22a: {  	v58 =	vld [tilespmem:s10+$0xFFFFFF20];
	s19 =	sor.u32 s19, s21;
	v23 =	vmul.f32 v54, v10;
	v20 =	vadd.f32 v20, v27;
	v22 =	vadd.f32 v53, v28  }
0x22b: {  	v57 =	vld.msk [tilespmem:s19+$0x6800 ss:$0x0], $0xffff;
	v10 =	vmul.f32 v55, v10;
	v24 =	vadd.f32 v24, v29;
	v7 =	vadd.f32 v25, v7  }
0x22c: {  	v59 =	vld [tilespmem:s10+$0xFFFFFF30];
	s18 =	sadd.s32 $0xDA, s18;
	v15 =	vmul.f32 v31, v15;
	v20 =	vadd.f32 v21, v20;
	v17 =	vadd.f32 v17, v22  }
0x22d: {  	v61 =	vld [tilespmem:s10+$0xFFFFFF40];
	s18 =	sand.u32 $0xFFF8, s18;
	v60 =	vadd.f32 v23, v24;
	v7 =	vadd.f32 v10, v7;
	v10 =	vmul.f32 v8, v31  }
0x22e: {  	v62 =	vld [tilespmem:s10+$0xFFFFFF90];
	s13 =	sor.u32 s13, s18;
	v14 =	vadd.f32 v14, v20;
	v16 =	vadd.f32 v16, v17;
	v17 =	vmul.f32 v33, v31  }
0x22f: {  	v8 =	vld.msk [tilespmem:s13+$0x6800 ss:$0x0], $0xffff;
	v18 =	vadd.f32 v18, v60;
	v19 =	vadd.f32 v19, v7;
	v20 =	vmul.f32 v56, v31  }
0x230: {  	v63 =	vmul.f32 v57, v9;
	v7 =	vld [tilespmem:s10+$0xFFFFFFA0];
	v14 =	vadd.f32 v15, v14;
	v15 =	vadd.f32 v10, v16  }
0x231: {  	v16 =	vadd.f32 v17, v18;
	v17 =	vadd.f32 v20, v19;
	v18 =	vmul.f32 v58, v57;
	v10 =	vld [tilespmem:s10+$0xFFFFFFB0]  }
0x232: {  	v9 =	vld [tilespmem:s10+$0xFFFFFFC0];
	v19 =	vadd.f32 v30, v14;
	v20 =	vadd.f32 v11, v15;
	v14 =	vmul.f32 v59, v57  }
0x233: {  	v16 =	vadd.f32 v12, v16;
	v15 =	vadd.f32 v13, v17;
	v17 =	vmul.f32 v61, v57;
	v11 =	vld [tilespmem:s10+$0xFFFFFFF0]  }
0x234: {  	s30 =	sor.u32 $0x2, s30;
	s31 =	simm.s32 $0x10300;
	s13 =	smov.u32 s14;
	v13 =	vmul.f32 v8, v62;
	v12 =	vld [tilespmem:s10+$0x0];
	v19 =	vadd.f32 v63, v19;
	v18 =	vadd.f32 v18, v20  }
.LBB2_11:
0x235: {  	v20 =	vld [tilespmem:s31+$0xFFFFFFD0];
	v14 =	vadd.f32 v14, v16;
	v15 =	vadd.f32 v17, v15;
	v7 =	vmul.f32 v7, v8;
	s10 =	smov.u32 s9  }
0x236: {  	s13 =	sadd.s32 $0xA, s13;
	v16 =	vld [tilespmem:s31+$0xFFFFFFE0];
	v4 =	vadd.f32 v4, v19;
	v3 =	vadd.f32 v3, v18;
	v10 =	vmul.f32 v10, v8  }
0x237: {  	v17 =	vld.msk [tilespmem:s13+$0x0 ss:$0x0], $0xffff;
	v6 =	vadd.f32 v6, v14;
	v5 =	vadd.f32 v5, v15;
	v8 =	vmul.f32 v9, v8  }
0x238: {  	v9 =	vld [tilespmem:s31+$0xFFFFFF50];
	v4 =	vadd.f32 v13, v4;
	v3 =	vadd.f32 v7, v3;
	v7 =	vmul.f32 v11, v0  }
0x239: {  	v11 =	vld [tilespmem:s31+$0xFFFFFF60];
	v6 =	vadd.f32 v10, v6;
	v5 =	vadd.f32 v8, v5;
	v0 =	vmul.f32 v12, v0  }
0x23a: {  	v8 =	vld [tilespmem:s31+$0xFFFFFF70];
	v10 =	vadd.f32 v2, v4;
	v12 =	vadd.f32 v1, v3  }
0x23b: {  	v13 =	vld [tilespmem:s31+$0xFFFFFF80];
	v14 =	vadd.f32 v7, v6;
	v15 =	vadd.f32 v0, v5  }
0x23c: {  	v5 =	vld.msk [tilespmem:s13+$0xFFFFFFFE ss:$0x0], $0xffff  }
0x23d: {  	v7 =	vld [tilespmem:s31+$0xFFFFFF10];
	v0 =	vmov v17  }
0x23e: {  	v17 =	vld [tilespmem:s31+$0xFFFFFED0]  }
0x23f: {  	v18 =	vld [tilespmem:s31+$0xFFFFFEE0]  }
0x240: {  	v19 =	vld [tilespmem:s31+$0xFFFFFEF0]  }
0x241: {  	v21 =	vld [tilespmem:s31+$0xFFFFFF00]  }
0x242: {  	v22 =	vld.msk [tilespmem:s13+$0xFFFFFFFC ss:$0x0], $0xffff  }
0x243: {  	v23 =	vld [tilespmem:s31+$0xFFFFFE90]  }
0x244: {  	v24 =	vld [tilespmem:s31+$0xFFFFFE50]  }
0x245: {  	v25 =	vld [tilespmem:s31+$0xFFFFFE60]  }
0x246: {  	v26 =	vld [tilespmem:s31+$0xFFFFFE70]  }
0x247: {  	v27 =	vld [tilespmem:s31+$0xFFFFFE80]  }
0x248: {  	v28 =	vld.msk [tilespmem:s13+$0xFFFFFFFA ss:$0x0], $0xffff  }
0x249: {  	v29 =	vld [tilespmem:s31+$0xFFFFFE10]  }
0x24a: {  	v30 =	vld [tilespmem:s31+$0xFFFFFDD0]  }
0x24b: {  	v31 =	vld [tilespmem:s31+$0xFFFFFDE0]  }
0x24c: {  	v32 =	vld [tilespmem:s31+$0xFFFFFDF0]  }
0x24d: {  	v33 =	vld [tilespmem:s31+$0xFFFFFE00]  }
0x24e: {  	s19 =	sadd.s32 s9, s8;
	v34 =	vld.msk [tilespmem:s13+$0xFFFFFFF8 ss:$0x0], $0xffff  }
0x24f: {  	s9 =	sadd.s32 $0xA, s9;
	s18 =	sadd.s32 $0xD2, s19;
	v2 =	vmul.f32 v0, v20;
	v1 =	vmul.f32 v16, v0;
	v35 =	vld [tilespmem:s31+$0xFFFFFD90]  }
0x250: {  	p2 =	slt.u32 s9, $0x28;
	s21 =	sand.u32 $0xFFF8, s18;
	s18 =	sand.u32 $0x6, s9;
	v4 =	vmul.f32 v5, v9;
	v3 =	vmul.f32 v11, v5;
	v16 =	vld [tilespmem:s31+$0xFFFFFDA0]  }
0x251: {  	s23 =	sadd.s32 $0xC, s10;
	s26 =	sadd.s32 $0xD4, s19;
	s21 =	sor.u32 s18, s21;
	v6 =	vmul.f32 v8, v5;
	v5 =	vmul.f32 v13, v5;
	v9 =	vld [tilespmem:s31+$0xFFFFFDB0]  }
0x252: {  	s23 =	sand.u32 $0x6, s23;
	v11 =	vmul.f32 v22, v17;
	v13 =	vmul.f32 v18, v22;
	v8 =	vld.msk [tilespmem:s21+$0x6800 ss:$0x0], $0xffff;
	s21 =	sand.u32 $0xFFF8, s26  }
0x253: {  	v18 =	vmul.f32 v19, v22;
	v19 =	vmul.f32 v21, v22;
	v17 =	vld [tilespmem:s31+$0xFFFFFDC0];
	s21 =	sor.u32 s23, s21  }
0x254: {  	v21 =	vmul.f32 v28, v24;
	v22 =	vmul.f32 v25, v28;
	v20 =	vld.msk [tilespmem:s21+$0x6800 ss:$0x0], $0xffff  }
0x255: {  	v25 =	vmul.f32 v26, v28;
	v26 =	vmul.f32 v27, v28;
	s23 =	sadd.s32 $0xD6, s19;
	s21 =	sadd.s32 $0xE, s10;
	v24 =	vld [tilespmem:s31+$0xFFFFFE20]  }
0x256: {  	v27 =	vmul.f32 v34, v30;
	v28 =	vmul.f32 v31, v34;
	s23 =	sand.u32 $0xFFF8, s23;
	s21 =	sand.u32 $0x6, s21;
	v30 =	vld [tilespmem:s31+$0xFFFFFE30]  }
0x257: {  	v31 =	vmul.f32 v32, v34;
	v32 =	vmul.f32 v33, v34;
	s21 =	sor.u32 s21, s23;
	v33 =	vld [tilespmem:s31+$0xFFFFFE40]  }
0x258: {  	v34 =	vmul.f32 v8, v35;
	v16 =	vmul.f32 v16, v8;
	v35 =	vld.msk [tilespmem:s21+$0x6800 ss:$0x0], $0xffff  }
0x259: {  	s10 =	sadd.s32 $0x10, s10;
	v9 =	vmul.f32 v9, v8;
	v8 =	vmul.f32 v17, v8;
	s21 =	sadd.s32 $0xD8, s19;
	v17 =	vld [tilespmem:s31+$0xFFFFFEA0]  }
0x25a: {  	s10 =	sand.u32 $0x6, s10;
	v10 =	vadd.f32 v34, v10;
	v12 =	vadd.f32 v16, v12;
	v16 =	vmul.f32 v20, v29;
	s21 =	sand.u32 $0xFFF8, s21;
	v29 =	vld [tilespmem:s31+$0xFFFFFEB0]  }
0x25b: {  	v9 =	vadd.f32 v9, v14;
	v8 =	vadd.f32 v8, v15;
	v14 =	vmul.f32 v24, v20;
	s10 =	sor.u32 s10, s21;
	v15 =	vld [tilespmem:s31+$0xFFFFFEC0]  }
0x25c: {  	v10 =	vadd.f32 v27, v10;
	v12 =	vadd.f32 v28, v12;
	v24 =	vmul.f32 v30, v20;
	v27 =	vld.msk [tilespmem:s10+$0x6800 ss:$0x0], $0xffff  }
0x25d: {  	v9 =	vadd.f32 v31, v9;
	v8 =	vadd.f32 v32, v8;
	v20 =	vmul.f32 v33, v20;
	s10 =	sadd.s32 $0xDA, s19;
	v28 =	vld [tilespmem:s31+$0xFFFFFF20]  }
0x25e: {  	v10 =	vadd.f32 v16, v10;
	v12 =	vadd.f32 v14, v12;
	v14 =	vmul.f32 v35, v23;
	s10 =	sand.u32 $0xFFF8, s10;
	v16 =	vld [tilespmem:s31+$0xFFFFFF30]  }
0x25f: {  	v9 =	vadd.f32 v24, v9;
	v20 =	vadd.f32 v20, v8;
	v17 =	vmul.f32 v17, v35;
	s10 =	sor.u32 s18, s10;
	v23 =	vld [tilespmem:s31+$0xFFFFFF40]  }
0x260: {  	v10 =	vadd.f32 v21, v10;
	v12 =	vadd.f32 v22, v12;
	v21 =	vmul.f32 v29, v35;
	v8 =	vld.msk [tilespmem:s10+$0x6800 ss:$0x0], $0xffff  }
0x261: {  	v9 =	vadd.f32 v25, v9;
	v20 =	vadd.f32 v26, v20;
	v15 =	vmul.f32 v15, v35;
	v22 =	vld [tilespmem:s31+$0xFFFFFF90]  }
.Ltmp6:
0x262: {  	v14 =	vadd.f32 v14, v10;
	v12 =	vadd.f32 v17, v12;
	v24 =	vmul.f32 v27, v7;
	v7 =	vld [tilespmem:s31+$0xFFFFFFA0];
	(pc) =	sbr.rel @p2 .LBB2_11-.Ltmp6, $4  }
0x263: {  	v17 =	vadd.f32 v21, v9;
	v15 =	vadd.f32 v15, v20;
	v20 =	vmul.f32 v28, v27;
	v10 =	vld [tilespmem:s31+$0xFFFFFFB0]  }
0x264: {  	v21 =	vadd.f32 v11, v14;
	v12 =	vadd.f32 v13, v12;
	v14 =	vmul.f32 v16, v27;
	v9 =	vld [tilespmem:s31+$0xFFFFFFC0]  }
0x265: {  	v16 =	vadd.f32 v18, v17;
	v15 =	vadd.f32 v19, v15;
	v17 =	vmul.f32 v23, v27;
	v11 =	vld [tilespmem:s31+$0xFFFFFFF0]  }
0x266: {  	v19 =	vadd.f32 v24, v21;
	v18 =	vadd.f32 v20, v12;
	v13 =	vmul.f32 v8, v22;
	v12 =	vld [tilespmem:s31+$0x0];
	s31 =	sadd.s32 $0x280, s31  }
0x267: {  	_ = 	snop  }
0x268: {  	v14 =	vadd.f32 v14, v16;
	v4 =	vadd.f32 v4, v19  }
0x269: {  	v15 =	vadd.f32 v17, v15;
	v7 =	vmul.f32 v7, v8;
	v3 =	vadd.f32 v3, v18  }
0x26a: {  	v10 =	vmul.f32 v10, v8;
	v6 =	vadd.f32 v6, v14;
	v4 =	vadd.f32 v13, v4  }
0x26b: {  	v5 =	vadd.f32 v5, v15;
	v8 =	vmul.f32 v9, v8;
	v3 =	vadd.f32 v7, v3  }
0x26c: {  	v7 =	vmul.f32 v11, v0;
	v6 =	vadd.f32 v10, v6;
	v2 =	vadd.f32 v2, v4  }
0x26d: {  	v0 =	vmul.f32 v12, v0;
	v4 =	vadd.f32 v8, v5;
	v1 =	vadd.f32 v1, v3  }
0x26e: {  	v3 =	vadd.f32 v7, v6;
	[tilespmem:$0x13110] =	vst v2  }
0x26f: {  	v0 =	vadd.f32 v0, v4;
	[tilespmem:$0x13120] =	vst v1  }
0x270: {  	[tilespmem:$0x13130] =	vst v3  }
0x271: {  	s10 =	simm.s32 $0x10D00;
	[tilespmem:$0x13140] =	vst v0  }
0x272: {  	v3 =	vld [tilespmem:s10+$0xFFFFFFD0]  }
0x273: {  	v5 =	vld [tilespmem:s10+$0xFFFFFFE0]  }
0x274: {  	v0 =	vld.msk [tilespmem:s15+$0x0 ss:$0x0], $0xffff  }
0x275: {  	v6 =	vld [tilespmem:s10+$0xFFFFFF90]  }
0x276: {  	v7 =	vld [tilespmem:s10+$0xFFFFFFA0]  }
0x277: {  	v1 =	vld.msk [tilespmem:s15+$0xFFFFFFFF ss:$0x0], $0xffff  }
0x278: {  	v8 =	vld [tilespmem:s10+$0xFFFFFF50]  }
0x279: {  	v9 =	vld [tilespmem:s10+$0xFFFFFF60]  }
0x27a: {  	v2 =	vld.msk [tilespmem:s15+$0xFFFFFFFE ss:$0x0], $0xffff  }
0x27b: {  	v10 =	vld [tilespmem:s10+$0xFFFFFF10]  }
0x27c: {  	v11 =	vld [tilespmem:s10+$0xFFFFFF20]  }
0x27d: {  	v13 =	vld.msk [tilespmem:s15+$0xFFFFFFFD ss:$0x0], $0xffff  }
0x27e: {  	v12 =	vld [tilespmem:s10+$0xFFFFFED0]  }
0x27f: {  	v14 =	vld [tilespmem:s10+$0xFFFFFEE0]  }
0x280: {  	v15 =	vld.msk [tilespmem:s15+$0xFFFFFFFC ss:$0x0], $0xffff  }
0x281: {  	v16 =	vld [tilespmem:s10+$0xFFFFFE90]  }
0x282: {  	v17 =	vld [tilespmem:s10+$0xFFFFFEA0]  }
0x283: {  	v18 =	vld.msk [tilespmem:s15+$0xFFFFFFFB ss:$0x0], $0xffff  }
0x284: {  	v19 =	vld [tilespmem:s10+$0xFFFFFE50]  }
0x285: {  	v20 =	vld [tilespmem:s10+$0xFFFFFE60]  }
0x286: {  	v21 =	vld.msk [tilespmem:s15+$0xFFFFFFFA ss:$0x0], $0xffff  }
0x287: {  	v22 =	vld [tilespmem:s10+$0xFFFFFE10]  }
0x288: {  	v23 =	vld [tilespmem:s10+$0xFFFFFE20]  }
0x289: {  	v24 =	vld.msk [tilespmem:s15+$0xFFFFFFF9 ss:$0x0], $0xffff  }
0x28a: {  	v25 =	vld [tilespmem:s10+$0xFFFFFDD0]  }
0x28b: {  	v26 =	vld [tilespmem:s10+$0xFFFFFDE0]  }
0x28c: {  	v27 =	vld.msk [tilespmem:s15+$0xFFFFFFF8 ss:$0x0], $0xffff;
	v4 =	vmul.f32 v0, v3;
	v3 =	vmul.f32 v5, v0  }
0x28d: {  	v28 =	vld [tilespmem:s10+$0xFFFFFD90];
	v6 =	vmul.f32 v1, v6;
	v5 =	vmul.f32 v7, v1  }
0x28e: {  	v29 =	vld [tilespmem:s10+$0xFFFFFDA0];
	v8 =	vmul.f32 v2, v8;
	v7 =	vmul.f32 v9, v2  }
0x28f: {  	v9 =	vld.msk [tilespmem:s15+$0xFFFFFFF7 ss:$0x0], $0xffff;
	v30 =	vmul.f32 v13, v10;
	v31 =	vmul.f32 v11, v13  }
0x290: {  	v10 =	vld [tilespmem:s10+$0xFFFFFDB0];
	v11 =	vmul.f32 v15, v12;
	v14 =	vmul.f32 v14, v15  }
0x291: {  	v12 =	vld [tilespmem:s10+$0xFFFFFDC0];
	v16 =	vmul.f32 v18, v16;
	v17 =	vmul.f32 v17, v18  }
0x292: {  	v32 =	vld [tilespmem:s10+$0xFFFFFDF0];
	v19 =	vmul.f32 v21, v19;
	v20 =	vmul.f32 v20, v21  }
0x293: {  	v33 =	vld [tilespmem:s10+$0xFFFFFE00];
	v22 =	vmul.f32 v24, v22;
	v23 =	vmul.f32 v23, v24  }
0x294: {  	v34 =	vld [tilespmem:s10+$0xFFFFFE30];
	v25 =	vmul.f32 v27, v25;
	v26 =	vmul.f32 v26, v27  }
0x295: {  	v35 =	vld [tilespmem:s10+$0xFFFFFE40];
	v28 =	vmul.f32 v9, v28;
	v29 =	vmul.f32 v29, v9  }
0x296: {  	v36 =	vimm.f32 $0.0e+00;
	v10 =	vmul.f32 v10, v9;
	v9 =	vmul.f32 v12, v9;
	v12 =	vld [tilespmem:s10+$0xFFFFFE70]  }
0x297: {  	v37 =	vld [tilespmem:s10+$0xFFFFFE80];
	v32 =	vmul.f32 v32, v27;
	v28 =	vadd.f32 v28, v36;
	v29 =	vadd.f32 v29, v36  }
0x298: {  	v57 =	vld [tilespmem:s10+$0xFFFFFEB0];
	v27 =	vmul.f32 v33, v27;
	v10 =	vadd.f32 v10, v36;
	v9 =	vadd.f32 v9, v36  }
0x299: {  	v59 =	vld [tilespmem:s10+$0xFFFFFEC0];
	v58 =	vmul.f32 v34, v24;
	v25 =	vadd.f32 v25, v28;
	v26 =	vadd.f32 v26, v29  }
0x29a: {  	v60 =	vld [tilespmem:s10+$0xFFFFFEF0];
	v24 =	vmul.f32 v35, v24;
	v10 =	vadd.f32 v32, v10;
	v9 =	vadd.f32 v27, v9  }
0x29b: {  	v61 =	vld [tilespmem:s10+$0xFFFFFF00];
	v12 =	vmul.f32 v12, v21;
	v22 =	vadd.f32 v22, v25;
	v23 =	vadd.f32 v23, v26  }
0x29c: {  	v62 =	vld [tilespmem:s10+$0xFFFFFF30];
	v21 =	vmul.f32 v37, v21;
	v10 =	vadd.f32 v58, v10;
	v9 =	vadd.f32 v24, v9  }
0x29d: {  	v19 =	vadd.f32 v19, v22;
	v20 =	vadd.f32 v20, v23;
	v22 =	vmul.f32 v57, v18;
	v23 =	vld [tilespmem:s10+$0xFFFFFF40]  }
0x29e: {  	v12 =	vadd.f32 v12, v10;
	v9 =	vadd.f32 v21, v9;
	v18 =	vmul.f32 v59, v18;
	v21 =	vld [tilespmem:s10+$0xFFFFFF70]  }
0x29f: {  	v10 =	vld [tilespmem:s10+$0xFFFFFF80];
	v16 =	vadd.f32 v16, v19;
	v17 =	vadd.f32 v17, v20;
	v19 =	vmul.f32 v60, v15  }
0x2a0: {  	v20 =	vadd.f32 v22, v12;
	v9 =	vadd.f32 v18, v9;
	v15 =	vmul.f32 v61, v15;
	v12 =	vld [tilespmem:s10+$0xFFFFFFB0]  }
0x2a1: {  	v22 =	vadd.f32 v11, v16;
	v63 =	vadd.f32 v14, v17;
	v14 =	vmul.f32 v62, v13;
	v11 =	vld [tilespmem:s10+$0xFFFFFFC0]  }
0x2a2: {  	v17 =	vadd.f32 v19, v20;
	v16 =	vadd.f32 v15, v9;
	v9 =	vld [tilespmem:s10+$0xFFFFFFF0];
	v18 =	vmul.f32 v23, v13  }
0x2a3: {  	s9 =	simm.s32 $0x0;
	s13 =	simm.s32 $0x10F80;
	v15 =	vmul.f32 v21, v2;
	v13 =	vld [tilespmem:s10+$0x0];
	s10 =	smov.u32 s15;
	v20 =	vadd.f32 v30, v22;
	v19 =	vadd.f32 v31, v63  }
.LBB2_13:
0x2a4: {  	v21 =	vld [tilespmem:s13+$0xFFFFFFD0];
	v14 =	vadd.f32 v14, v17;
	v16 =	vadd.f32 v18, v16;
	v2 =	vmul.f32 v10, v2  }
0x2a5: {  	s10 =	sadd.s32 $0xA, s10;
	v10 =	vld [tilespmem:s13+$0xFFFFFFE0];
	v8 =	vadd.f32 v8, v20;
	v7 =	vadd.f32 v7, v19;
	v12 =	vmul.f32 v12, v1  }
0x2a6: {  	v17 =	vld.msk [tilespmem:s10+$0x0 ss:$0x0], $0xffff;
	v14 =	vadd.f32 v15, v14;
	v2 =	vadd.f32 v2, v16;
	v1 =	vmul.f32 v11, v1  }
0x2a7: {  	v11 =	vld [tilespmem:s13+$0xFFFFFF90];
	v6 =	vadd.f32 v6, v8;
	v5 =	vadd.f32 v5, v7;
	v7 =	vmul.f32 v9, v0  }
0x2a8: {  	v8 =	vld [tilespmem:s13+$0xFFFFFFA0];
	v9 =	vadd.f32 v12, v14;
	v2 =	vadd.f32 v1, v2;
	v0 =	vmul.f32 v13, v0  }
0x2a9: {  	v1 =	vld.msk [tilespmem:s10+$0xFFFFFFFF ss:$0x0], $0xffff;
	v12 =	vadd.f32 v4, v6;
	v13 =	vadd.f32 v3, v5  }
0x2aa: {  	v14 =	vld [tilespmem:s13+$0xFFFFFF50];
	v15 =	vadd.f32 v7, v9;
	v16 =	vadd.f32 v0, v2  }
0x2ab: {  	v7 =	vld [tilespmem:s13+$0xFFFFFF60]  }
0x2ac: {  	v2 =	vld.msk [tilespmem:s10+$0xFFFFFFFE ss:$0x0], $0xffff;
	v0 =	vmov v17  }
0x2ad: {  	v17 =	vld [tilespmem:s13+$0xFFFFFF10]  }
0x2ae: {  	v18 =	vld [tilespmem:s13+$0xFFFFFF20]  }
0x2af: {  	v9 =	vld.msk [tilespmem:s10+$0xFFFFFFFD ss:$0x0], $0xffff  }
0x2b0: {  	v19 =	vld [tilespmem:s13+$0xFFFFFED0]  }
0x2b1: {  	v20 =	vld [tilespmem:s13+$0xFFFFFEE0]  }
0x2b2: {  	v22 =	vld.msk [tilespmem:s10+$0xFFFFFFFC ss:$0x0], $0xffff  }
0x2b3: {  	v23 =	vld [tilespmem:s13+$0xFFFFFE90]  }
0x2b4: {  	v24 =	vld [tilespmem:s13+$0xFFFFFEA0]  }
0x2b5: {  	v25 =	vld.msk [tilespmem:s10+$0xFFFFFFFB ss:$0x0], $0xffff  }
0x2b6: {  	v26 =	vld [tilespmem:s13+$0xFFFFFE50]  }
0x2b7: {  	v27 =	vld [tilespmem:s13+$0xFFFFFE60]  }
0x2b8: {  	v28 =	vld.msk [tilespmem:s10+$0xFFFFFFFA ss:$0x0], $0xffff  }
0x2b9: {  	v29 =	vld [tilespmem:s13+$0xFFFFFE10]  }
0x2ba: {  	v30 =	vld [tilespmem:s13+$0xFFFFFE20]  }
0x2bb: {  	v31 =	vld.msk [tilespmem:s10+$0xFFFFFFF9 ss:$0x0], $0xffff  }
0x2bc: {  	v32 =	vld [tilespmem:s13+$0xFFFFFDD0]  }
0x2bd: {  	v33 =	vld [tilespmem:s13+$0xFFFFFDE0]  }
0x2be: {  	v4 =	vmul.f32 v0, v21;
	v3 =	vmul.f32 v10, v0;
	v34 =	vld.msk [tilespmem:s10+$0xFFFFFFF8 ss:$0x0], $0xffff  }
0x2bf: {  	v6 =	vmul.f32 v1, v11;
	v5 =	vmul.f32 v8, v1;
	v10 =	vld [tilespmem:s13+$0xFFFFFD90]  }
0x2c0: {  	v8 =	vmul.f32 v2, v14;
	v7 =	vmul.f32 v7, v2;
	v11 =	vld [tilespmem:s13+$0xFFFFFDA0]  }
0x2c1: {  	v21 =	vmul.f32 v9, v17;
	v35 =	vmul.f32 v18, v9;
	v14 =	vld.msk [tilespmem:s10+$0xFFFFFFF7 ss:$0x0], $0xffff  }
0x2c2: {  	s9 =	sadd.s32 $0xA, s9;
	v18 =	vmul.f32 v22, v19;
	v19 =	vmul.f32 v20, v22;
	v17 =	vld [tilespmem:s13+$0xFFFFFDB0]  }
0x2c3: {  	p2 =	slt.u32 s9, $0x28;
	v23 =	vmul.f32 v25, v23;
	v24 =	vmul.f32 v24, v25;
	v20 =	vld [tilespmem:s13+$0xFFFFFDC0]  }
0x2c4: {  	v26 =	vmul.f32 v28, v26;
	v27 =	vmul.f32 v27, v28;
	v36 =	vld [tilespmem:s13+$0xFFFFFDF0]  }
0x2c5: {  	v29 =	vmul.f32 v31, v29;
	v30 =	vmul.f32 v30, v31;
	v37 =	vld [tilespmem:s13+$0xFFFFFE00]  }
0x2c6: {  	v32 =	vmul.f32 v34, v32;
	v33 =	vmul.f32 v33, v34;
	v38 =	vld [tilespmem:s13+$0xFFFFFE30]  }
0x2c7: {  	v10 =	vmul.f32 v14, v10;
	v11 =	vmul.f32 v11, v14;
	v39 =	vld [tilespmem:s13+$0xFFFFFE40]  }
0x2c8: {  	v17 =	vmul.f32 v17, v14;
	v14 =	vmul.f32 v20, v14;
	v20 =	vld [tilespmem:s13+$0xFFFFFE70]  }
0x2c9: {  	v10 =	vadd.f32 v10, v12;
	v11 =	vadd.f32 v11, v13;
	v12 =	vmul.f32 v36, v34;
	v13 =	vld [tilespmem:s13+$0xFFFFFE80]  }
0x2ca: {  	v15 =	vadd.f32 v17, v15;
	v14 =	vadd.f32 v14, v16;
	v16 =	vmul.f32 v37, v34;
	v17 =	vld [tilespmem:s13+$0xFFFFFEB0]  }
0x2cb: {  	v10 =	vadd.f32 v32, v10;
	v11 =	vadd.f32 v33, v11;
	v32 =	vmul.f32 v38, v31;
	v33 =	vld [tilespmem:s13+$0xFFFFFEC0]  }
0x2cc: {  	v12 =	vadd.f32 v12, v15;
	v14 =	vadd.f32 v16, v14;
	v15 =	vmul.f32 v39, v31;
	v16 =	vld [tilespmem:s13+$0xFFFFFEF0]  }
0x2cd: {  	v10 =	vadd.f32 v29, v10;
	v11 =	vadd.f32 v30, v11;
	v20 =	vmul.f32 v20, v28;
	v29 =	vld [tilespmem:s13+$0xFFFFFF00]  }
0x2ce: {  	v12 =	vadd.f32 v32, v12;
	v14 =	vadd.f32 v15, v14;
	v13 =	vmul.f32 v13, v28;
	v15 =	vld [tilespmem:s13+$0xFFFFFF30]  }
0x2cf: {  	v10 =	vadd.f32 v26, v10;
	v11 =	vadd.f32 v27, v11;
	v17 =	vmul.f32 v17, v25;
	v26 =	vld [tilespmem:s13+$0xFFFFFF40]  }
0x2d0: {  	v12 =	vadd.f32 v20, v12;
	v13 =	vadd.f32 v13, v14;
	v14 =	vmul.f32 v33, v25;
	v25 =	vld [tilespmem:s13+$0xFFFFFF70]  }
.Ltmp7:
0x2d1: {  	v20 =	vadd.f32 v23, v10;
	v11 =	vadd.f32 v24, v11;
	v16 =	vmul.f32 v16, v22;
	v10 =	vld [tilespmem:s13+$0xFFFFFF80];
	(pc) =	sbr.rel @p2 .LBB2_13-.Ltmp7, $4  }
0x2d2: {  	v17 =	vadd.f32 v17, v12;
	v13 =	vadd.f32 v14, v13;
	v22 =	vmul.f32 v29, v22;
	v12 =	vld [tilespmem:s13+$0xFFFFFFB0]  }
0x2d3: {  	v20 =	vadd.f32 v18, v20;
	v19 =	vadd.f32 v19, v11;
	v14 =	vmul.f32 v15, v9;
	v11 =	vld [tilespmem:s13+$0xFFFFFFC0]  }
0x2d4: {  	v17 =	vadd.f32 v16, v17;
	v16 =	vadd.f32 v22, v13;
	v18 =	vmul.f32 v26, v9;
	v9 =	vld [tilespmem:s13+$0xFFFFFFF0]  }
0x2d5: {  	v20 =	vadd.f32 v21, v20;
	v19 =	vadd.f32 v35, v19;
	v15 =	vmul.f32 v25, v2;
	v13 =	vld [tilespmem:s13+$0x0];
	s13 =	sadd.s32 $0x280, s13  }
0x2d6: {  	_ = 	snop  }
0x2d7: {  	v14 =	vadd.f32 v14, v17;
	v8 =	vadd.f32 v8, v20  }
0x2d8: {  	v16 =	vadd.f32 v18, v16;
	v2 =	vmul.f32 v10, v2;
	v7 =	vadd.f32 v7, v19  }
0x2d9: {  	v56 =	vmul.f32 v12, v1;
	v57 =	vadd.f32 v15, v14;
	v6 =	vadd.f32 v6, v8  }
0x2da: {  	v2 =	vadd.f32 v2, v16;
	v58 =	vmul.f32 v11, v1;
	v5 =	vadd.f32 v5, v7  }
0x2db: {  	v59 =	vmul.f32 v9, v0;
	v60 =	vadd.f32 v56, v57;
	v4 =	vadd.f32 v4, v6  }
0x2dc: {  	p2 =	sne.s32 s28, $0x3F;
	v1 =	vadd.f32 v58, v2;
	v61 =	vmul.f32 v13, v0;
	v62 =	vadd.f32 v3, v5  }
.Ltmp8:
0x2dd: {  	s9 =	sadd.s32 s5, s30;
	v63 =	vadd.f32 v59, v60;
	[tilespmem:$0x13150] =	vst v4;
	(pc) =	sbr.rel @p2 .LBB2_16-.Ltmp8, $4  }
0x2de: {  	s9 =	sshll.u32 s9, $0x4;
	v0 =	vadd.f32 v61, v1;
	[tilespmem:$0x13160] =	vst v62  }
0x2df: {  	s9 =	sand.u32 $0x1FFFFFE0, s9;
	[tilespmem:$0x13170] =	vst v63  }
0x2e0: {  	s10 =	simm.s32 $0x13110;
	s9 =	sadd.s32 s2, s9;
	[tilespmem:$0x13180] =	vst v0  }
0x2e1: {  	[hbm4b:s9+s3] =	stream.linear.scatter [tilespmem:s10], [sflag:$0x7], $0x80, $0x38;
	[tilespmem:$0x13210] =	vst v63  }
.Ltmp9:
0x2e2: {  	(pc) =	sbr.rel .LBB2_17-.Ltmp9, $4  }
0x2e3: {  	_ = 	snop  }
0x2e4: {  	_ =	swait.ge [sflag:s24], $0x1900  }
0x2e5: {  	[sflag:s24] =	ssyncset.done $0x0  }
0x2e6: {  	[sflag:s24] =	ssyncadd.s32 $0xFFFFE700  }
.LBB2_16:
0x2e7: {  	s9 =	smul.u32 $0x680, s28;
	_ =	sdelay $0x1  }
0x2e8: {  	s9 =	sshra.s32 s9, $0x2  }
.Ltmp10:
0x2e9: {  	s10 =	simm.s32 $0xE510;
	s9 =	sadd.s32 $0x208, s9;
	(pc) =	sbr.rel @p0 .LBB2_18-.Ltmp10, $4  }
0x2ea: {  	[tilespmem:s10], [sflag:$0x2] =	stream.indirect.gather [hbm4b:s4+s11], $0x40, s9, s11, $0xb8;
	[tilespmem:$0x13210] =	vst v63  }
0x2eb: {  	_ =	swait.ge [sflag:s24], $0x1900  }
0x2ec: {  	[sflag:s24] =	ssyncset.done $0x0  }
0x2ed: {  	[sflag:s24] =	ssyncadd.s32 $0xFFFFE700  }
.LBB2_17:
0x2ee: {  	_ =	swait.ge [sflag:s25], $0x80  }
0x2ef: {  	[sflag:s25] =	ssyncset.done $0x0  }
0x2f0: {  	[sflag:s25] =	ssyncadd.s32 $0xFFFFFF80  }
.LBB2_18:
0x2f1: {  	v0 =	vld.msk [tilespmem:s6+$0x0 ss:$0x0], $0xffff  }
0x2f2: {  	v1 =	vld.msk [tilespmem:s6+$0xFFFFFFFF ss:$0x0], $0xffff  }
0x2f3: {  	v2 =	vld.msk [tilespmem:s6+$0xFFFFFFFE ss:$0x0], $0xffff  }
0x2f4: {  	v13 =	vld.msk [tilespmem:s6+$0xFFFFFFFD ss:$0x0], $0xffff  }
0x2f5: {  	v15 =	vld.msk [tilespmem:s6+$0xFFFFFFFC ss:$0x0], $0xffff  }
0x2f6: {  	v18 =	vld.msk [tilespmem:s6+$0xFFFFFFFB ss:$0x0], $0xffff  }
0x2f7: {  	v21 =	vld.msk [tilespmem:s6+$0xFFFFFFFA ss:$0x0], $0xffff  }
0x2f8: {  	v24 =	vld.msk [tilespmem:s6+$0xFFFFFFF9 ss:$0x0], $0xffff  }
0x2f9: {  	s10 =	simm.s32 $0x11980;
	v27 =	vld.msk [tilespmem:s6+$0xFFFFFFF8 ss:$0x0], $0xffff  }
0x2fa: {  	v3 =	vld [tilespmem:s10+$0xFFFFFFD0]  }
0x2fb: {  	v5 =	vld [tilespmem:s10+$0xFFFFFFE0]  }
0x2fc: {  	v6 =	vld [tilespmem:s10+$0xFFFFFF90]  }
0x2fd: {  	v7 =	vld [tilespmem:s10+$0xFFFFFFA0]  }
0x2fe: {  	v8 =	vld [tilespmem:s10+$0xFFFFFF50]  }
0x2ff: {  	v9 =	vld [tilespmem:s10+$0xFFFFFF60]  }
0x300: {  	v10 =	vld [tilespmem:s10+$0xFFFFFF10]  }
0x301: {  	v11 =	vld [tilespmem:s10+$0xFFFFFF20]  }
0x302: {  	v12 =	vld [tilespmem:s10+$0xFFFFFED0]  }
0x303: {  	v14 =	vld [tilespmem:s10+$0xFFFFFEE0]  }
0x304: {  	v16 =	vld [tilespmem:s10+$0xFFFFFE90]  }
0x305: {  	v17 =	vld [tilespmem:s10+$0xFFFFFEA0]  }
0x306: {  	v19 =	vld [tilespmem:s10+$0xFFFFFE50]  }
0x307: {  	v20 =	vld [tilespmem:s10+$0xFFFFFE60]  }
0x308: {  	v22 =	vld [tilespmem:s10+$0xFFFFFE10]  }
0x309: {  	v23 =	vld [tilespmem:s10+$0xFFFFFE20]  }
0x30a: {  	v25 =	vld [tilespmem:s10+$0xFFFFFDD0]  }
0x30b: {  	v26 =	vld [tilespmem:s10+$0xFFFFFDE0];
	v4 =	vmul.f32 v0, v3;
	v3 =	vmul.f32 v5, v0  }
0x30c: {  	v28 =	vld [tilespmem:s10+$0xFFFFFD90];
	v6 =	vmul.f32 v1, v6;
	v5 =	vmul.f32 v7, v1  }
0x30d: {  	v29 =	vld [tilespmem:s10+$0xFFFFFDA0];
	v8 =	vmul.f32 v2, v8;
	v7 =	vmul.f32 v9, v2  }
0x30e: {  	v9 =	vld.msk [tilespmem:s6+$0xFFFFFFF7 ss:$0x0], $0xffff;
	v30 =	vmul.f32 v13, v10;
	v31 =	vmul.f32 v11, v13  }
0x30f: {  	v10 =	vld [tilespmem:s10+$0xFFFFFDB0];
	v11 =	vmul.f32 v15, v12;
	v14 =	vmul.f32 v14, v15  }
0x310: {  	v12 =	vld [tilespmem:s10+$0xFFFFFDC0];
	v16 =	vmul.f32 v18, v16;
	v17 =	vmul.f32 v17, v18  }
0x311: {  	v32 =	vld [tilespmem:s10+$0xFFFFFDF0];
	v19 =	vmul.f32 v21, v19;
	v20 =	vmul.f32 v20, v21  }
0x312: {  	v33 =	vld [tilespmem:s10+$0xFFFFFE00];
	v22 =	vmul.f32 v24, v22;
	v23 =	vmul.f32 v23, v24  }
0x313: {  	v34 =	vld [tilespmem:s10+$0xFFFFFE30];
	v25 =	vmul.f32 v27, v25;
	v26 =	vmul.f32 v26, v27  }
0x314: {  	v35 =	vld [tilespmem:s10+$0xFFFFFE40];
	v28 =	vmul.f32 v9, v28;
	v29 =	vmul.f32 v29, v9  }
0x315: {  	v36 =	vimm.f32 $0.0e+00;
	v10 =	vmul.f32 v10, v9;
	v9 =	vmul.f32 v12, v9;
	v12 =	vld [tilespmem:s10+$0xFFFFFE70]  }
0x316: {  	v37 =	vld [tilespmem:s10+$0xFFFFFE80];
	v32 =	vmul.f32 v32, v27;
	v28 =	vadd.f32 v28, v36;
	v29 =	vadd.f32 v29, v36  }
0x317: {  	v57 =	vld [tilespmem:s10+$0xFFFFFEB0];
	v27 =	vmul.f32 v33, v27;
	v10 =	vadd.f32 v10, v36;
	v9 =	vadd.f32 v9, v36  }
0x318: {  	v59 =	vld [tilespmem:s10+$0xFFFFFEC0];
	v58 =	vmul.f32 v34, v24;
	v25 =	vadd.f32 v25, v28;
	v26 =	vadd.f32 v26, v29  }
0x319: {  	v60 =	vld [tilespmem:s10+$0xFFFFFEF0];
	v24 =	vmul.f32 v35, v24;
	v10 =	vadd.f32 v32, v10;
	v9 =	vadd.f32 v27, v9  }
0x31a: {  	v61 =	vld [tilespmem:s10+$0xFFFFFF00];
	v12 =	vmul.f32 v12, v21;
	v22 =	vadd.f32 v22, v25;
	v23 =	vadd.f32 v23, v26  }
0x31b: {  	v62 =	vld [tilespmem:s10+$0xFFFFFF30];
	v21 =	vmul.f32 v37, v21;
	v10 =	vadd.f32 v58, v10;
	v9 =	vadd.f32 v24, v9  }
0x31c: {  	v19 =	vadd.f32 v19, v22;
	v20 =	vadd.f32 v20, v23;
	v22 =	vmul.f32 v57, v18;
	v23 =	vld [tilespmem:s10+$0xFFFFFF40]  }
0x31d: {  	v12 =	vadd.f32 v12, v10;
	v9 =	vadd.f32 v21, v9;
	v18 =	vmul.f32 v59, v18;
	v21 =	vld [tilespmem:s10+$0xFFFFFF70]  }
0x31e: {  	v10 =	vld [tilespmem:s10+$0xFFFFFF80];
	v16 =	vadd.f32 v16, v19;
	v17 =	vadd.f32 v17, v20;
	v19 =	vmul.f32 v60, v15  }
0x31f: {  	v20 =	vadd.f32 v22, v12;
	v9 =	vadd.f32 v18, v9;
	v15 =	vmul.f32 v61, v15;
	v12 =	vld [tilespmem:s10+$0xFFFFFFB0]  }
0x320: {  	v22 =	vadd.f32 v11, v16;
	v63 =	vadd.f32 v14, v17;
	v14 =	vmul.f32 v62, v13;
	v11 =	vld [tilespmem:s10+$0xFFFFFFC0]  }
0x321: {  	v17 =	vadd.f32 v19, v20;
	v16 =	vadd.f32 v15, v9;
	v9 =	vld [tilespmem:s10+$0xFFFFFFF0];
	v18 =	vmul.f32 v23, v13  }
0x322: {  	s9 =	simm.s32 $0x0;
	s13 =	simm.s32 $0x11C00;
	v15 =	vmul.f32 v21, v2;
	v13 =	vld [tilespmem:s10+$0x0];
	s10 =	smov.u32 s6;
	v20 =	vadd.f32 v30, v22;
	v19 =	vadd.f32 v31, v63  }
.LBB2_19:
0x323: {  	v21 =	vld [tilespmem:s13+$0xFFFFFFD0];
	v14 =	vadd.f32 v14, v17;
	v16 =	vadd.f32 v18, v16;
	v2 =	vmul.f32 v10, v2  }
0x324: {  	s10 =	sadd.s32 $0xA, s10;
	v10 =	vld [tilespmem:s13+$0xFFFFFFE0];
	v8 =	vadd.f32 v8, v20;
	v7 =	vadd.f32 v7, v19;
	v12 =	vmul.f32 v12, v1  }
0x325: {  	v17 =	vld.msk [tilespmem:s10+$0x0 ss:$0x0], $0xffff;
	v14 =	vadd.f32 v15, v14;
	v2 =	vadd.f32 v2, v16;
	v1 =	vmul.f32 v11, v1  }
0x326: {  	v11 =	vld [tilespmem:s13+$0xFFFFFF90];
	v6 =	vadd.f32 v6, v8;
	v5 =	vadd.f32 v5, v7;
	v7 =	vmul.f32 v9, v0  }
0x327: {  	v8 =	vld [tilespmem:s13+$0xFFFFFFA0];
	v9 =	vadd.f32 v12, v14;
	v2 =	vadd.f32 v1, v2;
	v0 =	vmul.f32 v13, v0  }
0x328: {  	v1 =	vld.msk [tilespmem:s10+$0xFFFFFFFF ss:$0x0], $0xffff;
	v12 =	vadd.f32 v4, v6;
	v13 =	vadd.f32 v3, v5  }
0x329: {  	v14 =	vld [tilespmem:s13+$0xFFFFFF50];
	v15 =	vadd.f32 v7, v9;
	v16 =	vadd.f32 v0, v2  }
0x32a: {  	v7 =	vld [tilespmem:s13+$0xFFFFFF60]  }
0x32b: {  	v2 =	vld.msk [tilespmem:s10+$0xFFFFFFFE ss:$0x0], $0xffff;
	v0 =	vmov v17  }
0x32c: {  	v17 =	vld [tilespmem:s13+$0xFFFFFF10]  }
0x32d: {  	v18 =	vld [tilespmem:s13+$0xFFFFFF20]  }
0x32e: {  	v9 =	vld.msk [tilespmem:s10+$0xFFFFFFFD ss:$0x0], $0xffff  }
0x32f: {  	v19 =	vld [tilespmem:s13+$0xFFFFFED0]  }
0x330: {  	v20 =	vld [tilespmem:s13+$0xFFFFFEE0]  }
0x331: {  	v22 =	vld.msk [tilespmem:s10+$0xFFFFFFFC ss:$0x0], $0xffff  }
0x332: {  	v23 =	vld [tilespmem:s13+$0xFFFFFE90]  }
0x333: {  	v24 =	vld [tilespmem:s13+$0xFFFFFEA0]  }
0x334: {  	v25 =	vld.msk [tilespmem:s10+$0xFFFFFFFB ss:$0x0], $0xffff  }
0x335: {  	v26 =	vld [tilespmem:s13+$0xFFFFFE50]  }
0x336: {  	v27 =	vld [tilespmem:s13+$0xFFFFFE60]  }
0x337: {  	v28 =	vld.msk [tilespmem:s10+$0xFFFFFFFA ss:$0x0], $0xffff  }
0x338: {  	v29 =	vld [tilespmem:s13+$0xFFFFFE10]  }
0x339: {  	v30 =	vld [tilespmem:s13+$0xFFFFFE20]  }
0x33a: {  	v31 =	vld.msk [tilespmem:s10+$0xFFFFFFF9 ss:$0x0], $0xffff  }
0x33b: {  	v32 =	vld [tilespmem:s13+$0xFFFFFDD0]  }
0x33c: {  	v33 =	vld [tilespmem:s13+$0xFFFFFDE0]  }
0x33d: {  	v4 =	vmul.f32 v0, v21;
	v3 =	vmul.f32 v10, v0;
	v34 =	vld.msk [tilespmem:s10+$0xFFFFFFF8 ss:$0x0], $0xffff  }
0x33e: {  	v6 =	vmul.f32 v1, v11;
	v5 =	vmul.f32 v8, v1;
	v10 =	vld [tilespmem:s13+$0xFFFFFD90]  }
0x33f: {  	v8 =	vmul.f32 v2, v14;
	v7 =	vmul.f32 v7, v2;
	v11 =	vld [tilespmem:s13+$0xFFFFFDA0]  }
0x340: {  	v21 =	vmul.f32 v9, v17;
	v35 =	vmul.f32 v18, v9;
	v14 =	vld.msk [tilespmem:s10+$0xFFFFFFF7 ss:$0x0], $0xffff  }
0x341: {  	s9 =	sadd.s32 $0xA, s9;
	v18 =	vmul.f32 v22, v19;
	v19 =	vmul.f32 v20, v22;
	v17 =	vld [tilespmem:s13+$0xFFFFFDB0]  }
0x342: {  	p0 =	slt.u32 s9, $0x28;
	v23 =	vmul.f32 v25, v23;
	v24 =	vmul.f32 v24, v25;
	v20 =	vld [tilespmem:s13+$0xFFFFFDC0]  }
0x343: {  	v26 =	vmul.f32 v28, v26;
	v27 =	vmul.f32 v27, v28;
	v36 =	vld [tilespmem:s13+$0xFFFFFDF0]  }
0x344: {  	v29 =	vmul.f32 v31, v29;
	v30 =	vmul.f32 v30, v31;
	v37 =	vld [tilespmem:s13+$0xFFFFFE00]  }
0x345: {  	v32 =	vmul.f32 v34, v32;
	v33 =	vmul.f32 v33, v34;
	v38 =	vld [tilespmem:s13+$0xFFFFFE30]  }
0x346: {  	v10 =	vmul.f32 v14, v10;
	v11 =	vmul.f32 v11, v14;
	v39 =	vld [tilespmem:s13+$0xFFFFFE40]  }
0x347: {  	v17 =	vmul.f32 v17, v14;
	v14 =	vmul.f32 v20, v14;
	v20 =	vld [tilespmem:s13+$0xFFFFFE70]  }
0x348: {  	v10 =	vadd.f32 v10, v12;
	v11 =	vadd.f32 v11, v13;
	v12 =	vmul.f32 v36, v34;
	v13 =	vld [tilespmem:s13+$0xFFFFFE80]  }
0x349: {  	v15 =	vadd.f32 v17, v15;
	v14 =	vadd.f32 v14, v16;
	v16 =	vmul.f32 v37, v34;
	v17 =	vld [tilespmem:s13+$0xFFFFFEB0]  }
0x34a: {  	v10 =	vadd.f32 v32, v10;
	v11 =	vadd.f32 v33, v11;
	v32 =	vmul.f32 v38, v31;
	v33 =	vld [tilespmem:s13+$0xFFFFFEC0]  }
0x34b: {  	v12 =	vadd.f32 v12, v15;
	v14 =	vadd.f32 v16, v14;
	v15 =	vmul.f32 v39, v31;
	v16 =	vld [tilespmem:s13+$0xFFFFFEF0]  }
0x34c: {  	v10 =	vadd.f32 v29, v10;
	v11 =	vadd.f32 v30, v11;
	v20 =	vmul.f32 v20, v28;
	v29 =	vld [tilespmem:s13+$0xFFFFFF00]  }
0x34d: {  	v12 =	vadd.f32 v32, v12;
	v14 =	vadd.f32 v15, v14;
	v13 =	vmul.f32 v13, v28;
	v15 =	vld [tilespmem:s13+$0xFFFFFF30]  }
0x34e: {  	v10 =	vadd.f32 v26, v10;
	v11 =	vadd.f32 v27, v11;
	v17 =	vmul.f32 v17, v25;
	v26 =	vld [tilespmem:s13+$0xFFFFFF40]  }
0x34f: {  	v12 =	vadd.f32 v20, v12;
	v13 =	vadd.f32 v13, v14;
	v14 =	vmul.f32 v33, v25;
	v25 =	vld [tilespmem:s13+$0xFFFFFF70]  }
.Ltmp11:
0x350: {  	v20 =	vadd.f32 v23, v10;
	v11 =	vadd.f32 v24, v11;
	v16 =	vmul.f32 v16, v22;
	v10 =	vld [tilespmem:s13+$0xFFFFFF80];
	(pc) =	sbr.rel @p0 .LBB2_19-.Ltmp11, $4  }
0x351: {  	v17 =	vadd.f32 v17, v12;
	v13 =	vadd.f32 v14, v13;
	v22 =	vmul.f32 v29, v22;
	v12 =	vld [tilespmem:s13+$0xFFFFFFB0]  }
0x352: {  	v20 =	vadd.f32 v18, v20;
	v19 =	vadd.f32 v19, v11;
	v14 =	vmul.f32 v15, v9;
	v11 =	vld [tilespmem:s13+$0xFFFFFFC0]  }
0x353: {  	v17 =	vadd.f32 v16, v17;
	v16 =	vadd.f32 v22, v13;
	v18 =	vmul.f32 v26, v9;
	v9 =	vld [tilespmem:s13+$0xFFFFFFF0]  }
0x354: {  	v20 =	vadd.f32 v21, v20;
	v19 =	vadd.f32 v35, v19;
	v15 =	vmul.f32 v25, v2;
	v13 =	vld [tilespmem:s13+$0x0];
	s13 =	sadd.s32 $0x280, s13  }
0x355: {  	_ = 	snop  }
0x356: {  	v14 =	vadd.f32 v14, v17;
	v8 =	vadd.f32 v8, v20  }
0x357: {  	v16 =	vadd.f32 v18, v16;
	v2 =	vmul.f32 v10, v2;
	v7 =	vadd.f32 v7, v19  }
0x358: {  	v10 =	vmul.f32 v12, v1;
	v12 =	vadd.f32 v15, v14;
	v6 =	vadd.f32 v6, v8  }
0x359: {  	v2 =	vadd.f32 v2, v16;
	v1 =	vmul.f32 v11, v1;
	v5 =	vadd.f32 v5, v7  }
0x35a: {  	v7 =	vmul.f32 v9, v0;
	v8 =	vadd.f32 v10, v12;
	v4 =	vadd.f32 v4, v6  }
0x35b: {  	v1 =	vadd.f32 v1, v2;
	v0 =	vmul.f32 v13, v0;
	v2 =	vadd.f32 v3, v5  }
0x35c: {  	v3 =	vadd.f32 v7, v8;
	[tilespmem:$0x13190] =	vst v4  }
0x35d: {  	v0 =	vadd.f32 v0, v1;
	[tilespmem:$0x131A0] =	vst v2  }
0x35e: {  	[tilespmem:$0x131B0] =	vst v3  }
0x35f: {  	s10 =	simm.s32 $0x12390;
	[tilespmem:$0x131C0] =	vst v0  }
0x360: {  	v3 =	vld [tilespmem:s10+$0x240]  }
0x361: {  	v5 =	vld [tilespmem:s10+$0x250]  }
0x362: {  	v0 =	vld.msk [tilespmem:s7+$0x0 ss:$0x0], $0xffff  }
0x363: {  	v6 =	vld [tilespmem:s10+$0x200]  }
0x364: {  	v7 =	vld [tilespmem:s10+$0x210]  }
0x365: {  	v1 =	vld.msk [tilespmem:s7+$0xFFFFFFFF ss:$0x0], $0xffff  }
0x366: {  	v8 =	vld [tilespmem:s10+$0x1C0]  }
0x367: {  	v9 =	vld [tilespmem:s10+$0x1D0]  }
0x368: {  	v2 =	vld.msk [tilespmem:s7+$0xFFFFFFFE ss:$0x0], $0xffff  }
0x369: {  	v10 =	vld [tilespmem:s10+$0x180]  }
0x36a: {  	v11 =	vld [tilespmem:s10+$0x190]  }
0x36b: {  	v13 =	vld.msk [tilespmem:s7+$0xFFFFFFFD ss:$0x0], $0xffff  }
0x36c: {  	v12 =	vld [tilespmem:s10+$0x140]  }
0x36d: {  	v14 =	vld [tilespmem:s10+$0x150]  }
0x36e: {  	v15 =	vld.msk [tilespmem:s7+$0xFFFFFFFC ss:$0x0], $0xffff  }
0x36f: {  	v16 =	vld [tilespmem:s10+$0x100]  }
0x370: {  	v17 =	vld [tilespmem:s10+$0x110]  }
0x371: {  	v18 =	vld.msk [tilespmem:s7+$0xFFFFFFFB ss:$0x0], $0xffff  }
0x372: {  	v19 =	vld [tilespmem:s10+$0xC0]  }
0x373: {  	v20 =	vld [tilespmem:s10+$0xD0]  }
0x374: {  	v21 =	vld.msk [tilespmem:s7+$0xFFFFFFFA ss:$0x0], $0xffff  }
0x375: {  	v22 =	vld [tilespmem:s10+$0x80]  }
0x376: {  	v23 =	vld [tilespmem:s10+$0x90]  }
0x377: {  	v24 =	vld.msk [tilespmem:s7+$0xFFFFFFF9 ss:$0x0], $0xffff  }
0x378: {  	v25 =	vld [tilespmem:s10+$0x40]  }
0x379: {  	v26 =	vld [tilespmem:s10+$0x50]  }
0x37a: {  	v27 =	vld.msk [tilespmem:s7+$0xFFFFFFF8 ss:$0x0], $0xffff;
	v4 =	vmul.f32 v0, v3;
	v3 =	vmul.f32 v5, v0  }
0x37b: {  	v28 =	vld [tilespmem:s10+$0x0];
	v6 =	vmul.f32 v1, v6;
	v5 =	vmul.f32 v7, v1  }
0x37c: {  	v29 =	vld [tilespmem:s10+$0x10];
	v8 =	vmul.f32 v2, v8;
	v7 =	vmul.f32 v9, v2  }
0x37d: {  	v9 =	vld.msk [tilespmem:s7+$0xFFFFFFF7 ss:$0x0], $0xffff;
	v30 =	vmul.f32 v13, v10;
	v31 =	vmul.f32 v11, v13  }
0x37e: {  	v10 =	vld [tilespmem:s10+$0x20];
	v11 =	vmul.f32 v15, v12;
	v14 =	vmul.f32 v14, v15  }
0x37f: {  	v12 =	vld [tilespmem:s10+$0x30];
	v16 =	vmul.f32 v18, v16;
	v17 =	vmul.f32 v17, v18  }
0x380: {  	v32 =	vld [tilespmem:s10+$0x60];
	v19 =	vmul.f32 v21, v19;
	v20 =	vmul.f32 v20, v21  }
0x381: {  	v33 =	vld [tilespmem:s10+$0x70];
	v22 =	vmul.f32 v24, v22;
	v23 =	vmul.f32 v23, v24  }
0x382: {  	v34 =	vld [tilespmem:s10+$0xA0];
	v25 =	vmul.f32 v27, v25;
	v26 =	vmul.f32 v26, v27  }
0x383: {  	v35 =	vld [tilespmem:s10+$0xB0];
	v28 =	vmul.f32 v9, v28;
	v29 =	vmul.f32 v29, v9  }
0x384: {  	v36 =	vimm.f32 $0.0e+00;
	v10 =	vmul.f32 v10, v9;
	v9 =	vmul.f32 v12, v9;
	v12 =	vld [tilespmem:s10+$0xE0]  }
0x385: {  	v37 =	vld [tilespmem:s10+$0xF0];
	v32 =	vmul.f32 v32, v27;
	v28 =	vadd.f32 v28, v36;
	v29 =	vadd.f32 v29, v36  }
0x386: {  	v57 =	vld [tilespmem:s10+$0x120];
	v27 =	vmul.f32 v33, v27;
	v10 =	vadd.f32 v10, v36;
	v9 =	vadd.f32 v9, v36  }
0x387: {  	v59 =	vld [tilespmem:s10+$0x130];
	v58 =	vmul.f32 v34, v24;
	v25 =	vadd.f32 v25, v28;
	v26 =	vadd.f32 v26, v29  }
0x388: {  	v60 =	vld [tilespmem:s10+$0x160];
	v24 =	vmul.f32 v35, v24;
	v10 =	vadd.f32 v32, v10;
	v9 =	vadd.f32 v27, v9  }
0x389: {  	v61 =	vld [tilespmem:s10+$0x170];
	v12 =	vmul.f32 v12, v21;
	v22 =	vadd.f32 v22, v25;
	v23 =	vadd.f32 v23, v26  }
0x38a: {  	v62 =	vld [tilespmem:s10+$0x1A0];
	v21 =	vmul.f32 v37, v21;
	v10 =	vadd.f32 v58, v10;
	v9 =	vadd.f32 v24, v9  }
0x38b: {  	v19 =	vadd.f32 v19, v22;
	v20 =	vadd.f32 v20, v23;
	v22 =	vmul.f32 v57, v18;
	v23 =	vld [tilespmem:s10+$0x1B0]  }
0x38c: {  	v12 =	vadd.f32 v12, v10;
	v9 =	vadd.f32 v21, v9;
	v18 =	vmul.f32 v59, v18;
	v21 =	vld [tilespmem:s10+$0x1E0]  }
0x38d: {  	v10 =	vld [tilespmem:s10+$0x1F0];
	v16 =	vadd.f32 v16, v19;
	v17 =	vadd.f32 v17, v20;
	v19 =	vmul.f32 v60, v15  }
0x38e: {  	v20 =	vadd.f32 v22, v12;
	v9 =	vadd.f32 v18, v9;
	v15 =	vmul.f32 v61, v15;
	v12 =	vld [tilespmem:s10+$0x220]  }
0x38f: {  	v22 =	vadd.f32 v11, v16;
	v63 =	vadd.f32 v14, v17;
	v14 =	vmul.f32 v62, v13;
	v11 =	vld [tilespmem:s10+$0x230]  }
0x390: {  	v17 =	vadd.f32 v19, v20;
	v16 =	vadd.f32 v15, v9;
	v9 =	vld [tilespmem:s10+$0x260];
	v18 =	vmul.f32 v23, v13  }
0x391: {  	s9 =	simm.s32 $0x0;
	s13 =	simm.s32 $0x12610;
	v15 =	vmul.f32 v21, v2;
	v13 =	vld [tilespmem:s10+$0x270];
	s10 =	smov.u32 s7;
	v20 =	vadd.f32 v30, v22;
	v19 =	vadd.f32 v31, v63  }
.LBB2_21:
0x392: {  	v21 =	vld [tilespmem:s13+$0x240];
	v14 =	vadd.f32 v14, v17;
	v16 =	vadd.f32 v18, v16;
	v2 =	vmul.f32 v10, v2  }
0x393: {  	s10 =	sadd.s32 $0xA, s10;
	v10 =	vld [tilespmem:s13+$0x250];
	v8 =	vadd.f32 v8, v20;
	v7 =	vadd.f32 v7, v19;
	v12 =	vmul.f32 v12, v1  }
0x394: {  	v17 =	vld.msk [tilespmem:s10+$0x0 ss:$0x0], $0xffff;
	v14 =	vadd.f32 v15, v14;
	v2 =	vadd.f32 v2, v16;
	v1 =	vmul.f32 v11, v1  }
0x395: {  	v11 =	vld [tilespmem:s13+$0x200];
	v6 =	vadd.f32 v6, v8;
	v5 =	vadd.f32 v5, v7;
	v7 =	vmul.f32 v9, v0  }
0x396: {  	v8 =	vld [tilespmem:s13+$0x210];
	v9 =	vadd.f32 v12, v14;
	v2 =	vadd.f32 v1, v2;
	v0 =	vmul.f32 v13, v0  }
0x397: {  	v1 =	vld.msk [tilespmem:s10+$0xFFFFFFFF ss:$0x0], $0xffff;
	v12 =	vadd.f32 v4, v6;
	v13 =	vadd.f32 v3, v5  }
0x398: {  	v14 =	vld [tilespmem:s13+$0x1C0];
	v15 =	vadd.f32 v7, v9;
	v16 =	vadd.f32 v0, v2  }
0x399: {  	v7 =	vld [tilespmem:s13+$0x1D0]  }
0x39a: {  	v2 =	vld.msk [tilespmem:s10+$0xFFFFFFFE ss:$0x0], $0xffff;
	v0 =	vmov v17  }
0x39b: {  	v17 =	vld [tilespmem:s13+$0x180]  }
0x39c: {  	v18 =	vld [tilespmem:s13+$0x190]  }
0x39d: {  	v9 =	vld.msk [tilespmem:s10+$0xFFFFFFFD ss:$0x0], $0xffff  }
0x39e: {  	v19 =	vld [tilespmem:s13+$0x140]  }
0x39f: {  	v20 =	vld [tilespmem:s13+$0x150]  }
0x3a0: {  	v22 =	vld.msk [tilespmem:s10+$0xFFFFFFFC ss:$0x0], $0xffff  }
0x3a1: {  	v23 =	vld [tilespmem:s13+$0x100]  }
0x3a2: {  	v24 =	vld [tilespmem:s13+$0x110]  }
0x3a3: {  	v25 =	vld.msk [tilespmem:s10+$0xFFFFFFFB ss:$0x0], $0xffff  }
0x3a4: {  	v26 =	vld [tilespmem:s13+$0xC0]  }
0x3a5: {  	v27 =	vld [tilespmem:s13+$0xD0]  }
0x3a6: {  	v28 =	vld.msk [tilespmem:s10+$0xFFFFFFFA ss:$0x0], $0xffff  }
0x3a7: {  	v29 =	vld [tilespmem:s13+$0x80]  }
0x3a8: {  	v30 =	vld [tilespmem:s13+$0x90]  }
0x3a9: {  	v31 =	vld.msk [tilespmem:s10+$0xFFFFFFF9 ss:$0x0], $0xffff  }
0x3aa: {  	v32 =	vld [tilespmem:s13+$0x40]  }
0x3ab: {  	v33 =	vld [tilespmem:s13+$0x50]  }
0x3ac: {  	v4 =	vmul.f32 v0, v21;
	v3 =	vmul.f32 v10, v0;
	v34 =	vld.msk [tilespmem:s10+$0xFFFFFFF8 ss:$0x0], $0xffff  }
0x3ad: {  	v6 =	vmul.f32 v1, v11;
	v5 =	vmul.f32 v8, v1;
	v10 =	vld [tilespmem:s13+$0x0]  }
0x3ae: {  	v8 =	vmul.f32 v2, v14;
	v7 =	vmul.f32 v7, v2;
	v11 =	vld [tilespmem:s13+$0x10]  }
0x3af: {  	v21 =	vmul.f32 v9, v17;
	v35 =	vmul.f32 v18, v9;
	v14 =	vld.msk [tilespmem:s10+$0xFFFFFFF7 ss:$0x0], $0xffff  }
0x3b0: {  	s9 =	sadd.s32 $0xA, s9;
	v18 =	vmul.f32 v22, v19;
	v19 =	vmul.f32 v20, v22;
	v17 =	vld [tilespmem:s13+$0x20]  }
0x3b1: {  	p0 =	slt.u32 s9, $0x28;
	v23 =	vmul.f32 v25, v23;
	v24 =	vmul.f32 v24, v25;
	v20 =	vld [tilespmem:s13+$0x30]  }
0x3b2: {  	v26 =	vmul.f32 v28, v26;
	v27 =	vmul.f32 v27, v28;
	v36 =	vld [tilespmem:s13+$0x60]  }
0x3b3: {  	v29 =	vmul.f32 v31, v29;
	v30 =	vmul.f32 v30, v31;
	v37 =	vld [tilespmem:s13+$0x70]  }
0x3b4: {  	v32 =	vmul.f32 v34, v32;
	v33 =	vmul.f32 v33, v34;
	v38 =	vld [tilespmem:s13+$0xA0]  }
0x3b5: {  	v10 =	vmul.f32 v14, v10;
	v11 =	vmul.f32 v11, v14;
	v39 =	vld [tilespmem:s13+$0xB0]  }
0x3b6: {  	v17 =	vmul.f32 v17, v14;
	v14 =	vmul.f32 v20, v14;
	v20 =	vld [tilespmem:s13+$0xE0]  }
0x3b7: {  	v10 =	vadd.f32 v10, v12;
	v11 =	vadd.f32 v11, v13;
	v12 =	vmul.f32 v36, v34;
	v13 =	vld [tilespmem:s13+$0xF0]  }
0x3b8: {  	v15 =	vadd.f32 v17, v15;
	v14 =	vadd.f32 v14, v16;
	v16 =	vmul.f32 v37, v34;
	v17 =	vld [tilespmem:s13+$0x120]  }
0x3b9: {  	v10 =	vadd.f32 v32, v10;
	v11 =	vadd.f32 v33, v11;
	v32 =	vmul.f32 v38, v31;
	v33 =	vld [tilespmem:s13+$0x130]  }
0x3ba: {  	v12 =	vadd.f32 v12, v15;
	v14 =	vadd.f32 v16, v14;
	v15 =	vmul.f32 v39, v31;
	v16 =	vld [tilespmem:s13+$0x160]  }
0x3bb: {  	v10 =	vadd.f32 v29, v10;
	v11 =	vadd.f32 v30, v11;
	v20 =	vmul.f32 v20, v28;
	v29 =	vld [tilespmem:s13+$0x170]  }
0x3bc: {  	v12 =	vadd.f32 v32, v12;
	v14 =	vadd.f32 v15, v14;
	v13 =	vmul.f32 v13, v28;
	v15 =	vld [tilespmem:s13+$0x1A0]  }
0x3bd: {  	v10 =	vadd.f32 v26, v10;
	v11 =	vadd.f32 v27, v11;
	v17 =	vmul.f32 v17, v25;
	v26 =	vld [tilespmem:s13+$0x1B0]  }
0x3be: {  	v12 =	vadd.f32 v20, v12;
	v13 =	vadd.f32 v13, v14;
	v14 =	vmul.f32 v33, v25;
	v25 =	vld [tilespmem:s13+$0x1E0]  }
.Ltmp12:
0x3bf: {  	v20 =	vadd.f32 v23, v10;
	v11 =	vadd.f32 v24, v11;
	v16 =	vmul.f32 v16, v22;
	v10 =	vld [tilespmem:s13+$0x1F0];
	(pc) =	sbr.rel @p0 .LBB2_21-.Ltmp12, $4  }
0x3c0: {  	v17 =	vadd.f32 v17, v12;
	v13 =	vadd.f32 v14, v13;
	v22 =	vmul.f32 v29, v22;
	v12 =	vld [tilespmem:s13+$0x220]  }
0x3c1: {  	v20 =	vadd.f32 v18, v20;
	v19 =	vadd.f32 v19, v11;
	v14 =	vmul.f32 v15, v9;
	v11 =	vld [tilespmem:s13+$0x230]  }
0x3c2: {  	v17 =	vadd.f32 v16, v17;
	v16 =	vadd.f32 v22, v13;
	v18 =	vmul.f32 v26, v9;
	v9 =	vld [tilespmem:s13+$0x260]  }
0x3c3: {  	v20 =	vadd.f32 v21, v20;
	v19 =	vadd.f32 v35, v19;
	v15 =	vmul.f32 v25, v2;
	v13 =	vld [tilespmem:s13+$0x270];
	s13 =	sadd.s32 $0x280, s13  }
0x3c4: {  	_ = 	snop  }
0x3c5: {  	v14 =	vadd.f32 v14, v17;
	v8 =	vadd.f32 v8, v20  }
0x3c6: {  	v16 =	vadd.f32 v18, v16;
	v2 =	vmul.f32 v10, v2;
	v7 =	vadd.f32 v7, v19  }
0x3c7: {  	v56 =	vmul.f32 v12, v1;
	v57 =	vadd.f32 v15, v14;
	v6 =	vadd.f32 v6, v8  }
0x3c8: {  	v2 =	vadd.f32 v2, v16;
	v58 =	vmul.f32 v11, v1;
	v5 =	vadd.f32 v5, v7  }
0x3c9: {  	v59 =	vmul.f32 v9, v0;
	v60 =	vadd.f32 v56, v57;
	v4 =	vadd.f32 v4, v6  }
0x3ca: {  	v1 =	vadd.f32 v58, v2;
	v61 =	vmul.f32 v13, v0;
	v62 =	vadd.f32 v3, v5  }
.Ltmp13:
0x3cb: {  	s9 =	sadd.s32 s5, s29;
	v63 =	vadd.f32 v59, v60;
	[tilespmem:$0x131D0] =	vst v4;
	(pc) =	sbr.rel @p1 .LBB2_24-.Ltmp13, $4  }
0x3cc: {  	s9 =	sshll.u32 s9, $0x4;
	v0 =	vadd.f32 v61, v1;
	[tilespmem:$0x131E0] =	vst v62  }
0x3cd: {  	s9 =	sand.u32 $0x1FFFFFF0, s9;
	[tilespmem:$0x131F0] =	vst v63  }
0x3ce: {  	s10 =	simm.s32 $0x13190;
	s9 =	sadd.s32 s2, s9;
	[tilespmem:$0x13200] =	vst v0  }
0x3cf: {  	[hbm4b:s9+s3] =	stream.linear.scatter [tilespmem:s10], [sflag:$0x8], $0x80, $0x38;
	[tilespmem:$0x13210] =	vst v63  }
0x3d0: {  	s9 =	smul.u32 $0x680, s28;
	s10 =	simm.s32 $0xFE10;
	s28 =	sadd.s32 $0x1, s28  }
.Ltmp14:
0x3d1: {  	s8 =	sadd.s32 $0x190, s8;
	s1 =	sadd.s32 $0x190, s1;
	(pc) =	sbr.rel .LBB2_2-.Ltmp14, $4  }
0x3d2: {  	s0 =	sadd.s32 $0x190, s0;
	s16 =	sadd.s32 $0x190, s16;
	s12 =	sadd.s32 $0x190, s12  }
0x3d3: {  	s14 =	sadd.s32 $0x190, s14;
	s15 =	sadd.s32 $0x190, s15;
	s9 =	sshra.s32 s9, $0x2  }
0x3d4: {  	s6 =	sadd.s32 $0x190, s6;
	s7 =	sadd.s32 $0x190, s7;
	s9 =	sadd.s32 $0x270, s9  }
0x3d5: {  	[tilespmem:s10], [sflag:$0x3] =	stream.indirect.gather [hbm4b:s4+s11], $0x40, s9, s11, $0xb8;
	[tilespmem:$0x13210] =	vst v63  }
.LBB2_25:
0x3d6: {  	_ =	sfence.sel $0x180000  }
0x3d7: {  	[bflag:$0x0] =	sbarrier.arrive $0xFFFF  }
0x3d8: {  	_ =	strace $0x90000047  }
0x3d9: {  	s0 =	stileid.u32;
	[bflag:$0x2] =	sbarrier.arrive $0xFFFF  }
0x3da: {  	p0 =	sne.s32 s0, $0x0;
	s0 =	rddreg [dreg:$0x3]  }
0x3db: {  	s0 =	sadd.s32 @!p0 $0x100000, s0  }
0x3dc: {  	[sflag:s0] =	ssyncadd.tile.s32 @!p0 $0x1;
	_ =	shalt  }
.Lfunc_end2:
_tile_overlayer_lowered:
.L_overlay_start_2:
0x3dd: {  	(tag) =	ssettag $0x2  }
0x3de: {  	s0 =	rddreg [dreg:$0x0];
	s2 =	stileid.u32  }
0x3df: {  	s1 =	rddreg [dreg:$0x1];
	p0 =	sne.s32 s2, $0x0  }
0x3e0: {  	s3 =	rddreg [dreg:$0x2];
	[bflag:$0x3] =	sbarrier.arrive $0xFFFF;
	s2 =	simm.s32 @!p0 $0x1C09  }
0x3e1: {  	[timem:s3], [sflag:s2] =	dma.local @!p0 [hbm:s0], s1  }
0x3e2: {  	s0 =	simm.s32 @!p0 $0x9  }
0x3e3: {  	_ =	swait.ge @!p0 [sflag:s0], s1  }
0x3e4: {  	s1 =	ssub.s32 @!p0 $0x0, s1;
	[sflag:s0] =	ssyncset.done @!p0 $0x0  }
0x3e5: {  	[sflag:s0] =	ssyncadd.s32 @!p0 s1  }
0x3e6: {  	[bflag:$0x3] =	sbarrier.arrive $0xFFFF  }
0x3e7: {  	_ =	shalt  }

</sc_bundles>
